<compile_context>
chip_gen: v7x
topology: tpu7x:2x2x1
jax: 0.10.2.dev20260603
libtpu: 0.0.44.dev20260713+nightly
codegen_flags: <defaults>
</compile_context>

<pallas_src>
import functools

import jax
import jax.numpy as jnp
from jax import lax
from jax.experimental import pallas as pl
from jax.experimental.pallas import tpu as pltpu
from jax.experimental.pallas import tpu_sc as plsc

VOCAB = 1000000
ENC = 64
BATCH = 16384
NCTX = 50

NC = 2
NS = 16
NW = NC * NS
BPW = BATCH // NW
CB = 8
NCHUNK = BPW // CB
NK = ENC // 16
NPC = CB * NCTX
GSZ = 80
NGB = NPC // GSZ


def _lk_body(target_hbm, ctxflat_hbm, emb_hbm, ctxt_hbm, out_hbm,
             tgt_idx_v, ci0_v, ci1_v, tr0_v, tr1_v, cr0_v, cr1_v,
             out_v, sem0, sem1):
    cid = lax.axis_index("c")
    sid = lax.axis_index("s")
    wid = sid * NC + cid
    base = wid * BPW

    lanes = lax.iota(jnp.int32, 16)
    cis = [ci0_v, ci1_v]
    trs = [tr0_v, tr1_v]
    crs = [cr0_v, cr1_v]
    sems = [sem0, sem1]

    pltpu.sync_copy(target_hbm.at[pl.ds(base, BPW)], tgt_idx_v)

    def stage(g, sub):
        row0 = base + g * CB
        pltpu.sync_copy(ctxflat_hbm.at[pl.ds(row0 * NCTX, NPC)], cis[sub])
        pltpu.make_async_copy(
            emb_hbm.at[tgt_idx_v.at[pl.ds(g * CB, CB)]],
            trs[sub], sems[sub]).start()
        for j in range(NGB):
            pltpu.make_async_copy(
                ctxt_hbm.at[cis[sub].at[pl.ds(j * GSZ, GSZ)]],
                crs[sub].at[pl.ds(j * GSZ, GSZ)], sems[sub]).start()

    def drain(sub):
        pltpu.make_async_copy(emb_hbm.at[tgt_idx_v.at[pl.ds(0, CB)]],
                              trs[sub], sems[sub]).wait()
        for j in range(NGB):
            pltpu.make_async_copy(
                ctxt_hbm.at[cis[sub].at[pl.ds(j * GSZ, GSZ)]],
                crs[sub].at[pl.ds(j * GSZ, GSZ)], sems[sub]).wait()

    def compute(g, sub):
        row0 = base + g * CB

        def bbody(b, _):
            t = [trs[sub][b, pl.ds(k * 16, 16)] for k in range(NK)]
            for cg in range(4):
                n = min(16, NCTX - cg * 16)
                vec = jnp.zeros((16,), jnp.float32)
                for j in range(n):
                    p = b * NCTX + cg * 16 + j
                    m = t[0] * crs[sub][p, pl.ds(0, 16)]
                    for k in range(1, NK):
                        m = m + t[k] * crs[sub][p, pl.ds(k * 16, 16)]
                    r = jnp.sum(m)
                    vec = jnp.where(lanes == j, r, vec)
                out_v[b, pl.ds(cg * 16, 16)] = vec
            return 0

        lax.fori_loop(0, CB, bbody, 0)
        pltpu.sync_copy(out_v, out_hbm.at[pl.ds(row0, CB)])

    stage(0, 0)
    stage(1, 1)

    def chunk2(h, carry):
        for sub in range(2):
            g = 2 * h + sub
            drain(sub)
            compute(g, sub)
            stage(jnp.minimum(g + 2, NCHUNK - 1), sub)
        return 0

    lax.fori_loop(0, NCHUNK // 2, chunk2, 0)
    drain(0)
    drain(1)


@jax.jit
def kernel(target, context, emb_table, ctx_table):
    mesh = plsc.VectorSubcoreMesh(core_axis_name="c", subcore_axis_name="s")
    run = functools.partial(
        pl.kernel,
        mesh=mesh,
        out_type=jax.ShapeDtypeStruct((BATCH, 128), jnp.float32),
        compiler_params=pltpu.CompilerParams(needs_layout_passes=False),
        scratch_types=[
            pltpu.VMEM((BPW,), jnp.int32),
            pltpu.VMEM((NPC,), jnp.int32),
            pltpu.VMEM((NPC,), jnp.int32),
            pltpu.VMEM((CB, 128), jnp.float32),
            pltpu.VMEM((CB, 128), jnp.float32),
            pltpu.VMEM((NPC, 128), jnp.float32),
            pltpu.VMEM((NPC, 128), jnp.float32),
            pltpu.VMEM((CB, 128), jnp.float32),
            pltpu.SemaphoreType.DMA,
            pltpu.SemaphoreType.DMA,
        ],
    )(_lk_body)
    emb3 = jnp.pad(emb_table, ((0, 0), (0, 128 - ENC)))
    ctx3 = jnp.pad(ctx_table, ((0, 0), (0, 128 - ENC)))
    ctxflat = context.astype(jnp.int32).reshape(BATCH * NCTX)
    out = run(target.astype(jnp.int32), ctxflat, emb3, ctx3)
    return out[:, :NCTX]

# --- scband reference (transcript-rebuilt; emitter-appended) ---
"""Pipeline reference for scband-item2-vec-33655363731589 (READ-ONLY COPY).

The authoritative reference and input builder live on the scoring server;
editing this copy changes nothing except your own understanding.
"""

import jax, jax.numpy as jnp
import numpy as np

VOCAB = 1000000
ENC = 64
BATCH = 16384
NCTX = 50

def setup_inputs(seed: int = 0) -> dict:
    key = jax.random.key(seed)
    k1, k2, k3, k4 = jax.random.split(key, 4)
    target = jax.random.randint(k1, (BATCH,), 0, VOCAB, dtype=jnp.int64 if jax.config.jax_enable_x64 else jnp.int32)
    context = jax.random.randint(k2, (BATCH, NCTX), 0, VOCAB, dtype=jnp.int64 if jax.config.jax_enable_x64 else jnp.int32)
    emb_table = jax.random.normal(k3, (VOCAB, ENC), dtype=jnp.float32)
    ctx_table = jax.random.normal(k4, (VOCAB, ENC), dtype=jnp.float32)
    return {"target": target, "context": context, "emb_table": emb_table, "ctx_table": ctx_table}

def reference(target, context, emb_table, ctx_table):
    # tgt_emb = embedding(target): [B, D]
    tgt_emb = jnp.take(emb_table, target, axis=0)
    # ctx_emb = context_embedding(context): [B, n_ctx, D]
    ctx_emb = jnp.take(ctx_table, context, axis=0)
    # dots = bmm(tgt_emb[:, None, :], ctx_emb.transpose(1,2)) -> [B, n_ctx]
    dots = jnp.einsum('bd,bcd->bc', tgt_emb, ctx_emb)
    return dots

if __name__ == "__main__":
    import jax
    _d = setup_inputs()
    print(jax.jit(kernel)(*tuple(_d.values())))

</pallas_src>

<mosaic_0001>
#map = affine_map<(d0, d1) -> (0)>
#map1 = affine_map<(d0, d1) -> (0, 0)>
module attributes {stable_mosaic.version = 14 : i64} {
  func.func @_lk_body(%arg0: i32, %arg1: i32, %arg2: memref<16384xi32, #tpu.memory_space<hbm>>, %arg3: memref<819200xi32, #tpu.memory_space<hbm>>, %arg4: memref<1000000x128xf32, #tpu.memory_space<hbm>>, %arg5: memref<1000000x128xf32, #tpu.memory_space<hbm>>, %arg6: memref<16384x128xf32, #tpu.memory_space<hbm>>, %arg7: memref<512xi32, #tpu.memory_space<vmem>>, %arg8: memref<400xi32, #tpu.memory_space<vmem>>, %arg9: memref<400xi32, #tpu.memory_space<vmem>>, %arg10: memref<8x128xf32, #tpu.memory_space<vmem>>, %arg11: memref<8x128xf32, #tpu.memory_space<vmem>>, %arg12: memref<400x128xf32, #tpu.memory_space<vmem>>, %arg13: memref<400x128xf32, #tpu.memory_space<vmem>>, %arg14: memref<8x128xf32, #tpu.memory_space<vmem>>, %arg15: memref<!tpu.dma_semaphore, #tpu.memory_space<semaphore_mem>>, %arg16: memref<!tpu.dma_semaphore, #tpu.memory_space<semaphore_mem>>) attributes {dimension_semantics = [#tpu.dimension_semantics<core_parallel>, #tpu.dimension_semantics<subcore_parallel>], iteration_bounds = array<i64: 2, 16>, scalar_prefetch = 0 : i64, scratch_operands = 10 : i64, tpu.core_type = #tpu.core_type<sc_vector_subcore>, window_params = [{transform_indices = #map}, {transform_indices = #map}, {transform_indices = #map1}, {transform_indices = #map1}, {transform_indices = #map1}]} {
    %mul3A = arith.constant 2 : i32
    %mul3A_0 = arith.muli %arg1, %mul3A : i32
    %add3A = arith.addi %mul3A_0, %arg0 : i32
    %mul3A_1 = arith.constant 512 : i32
    %mul3A_2 = arith.muli %add3A, %mul3A_1 : i32
    %iota3A = tpu.iota {dimensions = array<i32: 0>} : vector<16xi32>
    "tpu.region"() ({
      %run_scoped3A = tpu.sem_alloc : memref<!tpu.dma_semaphore, #tpu.memory_space<semaphore_mem>>
      %dma_start3A_195 = tpu.memref_slice %arg2[%mul3A_2] : memref<16384xi32, #tpu.memory_space<hbm>> -> memref<512xi32, #tpu.memory_space<hbm>>
      %dma_start3A_196 = tpu.memref_slice %arg2[%mul3A_2] : memref<16384xi32, #tpu.memory_space<hbm>> -> memref<512xi32, #tpu.memory_space<hbm>>
      tpu.enqueue_dma source(%dma_start3A_196 : memref<512xi32, #tpu.memory_space<hbm>>) target(%arg7 : memref<512xi32, #tpu.memory_space<vmem>>) target_semaphore(%run_scoped3A : memref<!tpu.dma_semaphore, #tpu.memory_space<semaphore_mem>>)
      %dma_wait3A_197 = tpu.memref_slice %arg2[%mul3A_2] : memref<16384xi32, #tpu.memory_space<hbm>> -> memref<512xi32, #tpu.memory_space<hbm>>
      %dma_wait3A_198 = tpu.memref_slice %arg2[%mul3A_2] : memref<16384xi32, #tpu.memory_space<hbm>> -> memref<512xi32, #tpu.memory_space<hbm>>
      tpu.wait_dma2 semaphore(%run_scoped3A : memref<!tpu.dma_semaphore, #tpu.memory_space<semaphore_mem>>) src(%dma_wait3A_198 : memref<512xi32, #tpu.memory_space<hbm>>) dst(%arg7 : memref<512xi32, #tpu.memory_space<vmem>>)
      tpu.yield
    }) : () -> ()
    %add3A_3 = arith.constant 0 : i32
    %add3A_4 = arith.addi %mul3A_2, %add3A_3 : i32
    %mul3A_5 = arith.constant 50 : i32
    %mul3A_6 = arith.muli %add3A_4, %mul3A_5 : i32
    "tpu.region"() ({
      %run_scoped3A = tpu.sem_alloc : memref<!tpu.dma_semaphore, #tpu.memory_space<semaphore_mem>>
      %dma_start3A_195 = tpu.memref_slice %arg3[%mul3A_6] : memref<819200xi32, #tpu.memory_space<hbm>> -> memref<400xi32, #tpu.memory_space<hbm>>
      %dma_start3A_196 = tpu.memref_slice %arg3[%mul3A_6] : memref<819200xi32, #tpu.memory_space<hbm>> -> memref<400xi32, #tpu.memory_space<hbm>>
      tpu.enqueue_dma source(%dma_start3A_196 : memref<400xi32, #tpu.memory_space<hbm>>) target(%arg8 : memref<400xi32, #tpu.memory_space<vmem>>) target_semaphore(%run_scoped3A : memref<!tpu.dma_semaphore, #tpu.memory_space<semaphore_mem>>)
      %dma_wait3A_197 = tpu.memref_slice %arg3[%mul3A_6] : memref<819200xi32, #tpu.memory_space<hbm>> -> memref<400xi32, #tpu.memory_space<hbm>>
      %dma_wait3A_198 = tpu.memref_slice %arg3[%mul3A_6] : memref<819200xi32, #tpu.memory_space<hbm>> -> memref<400xi32, #tpu.memory_space<hbm>>
      tpu.wait_dma2 semaphore(%run_scoped3A : memref<!tpu.dma_semaphore, #tpu.memory_space<semaphore_mem>>) src(%dma_wait3A_198 : memref<400xi32, #tpu.memory_space<hbm>>) dst(%arg8 : memref<400xi32, #tpu.memory_space<vmem>>)
      tpu.yield
    }) : () -> ()
    %dma_start3A = arith.constant 0 : i32
    %dma_start3A_7 = tpu.memref_slice %arg7[%dma_start3A] : memref<512xi32, #tpu.memory_space<vmem>> -> memref<8xi32, #tpu.memory_space<vmem>>
    %dma_start3A_8 = arith.constant 0 : i32
    %dma_start3A_9 = arith.constant 0 : i32
    %dma_start3A_10 = tpu.memref_slice %arg4[%dma_start3A_8, %dma_start3A_9] : memref<1000000x128xf32, #tpu.memory_space<hbm>> -> memref<1000000x128xf32, #tpu.memory_space<hbm>>
    tpu.enqueue_indirect_dma source(%dma_start3A_10 : memref<1000000x128xf32, #tpu.memory_space<hbm>>) target(%arg10 : memref<8x128xf32, #tpu.memory_space<vmem>>) offsets(%dma_start3A_7 : memref<8xi32, #tpu.memory_space<vmem>>) semaphore(%arg15 : memref<!tpu.dma_semaphore, #tpu.memory_space<semaphore_mem>>)
    %dma_start3A_11 = arith.constant 0 : i32
    %dma_start3A_12 = arith.constant 0 : i32
    %dma_start3A_13 = tpu.memref_slice %arg12[%dma_start3A_11, %dma_start3A_12] : memref<400x128xf32, #tpu.memory_space<vmem>> -> memref<80x128xf32, #tpu.memory_space<vmem>>
    %dma_start3A_14 = arith.constant 0 : i32
    %dma_start3A_15 = tpu.memref_slice %arg8[%dma_start3A_14] : memref<400xi32, #tpu.memory_space<vmem>> -> memref<80xi32, #tpu.memory_space<vmem>>
    %dma_start3A_16 = arith.constant 0 : i32
    %dma_start3A_17 = arith.constant 0 : i32
    %dma_start3A_18 = tpu.memref_slice %arg5[%dma_start3A_16, %dma_start3A_17] : memref<1000000x128xf32, #tpu.memory_space<hbm>> -> memref<1000000x128xf32, #tpu.memory_space<hbm>>
    tpu.enqueue_indirect_dma source(%dma_start3A_18 : memref<1000000x128xf32, #tpu.memory_space<hbm>>) target(%dma_start3A_13 : memref<80x128xf32, #tpu.memory_space<vmem>>) offsets(%dma_start3A_15 : memref<80xi32, #tpu.memory_space<vmem>>) semaphore(%arg15 : memref<!tpu.dma_semaphore, #tpu.memory_space<semaphore_mem>>)
    %dma_start3A_19 = arith.constant 80 : i32
    %dma_start3A_20 = arith.constant 0 : i32
    %dma_start3A_21 = tpu.memref_slice %arg12[%dma_start3A_19, %dma_start3A_20] : memref<400x128xf32, #tpu.memory_space<vmem>> -> memref<80x128xf32, #tpu.memory_space<vmem>>
    %dma_start3A_22 = arith.constant 80 : i32
    %dma_start3A_23 = tpu.memref_slice %arg8[%dma_start3A_22] : memref<400xi32, #tpu.memory_space<vmem>> -> memref<80xi32, #tpu.memory_space<vmem>>
    %dma_start3A_24 = arith.constant 0 : i32
    %dma_start3A_25 = arith.constant 0 : i32
    %dma_start3A_26 = tpu.memref_slice %arg5[%dma_start3A_24, %dma_start3A_25] : memref<1000000x128xf32, #tpu.memory_space<hbm>> -> memref<1000000x128xf32, #tpu.memory_space<hbm>>
    tpu.enqueue_indirect_dma source(%dma_start3A_26 : memref<1000000x128xf32, #tpu.memory_space<hbm>>) target(%dma_start3A_21 : memref<80x128xf32, #tpu.memory_space<vmem>>) offsets(%dma_start3A_23 : memref<80xi32, #tpu.memory_space<vmem>>) semaphore(%arg15 : memref<!tpu.dma_semaphore, #tpu.memory_space<semaphore_mem>>)
    %dma_start3A_27 = arith.constant 160 : i32
    %dma_start3A_28 = arith.constant 0 : i32
    %dma_start3A_29 = tpu.memref_slice %arg12[%dma_start3A_27, %dma_start3A_28] : memref<400x128xf32, #tpu.memory_space<vmem>> -> memref<80x128xf32, #tpu.memory_space<vmem>>
    %dma_start3A_30 = arith.constant 160 : i32
    %dma_start3A_31 = tpu.memref_slice %arg8[%dma_start3A_30] : memref<400xi32, #tpu.memory_space<vmem>> -> memref<80xi32, #tpu.memory_space<vmem>>
    %dma_start3A_32 = arith.constant 0 : i32
    %dma_start3A_33 = arith.constant 0 : i32
    %dma_start3A_34 = tpu.memref_slice %arg5[%dma_start3A_32, %dma_start3A_33] : memref<1000000x128xf32, #tpu.memory_space<hbm>> -> memref<1000000x128xf32, #tpu.memory_space<hbm>>
    tpu.enqueue_indirect_dma source(%dma_start3A_34 : memref<1000000x128xf32, #tpu.memory_space<hbm>>) target(%dma_start3A_29 : memref<80x128xf32, #tpu.memory_space<vmem>>) offsets(%dma_start3A_31 : memref<80xi32, #tpu.memory_space<vmem>>) semaphore(%arg15 : memref<!tpu.dma_semaphore, #tpu.memory_space<semaphore_mem>>)
    %dma_start3A_35 = arith.constant 240 : i32
    %dma_start3A_36 = arith.constant 0 : i32
    %dma_start3A_37 = tpu.memref_slice %arg12[%dma_start3A_35, %dma_start3A_36] : memref<400x128xf32, #tpu.memory_space<vmem>> -> memref<80x128xf32, #tpu.memory_space<vmem>>
    %dma_start3A_38 = arith.constant 240 : i32
    %dma_start3A_39 = tpu.memref_slice %arg8[%dma_start3A_38] : memref<400xi32, #tpu.memory_space<vmem>> -> memref<80xi32, #tpu.memory_space<vmem>>
    %dma_start3A_40 = arith.constant 0 : i32
    %dma_start3A_41 = arith.constant 0 : i32
    %dma_start3A_42 = tpu.memref_slice %arg5[%dma_start3A_40, %dma_start3A_41] : memref<1000000x128xf32, #tpu.memory_space<hbm>> -> memref<1000000x128xf32, #tpu.memory_space<hbm>>
    tpu.enqueue_indirect_dma source(%dma_start3A_42 : memref<1000000x128xf32, #tpu.memory_space<hbm>>) target(%dma_start3A_37 : memref<80x128xf32, #tpu.memory_space<vmem>>) offsets(%dma_start3A_39 : memref<80xi32, #tpu.memory_space<vmem>>) semaphore(%arg15 : memref<!tpu.dma_semaphore, #tpu.memory_space<semaphore_mem>>)
    %dma_start3A_43 = arith.constant 320 : i32
    %dma_start3A_44 = arith.constant 0 : i32
    %dma_start3A_45 = tpu.memref_slice %arg12[%dma_start3A_43, %dma_start3A_44] : memref<400x128xf32, #tpu.memory_space<vmem>> -> memref<80x128xf32, #tpu.memory_space<vmem>>
    %dma_start3A_46 = arith.constant 320 : i32
    %dma_start3A_47 = tpu.memref_slice %arg8[%dma_start3A_46] : memref<400xi32, #tpu.memory_space<vmem>> -> memref<80xi32, #tpu.memory_space<vmem>>
    %dma_start3A_48 = arith.constant 0 : i32
    %dma_start3A_49 = arith.constant 0 : i32
    %dma_start3A_50 = tpu.memref_slice %arg5[%dma_start3A_48, %dma_start3A_49] : memref<1000000x128xf32, #tpu.memory_space<hbm>> -> memref<1000000x128xf32, #tpu.memory_space<hbm>>
    tpu.enqueue_indirect_dma source(%dma_start3A_50 : memref<1000000x128xf32, #tpu.memory_space<hbm>>) target(%dma_start3A_45 : memref<80x128xf32, #tpu.memory_space<vmem>>) offsets(%dma_start3A_47 : memref<80xi32, #tpu.memory_space<vmem>>) semaphore(%arg15 : memref<!tpu.dma_semaphore, #tpu.memory_space<semaphore_mem>>)
    %add3A_51 = arith.constant 8 : i32
    %add3A_52 = arith.addi %mul3A_2, %add3A_51 : i32
    %mul3A_53 = arith.constant 50 : i32
    %mul3A_54 = arith.muli %add3A_52, %mul3A_53 : i32
    "tpu.region"() ({
      %run_scoped3A = tpu.sem_alloc : memref<!tpu.dma_semaphore, #tpu.memory_space<semaphore_mem>>
      %dma_start3A_195 = tpu.memref_slice %arg3[%mul3A_54] : memref<819200xi32, #tpu.memory_space<hbm>> -> memref<400xi32, #tpu.memory_space<hbm>>
      %dma_start3A_196 = tpu.memref_slice %arg3[%mul3A_54] : memref<819200xi32, #tpu.memory_space<hbm>> -> memref<400xi32, #tpu.memory_space<hbm>>
      tpu.enqueue_dma source(%dma_start3A_196 : memref<400xi32, #tpu.memory_space<hbm>>) target(%arg9 : memref<400xi32, #tpu.memory_space<vmem>>) target_semaphore(%run_scoped3A : memref<!tpu.dma_semaphore, #tpu.memory_space<semaphore_mem>>)
      %dma_wait3A_197 = tpu.memref_slice %arg3[%mul3A_54] : memref<819200xi32, #tpu.memory_space<hbm>> -> memref<400xi32, #tpu.memory_space<hbm>>
      %dma_wait3A_198 = tpu.memref_slice %arg3[%mul3A_54] : memref<819200xi32, #tpu.memory_space<hbm>> -> memref<400xi32, #tpu.memory_space<hbm>>
      tpu.wait_dma2 semaphore(%run_scoped3A : memref<!tpu.dma_semaphore, #tpu.memory_space<semaphore_mem>>) src(%dma_wait3A_198 : memref<400xi32, #tpu.memory_space<hbm>>) dst(%arg9 : memref<400xi32, #tpu.memory_space<vmem>>)
      tpu.yield
    }) : () -> ()
    %dma_start3A_55 = arith.constant 8 : i32
    %dma_start3A_56 = tpu.memref_slice %arg7[%dma_start3A_55] : memref<512xi32, #tpu.memory_space<vmem>> -> memref<8xi32, #tpu.memory_space<vmem>>
    %dma_start3A_57 = arith.constant 0 : i32
    %dma_start3A_58 = arith.constant 0 : i32
    %dma_start3A_59 = tpu.memref_slice %arg4[%dma_start3A_57, %dma_start3A_58] : memref<1000000x128xf32, #tpu.memory_space<hbm>> -> memref<1000000x128xf32, #tpu.memory_space<hbm>>
    tpu.enqueue_indirect_dma source(%dma_start3A_59 : memref<1000000x128xf32, #tpu.memory_space<hbm>>) target(%arg11 : memref<8x128xf32, #tpu.memory_space<vmem>>) offsets(%dma_start3A_56 : memref<8xi32, #tpu.memory_space<vmem>>) semaphore(%arg16 : memref<!tpu.dma_semaphore, #tpu.memory_space<semaphore_mem>>)
    %dma_start3A_60 = arith.constant 0 : i32
    %dma_start3A_61 = arith.constant 0 : i32
    %dma_start3A_62 = tpu.memref_slice %arg13[%dma_start3A_60, %dma_start3A_61] : memref<400x128xf32, #tpu.memory_space<vmem>> -> memref<80x128xf32, #tpu.memory_space<vmem>>
    %dma_start3A_63 = arith.constant 0 : i32
    %dma_start3A_64 = tpu.memref_slice %arg9[%dma_start3A_63] : memref<400xi32, #tpu.memory_space<vmem>> -> memref<80xi32, #tpu.memory_space<vmem>>
    %dma_start3A_65 = arith.constant 0 : i32
    %dma_start3A_66 = arith.constant 0 : i32
    %dma_start3A_67 = tpu.memref_slice %arg5[%dma_start3A_65, %dma_start3A_66] : memref<1000000x128xf32, #tpu.memory_space<hbm>> -> memref<1000000x128xf32, #tpu.memory_space<hbm>>
    tpu.enqueue_indirect_dma source(%dma_start3A_67 : memref<1000000x128xf32, #tpu.memory_space<hbm>>) target(%dma_start3A_62 : memref<80x128xf32, #tpu.memory_space<vmem>>) offsets(%dma_start3A_64 : memref<80xi32, #tpu.memory_space<vmem>>) semaphore(%arg16 : memref<!tpu.dma_semaphore, #tpu.memory_space<semaphore_mem>>)
    %dma_start3A_68 = arith.constant 80 : i32
    %dma_start3A_69 = arith.constant 0 : i32
    %dma_start3A_70 = tpu.memref_slice %arg13[%dma_start3A_68, %dma_start3A_69] : memref<400x128xf32, #tpu.memory_space<vmem>> -> memref<80x128xf32, #tpu.memory_space<vmem>>
    %dma_start3A_71 = arith.constant 80 : i32
    %dma_start3A_72 = tpu.memref_slice %arg9[%dma_start3A_71] : memref<400xi32, #tpu.memory_space<vmem>> -> memref<80xi32, #tpu.memory_space<vmem>>
    %dma_start3A_73 = arith.constant 0 : i32
    %dma_start3A_74 = arith.constant 0 : i32
    %dma_start3A_75 = tpu.memref_slice %arg5[%dma_start3A_73, %dma_start3A_74] : memref<1000000x128xf32, #tpu.memory_space<hbm>> -> memref<1000000x128xf32, #tpu.memory_space<hbm>>
    tpu.enqueue_indirect_dma source(%dma_start3A_75 : memref<1000000x128xf32, #tpu.memory_space<hbm>>) target(%dma_start3A_70 : memref<80x128xf32, #tpu.memory_space<vmem>>) offsets(%dma_start3A_72 : memref<80xi32, #tpu.memory_space<vmem>>) semaphore(%arg16 : memref<!tpu.dma_semaphore, #tpu.memory_space<semaphore_mem>>)
    %dma_start3A_76 = arith.constant 160 : i32
    %dma_start3A_77 = arith.constant 0 : i32
    %dma_start3A_78 = tpu.memref_slice %arg13[%dma_start3A_76, %dma_start3A_77] : memref<400x128xf32, #tpu.memory_space<vmem>> -> memref<80x128xf32, #tpu.memory_space<vmem>>
    %dma_start3A_79 = arith.constant 160 : i32
    %dma_start3A_80 = tpu.memref_slice %arg9[%dma_start3A_79] : memref<400xi32, #tpu.memory_space<vmem>> -> memref<80xi32, #tpu.memory_space<vmem>>
    %dma_start3A_81 = arith.constant 0 : i32
    %dma_start3A_82 = arith.constant 0 : i32
    %dma_start3A_83 = tpu.memref_slice %arg5[%dma_start3A_81, %dma_start3A_82] : memref<1000000x128xf32, #tpu.memory_space<hbm>> -> memref<1000000x128xf32, #tpu.memory_space<hbm>>
    tpu.enqueue_indirect_dma source(%dma_start3A_83 : memref<1000000x128xf32, #tpu.memory_space<hbm>>) target(%dma_start3A_78 : memref<80x128xf32, #tpu.memory_space<vmem>>) offsets(%dma_start3A_80 : memref<80xi32, #tpu.memory_space<vmem>>) semaphore(%arg16 : memref<!tpu.dma_semaphore, #tpu.memory_space<semaphore_mem>>)
    %dma_start3A_84 = arith.constant 240 : i32
    %dma_start3A_85 = arith.constant 0 : i32
    %dma_start3A_86 = tpu.memref_slice %arg13[%dma_start3A_84, %dma_start3A_85] : memref<400x128xf32, #tpu.memory_space<vmem>> -> memref<80x128xf32, #tpu.memory_space<vmem>>
    %dma_start3A_87 = arith.constant 240 : i32
    %dma_start3A_88 = tpu.memref_slice %arg9[%dma_start3A_87] : memref<400xi32, #tpu.memory_space<vmem>> -> memref<80xi32, #tpu.memory_space<vmem>>
    %dma_start3A_89 = arith.constant 0 : i32
    %dma_start3A_90 = arith.constant 0 : i32
    %dma_start3A_91 = tpu.memref_slice %arg5[%dma_start3A_89, %dma_start3A_90] : memref<1000000x128xf32, #tpu.memory_space<hbm>> -> memref<1000000x128xf32, #tpu.memory_space<hbm>>
    tpu.enqueue_indirect_dma source(%dma_start3A_91 : memref<1000000x128xf32, #tpu.memory_space<hbm>>) target(%dma_start3A_86 : memref<80x128xf32, #tpu.memory_space<vmem>>) offsets(%dma_start3A_88 : memref<80xi32, #tpu.memory_space<vmem>>) semaphore(%arg16 : memref<!tpu.dma_semaphore, #tpu.memory_space<semaphore_mem>>)
    %dma_start3A_92 = arith.constant 320 : i32
    %dma_start3A_93 = arith.constant 0 : i32
    %dma_start3A_94 = tpu.memref_slice %arg13[%dma_start3A_92, %dma_start3A_93] : memref<400x128xf32, #tpu.memory_space<vmem>> -> memref<80x128xf32, #tpu.memory_space<vmem>>
    %dma_start3A_95 = arith.constant 320 : i32
    %dma_start3A_96 = tpu.memref_slice %arg9[%dma_start3A_95] : memref<400xi32, #tpu.memory_space<vmem>> -> memref<80xi32, #tpu.memory_space<vmem>>
    %dma_start3A_97 = arith.constant 0 : i32
    %dma_start3A_98 = arith.constant 0 : i32
    %dma_start3A_99 = tpu.memref_slice %arg5[%dma_start3A_97, %dma_start3A_98] : memref<1000000x128xf32, #tpu.memory_space<hbm>> -> memref<1000000x128xf32, #tpu.memory_space<hbm>>
    tpu.enqueue_indirect_dma source(%dma_start3A_99 : memref<1000000x128xf32, #tpu.memory_space<hbm>>) target(%dma_start3A_94 : memref<80x128xf32, #tpu.memory_space<vmem>>) offsets(%dma_start3A_96 : memref<80xi32, #tpu.memory_space<vmem>>) semaphore(%arg16 : memref<!tpu.dma_semaphore, #tpu.memory_space<semaphore_mem>>)
    %scan3A = arith.constant 0 : i32
    %scan3A_100 = arith.constant 0 : i32
    %scan3A_101 = arith.constant 32 : i32
    %scan3A_102 = arith.addi %scan3A_100, %scan3A_101 : i32
    %scan3A_103 = arith.constant 1 : i32
    %scan3A_104 = scf.for %scan3A_195 = %scan3A_100 to %scan3A_102 step %scan3A_103 iter_args(%scan3A_196 = %scan3A) -> (i32)  : i32 {
      %mul3A_197 = arith.constant 2 : i32
      %mul3A_198 = arith.muli %mul3A_197, %scan3A_195 : i32
      %add3A_199 = arith.constant 0 : i32
      %add3A_200 = arith.addi %mul3A_198, %add3A_199 : i32
      %dma_wait3A_201 = arith.constant 0 : i32
      %dma_wait3A_202 = tpu.memref_slice %arg7[%dma_wait3A_201] : memref<512xi32, #tpu.memory_space<vmem>> -> memref<8xi32, #tpu.memory_space<vmem>>
      %dma_wait3A_203 = arith.constant 0 : i32
      %dma_wait3A_204 = arith.constant 0 : i32
      %dma_wait3A_205 = tpu.memref_slice %arg4[%dma_wait3A_203, %dma_wait3A_204] : memref<1000000x128xf32, #tpu.memory_space<hbm>> -> memref<1000000x128xf32, #tpu.memory_space<hbm>>
      tpu.wait_indirect_dma semaphore(%arg15 : memref<!tpu.dma_semaphore, #tpu.memory_space<semaphore_mem>>) src(%dma_wait3A_205 : memref<1000000x128xf32, #tpu.memory_space<hbm>>) dst(%arg10 : memref<8x128xf32, #tpu.memory_space<vmem>>)
      %dma_wait3A_206 = arith.constant 0 : i32
      %dma_wait3A_207 = arith.constant 0 : i32
      %dma_wait3A_208 = tpu.memref_slice %arg12[%dma_wait3A_206, %dma_wait3A_207] : memref<400x128xf32, #tpu.memory_space<vmem>> -> memref<80x128xf32, #tpu.memory_space<vmem>>
      %dma_wait3A_209 = arith.constant 0 : i32
      %dma_wait3A_210 = tpu.memref_slice %arg8[%dma_wait3A_209] : memref<400xi32, #tpu.memory_space<vmem>> -> memref<80xi32, #tpu.memory_space<vmem>>
      %dma_wait3A_211 = arith.constant 0 : i32
      %dma_wait3A_212 = arith.constant 0 : i32
      %dma_wait3A_213 = tpu.memref_slice %arg5[%dma_wait3A_211, %dma_wait3A_212] : memref<1000000x128xf32, #tpu.memory_space<hbm>> -> memref<1000000x128xf32, #tpu.memory_space<hbm>>
      tpu.wait_indirect_dma semaphore(%arg15 : memref<!tpu.dma_semaphore, #tpu.memory_space<semaphore_mem>>) src(%dma_wait3A_213 : memref<1000000x128xf32, #tpu.memory_space<hbm>>) dst(%dma_wait3A_208 : memref<80x128xf32, #tpu.memory_space<vmem>>)
      %dma_wait3A_214 = arith.constant 80 : i32
      %dma_wait3A_215 = arith.constant 0 : i32
      %dma_wait3A_216 = tpu.memref_slice %arg12[%dma_wait3A_214, %dma_wait3A_215] : memref<400x128xf32, #tpu.memory_space<vmem>> -> memref<80x128xf32, #tpu.memory_space<vmem>>
      %dma_wait3A_217 = arith.constant 80 : i32
      %dma_wait3A_218 = tpu.memref_slice %arg8[%dma_wait3A_217] : memref<400xi32, #tpu.memory_space<vmem>> -> memref<80xi32, #tpu.memory_space<vmem>>
      %dma_wait3A_219 = arith.constant 0 : i32
      %dma_wait3A_220 = arith.constant 0 : i32
      %dma_wait3A_221 = tpu.memref_slice %arg5[%dma_wait3A_219, %dma_wait3A_220] : memref<1000000x128xf32, #tpu.memory_space<hbm>> -> memref<1000000x128xf32, #tpu.memory_space<hbm>>
      tpu.wait_indirect_dma semaphore(%arg15 : memref<!tpu.dma_semaphore, #tpu.memory_space<semaphore_mem>>) src(%dma_wait3A_221 : memref<1000000x128xf32, #tpu.memory_space<hbm>>) dst(%dma_wait3A_216 : memref<80x128xf32, #tpu.memory_space<vmem>>)
      %dma_wait3A_222 = arith.constant 160 : i32
      %dma_wait3A_223 = arith.constant 0 : i32
      %dma_wait3A_224 = tpu.memref_slice %arg12[%dma_wait3A_222, %dma_wait3A_223] : memref<400x128xf32, #tpu.memory_space<vmem>> -> memref<80x128xf32, #tpu.memory_space<vmem>>
      %dma_wait3A_225 = arith.constant 160 : i32
      %dma_wait3A_226 = tpu.memref_slice %arg8[%dma_wait3A_225] : memref<400xi32, #tpu.memory_space<vmem>> -> memref<80xi32, #tpu.memory_space<vmem>>
      %dma_wait3A_227 = arith.constant 0 : i32
      %dma_wait3A_228 = arith.constant 0 : i32
      %dma_wait3A_229 = tpu.memref_slice %arg5[%dma_wait3A_227, %dma_wait3A_228] : memref<1000000x128xf32, #tpu.memory_space<hbm>> -> memref<1000000x128xf32, #tpu.memory_space<hbm>>
      tpu.wait_indirect_dma semaphore(%arg15 : memref<!tpu.dma_semaphore, #tpu.memory_space<semaphore_mem>>) src(%dma_wait3A_229 : memref<1000000x128xf32, #tpu.memory_space<hbm>>) dst(%dma_wait3A_224 : memref<80x128xf32, #tpu.memory_space<vmem>>)
      %dma_wait3A_230 = arith.constant 240 : i32
      %dma_wait3A_231 = arith.constant 0 : i32
      %dma_wait3A_232 = tpu.memref_slice %arg12[%dma_wait3A_230, %dma_wait3A_231] : memref<400x128xf32, #tpu.memory_space<vmem>> -> memref<80x128xf32, #tpu.memory_space<vmem>>
      %dma_wait3A_233 = arith.constant 240 : i32
      %dma_wait3A_234 = tpu.memref_slice %arg8[%dma_wait3A_233] : memref<400xi32, #tpu.memory_space<vmem>> -> memref<80xi32, #tpu.memory_space<vmem>>
      %dma_wait3A_235 = arith.constant 0 : i32
      %dma_wait3A_236 = arith.constant 0 : i32
      %dma_wait3A_237 = tpu.memref_slice %arg5[%dma_wait3A_235, %dma_wait3A_236] : memref<1000000x128xf32, #tpu.memory_space<hbm>> -> memref<1000000x128xf32, #tpu.memory_space<hbm>>
      tpu.wait_indirect_dma semaphore(%arg15 : memref<!tpu.dma_semaphore, #tpu.memory_space<semaphore_mem>>) src(%dma_wait3A_237 : memref<1000000x128xf32, #tpu.memory_space<hbm>>) dst(%dma_wait3A_232 : memref<80x128xf32, #tpu.memory_space<vmem>>)
      %dma_wait3A_238 = arith.constant 320 : i32
      %dma_wait3A_239 = arith.constant 0 : i32
      %dma_wait3A_240 = tpu.memref_slice %arg12[%dma_wait3A_238, %dma_wait3A_239] : memref<400x128xf32, #tpu.memory_space<vmem>> -> memref<80x128xf32, #tpu.memory_space<vmem>>
      %dma_wait3A_241 = arith.constant 320 : i32
      %dma_wait3A_242 = tpu.memref_slice %arg8[%dma_wait3A_241] : memref<400xi32, #tpu.memory_space<vmem>> -> memref<80xi32, #tpu.memory_space<vmem>>
      %dma_wait3A_243 = arith.constant 0 : i32
      %dma_wait3A_244 = arith.constant 0 : i32
      %dma_wait3A_245 = tpu.memref_slice %arg5[%dma_wait3A_243, %dma_wait3A_244] : memref<1000000x128xf32, #tpu.memory_space<hbm>> -> memref<1000000x128xf32, #tpu.memory_space<hbm>>
      tpu.wait_indirect_dma semaphore(%arg15 : memref<!tpu.dma_semaphore, #tpu.memory_space<semaphore_mem>>) src(%dma_wait3A_245 : memref<1000000x128xf32, #tpu.memory_space<hbm>>) dst(%dma_wait3A_240 : memref<80x128xf32, #tpu.memory_space<vmem>>)
      %mul3A_246 = arith.constant 8 : i32
      %mul3A_247 = arith.muli %add3A_200, %mul3A_246 : i32
      %add3A_248 = arith.addi %mul3A_2, %mul3A_247 : i32
      %scan3A_249 = arith.constant 0 : i32
      %scan3A_250 = arith.constant 0 : i32
      %scan3A_251 = arith.constant 8 : i32
      %scan3A_252 = arith.addi %scan3A_250, %scan3A_251 : i32
      %scan3A_253 = arith.constant 1 : i32
      %scan3A_254 = scf.for %scan3A_425 = %scan3A_250 to %scan3A_252 step %scan3A_253 iter_args(%scan3A_426 = %scan3A_249) -> (i32)  : i32 {
        %get3A = arith.index_cast %scan3A_425 : i32 to index
        %get3A_427 = arith.constant 0 : index
        %get3A_428 = tpu.vector_load %arg10[%get3A, %get3A_427] {strides = array<i32>} : memref<8x128xf32, #tpu.memory_space<vmem>>, vector<16xf32>,
        %get3A_429 = arith.index_cast %scan3A_425 : i32 to index
        %get3A_430 = arith.constant 16 : index
        %get3A_431 = tpu.vector_load %arg10[%get3A_429, %get3A_430] {strides = array<i32>} : memref<8x128xf32, #tpu.memory_space<vmem>>, vector<16xf32>,
        %get3A_432 = arith.index_cast %scan3A_425 : i32 to index
        %get3A_433 = arith.constant 32 : index
        %get3A_434 = tpu.vector_load %arg10[%get3A_432, %get3A_433] {strides = array<i32>} : memref<8x128xf32, #tpu.memory_space<vmem>>, vector<16xf32>,
        %get3A_435 = arith.index_cast %scan3A_425 : i32 to index
        %get3A_436 = arith.constant 48 : index
        %get3A_437 = tpu.vector_load %arg10[%get3A_435, %get3A_436] {strides = array<i32>} : memref<8x128xf32, #tpu.memory_space<vmem>>, vector<16xf32>,
        %broadcast_in_dim3A = arith.constant 0.000000e+00 : f32
        %broadcast_in_dim3A_438 = vector.broadcast %broadcast_in_dim3A : f32 to vector<16xf32>
        %mul3A_439 = arith.constant 50 : i32
        %mul3A_440 = arith.muli %scan3A_425, %mul3A_439 : i32
        %add3A_441 = arith.constant 0 : i32
        %add3A_442 = arith.addi %mul3A_440, %add3A_441 : i32
        %add3A_443 = arith.constant 0 : i32
        %add3A_444 = arith.addi %add3A_442, %add3A_443 : i32
        %get3A_445 = arith.index_cast %add3A_444 : i32 to index
        %get3A_446 = arith.constant 0 : index
        %get3A_447 = tpu.vector_load %arg12[%get3A_445, %get3A_446] {strides = array<i32>} : memref<400x128xf32, #tpu.memory_space<vmem>>, vector<16xf32>,
        %mul3A_448 = arith.mulf %get3A_428, %get3A_447 : vector<16xf32>
        %get3A_449 = arith.index_cast %add3A_444 : i32 to index
        %get3A_450 = arith.constant 16 : index
        %get3A_451 = tpu.vector_load %arg12[%get3A_449, %get3A_450] {strides = array<i32>} : memref<400x128xf32, #tpu.memory_space<vmem>>, vector<16xf32>,
        %mul3A_452 = arith.mulf %get3A_431, %get3A_451 : vector<16xf32>
        %add3A_453 = arith.addf %mul3A_448, %mul3A_452 : vector<16xf32>
        %get3A_454 = arith.index_cast %add3A_444 : i32 to index
        %get3A_455 = arith.constant 32 : index
        %get3A_456 = tpu.vector_load %arg12[%get3A_454, %get3A_455] {strides = array<i32>} : memref<400x128xf32, #tpu.memory_space<vmem>>, vector<16xf32>,
        %mul3A_457 = arith.mulf %get3A_434, %get3A_456 : vector<16xf32>
        %add3A_458 = arith.addf %add3A_453, %mul3A_457 : vector<16xf32>
        %get3A_459 = arith.index_cast %add3A_444 : i32 to index
        %get3A_460 = arith.constant 48 : index
        %get3A_461 = tpu.vector_load %arg12[%get3A_459, %get3A_460] {strides = array<i32>} : memref<400x128xf32, #tpu.memory_space<vmem>>, vector<16xf32>,
        %mul3A_462 = arith.mulf %get3A_437, %get3A_461 : vector<16xf32>
        %add3A_463 = arith.addf %add3A_458, %mul3A_462 : vector<16xf32>
        %reduce_sum3A = arith.constant true
        %reduce_sum3A_464 = vector.broadcast %reduce_sum3A : i1 to vector<16xi1>
        %reduce_sum3A_465 = tpu.scan <sum>, %add3A_463 masked %reduce_sum3A_464 : vector<16xf32>, vector<16xi1> -> vector<16xf32>
        %reduce_sum3A_466 = vector.extract %reduce_sum3A_465[15] : f32 from vector<16xf32>
        %eq3A = arith.constant 0 : i32
        %eq3A_467 = vector.broadcast %eq3A : i32 to vector<16xi32>
        %eq3A_468 = arith.cmpi eq, %iota3A, %eq3A_467 : vector<16xi32>
        %broadcast_in_dim3A_469 = vector.broadcast %reduce_sum3A_466 : f32 to vector<16xf32>
        %select_n3A = arith.select %eq3A_468, %broadcast_in_dim3A_469, %broadcast_in_dim3A_438 : vector<16xi1>, vector<16xf32>
        %mul3A_470 = arith.constant 50 : i32
        %mul3A_471 = arith.muli %scan3A_425, %mul3A_470 : i32
        %add3A_472 = arith.constant 0 : i32
        %add3A_473 = arith.addi %mul3A_471, %add3A_472 : i32
        %add3A_474 = arith.constant 1 : i32
        %add3A_475 = arith.addi %add3A_473, %add3A_474 : i32
        %get3A_476 = arith.index_cast %add3A_475 : i32 to index
        %get3A_477 = arith.constant 0 : index
        %get3A_478 = tpu.vector_load %arg12[%get3A_476, %get3A_477] {strides = array<i32>} : memref<400x128xf32, #tpu.memory_space<vmem>>, vector<16xf32>,
        %mul3A_479 = arith.mulf %get3A_428, %get3A_478 : vector<16xf32>
        %get3A_480 = arith.index_cast %add3A_475 : i32 to index
        %get3A_481 = arith.constant 16 : index
        %get3A_482 = tpu.vector_load %arg12[%get3A_480, %get3A_481] {strides = array<i32>} : memref<400x128xf32, #tpu.memory_space<vmem>>, vector<16xf32>,
        %mul3A_483 = arith.mulf %get3A_431, %get3A_482 : vector<16xf32>
        %add3A_484 = arith.addf %mul3A_479, %mul3A_483 : vector<16xf32>
        %get3A_485 = arith.index_cast %add3A_475 : i32 to index
        %get3A_486 = arith.constant 32 : index
        %get3A_487 = tpu.vector_load %arg12[%get3A_485, %get3A_486] {strides = array<i32>} : memref<400x128xf32, #tpu.memory_space<vmem>>, vector<16xf32>,
        %mul3A_488 = arith.mulf %get3A_434, %get3A_487 : vector<16xf32>
        %add3A_489 = arith.addf %add3A_484, %mul3A_488 : vector<16xf32>
        %get3A_490 = arith.index_cast %add3A_475 : i32 to index
        %get3A_491 = arith.constant 48 : index
        %get3A_492 = tpu.vector_load %arg12[%get3A_490, %get3A_491] {strides = array<i32>} : memref<400x128xf32, #tpu.memory_space<vmem>>, vector<16xf32>,
        %mul3A_493 = arith.mulf %get3A_437, %get3A_492 : vector<16xf32>
        %add3A_494 = arith.addf %add3A_489, %mul3A_493 : vector<16xf32>
        %reduce_sum3A_495 = arith.constant true
        %reduce_sum3A_496 = vector.broadcast %reduce_sum3A_495 : i1 to vector<16xi1>
        %reduce_sum3A_497 = tpu.scan <sum>, %add3A_494 masked %reduce_sum3A_496 : vector<16xf32>, vector<16xi1> -> vector<16xf32>
        %reduce_sum3A_498 = vector.extract %reduce_sum3A_497[15] : f32 from vector<16xf32>
        %eq3A_499 = arith.constant 1 : i32
        %eq3A_500 = vector.broadcast %eq3A_499 : i32 to vector<16xi32>
        %eq3A_501 = arith.cmpi eq, %iota3A, %eq3A_500 : vector<16xi32>
        %broadcast_in_dim3A_502 = vector.broadcast %reduce_sum3A_498 : f32 to vector<16xf32>
        %select_n3A_503 = arith.select %eq3A_501, %broadcast_in_dim3A_502, %select_n3A : vector<16xi1>, vector<16xf32>
        %mul3A_504 = arith.constant 50 : i32
        %mul3A_505 = arith.muli %scan3A_425, %mul3A_504 : i32
        %add3A_506 = arith.constant 0 : i32
        %add3A_507 = arith.addi %mul3A_505, %add3A_506 : i32
        %add3A_508 = arith.constant 2 : i32
        %add3A_509 = arith.addi %add3A_507, %add3A_508 : i32
        %get3A_510 = arith.index_cast %add3A_509 : i32 to index
        %get3A_511 = arith.constant 0 : index
        %get3A_512 = tpu.vector_load %arg12[%get3A_510, %get3A_511] {strides = array<i32>} : memref<400x128xf32, #tpu.memory_space<vmem>>, vector<16xf32>,
        %mul3A_513 = arith.mulf %get3A_428, %get3A_512 : vector<16xf32>
        %get3A_514 = arith.index_cast %add3A_509 : i32 to index
        %get3A_515 = arith.constant 16 : index
        %get3A_516 = tpu.vector_load %arg12[%get3A_514, %get3A_515] {strides = array<i32>} : memref<400x128xf32, #tpu.memory_space<vmem>>, vector<16xf32>,
        %mul3A_517 = arith.mulf %get3A_431, %get3A_516 : vector<16xf32>
        %add3A_518 = arith.addf %mul3A_513, %mul3A_517 : vector<16xf32>
        %get3A_519 = arith.index_cast %add3A_509 : i32 to index
        %get3A_520 = arith.constant 32 : index
        %get3A_521 = tpu.vector_load %arg12[%get3A_519, %get3A_520] {strides = array<i32>} : memref<400x128xf32, #tpu.memory_space<vmem>>, vector<16xf32>,
        %mul3A_522 = arith.mulf %get3A_434, %get3A_521 : vector<16xf32>
        %add3A_523 = arith.addf %add3A_518, %mul3A_522 : vector<16xf32>
        %get3A_524 = arith.index_cast %add3A_509 : i32 to index
        %get3A_525 = arith.constant 48 : index
        %get3A_526 = tpu.vector_load %arg12[%get3A_524, %get3A_525] {strides = array<i32>} : memref<400x128xf32, #tpu.memory_space<vmem>>, vector<16xf32>,
        %mul3A_527 = arith.mulf %get3A_437, %get3A_526 : vector<16xf32>
        %add3A_528 = arith.addf %add3A_523, %mul3A_527 : vector<16xf32>
        %reduce_sum3A_529 = arith.constant true
        %reduce_sum3A_530 = vector.broadcast %reduce_sum3A_529 : i1 to vector<16xi1>
        %reduce_sum3A_531 = tpu.scan <sum>, %add3A_528 masked %reduce_sum3A_530 : vector<16xf32>, vector<16xi1> -> vector<16xf32>
        %reduce_sum3A_532 = vector.extract %reduce_sum3A_531[15] : f32 from vector<16xf32>
        %eq3A_533 = arith.constant 2 : i32
        %eq3A_534 = vector.broadcast %eq3A_533 : i32 to vector<16xi32>
        %eq3A_535 = arith.cmpi eq, %iota3A, %eq3A_534 : vector<16xi32>
        %broadcast_in_dim3A_536 = vector.broadcast %reduce_sum3A_532 : f32 to vector<16xf32>
        %select_n3A_537 = arith.select %eq3A_535, %broadcast_in_dim3A_536, %select_n3A_503 : vector<16xi1>, vector<16xf32>
        %mul3A_538 = arith.constant 50 : i32
        %mul3A_539 = arith.muli %scan3A_425, %mul3A_538 : i32
        %add3A_540 = arith.constant 0 : i32
        %add3A_541 = arith.addi %mul3A_539, %add3A_540 : i32
        %add3A_542 = arith.constant 3 : i32
        %add3A_543 = arith.addi %add3A_541, %add3A_542 : i32
        %get3A_544 = arith.index_cast %add3A_543 : i32 to index
        %get3A_545 = arith.constant 0 : index
        %get3A_546 = tpu.vector_load %arg12[%get3A_544, %get3A_545] {strides = array<i32>} : memref<400x128xf32, #tpu.memory_space<vmem>>, vector<16xf32>,
        %mul3A_547 = arith.mulf %get3A_428, %get3A_546 : vector<16xf32>
        %get3A_548 = arith.index_cast %add3A_543 : i32 to index
        %get3A_549 = arith.constant 16 : index
        %get3A_550 = tpu.vector_load %arg12[%get3A_548, %get3A_549] {strides = array<i32>} : memref<400x128xf32, #tpu.memory_space<vmem>>, vector<16xf32>,
        %mul3A_551 = arith.mulf %get3A_431, %get3A_550 : vector<16xf32>
        %add3A_552 = arith.addf %mul3A_547, %mul3A_551 : vector<16xf32>
        %get3A_553 = arith.index_cast %add3A_543 : i32 to index
        %get3A_554 = arith.constant 32 : index
        %get3A_555 = tpu.vector_load %arg12[%get3A_553, %get3A_554] {strides = array<i32>} : memref<400x128xf32, #tpu.memory_space<vmem>>, vector<16xf32>,
        %mul3A_556 = arith.mulf %get3A_434, %get3A_555 : vector<16xf32>
        %add3A_557 = arith.addf %add3A_552, %mul3A_556 : vector<16xf32>
        %get3A_558 = arith.index_cast %add3A_543 : i32 to index
        %get3A_559 = arith.constant 48 : index
        %get3A_560 = tpu.vector_load %arg12[%get3A_558, %get3A_559] {strides = array<i32>} : memref<400x128xf32, #tpu.memory_space<vmem>>, vector<16xf32>,
        %mul3A_561 = arith.mulf %get3A_437, %get3A_560 : vector<16xf32>
        %add3A_562 = arith.addf %add3A_557, %mul3A_561 : vector<16xf32>
        %reduce_sum3A_563 = arith.constant true
        %reduce_sum3A_564 = vector.broadcast %reduce_sum3A_563 : i1 to vector<16xi1>
        %reduce_sum3A_565 = tpu.scan <sum>, %add3A_562 masked %reduce_sum3A_564 : vector<16xf32>, vector<16xi1> -> vector<16xf32>
        %reduce_sum3A_566 = vector.extract %reduce_sum3A_565[15] : f32 from vector<16xf32>
        %eq3A_567 = arith.constant 3 : i32
        %eq3A_568 = vector.broadcast %eq3A_567 : i32 to vector<16xi32>
        %eq3A_569 = arith.cmpi eq, %iota3A, %eq3A_568 : vector<16xi32>
        %broadcast_in_dim3A_570 = vector.broadcast %reduce_sum3A_566 : f32 to vector<16xf32>
        %select_n3A_571 = arith.select %eq3A_569, %broadcast_in_dim3A_570, %select_n3A_537 : vector<16xi1>, vector<16xf32>
        %mul3A_572 = arith.constant 50 : i32
        %mul3A_573 = arith.muli %scan3A_425, %mul3A_572 : i32
        %add3A_574 = arith.constant 0 : i32
        %add3A_575 = arith.addi %mul3A_573, %add3A_574 : i32
        %add3A_576 = arith.constant 4 : i32
        %add3A_577 = arith.addi %add3A_575, %add3A_576 : i32
        %get3A_578 = arith.index_cast %add3A_577 : i32 to index
        %get3A_579 = arith.constant 0 : index
        %get3A_580 = tpu.vector_load %arg12[%get3A_578, %get3A_579] {strides = array<i32>} : memref<400x128xf32, #tpu.memory_space<vmem>>, vector<16xf32>,
        %mul3A_581 = arith.mulf %get3A_428, %get3A_580 : vector<16xf32>
        %get3A_582 = arith.index_cast %add3A_577 : i32 to index
        %get3A_583 = arith.constant 16 : index
        %get3A_584 = tpu.vector_load %arg12[%get3A_582, %get3A_583] {strides = array<i32>} : memref<400x128xf32, #tpu.memory_space<vmem>>, vector<16xf32>,
        %mul3A_585 = arith.mulf %get3A_431, %get3A_584 : vector<16xf32>
        %add3A_586 = arith.addf %mul3A_581, %mul3A_585 : vector<16xf32>
        %get3A_587 = arith.index_cast %add3A_577 : i32 to index
        %get3A_588 = arith.constant 32 : index
        %get3A_589 = tpu.vector_load %arg12[%get3A_587, %get3A_588] {strides = array<i32>} : memref<400x128xf32, #tpu.memory_space<vmem>>, vector<16xf32>,
        %mul3A_590 = arith.mulf %get3A_434, %get3A_589 : vector<16xf32>
        %add3A_591 = arith.addf %add3A_586, %mul3A_590 : vector<16xf32>
        %get3A_592 = arith.index_cast %add3A_577 : i32 to index
        %get3A_593 = arith.constant 48 : index
        %get3A_594 = tpu.vector_load %arg12[%get3A_592, %get3A_593] {strides = array<i32>} : memref<400x128xf32, #tpu.memory_space<vmem>>, vector<16xf32>,
        %mul3A_595 = arith.mulf %get3A_437, %get3A_594 : vector<16xf32>
        %add3A_596 = arith.addf %add3A_591, %mul3A_595 : vector<16xf32>
        %reduce_sum3A_597 = arith.constant true
        %reduce_sum3A_598 = vector.broadcast %reduce_sum3A_597 : i1 to vector<16xi1>
        %reduce_sum3A_599 = tpu.scan <sum>, %add3A_596 masked %reduce_sum3A_598 : vector<16xf32>, vector<16xi1> -> vector<16xf32>
        %reduce_sum3A_600 = vector.extract %reduce_sum3A_599[15] : f32 from vector<16xf32>
        %eq3A_601 = arith.constant 4 : i32
        %eq3A_602 = vector.broadcast %eq3A_601 : i32 to vector<16xi32>
        %eq3A_603 = arith.cmpi eq, %iota3A, %eq3A_602 : vector<16xi32>
        %broadcast_in_dim3A_604 = vector.broadcast %reduce_sum3A_600 : f32 to vector<16xf32>
        %select_n3A_605 = arith.select %eq3A_603, %broadcast_in_dim3A_604, %select_n3A_571 : vector<16xi1>, vector<16xf32>
        %mul3A_606 = arith.constant 50 : i32
        %mul3A_607 = arith.muli %scan3A_425, %mul3A_606 : i32
        %add3A_608 = arith.constant 0 : i32
        %add3A_609 = arith.addi %mul3A_607, %add3A_608 : i32
        %add3A_610 = arith.constant 5 : i32
        %add3A_611 = arith.addi %add3A_609, %add3A_610 : i32
        %get3A_612 = arith.index_cast %add3A_611 : i32 to index
        %get3A_613 = arith.constant 0 : index
        %get3A_614 = tpu.vector_load %arg12[%get3A_612, %get3A_613] {strides = array<i32>} : memref<400x128xf32, #tpu.memory_space<vmem>>, vector<16xf32>,
        %mul3A_615 = arith.mulf %get3A_428, %get3A_614 : vector<16xf32>
        %get3A_616 = arith.index_cast %add3A_611 : i32 to index
        %get3A_617 = arith.constant 16 : index
        %get3A_618 = tpu.vector_load %arg12[%get3A_616, %get3A_617] {strides = array<i32>} : memref<400x128xf32, #tpu.memory_space<vmem>>, vector<16xf32>,
        %mul3A_619 = arith.mulf %get3A_431, %get3A_618 : vector<16xf32>
        %add3A_620 = arith.addf %mul3A_615, %mul3A_619 : vector<16xf32>
        %get3A_621 = arith.index_cast %add3A_611 : i32 to index
        %get3A_622 = arith.constant 32 : index
        %get3A_623 = tpu.vector_load %arg12[%get3A_621, %get3A_622] {strides = array<i32>} : memref<400x128xf32, #tpu.memory_space<vmem>>, vector<16xf32>,
        %mul3A_624 = arith.mulf %get3A_434, %get3A_623 : vector<16xf32>
        %add3A_625 = arith.addf %add3A_620, %mul3A_624 : vector<16xf32>
        %get3A_626 = arith.index_cast %add3A_611 : i32 to index
        %get3A_627 = arith.constant 48 : index
        %get3A_628 = tpu.vector_load %arg12[%get3A_626, %get3A_627] {strides = array<i32>} : memref<400x128xf32, #tpu.memory_space<vmem>>, vector<16xf32>,
        %mul3A_629 = arith.mulf %get3A_437, %get3A_628 : vector<16xf32>
        %add3A_630 = arith.addf %add3A_625, %mul3A_629 : vector<16xf32>
        %reduce_sum3A_631 = arith.constant true
        %reduce_sum3A_632 = vector.broadcast %reduce_sum3A_631 : i1 to vector<16xi1>
        %reduce_sum3A_633 = tpu.scan <sum>, %add3A_630 masked %reduce_sum3A_632 : vector<16xf32>, vector<16xi1> -> vector<16xf32>
        %reduce_sum3A_634 = vector.extract %reduce_sum3A_633[15] : f32 from vector<16xf32>
        %eq3A_635 = arith.constant 5 : i32
        %eq3A_636 = vector.broadcast %eq3A_635 : i32 to vector<16xi32>
        %eq3A_637 = arith.cmpi eq, %iota3A, %eq3A_636 : vector<16xi32>
        %broadcast_in_dim3A_638 = vector.broadcast %reduce_sum3A_634 : f32 to vector<16xf32>
        %select_n3A_639 = arith.select %eq3A_637, %broadcast_in_dim3A_638, %select_n3A_605 : vector<16xi1>, vector<16xf32>
        %mul3A_640 = arith.constant 50 : i32
        %mul3A_641 = arith.muli %scan3A_425, %mul3A_640 : i32
        %add3A_642 = arith.constant 0 : i32
        %add3A_643 = arith.addi %mul3A_641, %add3A_642 : i32
        %add3A_644 = arith.constant 6 : i32
        %add3A_645 = arith.addi %add3A_643, %add3A_644 : i32
        %get3A_646 = arith.index_cast %add3A_645 : i32 to index
        %get3A_647 = arith.constant 0 : index
        %get3A_648 = tpu.vector_load %arg12[%get3A_646, %get3A_647] {strides = array<i32>} : memref<400x128xf32, #tpu.memory_space<vmem>>, vector<16xf32>,
        %mul3A_649 = arith.mulf %get3A_428, %get3A_648 : vector<16xf32>
        %get3A_650 = arith.index_cast %add3A_645 : i32 to index
        %get3A_651 = arith.constant 16 : index
        %get3A_652 = tpu.vector_load %arg12[%get3A_650, %get3A_651] {strides = array<i32>} : memref<400x128xf32, #tpu.memory_space<vmem>>, vector<16xf32>,
        %mul3A_653 = arith.mulf %get3A_431, %get3A_652 : vector<16xf32>
        %add3A_654 = arith.addf %mul3A_649, %mul3A_653 : vector<16xf32>
        %get3A_655 = arith.index_cast %add3A_645 : i32 to index
        %get3A_656 = arith.constant 32 : index
        %get3A_657 = tpu.vector_load %arg12[%get3A_655, %get3A_656] {strides = array<i32>} : memref<400x128xf32, #tpu.memory_space<vmem>>, vector<16xf32>,
        %mul3A_658 = arith.mulf %get3A_434, %get3A_657 : vector<16xf32>
        %add3A_659 = arith.addf %add3A_654, %mul3A_658 : vector<16xf32>
        %get3A_660 = arith.index_cast %add3A_645 : i32 to index
        %get3A_661 = arith.constant 48 : index
        %get3A_662 = tpu.vector_load %arg12[%get3A_660, %get3A_661] {strides = array<i32>} : memref<400x128xf32, #tpu.memory_space<vmem>>, vector<16xf32>,
        %mul3A_663 = arith.mulf %get3A_437, %get3A_662 : vector<16xf32>
        %add3A_664 = arith.addf %add3A_659, %mul3A_663 : vector<16xf32>
        %reduce_sum3A_665 = arith.constant true
        %reduce_sum3A_666 = vector.broadcast %reduce_sum3A_665 : i1 to vector<16xi1>
        %reduce_sum3A_667 = tpu.scan <sum>, %add3A_664 masked %reduce_sum3A_666 : vector<16xf32>, vector<16xi1> -> vector<16xf32>
        %reduce_sum3A_668 = vector.extract %reduce_sum3A_667[15] : f32 from vector<16xf32>
        %eq3A_669 = arith.constant 6 : i32
        %eq3A_670 = vector.broadcast %eq3A_669 : i32 to vector<16xi32>
        %eq3A_671 = arith.cmpi eq, %iota3A, %eq3A_670 : vector<16xi32>
        %broadcast_in_dim3A_672 = vector.broadcast %reduce_sum3A_668 : f32 to vector<16xf32>
        %select_n3A_673 = arith.select %eq3A_671, %broadcast_in_dim3A_672, %select_n3A_639 : vector<16xi1>, vector<16xf32>
        %mul3A_674 = arith.constant 50 : i32
        %mul3A_675 = arith.muli %scan3A_425, %mul3A_674 : i32
        %add3A_676 = arith.constant 0 : i32
        %add3A_677 = arith.addi %mul3A_675, %add3A_676 : i32
        %add3A_678 = arith.constant 7 : i32
        %add3A_679 = arith.addi %add3A_677, %add3A_678 : i32
        %get3A_680 = arith.index_cast %add3A_679 : i32 to index
        %get3A_681 = arith.constant 0 : index
        %get3A_682 = tpu.vector_load %arg12[%get3A_680, %get3A_681] {strides = array<i32>} : memref<400x128xf32, #tpu.memory_space<vmem>>, vector<16xf32>,
        %mul3A_683 = arith.mulf %get3A_428, %get3A_682 : vector<16xf32>
        %get3A_684 = arith.index_cast %add3A_679 : i32 to index
        %get3A_685 = arith.constant 16 : index
        %get3A_686 = tpu.vector_load %arg12[%get3A_684, %get3A_685] {strides = array<i32>} : memref<400x128xf32, #tpu.memory_space<vmem>>, vector<16xf32>,
        %mul3A_687 = arith.mulf %get3A_431, %get3A_686 : vector<16xf32>
        %add3A_688 = arith.addf %mul3A_683, %mul3A_687 : vector<16xf32>
        %get3A_689 = arith.index_cast %add3A_679 : i32 to index
        %get3A_690 = arith.constant 32 : index
        %get3A_691 = tpu.vector_load %arg12[%get3A_689, %get3A_690] {strides = array<i32>} : memref<400x128xf32, #tpu.memory_space<vmem>>, vector<16xf32>,
        %mul3A_692 = arith.mulf %get3A_434, %get3A_691 : vector<16xf32>
        %add3A_693 = arith.addf %add3A_688, %mul3A_692 : vector<16xf32>
        %get3A_694 = arith.index_cast %add3A_679 : i32 to index
        %get3A_695 = arith.constant 48 : index
        %get3A_696 = tpu.vector_load %arg12[%get3A_694, %get3A_695] {strides = array<i32>} : memref<400x128xf32, #tpu.memory_space<vmem>>, vector<16xf32>,
        %mul3A_697 = arith.mulf %get3A_437, %get3A_696 : vector<16xf32>
        %add3A_698 = arith.addf %add3A_693, %mul3A_697 : vector<16xf32>
        %reduce_sum3A_699 = arith.constant true
        %reduce_sum3A_700 = vector.broadcast %reduce_sum3A_699 : i1 to vector<16xi1>
        %reduce_sum3A_701 = tpu.scan <sum>, %add3A_698 masked %reduce_sum3A_700 : vector<16xf32>, vector<16xi1> -> vector<16xf32>
        %reduce_sum3A_702 = vector.extract %reduce_sum3A_701[15] : f32 from vector<16xf32>
        %eq3A_703 = arith.constant 7 : i32
        %eq3A_704 = vector.broadcast %eq3A_703 : i32 to vector<16xi32>
        %eq3A_705 = arith.cmpi eq, %iota3A, %eq3A_704 : vector<16xi32>
        %broadcast_in_dim3A_706 = vector.broadcast %reduce_sum3A_702 : f32 to vector<16xf32>
        %select_n3A_707 = arith.select %eq3A_705, %broadcast_in_dim3A_706, %select_n3A_673 : vector<16xi1>, vector<16xf32>
        %mul3A_708 = arith.constant 50 : i32
        %mul3A_709 = arith.muli %scan3A_425, %mul3A_708 : i32
        %add3A_710 = arith.constant 0 : i32
        %add3A_711 = arith.addi %mul3A_709, %add3A_710 : i32
        %add3A_712 = arith.constant 8 : i32
        %add3A_713 = arith.addi %add3A_711, %add3A_712 : i32
        %get3A_714 = arith.index_cast %add3A_713 : i32 to index
        %get3A_715 = arith.constant 0 : index
        %get3A_716 = tpu.vector_load %arg12[%get3A_714, %get3A_715] {strides = array<i32>} : memref<400x128xf32, #tpu.memory_space<vmem>>, vector<16xf32>,
        %mul3A_717 = arith.mulf %get3A_428, %get3A_716 : vector<16xf32>
        %get3A_718 = arith.index_cast %add3A_713 : i32 to index
        %get3A_719 = arith.constant 16 : index
        %get3A_720 = tpu.vector_load %arg12[%get3A_718, %get3A_719] {strides = array<i32>} : memref<400x128xf32, #tpu.memory_space<vmem>>, vector<16xf32>,
        %mul3A_721 = arith.mulf %get3A_431, %get3A_720 : vector<16xf32>
        %add3A_722 = arith.addf %mul3A_717, %mul3A_721 : vector<16xf32>
        %get3A_723 = arith.index_cast %add3A_713 : i32 to index
        %get3A_724 = arith.constant 32 : index
        %get3A_725 = tpu.vector_load %arg12[%get3A_723, %get3A_724] {strides = array<i32>} : memref<400x128xf32, #tpu.memory_space<vmem>>, vector<16xf32>,
        %mul3A_726 = arith.mulf %get3A_434, %get3A_725 : vector<16xf32>
        %add3A_727 = arith.addf %add3A_722, %mul3A_726 : vector<16xf32>
        %get3A_728 = arith.index_cast %add3A_713 : i32 to index
        %get3A_729 = arith.constant 48 : index
        %get3A_730 = tpu.vector_load %arg12[%get3A_728, %get3A_729] {strides = array<i32>} : memref<400x128xf32, #tpu.memory_space<vmem>>, vector<16xf32>,
        %mul3A_731 = arith.mulf %get3A_437, %get3A_730 : vector<16xf32>
        %add3A_732 = arith.addf %add3A_727, %mul3A_731 : vector<16xf32>
        %reduce_sum3A_733 = arith.constant true
        %reduce_sum3A_734 = vector.broadcast %reduce_sum3A_733 : i1 to vector<16xi1>
        %reduce_sum3A_735 = tpu.scan <sum>, %add3A_732 masked %reduce_sum3A_734 : vector<16xf32>, vector<16xi1> -> vector<16xf32>
        %reduce_sum3A_736 = vector.extract %reduce_sum3A_735[15] : f32 from vector<16xf32>
        %eq3A_737 = arith.constant 8 : i32
        %eq3A_738 = vector.broadcast %eq3A_737 : i32 to vector<16xi32>
        %eq3A_739 = arith.cmpi eq, %iota3A, %eq3A_738 : vector<16xi32>
        %broadcast_in_dim3A_740 = vector.broadcast %reduce_sum3A_736 : f32 to vector<16xf32>
        %select_n3A_741 = arith.select %eq3A_739, %broadcast_in_dim3A_740, %select_n3A_707 : vector<16xi1>, vector<16xf32>
        %mul3A_742 = arith.constant 50 : i32
        %mul3A_743 = arith.muli %scan3A_425, %mul3A_742 : i32
        %add3A_744 = arith.constant 0 : i32
        %add3A_745 = arith.addi %mul3A_743, %add3A_744 : i32
        %add3A_746 = arith.constant 9 : i32
        %add3A_747 = arith.addi %add3A_745, %add3A_746 : i32
        %get3A_748 = arith.index_cast %add3A_747 : i32 to index
        %get3A_749 = arith.constant 0 : index
        %get3A_750 = tpu.vector_load %arg12[%get3A_748, %get3A_749] {strides = array<i32>} : memref<400x128xf32, #tpu.memory_space<vmem>>, vector<16xf32>,
        %mul3A_751 = arith.mulf %get3A_428, %get3A_750 : vector<16xf32>
        %get3A_752 = arith.index_cast %add3A_747 : i32 to index
        %get3A_753 = arith.constant 16 : index
        %get3A_754 = tpu.vector_load %arg12[%get3A_752, %get3A_753] {strides = array<i32>} : memref<400x128xf32, #tpu.memory_space<vmem>>, vector<16xf32>,
        %mul3A_755 = arith.mulf %get3A_431, %get3A_754 : vector<16xf32>
        %add3A_756 = arith.addf %mul3A_751, %mul3A_755 : vector<16xf32>
        %get3A_757 = arith.index_cast %add3A_747 : i32 to index
        %get3A_758 = arith.constant 32 : index
        %get3A_759 = tpu.vector_load %arg12[%get3A_757, %get3A_758] {strides = array<i32>} : memref<400x128xf32, #tpu.memory_space<vmem>>, vector<16xf32>,
        %mul3A_760 = arith.mulf %get3A_434, %get3A_759 : vector<16xf32>
        %add3A_761 = arith.addf %add3A_756, %mul3A_760 : vector<16xf32>
        %get3A_762 = arith.index_cast %add3A_747 : i32 to index
        %get3A_763 = arith.constant 48 : index
        %get3A_764 = tpu.vector_load %arg12[%get3A_762, %get3A_763] {strides = array<i32>} : memref<400x128xf32, #tpu.memory_space<vmem>>, vector<16xf32>,
        %mul3A_765 = arith.mulf %get3A_437, %get3A_764 : vector<16xf32>
        %add3A_766 = arith.addf %add3A_761, %mul3A_765 : vector<16xf32>
        %reduce_sum3A_767 = arith.constant true
        %reduce_sum3A_768 = vector.broadcast %reduce_sum3A_767 : i1 to vector<16xi1>
        %reduce_sum3A_769 = tpu.scan <sum>, %add3A_766 masked %reduce_sum3A_768 : vector<16xf32>, vector<16xi1> -> vector<16xf32>
        %reduce_sum3A_770 = vector.extract %reduce_sum3A_769[15] : f32 from vector<16xf32>
        %eq3A_771 = arith.constant 9 : i32
        %eq3A_772 = vector.broadcast %eq3A_771 : i32 to vector<16xi32>
        %eq3A_773 = arith.cmpi eq, %iota3A, %eq3A_772 : vector<16xi32>
        %broadcast_in_dim3A_774 = vector.broadcast %reduce_sum3A_770 : f32 to vector<16xf32>
        %select_n3A_775 = arith.select %eq3A_773, %broadcast_in_dim3A_774, %select_n3A_741 : vector<16xi1>, vector<16xf32>
        %mul3A_776 = arith.constant 50 : i32
        %mul3A_777 = arith.muli %scan3A_425, %mul3A_776 : i32
        %add3A_778 = arith.constant 0 : i32
        %add3A_779 = arith.addi %mul3A_777, %add3A_778 : i32
        %add3A_780 = arith.constant 10 : i32
        %add3A_781 = arith.addi %add3A_779, %add3A_780 : i32
        %get3A_782 = arith.index_cast %add3A_781 : i32 to index
        %get3A_783 = arith.constant 0 : index
        %get3A_784 = tpu.vector_load %arg12[%get3A_782, %get3A_783] {strides = array<i32>} : memref<400x128xf32, #tpu.memory_space<vmem>>, vector<16xf32>,
        %mul3A_785 = arith.mulf %get3A_428, %get3A_784 : vector<16xf32>
        %get3A_786 = arith.index_cast %add3A_781 : i32 to index
        %get3A_787 = arith.constant 16 : index
        %get3A_788 = tpu.vector_load %arg12[%get3A_786, %get3A_787] {strides = array<i32>} : memref<400x128xf32, #tpu.memory_space<vmem>>, vector<16xf32>,
        %mul3A_789 = arith.mulf %get3A_431, %get3A_788 : vector<16xf32>
        %add3A_790 = arith.addf %mul3A_785, %mul3A_789 : vector<16xf32>
        %get3A_791 = arith.index_cast %add3A_781 : i32 to index
        %get3A_792 = arith.constant 32 : index
        %get3A_793 = tpu.vector_load %arg12[%get3A_791, %get3A_792] {strides = array<i32>} : memref<400x128xf32, #tpu.memory_space<vmem>>, vector<16xf32>,
        %mul3A_794 = arith.mulf %get3A_434, %get3A_793 : vector<16xf32>
        %add3A_795 = arith.addf %add3A_790, %mul3A_794 : vector<16xf32>
        %get3A_796 = arith.index_cast %add3A_781 : i32 to index
        %get3A_797 = arith.constant 48 : index
        %get3A_798 = tpu.vector_load %arg12[%get3A_796, %get3A_797] {strides = array<i32>} : memref<400x128xf32, #tpu.memory_space<vmem>>, vector<16xf32>,
        %mul3A_799 = arith.mulf %get3A_437, %get3A_798 : vector<16xf32>
        %add3A_800 = arith.addf %add3A_795, %mul3A_799 : vector<16xf32>
        %reduce_sum3A_801 = arith.constant true
        %reduce_sum3A_802 = vector.broadcast %reduce_sum3A_801 : i1 to vector<16xi1>
        %reduce_sum3A_803 = tpu.scan <sum>, %add3A_800 masked %reduce_sum3A_802 : vector<16xf32>, vector<16xi1> -> vector<16xf32>
        %reduce_sum3A_804 = vector.extract %reduce_sum3A_803[15] : f32 from vector<16xf32>
        %eq3A_805 = arith.constant 10 : i32
        %eq3A_806 = vector.broadcast %eq3A_805 : i32 to vector<16xi32>
        %eq3A_807 = arith.cmpi eq, %iota3A, %eq3A_806 : vector<16xi32>
        %broadcast_in_dim3A_808 = vector.broadcast %reduce_sum3A_804 : f32 to vector<16xf32>
        %select_n3A_809 = arith.select %eq3A_807, %broadcast_in_dim3A_808, %select_n3A_775 : vector<16xi1>, vector<16xf32>
        %mul3A_810 = arith.constant 50 : i32
        %mul3A_811 = arith.muli %scan3A_425, %mul3A_810 : i32
        %add3A_812 = arith.constant 0 : i32
        %add3A_813 = arith.addi %mul3A_811, %add3A_812 : i32
        %add3A_814 = arith.constant 11 : i32
        %add3A_815 = arith.addi %add3A_813, %add3A_814 : i32
        %get3A_816 = arith.index_cast %add3A_815 : i32 to index
        %get3A_817 = arith.constant 0 : index
        %get3A_818 = tpu.vector_load %arg12[%get3A_816, %get3A_817] {strides = array<i32>} : memref<400x128xf32, #tpu.memory_space<vmem>>, vector<16xf32>,
        %mul3A_819 = arith.mulf %get3A_428, %get3A_818 : vector<16xf32>
        %get3A_820 = arith.index_cast %add3A_815 : i32 to index
        %get3A_821 = arith.constant 16 : index
        %get3A_822 = tpu.vector_load %arg12[%get3A_820, %get3A_821] {strides = array<i32>} : memref<400x128xf32, #tpu.memory_space<vmem>>, vector<16xf32>,
        %mul3A_823 = arith.mulf %get3A_431, %get3A_822 : vector<16xf32>
        %add3A_824 = arith.addf %mul3A_819, %mul3A_823 : vector<16xf32>
        %get3A_825 = arith.index_cast %add3A_815 : i32 to index
        %get3A_826 = arith.constant 32 : index
        %get3A_827 = tpu.vector_load %arg12[%get3A_825, %get3A_826] {strides = array<i32>} : memref<400x128xf32, #tpu.memory_space<vmem>>, vector<16xf32>,
        %mul3A_828 = arith.mulf %get3A_434, %get3A_827 : vector<16xf32>
        %add3A_829 = arith.addf %add3A_824, %mul3A_828 : vector<16xf32>
        %get3A_830 = arith.index_cast %add3A_815 : i32 to index
        %get3A_831 = arith.constant 48 : index
        %get3A_832 = tpu.vector_load %arg12[%get3A_830, %get3A_831] {strides = array<i32>} : memref<400x128xf32, #tpu.memory_space<vmem>>, vector<16xf32>,
        %mul3A_833 = arith.mulf %get3A_437, %get3A_832 : vector<16xf32>
        %add3A_834 = arith.addf %add3A_829, %mul3A_833 : vector<16xf32>
        %reduce_sum3A_835 = arith.constant true
        %reduce_sum3A_836 = vector.broadcast %reduce_sum3A_835 : i1 to vector<16xi1>
        %reduce_sum3A_837 = tpu.scan <sum>, %add3A_834 masked %reduce_sum3A_836 : vector<16xf32>, vector<16xi1> -> vector<16xf32>
        %reduce_sum3A_838 = vector.extract %reduce_sum3A_837[15] : f32 from vector<16xf32>
        %eq3A_839 = arith.constant 11 : i32
        %eq3A_840 = vector.broadcast %eq3A_839 : i32 to vector<16xi32>
        %eq3A_841 = arith.cmpi eq, %iota3A, %eq3A_840 : vector<16xi32>
        %broadcast_in_dim3A_842 = vector.broadcast %reduce_sum3A_838 : f32 to vector<16xf32>
        %select_n3A_843 = arith.select %eq3A_841, %broadcast_in_dim3A_842, %select_n3A_809 : vector<16xi1>, vector<16xf32>
        %mul3A_844 = arith.constant 50 : i32
        %mul3A_845 = arith.muli %scan3A_425, %mul3A_844 : i32
        %add3A_846 = arith.constant 0 : i32
        %add3A_847 = arith.addi %mul3A_845, %add3A_846 : i32
        %add3A_848 = arith.constant 12 : i32
        %add3A_849 = arith.addi %add3A_847, %add3A_848 : i32
        %get3A_850 = arith.index_cast %add3A_849 : i32 to index
        %get3A_851 = arith.constant 0 : index
        %get3A_852 = tpu.vector_load %arg12[%get3A_850, %get3A_851] {strides = array<i32>} : memref<400x128xf32, #tpu.memory_space<vmem>>, vector<16xf32>,
        %mul3A_853 = arith.mulf %get3A_428, %get3A_852 : vector<16xf32>
        %get3A_854 = arith.index_cast %add3A_849 : i32 to index
        %get3A_855 = arith.constant 16 : index
        %get3A_856 = tpu.vector_load %arg12[%get3A_854, %get3A_855] {strides = array<i32>} : memref<400x128xf32, #tpu.memory_space<vmem>>, vector<16xf32>,
        %mul3A_857 = arith.mulf %get3A_431, %get3A_856 : vector<16xf32>
        %add3A_858 = arith.addf %mul3A_853, %mul3A_857 : vector<16xf32>
        %get3A_859 = arith.index_cast %add3A_849 : i32 to index
        %get3A_860 = arith.constant 32 : index
        %get3A_861 = tpu.vector_load %arg12[%get3A_859, %get3A_860] {strides = array<i32>} : memref<400x128xf32, #tpu.memory_space<vmem>>, vector<16xf32>,
        %mul3A_862 = arith.mulf %get3A_434, %get3A_861 : vector<16xf32>
        %add3A_863 = arith.addf %add3A_858, %mul3A_862 : vector<16xf32>
        %get3A_864 = arith.index_cast %add3A_849 : i32 to index
        %get3A_865 = arith.constant 48 : index
        %get3A_866 = tpu.vector_load %arg12[%get3A_864, %get3A_865] {strides = array<i32>} : memref<400x128xf32, #tpu.memory_space<vmem>>, vector<16xf32>,
        %mul3A_867 = arith.mulf %get3A_437, %get3A_866 : vector<16xf32>
        %add3A_868 = arith.addf %add3A_863, %mul3A_867 : vector<16xf32>
        %reduce_sum3A_869 = arith.constant true
        %reduce_sum3A_870 = vector.broadcast %reduce_sum3A_869 : i1 to vector<16xi1>
        %reduce_sum3A_871 = tpu.scan <sum>, %add3A_868 masked %reduce_sum3A_870 : vector<16xf32>, vector<16xi1> -> vector<16xf32>
        %reduce_sum3A_872 = vector.extract %reduce_sum3A_871[15] : f32 from vector<16xf32>
        %eq3A_873 = arith.constant 12 : i32
        %eq3A_874 = vector.broadcast %eq3A_873 : i32 to vector<16xi32>
        %eq3A_875 = arith.cmpi eq, %iota3A, %eq3A_874 : vector<16xi32>
        %broadcast_in_dim3A_876 = vector.broadcast %reduce_sum3A_872 : f32 to vector<16xf32>
        %select_n3A_877 = arith.select %eq3A_875, %broadcast_in_dim3A_876, %select_n3A_843 : vector<16xi1>, vector<16xf32>
        %mul3A_878 = arith.constant 50 : i32
        %mul3A_879 = arith.muli %scan3A_425, %mul3A_878 : i32
        %add3A_880 = arith.constant 0 : i32
        %add3A_881 = arith.addi %mul3A_879, %add3A_880 : i32
        %add3A_882 = arith.constant 13 : i32
        %add3A_883 = arith.addi %add3A_881, %add3A_882 : i32
        %get3A_884 = arith.index_cast %add3A_883 : i32 to index
        %get3A_885 = arith.constant 0 : index
        %get3A_886 = tpu.vector_load %arg12[%get3A_884, %get3A_885] {strides = array<i32>} : memref<400x128xf32, #tpu.memory_space<vmem>>, vector<16xf32>,
        %mul3A_887 = arith.mulf %get3A_428, %get3A_886 : vector<16xf32>
        %get3A_888 = arith.index_cast %add3A_883 : i32 to index
        %get3A_889 = arith.constant 16 : index
        %get3A_890 = tpu.vector_load %arg12[%get3A_888, %get3A_889] {strides = array<i32>} : memref<400x128xf32, #tpu.memory_space<vmem>>, vector<16xf32>,
        %mul3A_891 = arith.mulf %get3A_431, %get3A_890 : vector<16xf32>
        %add3A_892 = arith.addf %mul3A_887, %mul3A_891 : vector<16xf32>
        %get3A_893 = arith.index_cast %add3A_883 : i32 to index
        %get3A_894 = arith.constant 32 : index
        %get3A_895 = tpu.vector_load %arg12[%get3A_893, %get3A_894] {strides = array<i32>} : memref<400x128xf32, #tpu.memory_space<vmem>>, vector<16xf32>,
        %mul3A_896 = arith.mulf %get3A_434, %get3A_895 : vector<16xf32>
        %add3A_897 = arith.addf %add3A_892, %mul3A_896 : vector<16xf32>
        %get3A_898 = arith.index_cast %add3A_883 : i32 to index
        %get3A_899 = arith.constant 48 : index
        %get3A_900 = tpu.vector_load %arg12[%get3A_898, %get3A_899] {strides = array<i32>} : memref<400x128xf32, #tpu.memory_space<vmem>>, vector<16xf32>,
        %mul3A_901 = arith.mulf %get3A_437, %get3A_900 : vector<16xf32>
        %add3A_902 = arith.addf %add3A_897, %mul3A_901 : vector<16xf32>
        %reduce_sum3A_903 = arith.constant true
        %reduce_sum3A_904 = vector.broadcast %reduce_sum3A_903 : i1 to vector<16xi1>
        %reduce_sum3A_905 = tpu.scan <sum>, %add3A_902 masked %reduce_sum3A_904 : vector<16xf32>, vector<16xi1> -> vector<16xf32>
        %reduce_sum3A_906 = vector.extract %reduce_sum3A_905[15] : f32 from vector<16xf32>
        %eq3A_907 = arith.constant 13 : i32
        %eq3A_908 = vector.broadcast %eq3A_907 : i32 to vector<16xi32>
        %eq3A_909 = arith.cmpi eq, %iota3A, %eq3A_908 : vector<16xi32>
        %broadcast_in_dim3A_910 = vector.broadcast %reduce_sum3A_906 : f32 to vector<16xf32>
        %select_n3A_911 = arith.select %eq3A_909, %broadcast_in_dim3A_910, %select_n3A_877 : vector<16xi1>, vector<16xf32>
        %mul3A_912 = arith.constant 50 : i32
        %mul3A_913 = arith.muli %scan3A_425, %mul3A_912 : i32
        %add3A_914 = arith.constant 0 : i32
        %add3A_915 = arith.addi %mul3A_913, %add3A_914 : i32
        %add3A_916 = arith.constant 14 : i32
        %add3A_917 = arith.addi %add3A_915, %add3A_916 : i32
        %get3A_918 = arith.index_cast %add3A_917 : i32 to index
        %get3A_919 = arith.constant 0 : index
        %get3A_920 = tpu.vector_load %arg12[%get3A_918, %get3A_919] {strides = array<i32>} : memref<400x128xf32, #tpu.memory_space<vmem>>, vector<16xf32>,
        %mul3A_921 = arith.mulf %get3A_428, %get3A_920 : vector<16xf32>
        %get3A_922 = arith.index_cast %add3A_917 : i32 to index
        %get3A_923 = arith.constant 16 : index
        %get3A_924 = tpu.vector_load %arg12[%get3A_922, %get3A_923] {strides = array<i32>} : memref<400x128xf32, #tpu.memory_space<vmem>>, vector<16xf32>,
        %mul3A_925 = arith.mulf %get3A_431, %get3A_924 : vector<16xf32>
        %add3A_926 = arith.addf %mul3A_921, %mul3A_925 : vector<16xf32>
        %get3A_927 = arith.index_cast %add3A_917 : i32 to index
        %get3A_928 = arith.constant 32 : index
        %get3A_929 = tpu.vector_load %arg12[%get3A_927, %get3A_928] {strides = array<i32>} : memref<400x128xf32, #tpu.memory_space<vmem>>, vector<16xf32>,
        %mul3A_930 = arith.mulf %get3A_434, %get3A_929 : vector<16xf32>
        %add3A_931 = arith.addf %add3A_926, %mul3A_930 : vector<16xf32>
        %get3A_932 = arith.index_cast %add3A_917 : i32 to index
        %get3A_933 = arith.constant 48 : index
        %get3A_934 = tpu.vector_load %arg12[%get3A_932, %get3A_933] {strides = array<i32>} : memref<400x128xf32, #tpu.memory_space<vmem>>, vector<16xf32>,
        %mul3A_935 = arith.mulf %get3A_437, %get3A_934 : vector<16xf32>
        %add3A_936 = arith.addf %add3A_931, %mul3A_935 : vector<16xf32>
        %reduce_sum3A_937 = arith.constant true
        %reduce_sum3A_938 = vector.broadcast %reduce_sum3A_937 : i1 to vector<16xi1>
        %reduce_sum3A_939 = tpu.scan <sum>, %add3A_936 masked %reduce_sum3A_938 : vector<16xf32>, vector<16xi1> -> vector<16xf32>
        %reduce_sum3A_940 = vector.extract %reduce_sum3A_939[15] : f32 from vector<16xf32>
        %eq3A_941 = arith.constant 14 : i32
        %eq3A_942 = vector.broadcast %eq3A_941 : i32 to vector<16xi32>
        %eq3A_943 = arith.cmpi eq, %iota3A, %eq3A_942 : vector<16xi32>
        %broadcast_in_dim3A_944 = vector.broadcast %reduce_sum3A_940 : f32 to vector<16xf32>
        %select_n3A_945 = arith.select %eq3A_943, %broadcast_in_dim3A_944, %select_n3A_911 : vector<16xi1>, vector<16xf32>
        %mul3A_946 = arith.constant 50 : i32
        %mul3A_947 = arith.muli %scan3A_425, %mul3A_946 : i32
        %add3A_948 = arith.constant 0 : i32
        %add3A_949 = arith.addi %mul3A_947, %add3A_948 : i32
        %add3A_950 = arith.constant 15 : i32
        %add3A_951 = arith.addi %add3A_949, %add3A_950 : i32
        %get3A_952 = arith.index_cast %add3A_951 : i32 to index
        %get3A_953 = arith.constant 0 : index
        %get3A_954 = tpu.vector_load %arg12[%get3A_952, %get3A_953] {strides = array<i32>} : memref<400x128xf32, #tpu.memory_space<vmem>>, vector<16xf32>,
        %mul3A_955 = arith.mulf %get3A_428, %get3A_954 : vector<16xf32>
        %get3A_956 = arith.index_cast %add3A_951 : i32 to index
        %get3A_957 = arith.constant 16 : index
        %get3A_958 = tpu.vector_load %arg12[%get3A_956, %get3A_957] {strides = array<i32>} : memref<400x128xf32, #tpu.memory_space<vmem>>, vector<16xf32>,
        %mul3A_959 = arith.mulf %get3A_431, %get3A_958 : vector<16xf32>
        %add3A_960 = arith.addf %mul3A_955, %mul3A_959 : vector<16xf32>
        %get3A_961 = arith.index_cast %add3A_951 : i32 to index
        %get3A_962 = arith.constant 32 : index
        %get3A_963 = tpu.vector_load %arg12[%get3A_961, %get3A_962] {strides = array<i32>} : memref<400x128xf32, #tpu.memory_space<vmem>>, vector<16xf32>,
        %mul3A_964 = arith.mulf %get3A_434, %get3A_963 : vector<16xf32>
        %add3A_965 = arith.addf %add3A_960, %mul3A_964 : vector<16xf32>
        %get3A_966 = arith.index_cast %add3A_951 : i32 to index
        %get3A_967 = arith.constant 48 : index
        %get3A_968 = tpu.vector_load %arg12[%get3A_966, %get3A_967] {strides = array<i32>} : memref<400x128xf32, #tpu.memory_space<vmem>>, vector<16xf32>,
        %mul3A_969 = arith.mulf %get3A_437, %get3A_968 : vector<16xf32>
        %add3A_970 = arith.addf %add3A_965, %mul3A_969 : vector<16xf32>
        %reduce_sum3A_971 = arith.constant true
        %reduce_sum3A_972 = vector.broadcast %reduce_sum3A_971 : i1 to vector<16xi1>
        %reduce_sum3A_973 = tpu.scan <sum>, %add3A_970 masked %reduce_sum3A_972 : vector<16xf32>, vector<16xi1> -> vector<16xf32>
        %reduce_sum3A_974 = vector.extract %reduce_sum3A_973[15] : f32 from vector<16xf32>
        %eq3A_975 = arith.constant 15 : i32
        %eq3A_976 = vector.broadcast %eq3A_975 : i32 to vector<16xi32>
        %eq3A_977 = arith.cmpi eq, %iota3A, %eq3A_976 : vector<16xi32>
        %broadcast_in_dim3A_978 = vector.broadcast %reduce_sum3A_974 : f32 to vector<16xf32>
        %select_n3A_979 = arith.select %eq3A_977, %broadcast_in_dim3A_978, %select_n3A_945 : vector<16xi1>, vector<16xf32>
        %swap3A = arith.index_cast %scan3A_425 : i32 to index
        %swap3A_980 = arith.constant 0 : index
        %swap3A_981 = tpu.vector_load %arg14[%swap3A, %swap3A_980] {strides = array<i32>} : memref<8x128xf32, #tpu.memory_space<vmem>>, vector<16xf32>,
        tpu.vector_store %arg14[%swap3A, %swap3A_980], %select_n3A_979 {strides = array<i32>} : memref<8x128xf32, #tpu.memory_space<vmem>>, vector<16xf32>,
        %broadcast_in_dim3A_982 = arith.constant 0.000000e+00 : f32
        %broadcast_in_dim3A_983 = vector.broadcast %broadcast_in_dim3A_982 : f32 to vector<16xf32>
        %mul3A_984 = arith.constant 50 : i32
        %mul3A_985 = arith.muli %scan3A_425, %mul3A_984 : i32
        %add3A_986 = arith.constant 16 : i32
        %add3A_987 = arith.addi %mul3A_985, %add3A_986 : i32
        %add3A_988 = arith.constant 0 : i32
        %add3A_989 = arith.addi %add3A_987, %add3A_988 : i32
        %get3A_990 = arith.index_cast %add3A_989 : i32 to index
        %get3A_991 = arith.constant 0 : index
        %get3A_992 = tpu.vector_load %arg12[%get3A_990, %get3A_991] {strides = array<i32>} : memref<400x128xf32, #tpu.memory_space<vmem>>, vector<16xf32>,
        %mul3A_993 = arith.mulf %get3A_428, %get3A_992 : vector<16xf32>
        %get3A_994 = arith.index_cast %add3A_989 : i32 to index
        %get3A_995 = arith.constant 16 : index
        %get3A_996 = tpu.vector_load %arg12[%get3A_994, %get3A_995] {strides = array<i32>} : memref<400x128xf32, #tpu.memory_space<vmem>>, vector<16xf32>,
        %mul3A_997 = arith.mulf %get3A_431, %get3A_996 : vector<16xf32>
        %add3A_998 = arith.addf %mul3A_993, %mul3A_997 : vector<16xf32>
        %get3A_999 = arith.index_cast %add3A_989 : i32 to index
        %get3A_1000 = arith.constant 32 : index
        %get3A_1001 = tpu.vector_load %arg12[%get3A_999, %get3A_1000] {strides = array<i32>} : memref<400x128xf32, #tpu.memory_space<vmem>>, vector<16xf32>,
        %mul3A_1002 = arith.mulf %get3A_434, %get3A_1001 : vector<16xf32>
        %add3A_1003 = arith.addf %add3A_998, %mul3A_1002 : vector<16xf32>
        %get3A_1004 = arith.index_cast %add3A_989 : i32 to index
        %get3A_1005 = arith.constant 48 : index
        %get3A_1006 = tpu.vector_load %arg12[%get3A_1004, %get3A_1005] {strides = array<i32>} : memref<400x128xf32, #tpu.memory_space<vmem>>, vector<16xf32>,
        %mul3A_1007 = arith.mulf %get3A_437, %get3A_1006 : vector<16xf32>
        %add3A_1008 = arith.addf %add3A_1003, %mul3A_1007 : vector<16xf32>
        %reduce_sum3A_1009 = arith.constant true
        %reduce_sum3A_1010 = vector.broadcast %reduce_sum3A_1009 : i1 to vector<16xi1>
        %reduce_sum3A_1011 = tpu.scan <sum>, %add3A_1008 masked %reduce_sum3A_1010 : vector<16xf32>, vector<16xi1> -> vector<16xf32>
        %reduce_sum3A_1012 = vector.extract %reduce_sum3A_1011[15] : f32 from vector<16xf32>
        %eq3A_1013 = arith.constant 0 : i32
        %eq3A_1014 = vector.broadcast %eq3A_1013 : i32 to vector<16xi32>
        %eq3A_1015 = arith.cmpi eq, %iota3A, %eq3A_1014 : vector<16xi32>
        %broadcast_in_dim3A_1016 = vector.broadcast %reduce_sum3A_1012 : f32 to vector<16xf32>
        %select_n3A_1017 = arith.select %eq3A_1015, %broadcast_in_dim3A_1016, %broadcast_in_dim3A_983 : vector<16xi1>, vector<16xf32>
        %mul3A_1018 = arith.constant 50 : i32
        %mul3A_1019 = arith.muli %scan3A_425, %mul3A_1018 : i32
        %add3A_1020 = arith.constant 16 : i32
        %add3A_1021 = arith.addi %mul3A_1019, %add3A_1020 : i32
        %add3A_1022 = arith.constant 1 : i32
        %add3A_1023 = arith.addi %add3A_1021, %add3A_1022 : i32
        %get3A_1024 = arith.index_cast %add3A_1023 : i32 to index
        %get3A_1025 = arith.constant 0 : index
        %get3A_1026 = tpu.vector_load %arg12[%get3A_1024, %get3A_1025] {strides = array<i32>} : memref<400x128xf32, #tpu.memory_space<vmem>>, vector<16xf32>,
        %mul3A_1027 = arith.mulf %get3A_428, %get3A_1026 : vector<16xf32>
        %get3A_1028 = arith.index_cast %add3A_1023 : i32 to index
        %get3A_1029 = arith.constant 16 : index
        %get3A_1030 = tpu.vector_load %arg12[%get3A_1028, %get3A_1029] {strides = array<i32>} : memref<400x128xf32, #tpu.memory_space<vmem>>, vector<16xf32>,
        %mul3A_1031 = arith.mulf %get3A_431, %get3A_1030 : vector<16xf32>
        %add3A_1032 = arith.addf %mul3A_1027, %mul3A_1031 : vector<16xf32>
        %get3A_1033 = arith.index_cast %add3A_1023 : i32 to index
        %get3A_1034 = arith.constant 32 : index
        %get3A_1035 = tpu.vector_load %arg12[%get3A_1033, %get3A_1034] {strides = array<i32>} : memref<400x128xf32, #tpu.memory_space<vmem>>, vector<16xf32>,
        %mul3A_1036 = arith.mulf %get3A_434, %get3A_1035 : vector<16xf32>
        %add3A_1037 = arith.addf %add3A_1032, %mul3A_1036 : vector<16xf32>
        %get3A_1038 = arith.index_cast %add3A_1023 : i32 to index
        %get3A_1039 = arith.constant 48 : index
        %get3A_1040 = tpu.vector_load %arg12[%get3A_1038, %get3A_1039] {strides = array<i32>} : memref<400x128xf32, #tpu.memory_space<vmem>>, vector<16xf32>,
        %mul3A_1041 = arith.mulf %get3A_437, %get3A_1040 : vector<16xf32>
        %add3A_1042 = arith.addf %add3A_1037, %mul3A_1041 : vector<16xf32>
        %reduce_sum3A_1043 = arith.constant true
        %reduce_sum3A_1044 = vector.broadcast %reduce_sum3A_1043 : i1 to vector<16xi1>
        %reduce_sum3A_1045 = tpu.scan <sum>, %add3A_1042 masked %reduce_sum3A_1044 : vector<16xf32>, vector<16xi1> -> vector<16xf32>
        %reduce_sum3A_1046 = vector.extract %reduce_sum3A_1045[15] : f32 from vector<16xf32>
        %eq3A_1047 = arith.constant 1 : i32
        %eq3A_1048 = vector.broadcast %eq3A_1047 : i32 to vector<16xi32>
        %eq3A_1049 = arith.cmpi eq, %iota3A, %eq3A_1048 : vector<16xi32>
        %broadcast_in_dim3A_1050 = vector.broadcast %reduce_sum3A_1046 : f32 to vector<16xf32>
        %select_n3A_1051 = arith.select %eq3A_1049, %broadcast_in_dim3A_1050, %select_n3A_1017 : vector<16xi1>, vector<16xf32>
        %mul3A_1052 = arith.constant 50 : i32
        %mul3A_1053 = arith.muli %scan3A_425, %mul3A_1052 : i32
        %add3A_1054 = arith.constant 16 : i32
        %add3A_1055 = arith.addi %mul3A_1053, %add3A_1054 : i32
        %add3A_1056 = arith.constant 2 : i32
        %add3A_1057 = arith.addi %add3A_1055, %add3A_1056 : i32
        %get3A_1058 = arith.index_cast %add3A_1057 : i32 to index
        %get3A_1059 = arith.constant 0 : index
        %get3A_1060 = tpu.vector_load %arg12[%get3A_1058, %get3A_1059] {strides = array<i32>} : memref<400x128xf32, #tpu.memory_space<vmem>>, vector<16xf32>,
        %mul3A_1061 = arith.mulf %get3A_428, %get3A_1060 : vector<16xf32>
        %get3A_1062 = arith.index_cast %add3A_1057 : i32 to index
        %get3A_1063 = arith.constant 16 : index
        %get3A_1064 = tpu.vector_load %arg12[%get3A_1062, %get3A_1063] {strides = array<i32>} : memref<400x128xf32, #tpu.memory_space<vmem>>, vector<16xf32>,
        %mul3A_1065 = arith.mulf %get3A_431, %get3A_1064 : vector<16xf32>
        %add3A_1066 = arith.addf %mul3A_1061, %mul3A_1065 : vector<16xf32>
        %get3A_1067 = arith.index_cast %add3A_1057 : i32 to index
        %get3A_1068 = arith.constant 32 : index
        %get3A_1069 = tpu.vector_load %arg12[%get3A_1067, %get3A_1068] {strides = array<i32>} : memref<400x128xf32, #tpu.memory_space<vmem>>, vector<16xf32>,
        %mul3A_1070 = arith.mulf %get3A_434, %get3A_1069 : vector<16xf32>
        %add3A_1071 = arith.addf %add3A_1066, %mul3A_1070 : vector<16xf32>
        %get3A_1072 = arith.index_cast %add3A_1057 : i32 to index
        %get3A_1073 = arith.constant 48 : index
        %get3A_1074 = tpu.vector_load %arg12[%get3A_1072, %get3A_1073] {strides = array<i32>} : memref<400x128xf32, #tpu.memory_space<vmem>>, vector<16xf32>,
        %mul3A_1075 = arith.mulf %get3A_437, %get3A_1074 : vector<16xf32>
        %add3A_1076 = arith.addf %add3A_1071, %mul3A_1075 : vector<16xf32>
        %reduce_sum3A_1077 = arith.constant true
        %reduce_sum3A_1078 = vector.broadcast %reduce_sum3A_1077 : i1 to vector<16xi1>
        %reduce_sum3A_1079 = tpu.scan <sum>, %add3A_1076 masked %reduce_sum3A_1078 : vector<16xf32>, vector<16xi1> -> vector<16xf32>
        %reduce_sum3A_1080 = vector.extract %reduce_sum3A_1079[15] : f32 from vector<16xf32>
        %eq3A_1081 = arith.constant 2 : i32
        %eq3A_1082 = vector.broadcast %eq3A_1081 : i32 to vector<16xi32>
        %eq3A_1083 = arith.cmpi eq, %iota3A, %eq3A_1082 : vector<16xi32>
        %broadcast_in_dim3A_1084 = vector.broadcast %reduce_sum3A_1080 : f32 to vector<16xf32>
        %select_n3A_1085 = arith.select %eq3A_1083, %broadcast_in_dim3A_1084, %select_n3A_1051 : vector<16xi1>, vector<16xf32>
        %mul3A_1086 = arith.constant 50 : i32
        %mul3A_1087 = arith.muli %scan3A_425, %mul3A_1086 : i32
        %add3A_1088 = arith.constant 16 : i32
        %add3A_1089 = arith.addi %mul3A_1087, %add3A_1088 : i32
        %add3A_1090 = arith.constant 3 : i32
        %add3A_1091 = arith.addi %add3A_1089, %add3A_1090 : i32
        %get3A_1092 = arith.index_cast %add3A_1091 : i32 to index
        %get3A_1093 = arith.constant 0 : index
        %get3A_1094 = tpu.vector_load %arg12[%get3A_1092, %get3A_1093] {strides = array<i32>} : memref<400x128xf32, #tpu.memory_space<vmem>>, vector<16xf32>,
        %mul3A_1095 = arith.mulf %get3A_428, %get3A_1094 : vector<16xf32>
        %get3A_1096 = arith.index_cast %add3A_1091 : i32 to index
        %get3A_1097 = arith.constant 16 : index
        %get3A_1098 = tpu.vector_load %arg12[%get3A_1096, %get3A_1097] {strides = array<i32>} : memref<400x128xf32, #tpu.memory_space<vmem>>, vector<16xf32>,
        %mul3A_1099 = arith.mulf %get3A_431, %get3A_1098 : vector<16xf32>
        %add3A_1100 = arith.addf %mul3A_1095, %mul3A_1099 : vector<16xf32>
        %get3A_1101 = arith.index_cast %add3A_1091 : i32 to index
        %get3A_1102 = arith.constant 32 : index
        %get3A_1103 = tpu.vector_load %arg12[%get3A_1101, %get3A_1102] {strides = array<i32>} : memref<400x128xf32, #tpu.memory_space<vmem>>, vector<16xf32>,
        %mul3A_1104 = arith.mulf %get3A_434, %get3A_1103 : vector<16xf32>
        %add3A_1105 = arith.addf %add3A_1100, %mul3A_1104 : vector<16xf32>
        %get3A_1106 = arith.index_cast %add3A_1091 : i32 to index
        %get3A_1107 = arith.constant 48 : index
        %get3A_1108 = tpu.vector_load %arg12[%get3A_1106, %get3A_1107] {strides = array<i32>} : memref<400x128xf32, #tpu.memory_space<vmem>>, vector<16xf32>,
        %mul3A_1109 = arith.mulf %get3A_437, %get3A_1108 : vector<16xf32>
        %add3A_1110 = arith.addf %add3A_1105, %mul3A_1109 : vector<16xf32>
        %reduce_sum3A_1111 = arith.constant true
        %reduce_sum3A_1112 = vector.broadcast %reduce_sum3A_1111 : i1 to vector<16xi1>
        %reduce_sum3A_1113 = tpu.scan <sum>, %add3A_1110 masked %reduce_sum3A_1112 : vector<16xf32>, vector<16xi1> -> vector<16xf32>
        %reduce_sum3A_1114 = vector.extract %reduce_sum3A_1113[15] : f32 from vector<16xf32>
        %eq3A_1115 = arith.constant 3 : i32
        %eq3A_1116 = vector.broadcast %eq3A_1115 : i32 to vector<16xi32>
        %eq3A_1117 = arith.cmpi eq, %iota3A, %eq3A_1116 : vector<16xi32>
        %broadcast_in_dim3A_1118 = vector.broadcast %reduce_sum3A_1114 : f32 to vector<16xf32>
        %select_n3A_1119 = arith.select %eq3A_1117, %broadcast_in_dim3A_1118, %select_n3A_1085 : vector<16xi1>, vector<16xf32>
        %mul3A_1120 = arith.constant 50 : i32
        %mul3A_1121 = arith.muli %scan3A_425, %mul3A_1120 : i32
        %add3A_1122 = arith.constant 16 : i32
        %add3A_1123 = arith.addi %mul3A_1121, %add3A_1122 : i32
        %add3A_1124 = arith.constant 4 : i32
        %add3A_1125 = arith.addi %add3A_1123, %add3A_1124 : i32
        %get3A_1126 = arith.index_cast %add3A_1125 : i32 to index
        %get3A_1127 = arith.constant 0 : index
        %get3A_1128 = tpu.vector_load %arg12[%get3A_1126, %get3A_1127] {strides = array<i32>} : memref<400x128xf32, #tpu.memory_space<vmem>>, vector<16xf32>,
        %mul3A_1129 = arith.mulf %get3A_428, %get3A_1128 : vector<16xf32>
        %get3A_1130 = arith.index_cast %add3A_1125 : i32 to index
        %get3A_1131 = arith.constant 16 : index
        %get3A_1132 = tpu.vector_load %arg12[%get3A_1130, %get3A_1131] {strides = array<i32>} : memref<400x128xf32, #tpu.memory_space<vmem>>, vector<16xf32>,
        %mul3A_1133 = arith.mulf %get3A_431, %get3A_1132 : vector<16xf32>
        %add3A_1134 = arith.addf %mul3A_1129, %mul3A_1133 : vector<16xf32>
        %get3A_1135 = arith.index_cast %add3A_1125 : i32 to index
        %get3A_1136 = arith.constant 32 : index
        %get3A_1137 = tpu.vector_load %arg12[%get3A_1135, %get3A_1136] {strides = array<i32>} : memref<400x128xf32, #tpu.memory_space<vmem>>, vector<16xf32>,
        %mul3A_1138 = arith.mulf %get3A_434, %get3A_1137 : vector<16xf32>
        %add3A_1139 = arith.addf %add3A_1134, %mul3A_1138 : vector<16xf32>
        %get3A_1140 = arith.index_cast %add3A_1125 : i32 to index
        %get3A_1141 = arith.constant 48 : index
        %get3A_1142 = tpu.vector_load %arg12[%get3A_1140, %get3A_1141] {strides = array<i32>} : memref<400x128xf32, #tpu.memory_space<vmem>>, vector<16xf32>,
        %mul3A_1143 = arith.mulf %get3A_437, %get3A_1142 : vector<16xf32>
        %add3A_1144 = arith.addf %add3A_1139, %mul3A_1143 : vector<16xf32>
        %reduce_sum3A_1145 = arith.constant true
        %reduce_sum3A_1146 = vector.broadcast %reduce_sum3A_1145 : i1 to vector<16xi1>
        %reduce_sum3A_1147 = tpu.scan <sum>, %add3A_1144 masked %reduce_sum3A_1146 : vector<16xf32>, vector<16xi1> -> vector<16xf32>
        %reduce_sum3A_1148 = vector.extract %reduce_sum3A_1147[15] : f32 from vector<16xf32>
        %eq3A_1149 = arith.constant 4 : i32
        %eq3A_1150 = vector.broadcast %eq3A_1149 : i32 to vector<16xi32>
        %eq3A_1151 = arith.cmpi eq, %iota3A, %eq3A_1150 : vector<16xi32>
        %broadcast_in_dim3A_1152 = vector.broadcast %reduce_sum3A_1148 : f32 to vector<16xf32>
        %select_n3A_1153 = arith.select %eq3A_1151, %broadcast_in_dim3A_1152, %select_n3A_1119 : vector<16xi1>, vector<16xf32>
        %mul3A_1154 = arith.constant 50 : i32
        %mul3A_1155 = arith.muli %scan3A_425, %mul3A_1154 : i32
        %add3A_1156 = arith.constant 16 : i32
        %add3A_1157 = arith.addi %mul3A_1155, %add3A_1156 : i32
        %add3A_1158 = arith.constant 5 : i32
        %add3A_1159 = arith.addi %add3A_1157, %add3A_1158 : i32
        %get3A_1160 = arith.index_cast %add3A_1159 : i32 to index
        %get3A_1161 = arith.constant 0 : index
        %get3A_1162 = tpu.vector_load %arg12[%get3A_1160, %get3A_1161] {strides = array<i32>} : memref<400x128xf32, #tpu.memory_space<vmem>>, vector<16xf32>,
        %mul3A_1163 = arith.mulf %get3A_428, %get3A_1162 : vector<16xf32>
        %get3A_1164 = arith.index_cast %add3A_1159 : i32 to index
        %get3A_1165 = arith.constant 16 : index
        %get3A_1166 = tpu.vector_load %arg12[%get3A_1164, %get3A_1165] {strides = array<i32>} : memref<400x128xf32, #tpu.memory_space<vmem>>, vector<16xf32>,
        %mul3A_1167 = arith.mulf %get3A_431, %get3A_1166 : vector<16xf32>
        %add3A_1168 = arith.addf %mul3A_1163, %mul3A_1167 : vector<16xf32>
        %get3A_1169 = arith.index_cast %add3A_1159 : i32 to index
        %get3A_1170 = arith.constant 32 : index
        %get3A_1171 = tpu.vector_load %arg12[%get3A_1169, %get3A_1170] {strides = array<i32>} : memref<400x128xf32, #tpu.memory_space<vmem>>, vector<16xf32>,
        %mul3A_1172 = arith.mulf %get3A_434, %get3A_1171 : vector<16xf32>
        %add3A_1173 = arith.addf %add3A_1168, %mul3A_1172 : vector<16xf32>
        %get3A_1174 = arith.index_cast %add3A_1159 : i32 to index
        %get3A_1175 = arith.constant 48 : index
        %get3A_1176 = tpu.vector_load %arg12[%get3A_1174, %get3A_1175] {strides = array<i32>} : memref<400x128xf32, #tpu.memory_space<vmem>>, vector<16xf32>,
        %mul3A_1177 = arith.mulf %get3A_437, %get3A_1176 : vector<16xf32>
        %add3A_1178 = arith.addf %add3A_1173, %mul3A_1177 : vector<16xf32>
        %reduce_sum3A_1179 = arith.constant true
        %reduce_sum3A_1180 = vector.broadcast %reduce_sum3A_1179 : i1 to vector<16xi1>
        %reduce_sum3A_1181 = tpu.scan <sum>, %add3A_1178 masked %reduce_sum3A_1180 : vector<16xf32>, vector<16xi1> -> vector<16xf32>
        %reduce_sum3A_1182 = vector.extract %reduce_sum3A_1181[15] : f32 from vector<16xf32>
        %eq3A_1183 = arith.constant 5 : i32
        %eq3A_1184 = vector.broadcast %eq3A_1183 : i32 to vector<16xi32>
        %eq3A_1185 = arith.cmpi eq, %iota3A, %eq3A_1184 : vector<16xi32>
        %broadcast_in_dim3A_1186 = vector.broadcast %reduce_sum3A_1182 : f32 to vector<16xf32>
        %select_n3A_1187 = arith.select %eq3A_1185, %broadcast_in_dim3A_1186, %select_n3A_1153 : vector<16xi1>, vector<16xf32>
        %mul3A_1188 = arith.constant 50 : i32
        %mul3A_1189 = arith.muli %scan3A_425, %mul3A_1188 : i32
        %add3A_1190 = arith.constant 16 : i32
        %add3A_1191 = arith.addi %mul3A_1189, %add3A_1190 : i32
        %add3A_1192 = arith.constant 6 : i32
        %add3A_1193 = arith.addi %add3A_1191, %add3A_1192 : i32
        %get3A_1194 = arith.index_cast %add3A_1193 : i32 to index
        %get3A_1195 = arith.constant 0 : index
        %get3A_1196 = tpu.vector_load %arg12[%get3A_1194, %get3A_1195] {strides = array<i32>} : memref<400x128xf32, #tpu.memory_space<vmem>>, vector<16xf32>,
        %mul3A_1197 = arith.mulf %get3A_428, %get3A_1196 : vector<16xf32>
        %get3A_1198 = arith.index_cast %add3A_1193 : i32 to index
        %get3A_1199 = arith.constant 16 : index
        %get3A_1200 = tpu.vector_load %arg12[%get3A_1198, %get3A_1199] {strides = array<i32>} : memref<400x128xf32, #tpu.memory_space<vmem>>, vector<16xf32>,
        %mul3A_1201 = arith.mulf %get3A_431, %get3A_1200 : vector<16xf32>
        %add3A_1202 = arith.addf %mul3A_1197, %mul3A_1201 : vector<16xf32>
        %get3A_1203 = arith.index_cast %add3A_1193 : i32 to index
        %get3A_1204 = arith.constant 32 : index
        %get3A_1205 = tpu.vector_load %arg12[%get3A_1203, %get3A_1204] {strides = array<i32>} : memref<400x128xf32, #tpu.memory_space<vmem>>, vector<16xf32>,
        %mul3A_1206 = arith.mulf %get3A_434, %get3A_1205 : vector<16xf32>
        %add3A_1207 = arith.addf %add3A_1202, %mul3A_1206 : vector<16xf32>
        %get3A_1208 = arith.index_cast %add3A_1193 : i32 to index
        %get3A_1209 = arith.constant 48 : index
        %get3A_1210 = tpu.vector_load %arg12[%get3A_1208, %get3A_1209] {strides = array<i32>} : memref<400x128xf32, #tpu.memory_space<vmem>>, vector<16xf32>,
        %mul3A_1211 = arith.mulf %get3A_437, %get3A_1210 : vector<16xf32>
        %add3A_1212 = arith.addf %add3A_1207, %mul3A_1211 : vector<16xf32>
        %reduce_sum3A_1213 = arith.constant true
        %reduce_sum3A_1214 = vector.broadcast %reduce_sum3A_1213 : i1 to vector<16xi1>
        %reduce_sum3A_1215 = tpu.scan <sum>, %add3A_1212 masked %reduce_sum3A_1214 : vector<16xf32>, vector<16xi1> -> vector<16xf32>
        %reduce_sum3A_1216 = vector.extract %reduce_sum3A_1215[15] : f32 from vector<16xf32>
        %eq3A_1217 = arith.constant 6 : i32
        %eq3A_1218 = vector.broadcast %eq3A_1217 : i32 to vector<16xi32>
        %eq3A_1219 = arith.cmpi eq, %iota3A, %eq3A_1218 : vector<16xi32>
        %broadcast_in_dim3A_1220 = vector.broadcast %reduce_sum3A_1216 : f32 to vector<16xf32>
        %select_n3A_1221 = arith.select %eq3A_1219, %broadcast_in_dim3A_1220, %select_n3A_1187 : vector<16xi1>, vector<16xf32>
        %mul3A_1222 = arith.constant 50 : i32
        %mul3A_1223 = arith.muli %scan3A_425, %mul3A_1222 : i32
        %add3A_1224 = arith.constant 16 : i32
        %add3A_1225 = arith.addi %mul3A_1223, %add3A_1224 : i32
        %add3A_1226 = arith.constant 7 : i32
        %add3A_1227 = arith.addi %add3A_1225, %add3A_1226 : i32
        %get3A_1228 = arith.index_cast %add3A_1227 : i32 to index
        %get3A_1229 = arith.constant 0 : index
        %get3A_1230 = tpu.vector_load %arg12[%get3A_1228, %get3A_1229] {strides = array<i32>} : memref<400x128xf32, #tpu.memory_space<vmem>>, vector<16xf32>,
        %mul3A_1231 = arith.mulf %get3A_428, %get3A_1230 : vector<16xf32>
        %get3A_1232 = arith.index_cast %add3A_1227 : i32 to index
        %get3A_1233 = arith.constant 16 : index
        %get3A_1234 = tpu.vector_load %arg12[%get3A_1232, %get3A_1233] {strides = array<i32>} : memref<400x128xf32, #tpu.memory_space<vmem>>, vector<16xf32>,
        %mul3A_1235 = arith.mulf %get3A_431, %get3A_1234 : vector<16xf32>
        %add3A_1236 = arith.addf %mul3A_1231, %mul3A_1235 : vector<16xf32>
        %get3A_1237 = arith.index_cast %add3A_1227 : i32 to index
        %get3A_1238 = arith.constant 32 : index
        %get3A_1239 = tpu.vector_load %arg12[%get3A_1237, %get3A_1238] {strides = array<i32>} : memref<400x128xf32, #tpu.memory_space<vmem>>, vector<16xf32>,
        %mul3A_1240 = arith.mulf %get3A_434, %get3A_1239 : vector<16xf32>
        %add3A_1241 = arith.addf %add3A_1236, %mul3A_1240 : vector<16xf32>
        %get3A_1242 = arith.index_cast %add3A_1227 : i32 to index
        %get3A_1243 = arith.constant 48 : index
        %get3A_1244 = tpu.vector_load %arg12[%get3A_1242, %get3A_1243] {strides = array<i32>} : memref<400x128xf32, #tpu.memory_space<vmem>>, vector<16xf32>,
        %mul3A_1245 = arith.mulf %get3A_437, %get3A_1244 : vector<16xf32>
        %add3A_1246 = arith.addf %add3A_1241, %mul3A_1245 : vector<16xf32>
        %reduce_sum3A_1247 = arith.constant true
        %reduce_sum3A_1248 = vector.broadcast %reduce_sum3A_1247 : i1 to vector<16xi1>
        %reduce_sum3A_1249 = tpu.scan <sum>, %add3A_1246 masked %reduce_sum3A_1248 : vector<16xf32>, vector<16xi1> -> vector<16xf32>
        %reduce_sum3A_1250 = vector.extract %reduce_sum3A_1249[15] : f32 from vector<16xf32>
        %eq3A_1251 = arith.constant 7 : i32
        %eq3A_1252 = vector.broadcast %eq3A_1251 : i32 to vector<16xi32>
        %eq3A_1253 = arith.cmpi eq, %iota3A, %eq3A_1252 : vector<16xi32>
        %broadcast_in_dim3A_1254 = vector.broadcast %reduce_sum3A_1250 : f32 to vector<16xf32>
        %select_n3A_1255 = arith.select %eq3A_1253, %broadcast_in_dim3A_1254, %select_n3A_1221 : vector<16xi1>, vector<16xf32>
        %mul3A_1256 = arith.constant 50 : i32
        %mul3A_1257 = arith.muli %scan3A_425, %mul3A_1256 : i32
        %add3A_1258 = arith.constant 16 : i32
        %add3A_1259 = arith.addi %mul3A_1257, %add3A_1258 : i32
        %add3A_1260 = arith.constant 8 : i32
        %add3A_1261 = arith.addi %add3A_1259, %add3A_1260 : i32
        %get3A_1262 = arith.index_cast %add3A_1261 : i32 to index
        %get3A_1263 = arith.constant 0 : index
        %get3A_1264 = tpu.vector_load %arg12[%get3A_1262, %get3A_1263] {strides = array<i32>} : memref<400x128xf32, #tpu.memory_space<vmem>>, vector<16xf32>,
        %mul3A_1265 = arith.mulf %get3A_428, %get3A_1264 : vector<16xf32>
        %get3A_1266 = arith.index_cast %add3A_1261 : i32 to index
        %get3A_1267 = arith.constant 16 : index
        %get3A_1268 = tpu.vector_load %arg12[%get3A_1266, %get3A_1267] {strides = array<i32>} : memref<400x128xf32, #tpu.memory_space<vmem>>, vector<16xf32>,
        %mul3A_1269 = arith.mulf %get3A_431, %get3A_1268 : vector<16xf32>
        %add3A_1270 = arith.addf %mul3A_1265, %mul3A_1269 : vector<16xf32>
        %get3A_1271 = arith.index_cast %add3A_1261 : i32 to index
        %get3A_1272 = arith.constant 32 : index
        %get3A_1273 = tpu.vector_load %arg12[%get3A_1271, %get3A_1272] {strides = array<i32>} : memref<400x128xf32, #tpu.memory_space<vmem>>, vector<16xf32>,
        %mul3A_1274 = arith.mulf %get3A_434, %get3A_1273 : vector<16xf32>
        %add3A_1275 = arith.addf %add3A_1270, %mul3A_1274 : vector<16xf32>
        %get3A_1276 = arith.index_cast %add3A_1261 : i32 to index
        %get3A_1277 = arith.constant 48 : index
        %get3A_1278 = tpu.vector_load %arg12[%get3A_1276, %get3A_1277] {strides = array<i32>} : memref<400x128xf32, #tpu.memory_space<vmem>>, vector<16xf32>,
        %mul3A_1279 = arith.mulf %get3A_437, %get3A_1278 : vector<16xf32>
        %add3A_1280 = arith.addf %add3A_1275, %mul3A_1279 : vector<16xf32>
        %reduce_sum3A_1281 = arith.constant true
        %reduce_sum3A_1282 = vector.broadcast %reduce_sum3A_1281 : i1 to vector<16xi1>
        %reduce_sum3A_1283 = tpu.scan <sum>, %add3A_1280 masked %reduce_sum3A_1282 : vector<16xf32>, vector<16xi1> -> vector<16xf32>
        %reduce_sum3A_1284 = vector.extract %reduce_sum3A_1283[15] : f32 from vector<16xf32>
        %eq3A_1285 = arith.constant 8 : i32
        %eq3A_1286 = vector.broadcast %eq3A_1285 : i32 to vector<16xi32>
        %eq3A_1287 = arith.cmpi eq, %iota3A, %eq3A_1286 : vector<16xi32>
        %broadcast_in_dim3A_1288 = vector.broadcast %reduce_sum3A_1284 : f32 to vector<16xf32>
        %select_n3A_1289 = arith.select %eq3A_1287, %broadcast_in_dim3A_1288, %select_n3A_1255 : vector<16xi1>, vector<16xf32>
        %mul3A_1290 = arith.constant 50 : i32
        %mul3A_1291 = arith.muli %scan3A_425, %mul3A_1290 : i32
        %add3A_1292 = arith.constant 16 : i32
        %add3A_1293 = arith.addi %mul3A_1291, %add3A_1292 : i32
        %add3A_1294 = arith.constant 9 : i32
        %add3A_1295 = arith.addi %add3A_1293, %add3A_1294 : i32
        %get3A_1296 = arith.index_cast %add3A_1295 : i32 to index
        %get3A_1297 = arith.constant 0 : index
        %get3A_1298 = tpu.vector_load %arg12[%get3A_1296, %get3A_1297] {strides = array<i32>} : memref<400x128xf32, #tpu.memory_space<vmem>>, vector<16xf32>,
        %mul3A_1299 = arith.mulf %get3A_428, %get3A_1298 : vector<16xf32>
        %get3A_1300 = arith.index_cast %add3A_1295 : i32 to index
        %get3A_1301 = arith.constant 16 : index
        %get3A_1302 = tpu.vector_load %arg12[%get3A_1300, %get3A_1301] {strides = array<i32>} : memref<400x128xf32, #tpu.memory_space<vmem>>, vector<16xf32>,
        %mul3A_1303 = arith.mulf %get3A_431, %get3A_1302 : vector<16xf32>
        %add3A_1304 = arith.addf %mul3A_1299, %mul3A_1303 : vector<16xf32>
        %get3A_1305 = arith.index_cast %add3A_1295 : i32 to index
        %get3A_1306 = arith.constant 32 : index
        %get3A_1307 = tpu.vector_load %arg12[%get3A_1305, %get3A_1306] {strides = array<i32>} : memref<400x128xf32, #tpu.memory_space<vmem>>, vector<16xf32>,
        %mul3A_1308 = arith.mulf %get3A_434, %get3A_1307 : vector<16xf32>
        %add3A_1309 = arith.addf %add3A_1304, %mul3A_1308 : vector<16xf32>
        %get3A_1310 = arith.index_cast %add3A_1295 : i32 to index
        %get3A_1311 = arith.constant 48 : index
        %get3A_1312 = tpu.vector_load %arg12[%get3A_1310, %get3A_1311] {strides = array<i32>} : memref<400x128xf32, #tpu.memory_space<vmem>>, vector<16xf32>,
        %mul3A_1313 = arith.mulf %get3A_437, %get3A_1312 : vector<16xf32>
        %add3A_1314 = arith.addf %add3A_1309, %mul3A_1313 : vector<16xf32>
        %reduce_sum3A_1315 = arith.constant true
        %reduce_sum3A_1316 = vector.broadcast %reduce_sum3A_1315 : i1 to vector<16xi1>
        %reduce_sum3A_1317 = tpu.scan <sum>, %add3A_1314 masked %reduce_sum3A_1316 : vector<16xf32>, vector<16xi1> -> vector<16xf32>
        %reduce_sum3A_1318 = vector.extract %reduce_sum3A_1317[15] : f32 from vector<16xf32>
        %eq3A_1319 = arith.constant 9 : i32
        %eq3A_1320 = vector.broadcast %eq3A_1319 : i32 to vector<16xi32>
        %eq3A_1321 = arith.cmpi eq, %iota3A, %eq3A_1320 : vector<16xi32>
        %broadcast_in_dim3A_1322 = vector.broadcast %reduce_sum3A_1318 : f32 to vector<16xf32>
        %select_n3A_1323 = arith.select %eq3A_1321, %broadcast_in_dim3A_1322, %select_n3A_1289 : vector<16xi1>, vector<16xf32>
        %mul3A_1324 = arith.constant 50 : i32
        %mul3A_1325 = arith.muli %scan3A_425, %mul3A_1324 : i32
        %add3A_1326 = arith.constant 16 : i32
        %add3A_1327 = arith.addi %mul3A_1325, %add3A_1326 : i32
        %add3A_1328 = arith.constant 10 : i32
        %add3A_1329 = arith.addi %add3A_1327, %add3A_1328 : i32
        %get3A_1330 = arith.index_cast %add3A_1329 : i32 to index
        %get3A_1331 = arith.constant 0 : index
        %get3A_1332 = tpu.vector_load %arg12[%get3A_1330, %get3A_1331] {strides = array<i32>} : memref<400x128xf32, #tpu.memory_space<vmem>>, vector<16xf32>,
        %mul3A_1333 = arith.mulf %get3A_428, %get3A_1332 : vector<16xf32>
        %get3A_1334 = arith.index_cast %add3A_1329 : i32 to index
        %get3A_1335 = arith.constant 16 : index
        %get3A_1336 = tpu.vector_load %arg12[%get3A_1334, %get3A_1335] {strides = array<i32>} : memref<400x128xf32, #tpu.memory_space<vmem>>, vector<16xf32>,
        %mul3A_1337 = arith.mulf %get3A_431, %get3A_1336 : vector<16xf32>
        %add3A_1338 = arith.addf %mul3A_1333, %mul3A_1337 : vector<16xf32>
        %get3A_1339 = arith.index_cast %add3A_1329 : i32 to index
        %get3A_1340 = arith.constant 32 : index
        %get3A_1341 = tpu.vector_load %arg12[%get3A_1339, %get3A_1340] {strides = array<i32>} : memref<400x128xf32, #tpu.memory_space<vmem>>, vector<16xf32>,
        %mul3A_1342 = arith.mulf %get3A_434, %get3A_1341 : vector<16xf32>
        %add3A_1343 = arith.addf %add3A_1338, %mul3A_1342 : vector<16xf32>
        %get3A_1344 = arith.index_cast %add3A_1329 : i32 to index
        %get3A_1345 = arith.constant 48 : index
        %get3A_1346 = tpu.vector_load %arg12[%get3A_1344, %get3A_1345] {strides = array<i32>} : memref<400x128xf32, #tpu.memory_space<vmem>>, vector<16xf32>,
        %mul3A_1347 = arith.mulf %get3A_437, %get3A_1346 : vector<16xf32>
        %add3A_1348 = arith.addf %add3A_1343, %mul3A_1347 : vector<16xf32>
        %reduce_sum3A_1349 = arith.constant true
        %reduce_sum3A_1350 = vector.broadcast %reduce_sum3A_1349 : i1 to vector<16xi1>
        %reduce_sum3A_1351 = tpu.scan <sum>, %add3A_1348 masked %reduce_sum3A_1350 : vector<16xf32>, vector<16xi1> -> vector<16xf32>
        %reduce_sum3A_1352 = vector.extract %reduce_sum3A_1351[15] : f32 from vector<16xf32>
        %eq3A_1353 = arith.constant 10 : i32
        %eq3A_1354 = vector.broadcast %eq3A_1353 : i32 to vector<16xi32>
        %eq3A_1355 = arith.cmpi eq, %iota3A, %eq3A_1354 : vector<16xi32>
        %broadcast_in_dim3A_1356 = vector.broadcast %reduce_sum3A_1352 : f32 to vector<16xf32>
        %select_n3A_1357 = arith.select %eq3A_1355, %broadcast_in_dim3A_1356, %select_n3A_1323 : vector<16xi1>, vector<16xf32>
        %mul3A_1358 = arith.constant 50 : i32
        %mul3A_1359 = arith.muli %scan3A_425, %mul3A_1358 : i32
        %add3A_1360 = arith.constant 16 : i32
        %add3A_1361 = arith.addi %mul3A_1359, %add3A_1360 : i32
        %add3A_1362 = arith.constant 11 : i32
        %add3A_1363 = arith.addi %add3A_1361, %add3A_1362 : i32
        %get3A_1364 = arith.index_cast %add3A_1363 : i32 to index
        %get3A_1365 = arith.constant 0 : index
        %get3A_1366 = tpu.vector_load %arg12[%get3A_1364, %get3A_1365] {strides = array<i32>} : memref<400x128xf32, #tpu.memory_space<vmem>>, vector<16xf32>,
        %mul3A_1367 = arith.mulf %get3A_428, %get3A_1366 : vector<16xf32>
        %get3A_1368 = arith.index_cast %add3A_1363 : i32 to index
        %get3A_1369 = arith.constant 16 : index
        %get3A_1370 = tpu.vector_load %arg12[%get3A_1368, %get3A_1369] {strides = array<i32>} : memref<400x128xf32, #tpu.memory_space<vmem>>, vector<16xf32>,
        %mul3A_1371 = arith.mulf %get3A_431, %get3A_1370 : vector<16xf32>
        %add3A_1372 = arith.addf %mul3A_1367, %mul3A_1371 : vector<16xf32>
        %get3A_1373 = arith.index_cast %add3A_1363 : i32 to index
        %get3A_1374 = arith.constant 32 : index
        %get3A_1375 = tpu.vector_load %arg12[%get3A_1373, %get3A_1374] {strides = array<i32>} : memref<400x128xf32, #tpu.memory_space<vmem>>, vector<16xf32>,
        %mul3A_1376 = arith.mulf %get3A_434, %get3A_1375 : vector<16xf32>
        %add3A_1377 = arith.addf %add3A_1372, %mul3A_1376 : vector<16xf32>
        %get3A_1378 = arith.index_cast %add3A_1363 : i32 to index
        %get3A_1379 = arith.constant 48 : index
        %get3A_1380 = tpu.vector_load %arg12[%get3A_1378, %get3A_1379] {strides = array<i32>} : memref<400x128xf32, #tpu.memory_space<vmem>>, vector<16xf32>,
        %mul3A_1381 = arith.mulf %get3A_437, %get3A_1380 : vector<16xf32>
        %add3A_1382 = arith.addf %add3A_1377, %mul3A_1381 : vector<16xf32>
        %reduce_sum3A_1383 = arith.constant true
        %reduce_sum3A_1384 = vector.broadcast %reduce_sum3A_1383 : i1 to vector<16xi1>
        %reduce_sum3A_1385 = tpu.scan <sum>, %add3A_1382 masked %reduce_sum3A_1384 : vector<16xf32>, vector<16xi1> -> vector<16xf32>
        %reduce_sum3A_1386 = vector.extract %reduce_sum3A_1385[15] : f32 from vector<16xf32>
        %eq3A_1387 = arith.constant 11 : i32
        %eq3A_1388 = vector.broadcast %eq3A_1387 : i32 to vector<16xi32>
        %eq3A_1389 = arith.cmpi eq, %iota3A, %eq3A_1388 : vector<16xi32>
        %broadcast_in_dim3A_1390 = vector.broadcast %reduce_sum3A_1386 : f32 to vector<16xf32>
        %select_n3A_1391 = arith.select %eq3A_1389, %broadcast_in_dim3A_1390, %select_n3A_1357 : vector<16xi1>, vector<16xf32>
        %mul3A_1392 = arith.constant 50 : i32
        %mul3A_1393 = arith.muli %scan3A_425, %mul3A_1392 : i32
        %add3A_1394 = arith.constant 16 : i32
        %add3A_1395 = arith.addi %mul3A_1393, %add3A_1394 : i32
        %add3A_1396 = arith.constant 12 : i32
        %add3A_1397 = arith.addi %add3A_1395, %add3A_1396 : i32
        %get3A_1398 = arith.index_cast %add3A_1397 : i32 to index
        %get3A_1399 = arith.constant 0 : index
        %get3A_1400 = tpu.vector_load %arg12[%get3A_1398, %get3A_1399] {strides = array<i32>} : memref<400x128xf32, #tpu.memory_space<vmem>>, vector<16xf32>,
        %mul3A_1401 = arith.mulf %get3A_428, %get3A_1400 : vector<16xf32>
        %get3A_1402 = arith.index_cast %add3A_1397 : i32 to index
        %get3A_1403 = arith.constant 16 : index
        %get3A_1404 = tpu.vector_load %arg12[%get3A_1402, %get3A_1403] {strides = array<i32>} : memref<400x128xf32, #tpu.memory_space<vmem>>, vector<16xf32>,
        %mul3A_1405 = arith.mulf %get3A_431, %get3A_1404 : vector<16xf32>
        %add3A_1406 = arith.addf %mul3A_1401, %mul3A_1405 : vector<16xf32>
        %get3A_1407 = arith.index_cast %add3A_1397 : i32 to index
        %get3A_1408 = arith.constant 32 : index
        %get3A_1409 = tpu.vector_load %arg12[%get3A_1407, %get3A_1408] {strides = array<i32>} : memref<400x128xf32, #tpu.memory_space<vmem>>, vector<16xf32>,
        %mul3A_1410 = arith.mulf %get3A_434, %get3A_1409 : vector<16xf32>
        %add3A_1411 = arith.addf %add3A_1406, %mul3A_1410 : vector<16xf32>
        %get3A_1412 = arith.index_cast %add3A_1397 : i32 to index
        %get3A_1413 = arith.constant 48 : index
        %get3A_1414 = tpu.vector_load %arg12[%get3A_1412, %get3A_1413] {strides = array<i32>} : memref<400x128xf32, #tpu.memory_space<vmem>>, vector<16xf32>,
        %mul3A_1415 = arith.mulf %get3A_437, %get3A_1414 : vector<16xf32>
        %add3A_1416 = arith.addf %add3A_1411, %mul3A_1415 : vector<16xf32>
        %reduce_sum3A_1417 = arith.constant true
        %reduce_sum3A_1418 = vector.broadcast %reduce_sum3A_1417 : i1 to vector<16xi1>
        %reduce_sum3A_1419 = tpu.scan <sum>, %add3A_1416 masked %reduce_sum3A_1418 : vector<16xf32>, vector<16xi1> -> vector<16xf32>
        %reduce_sum3A_1420 = vector.extract %reduce_sum3A_1419[15] : f32 from vector<16xf32>
        %eq3A_1421 = arith.constant 12 : i32
        %eq3A_1422 = vector.broadcast %eq3A_1421 : i32 to vector<16xi32>
        %eq3A_1423 = arith.cmpi eq, %iota3A, %eq3A_1422 : vector<16xi32>
        %broadcast_in_dim3A_1424 = vector.broadcast %reduce_sum3A_1420 : f32 to vector<16xf32>
        %select_n3A_1425 = arith.select %eq3A_1423, %broadcast_in_dim3A_1424, %select_n3A_1391 : vector<16xi1>, vector<16xf32>
        %mul3A_1426 = arith.constant 50 : i32
        %mul3A_1427 = arith.muli %scan3A_425, %mul3A_1426 : i32
        %add3A_1428 = arith.constant 16 : i32
        %add3A_1429 = arith.addi %mul3A_1427, %add3A_1428 : i32
        %add3A_1430 = arith.constant 13 : i32
        %add3A_1431 = arith.addi %add3A_1429, %add3A_1430 : i32
        %get3A_1432 = arith.index_cast %add3A_1431 : i32 to index
        %get3A_1433 = arith.constant 0 : index
        %get3A_1434 = tpu.vector_load %arg12[%get3A_1432, %get3A_1433] {strides = array<i32>} : memref<400x128xf32, #tpu.memory_space<vmem>>, vector<16xf32>,
        %mul3A_1435 = arith.mulf %get3A_428, %get3A_1434 : vector<16xf32>
        %get3A_1436 = arith.index_cast %add3A_1431 : i32 to index
        %get3A_1437 = arith.constant 16 : index
        %get3A_1438 = tpu.vector_load %arg12[%get3A_1436, %get3A_1437] {strides = array<i32>} : memref<400x128xf32, #tpu.memory_space<vmem>>, vector<16xf32>,
        %mul3A_1439 = arith.mulf %get3A_431, %get3A_1438 : vector<16xf32>
        %add3A_1440 = arith.addf %mul3A_1435, %mul3A_1439 : vector<16xf32>
        %get3A_1441 = arith.index_cast %add3A_1431 : i32 to index
        %get3A_1442 = arith.constant 32 : index
        %get3A_1443 = tpu.vector_load %arg12[%get3A_1441, %get3A_1442] {strides = array<i32>} : memref<400x128xf32, #tpu.memory_space<vmem>>, vector<16xf32>,
        %mul3A_1444 = arith.mulf %get3A_434, %get3A_1443 : vector<16xf32>
        %add3A_1445 = arith.addf %add3A_1440, %mul3A_1444 : vector<16xf32>
        %get3A_1446 = arith.index_cast %add3A_1431 : i32 to index
        %get3A_1447 = arith.constant 48 : index
        %get3A_1448 = tpu.vector_load %arg12[%get3A_1446, %get3A_1447] {strides = array<i32>} : memref<400x128xf32, #tpu.memory_space<vmem>>, vector<16xf32>,
        %mul3A_1449 = arith.mulf %get3A_437, %get3A_1448 : vector<16xf32>
        %add3A_1450 = arith.addf %add3A_1445, %mul3A_1449 : vector<16xf32>
        %reduce_sum3A_1451 = arith.constant true
        %reduce_sum3A_1452 = vector.broadcast %reduce_sum3A_1451 : i1 to vector<16xi1>
        %reduce_sum3A_1453 = tpu.scan <sum>, %add3A_1450 masked %reduce_sum3A_1452 : vector<16xf32>, vector<16xi1> -> vector<16xf32>
        %reduce_sum3A_1454 = vector.extract %reduce_sum3A_1453[15] : f32 from vector<16xf32>
        %eq3A_1455 = arith.constant 13 : i32
        %eq3A_1456 = vector.broadcast %eq3A_1455 : i32 to vector<16xi32>
        %eq3A_1457 = arith.cmpi eq, %iota3A, %eq3A_1456 : vector<16xi32>
        %broadcast_in_dim3A_1458 = vector.broadcast %reduce_sum3A_1454 : f32 to vector<16xf32>
        %select_n3A_1459 = arith.select %eq3A_1457, %broadcast_in_dim3A_1458, %select_n3A_1425 : vector<16xi1>, vector<16xf32>
        %mul3A_1460 = arith.constant 50 : i32
        %mul3A_1461 = arith.muli %scan3A_425, %mul3A_1460 : i32
        %add3A_1462 = arith.constant 16 : i32
        %add3A_1463 = arith.addi %mul3A_1461, %add3A_1462 : i32
        %add3A_1464 = arith.constant 14 : i32
        %add3A_1465 = arith.addi %add3A_1463, %add3A_1464 : i32
        %get3A_1466 = arith.index_cast %add3A_1465 : i32 to index
        %get3A_1467 = arith.constant 0 : index
        %get3A_1468 = tpu.vector_load %arg12[%get3A_1466, %get3A_1467] {strides = array<i32>} : memref<400x128xf32, #tpu.memory_space<vmem>>, vector<16xf32>,
        %mul3A_1469 = arith.mulf %get3A_428, %get3A_1468 : vector<16xf32>
        %get3A_1470 = arith.index_cast %add3A_1465 : i32 to index
        %get3A_1471 = arith.constant 16 : index
        %get3A_1472 = tpu.vector_load %arg12[%get3A_1470, %get3A_1471] {strides = array<i32>} : memref<400x128xf32, #tpu.memory_space<vmem>>, vector<16xf32>,
        %mul3A_1473 = arith.mulf %get3A_431, %get3A_1472 : vector<16xf32>
        %add3A_1474 = arith.addf %mul3A_1469, %mul3A_1473 : vector<16xf32>
        %get3A_1475 = arith.index_cast %add3A_1465 : i32 to index
        %get3A_1476 = arith.constant 32 : index
        %get3A_1477 = tpu.vector_load %arg12[%get3A_1475, %get3A_1476] {strides = array<i32>} : memref<400x128xf32, #tpu.memory_space<vmem>>, vector<16xf32>,
        %mul3A_1478 = arith.mulf %get3A_434, %get3A_1477 : vector<16xf32>
        %add3A_1479 = arith.addf %add3A_1474, %mul3A_1478 : vector<16xf32>
        %get3A_1480 = arith.index_cast %add3A_1465 : i32 to index
        %get3A_1481 = arith.constant 48 : index
        %get3A_1482 = tpu.vector_load %arg12[%get3A_1480, %get3A_1481] {strides = array<i32>} : memref<400x128xf32, #tpu.memory_space<vmem>>, vector<16xf32>,
        %mul3A_1483 = arith.mulf %get3A_437, %get3A_1482 : vector<16xf32>
        %add3A_1484 = arith.addf %add3A_1479, %mul3A_1483 : vector<16xf32>
        %reduce_sum3A_1485 = arith.constant true
        %reduce_sum3A_1486 = vector.broadcast %reduce_sum3A_1485 : i1 to vector<16xi1>
        %reduce_sum3A_1487 = tpu.scan <sum>, %add3A_1484 masked %reduce_sum3A_1486 : vector<16xf32>, vector<16xi1> -> vector<16xf32>
        %reduce_sum3A_1488 = vector.extract %reduce_sum3A_1487[15] : f32 from vector<16xf32>
        %eq3A_1489 = arith.constant 14 : i32
        %eq3A_1490 = vector.broadcast %eq3A_1489 : i32 to vector<16xi32>
        %eq3A_1491 = arith.cmpi eq, %iota3A, %eq3A_1490 : vector<16xi32>
        %broadcast_in_dim3A_1492 = vector.broadcast %reduce_sum3A_1488 : f32 to vector<16xf32>
        %select_n3A_1493 = arith.select %eq3A_1491, %broadcast_in_dim3A_1492, %select_n3A_1459 : vector<16xi1>, vector<16xf32>
        %mul3A_1494 = arith.constant 50 : i32
        %mul3A_1495 = arith.muli %scan3A_425, %mul3A_1494 : i32
        %add3A_1496 = arith.constant 16 : i32
        %add3A_1497 = arith.addi %mul3A_1495, %add3A_1496 : i32
        %add3A_1498 = arith.constant 15 : i32
        %add3A_1499 = arith.addi %add3A_1497, %add3A_1498 : i32
        %get3A_1500 = arith.index_cast %add3A_1499 : i32 to index
        %get3A_1501 = arith.constant 0 : index
        %get3A_1502 = tpu.vector_load %arg12[%get3A_1500, %get3A_1501] {strides = array<i32>} : memref<400x128xf32, #tpu.memory_space<vmem>>, vector<16xf32>,
        %mul3A_1503 = arith.mulf %get3A_428, %get3A_1502 : vector<16xf32>
        %get3A_1504 = arith.index_cast %add3A_1499 : i32 to index
        %get3A_1505 = arith.constant 16 : index
        %get3A_1506 = tpu.vector_load %arg12[%get3A_1504, %get3A_1505] {strides = array<i32>} : memref<400x128xf32, #tpu.memory_space<vmem>>, vector<16xf32>,
        %mul3A_1507 = arith.mulf %get3A_431, %get3A_1506 : vector<16xf32>
        %add3A_1508 = arith.addf %mul3A_1503, %mul3A_1507 : vector<16xf32>
        %get3A_1509 = arith.index_cast %add3A_1499 : i32 to index
        %get3A_1510 = arith.constant 32 : index
        %get3A_1511 = tpu.vector_load %arg12[%get3A_1509, %get3A_1510] {strides = array<i32>} : memref<400x128xf32, #tpu.memory_space<vmem>>, vector<16xf32>,
        %mul3A_1512 = arith.mulf %get3A_434, %get3A_1511 : vector<16xf32>
        %add3A_1513 = arith.addf %add3A_1508, %mul3A_1512 : vector<16xf32>
        %get3A_1514 = arith.index_cast %add3A_1499 : i32 to index
        %get3A_1515 = arith.constant 48 : index
        %get3A_1516 = tpu.vector_load %arg12[%get3A_1514, %get3A_1515] {strides = array<i32>} : memref<400x128xf32, #tpu.memory_space<vmem>>, vector<16xf32>,
        %mul3A_1517 = arith.mulf %get3A_437, %get3A_1516 : vector<16xf32>
        %add3A_1518 = arith.addf %add3A_1513, %mul3A_1517 : vector<16xf32>
        %reduce_sum3A_1519 = arith.constant true
        %reduce_sum3A_1520 = vector.broadcast %reduce_sum3A_1519 : i1 to vector<16xi1>
        %reduce_sum3A_1521 = tpu.scan <sum>, %add3A_1518 masked %reduce_sum3A_1520 : vector<16xf32>, vector<16xi1> -> vector<16xf32>
        %reduce_sum3A_1522 = vector.extract %reduce_sum3A_1521[15] : f32 from vector<16xf32>
        %eq3A_1523 = arith.constant 15 : i32
        %eq3A_1524 = vector.broadcast %eq3A_1523 : i32 to vector<16xi32>
        %eq3A_1525 = arith.cmpi eq, %iota3A, %eq3A_1524 : vector<16xi32>
        %broadcast_in_dim3A_1526 = vector.broadcast %reduce_sum3A_1522 : f32 to vector<16xf32>
        %select_n3A_1527 = arith.select %eq3A_1525, %broadcast_in_dim3A_1526, %select_n3A_1493 : vector<16xi1>, vector<16xf32>
        %swap3A_1528 = arith.index_cast %scan3A_425 : i32 to index
        %swap3A_1529 = arith.constant 16 : index
        %swap3A_1530 = tpu.vector_load %arg14[%swap3A_1528, %swap3A_1529] {strides = array<i32>} : memref<8x128xf32, #tpu.memory_space<vmem>>, vector<16xf32>,
        tpu.vector_store %arg14[%swap3A_1528, %swap3A_1529], %select_n3A_1527 {strides = array<i32>} : memref<8x128xf32, #tpu.memory_space<vmem>>, vector<16xf32>,
        %broadcast_in_dim3A_1531 = arith.constant 0.000000e+00 : f32
        %broadcast_in_dim3A_1532 = vector.broadcast %broadcast_in_dim3A_1531 : f32 to vector<16xf32>
        %mul3A_1533 = arith.constant 50 : i32
        %mul3A_1534 = arith.muli %scan3A_425, %mul3A_1533 : i32
        %add3A_1535 = arith.constant 32 : i32
        %add3A_1536 = arith.addi %mul3A_1534, %add3A_1535 : i32
        %add3A_1537 = arith.constant 0 : i32
        %add3A_1538 = arith.addi %add3A_1536, %add3A_1537 : i32
        %get3A_1539 = arith.index_cast %add3A_1538 : i32 to index
        %get3A_1540 = arith.constant 0 : index
        %get3A_1541 = tpu.vector_load %arg12[%get3A_1539, %get3A_1540] {strides = array<i32>} : memref<400x128xf32, #tpu.memory_space<vmem>>, vector<16xf32>,
        %mul3A_1542 = arith.mulf %get3A_428, %get3A_1541 : vector<16xf32>
        %get3A_1543 = arith.index_cast %add3A_1538 : i32 to index
        %get3A_1544 = arith.constant 16 : index
        %get3A_1545 = tpu.vector_load %arg12[%get3A_1543, %get3A_1544] {strides = array<i32>} : memref<400x128xf32, #tpu.memory_space<vmem>>, vector<16xf32>,
        %mul3A_1546 = arith.mulf %get3A_431, %get3A_1545 : vector<16xf32>
        %add3A_1547 = arith.addf %mul3A_1542, %mul3A_1546 : vector<16xf32>
        %get3A_1548 = arith.index_cast %add3A_1538 : i32 to index
        %get3A_1549 = arith.constant 32 : index
        %get3A_1550 = tpu.vector_load %arg12[%get3A_1548, %get3A_1549] {strides = array<i32>} : memref<400x128xf32, #tpu.memory_space<vmem>>, vector<16xf32>,
        %mul3A_1551 = arith.mulf %get3A_434, %get3A_1550 : vector<16xf32>
        %add3A_1552 = arith.addf %add3A_1547, %mul3A_1551 : vector<16xf32>
        %get3A_1553 = arith.index_cast %add3A_1538 : i32 to index
        %get3A_1554 = arith.constant 48 : index
        %get3A_1555 = tpu.vector_load %arg12[%get3A_1553, %get3A_1554] {strides = array<i32>} : memref<400x128xf32, #tpu.memory_space<vmem>>, vector<16xf32>,
        %mul3A_1556 = arith.mulf %get3A_437, %get3A_1555 : vector<16xf32>
        %add3A_1557 = arith.addf %add3A_1552, %mul3A_1556 : vector<16xf32>
        %reduce_sum3A_1558 = arith.constant true
        %reduce_sum3A_1559 = vector.broadcast %reduce_sum3A_1558 : i1 to vector<16xi1>
        %reduce_sum3A_1560 = tpu.scan <sum>, %add3A_1557 masked %reduce_sum3A_1559 : vector<16xf32>, vector<16xi1> -> vector<16xf32>
        %reduce_sum3A_1561 = vector.extract %reduce_sum3A_1560[15] : f32 from vector<16xf32>
        %eq3A_1562 = arith.constant 0 : i32
        %eq3A_1563 = vector.broadcast %eq3A_1562 : i32 to vector<16xi32>
        %eq3A_1564 = arith.cmpi eq, %iota3A, %eq3A_1563 : vector<16xi32>
        %broadcast_in_dim3A_1565 = vector.broadcast %reduce_sum3A_1561 : f32 to vector<16xf32>
        %select_n3A_1566 = arith.select %eq3A_1564, %broadcast_in_dim3A_1565, %broadcast_in_dim3A_1532 : vector<16xi1>, vector<16xf32>
        %mul3A_1567 = arith.constant 50 : i32
        %mul3A_1568 = arith.muli %scan3A_425, %mul3A_1567 : i32
        %add3A_1569 = arith.constant 32 : i32
        %add3A_1570 = arith.addi %mul3A_1568, %add3A_1569 : i32
        %add3A_1571 = arith.constant 1 : i32
        %add3A_1572 = arith.addi %add3A_1570, %add3A_1571 : i32
        %get3A_1573 = arith.index_cast %add3A_1572 : i32 to index
        %get3A_1574 = arith.constant 0 : index
        %get3A_1575 = tpu.vector_load %arg12[%get3A_1573, %get3A_1574] {strides = array<i32>} : memref<400x128xf32, #tpu.memory_space<vmem>>, vector<16xf32>,
        %mul3A_1576 = arith.mulf %get3A_428, %get3A_1575 : vector<16xf32>
        %get3A_1577 = arith.index_cast %add3A_1572 : i32 to index
        %get3A_1578 = arith.constant 16 : index
        %get3A_1579 = tpu.vector_load %arg12[%get3A_1577, %get3A_1578] {strides = array<i32>} : memref<400x128xf32, #tpu.memory_space<vmem>>, vector<16xf32>,
        %mul3A_1580 = arith.mulf %get3A_431, %get3A_1579 : vector<16xf32>
        %add3A_1581 = arith.addf %mul3A_1576, %mul3A_1580 : vector<16xf32>
        %get3A_1582 = arith.index_cast %add3A_1572 : i32 to index
        %get3A_1583 = arith.constant 32 : index
        %get3A_1584 = tpu.vector_load %arg12[%get3A_1582, %get3A_1583] {strides = array<i32>} : memref<400x128xf32, #tpu.memory_space<vmem>>, vector<16xf32>,
        %mul3A_1585 = arith.mulf %get3A_434, %get3A_1584 : vector<16xf32>
        %add3A_1586 = arith.addf %add3A_1581, %mul3A_1585 : vector<16xf32>
        %get3A_1587 = arith.index_cast %add3A_1572 : i32 to index
        %get3A_1588 = arith.constant 48 : index
        %get3A_1589 = tpu.vector_load %arg12[%get3A_1587, %get3A_1588] {strides = array<i32>} : memref<400x128xf32, #tpu.memory_space<vmem>>, vector<16xf32>,
        %mul3A_1590 = arith.mulf %get3A_437, %get3A_1589 : vector<16xf32>
        %add3A_1591 = arith.addf %add3A_1586, %mul3A_1590 : vector<16xf32>
        %reduce_sum3A_1592 = arith.constant true
        %reduce_sum3A_1593 = vector.broadcast %reduce_sum3A_1592 : i1 to vector<16xi1>
        %reduce_sum3A_1594 = tpu.scan <sum>, %add3A_1591 masked %reduce_sum3A_1593 : vector<16xf32>, vector<16xi1> -> vector<16xf32>
        %reduce_sum3A_1595 = vector.extract %reduce_sum3A_1594[15] : f32 from vector<16xf32>
        %eq3A_1596 = arith.constant 1 : i32
        %eq3A_1597 = vector.broadcast %eq3A_1596 : i32 to vector<16xi32>
        %eq3A_1598 = arith.cmpi eq, %iota3A, %eq3A_1597 : vector<16xi32>
        %broadcast_in_dim3A_1599 = vector.broadcast %reduce_sum3A_1595 : f32 to vector<16xf32>
        %select_n3A_1600 = arith.select %eq3A_1598, %broadcast_in_dim3A_1599, %select_n3A_1566 : vector<16xi1>, vector<16xf32>
        %mul3A_1601 = arith.constant 50 : i32
        %mul3A_1602 = arith.muli %scan3A_425, %mul3A_1601 : i32
        %add3A_1603 = arith.constant 32 : i32
        %add3A_1604 = arith.addi %mul3A_1602, %add3A_1603 : i32
        %add3A_1605 = arith.constant 2 : i32
        %add3A_1606 = arith.addi %add3A_1604, %add3A_1605 : i32
        %get3A_1607 = arith.index_cast %add3A_1606 : i32 to index
        %get3A_1608 = arith.constant 0 : index
        %get3A_1609 = tpu.vector_load %arg12[%get3A_1607, %get3A_1608] {strides = array<i32>} : memref<400x128xf32, #tpu.memory_space<vmem>>, vector<16xf32>,
        %mul3A_1610 = arith.mulf %get3A_428, %get3A_1609 : vector<16xf32>
        %get3A_1611 = arith.index_cast %add3A_1606 : i32 to index
        %get3A_1612 = arith.constant 16 : index
        %get3A_1613 = tpu.vector_load %arg12[%get3A_1611, %get3A_1612] {strides = array<i32>} : memref<400x128xf32, #tpu.memory_space<vmem>>, vector<16xf32>,
        %mul3A_1614 = arith.mulf %get3A_431, %get3A_1613 : vector<16xf32>
        %add3A_1615 = arith.addf %mul3A_1610, %mul3A_1614 : vector<16xf32>
        %get3A_1616 = arith.index_cast %add3A_1606 : i32 to index
        %get3A_1617 = arith.constant 32 : index
        %get3A_1618 = tpu.vector_load %arg12[%get3A_1616, %get3A_1617] {strides = array<i32>} : memref<400x128xf32, #tpu.memory_space<vmem>>, vector<16xf32>,
        %mul3A_1619 = arith.mulf %get3A_434, %get3A_1618 : vector<16xf32>
        %add3A_1620 = arith.addf %add3A_1615, %mul3A_1619 : vector<16xf32>
        %get3A_1621 = arith.index_cast %add3A_1606 : i32 to index
        %get3A_1622 = arith.constant 48 : index
        %get3A_1623 = tpu.vector_load %arg12[%get3A_1621, %get3A_1622] {strides = array<i32>} : memref<400x128xf32, #tpu.memory_space<vmem>>, vector<16xf32>,
        %mul3A_1624 = arith.mulf %get3A_437, %get3A_1623 : vector<16xf32>
        %add3A_1625 = arith.addf %add3A_1620, %mul3A_1624 : vector<16xf32>
        %reduce_sum3A_1626 = arith.constant true
        %reduce_sum3A_1627 = vector.broadcast %reduce_sum3A_1626 : i1 to vector<16xi1>
        %reduce_sum3A_1628 = tpu.scan <sum>, %add3A_1625 masked %reduce_sum3A_1627 : vector<16xf32>, vector<16xi1> -> vector<16xf32>
        %reduce_sum3A_1629 = vector.extract %reduce_sum3A_1628[15] : f32 from vector<16xf32>
        %eq3A_1630 = arith.constant 2 : i32
        %eq3A_1631 = vector.broadcast %eq3A_1630 : i32 to vector<16xi32>
        %eq3A_1632 = arith.cmpi eq, %iota3A, %eq3A_1631 : vector<16xi32>
        %broadcast_in_dim3A_1633 = vector.broadcast %reduce_sum3A_1629 : f32 to vector<16xf32>
        %select_n3A_1634 = arith.select %eq3A_1632, %broadcast_in_dim3A_1633, %select_n3A_1600 : vector<16xi1>, vector<16xf32>
        %mul3A_1635 = arith.constant 50 : i32
        %mul3A_1636 = arith.muli %scan3A_425, %mul3A_1635 : i32
        %add3A_1637 = arith.constant 32 : i32
        %add3A_1638 = arith.addi %mul3A_1636, %add3A_1637 : i32
        %add3A_1639 = arith.constant 3 : i32
        %add3A_1640 = arith.addi %add3A_1638, %add3A_1639 : i32
        %get3A_1641 = arith.index_cast %add3A_1640 : i32 to index
        %get3A_1642 = arith.constant 0 : index
        %get3A_1643 = tpu.vector_load %arg12[%get3A_1641, %get3A_1642] {strides = array<i32>} : memref<400x128xf32, #tpu.memory_space<vmem>>, vector<16xf32>,
        %mul3A_1644 = arith.mulf %get3A_428, %get3A_1643 : vector<16xf32>
        %get3A_1645 = arith.index_cast %add3A_1640 : i32 to index
        %get3A_1646 = arith.constant 16 : index
        %get3A_1647 = tpu.vector_load %arg12[%get3A_1645, %get3A_1646] {strides = array<i32>} : memref<400x128xf32, #tpu.memory_space<vmem>>, vector<16xf32>,
        %mul3A_1648 = arith.mulf %get3A_431, %get3A_1647 : vector<16xf32>
        %add3A_1649 = arith.addf %mul3A_1644, %mul3A_1648 : vector<16xf32>
        %get3A_1650 = arith.index_cast %add3A_1640 : i32 to index
        %get3A_1651 = arith.constant 32 : index
        %get3A_1652 = tpu.vector_load %arg12[%get3A_1650, %get3A_1651] {strides = array<i32>} : memref<400x128xf32, #tpu.memory_space<vmem>>, vector<16xf32>,
        %mul3A_1653 = arith.mulf %get3A_434, %get3A_1652 : vector<16xf32>
        %add3A_1654 = arith.addf %add3A_1649, %mul3A_1653 : vector<16xf32>
        %get3A_1655 = arith.index_cast %add3A_1640 : i32 to index
        %get3A_1656 = arith.constant 48 : index
        %get3A_1657 = tpu.vector_load %arg12[%get3A_1655, %get3A_1656] {strides = array<i32>} : memref<400x128xf32, #tpu.memory_space<vmem>>, vector<16xf32>,
        %mul3A_1658 = arith.mulf %get3A_437, %get3A_1657 : vector<16xf32>
        %add3A_1659 = arith.addf %add3A_1654, %mul3A_1658 : vector<16xf32>
        %reduce_sum3A_1660 = arith.constant true
        %reduce_sum3A_1661 = vector.broadcast %reduce_sum3A_1660 : i1 to vector<16xi1>
        %reduce_sum3A_1662 = tpu.scan <sum>, %add3A_1659 masked %reduce_sum3A_1661 : vector<16xf32>, vector<16xi1> -> vector<16xf32>
        %reduce_sum3A_1663 = vector.extract %reduce_sum3A_1662[15] : f32 from vector<16xf32>
        %eq3A_1664 = arith.constant 3 : i32
        %eq3A_1665 = vector.broadcast %eq3A_1664 : i32 to vector<16xi32>
        %eq3A_1666 = arith.cmpi eq, %iota3A, %eq3A_1665 : vector<16xi32>
        %broadcast_in_dim3A_1667 = vector.broadcast %reduce_sum3A_1663 : f32 to vector<16xf32>
        %select_n3A_1668 = arith.select %eq3A_1666, %broadcast_in_dim3A_1667, %select_n3A_1634 : vector<16xi1>, vector<16xf32>
        %mul3A_1669 = arith.constant 50 : i32
        %mul3A_1670 = arith.muli %scan3A_425, %mul3A_1669 : i32
        %add3A_1671 = arith.constant 32 : i32
        %add3A_1672 = arith.addi %mul3A_1670, %add3A_1671 : i32
        %add3A_1673 = arith.constant 4 : i32
        %add3A_1674 = arith.addi %add3A_1672, %add3A_1673 : i32
        %get3A_1675 = arith.index_cast %add3A_1674 : i32 to index
        %get3A_1676 = arith.constant 0 : index
        %get3A_1677 = tpu.vector_load %arg12[%get3A_1675, %get3A_1676] {strides = array<i32>} : memref<400x128xf32, #tpu.memory_space<vmem>>, vector<16xf32>,
        %mul3A_1678 = arith.mulf %get3A_428, %get3A_1677 : vector<16xf32>
        %get3A_1679 = arith.index_cast %add3A_1674 : i32 to index
        %get3A_1680 = arith.constant 16 : index
        %get3A_1681 = tpu.vector_load %arg12[%get3A_1679, %get3A_1680] {strides = array<i32>} : memref<400x128xf32, #tpu.memory_space<vmem>>, vector<16xf32>,
        %mul3A_1682 = arith.mulf %get3A_431, %get3A_1681 : vector<16xf32>
        %add3A_1683 = arith.addf %mul3A_1678, %mul3A_1682 : vector<16xf32>
        %get3A_1684 = arith.index_cast %add3A_1674 : i32 to index
        %get3A_1685 = arith.constant 32 : index
        %get3A_1686 = tpu.vector_load %arg12[%get3A_1684, %get3A_1685] {strides = array<i32>} : memref<400x128xf32, #tpu.memory_space<vmem>>, vector<16xf32>,
        %mul3A_1687 = arith.mulf %get3A_434, %get3A_1686 : vector<16xf32>
        %add3A_1688 = arith.addf %add3A_1683, %mul3A_1687 : vector<16xf32>
        %get3A_1689 = arith.index_cast %add3A_1674 : i32 to index
        %get3A_1690 = arith.constant 48 : index
        %get3A_1691 = tpu.vector_load %arg12[%get3A_1689, %get3A_1690] {strides = array<i32>} : memref<400x128xf32, #tpu.memory_space<vmem>>, vector<16xf32>,
        %mul3A_1692 = arith.mulf %get3A_437, %get3A_1691 : vector<16xf32>
        %add3A_1693 = arith.addf %add3A_1688, %mul3A_1692 : vector<16xf32>
        %reduce_sum3A_1694 = arith.constant true
        %reduce_sum3A_1695 = vector.broadcast %reduce_sum3A_1694 : i1 to vector<16xi1>
        %reduce_sum3A_1696 = tpu.scan <sum>, %add3A_1693 masked %reduce_sum3A_1695 : vector<16xf32>, vector<16xi1> -> vector<16xf32>
        %reduce_sum3A_1697 = vector.extract %reduce_sum3A_1696[15] : f32 from vector<16xf32>
        %eq3A_1698 = arith.constant 4 : i32
        %eq3A_1699 = vector.broadcast %eq3A_1698 : i32 to vector<16xi32>
        %eq3A_1700 = arith.cmpi eq, %iota3A, %eq3A_1699 : vector<16xi32>
        %broadcast_in_dim3A_1701 = vector.broadcast %reduce_sum3A_1697 : f32 to vector<16xf32>
        %select_n3A_1702 = arith.select %eq3A_1700, %broadcast_in_dim3A_1701, %select_n3A_1668 : vector<16xi1>, vector<16xf32>
        %mul3A_1703 = arith.constant 50 : i32
        %mul3A_1704 = arith.muli %scan3A_425, %mul3A_1703 : i32
        %add3A_1705 = arith.constant 32 : i32
        %add3A_1706 = arith.addi %mul3A_1704, %add3A_1705 : i32
        %add3A_1707 = arith.constant 5 : i32
        %add3A_1708 = arith.addi %add3A_1706, %add3A_1707 : i32
        %get3A_1709 = arith.index_cast %add3A_1708 : i32 to index
        %get3A_1710 = arith.constant 0 : index
        %get3A_1711 = tpu.vector_load %arg12[%get3A_1709, %get3A_1710] {strides = array<i32>} : memref<400x128xf32, #tpu.memory_space<vmem>>, vector<16xf32>,
        %mul3A_1712 = arith.mulf %get3A_428, %get3A_1711 : vector<16xf32>
        %get3A_1713 = arith.index_cast %add3A_1708 : i32 to index
        %get3A_1714 = arith.constant 16 : index
        %get3A_1715 = tpu.vector_load %arg12[%get3A_1713, %get3A_1714] {strides = array<i32>} : memref<400x128xf32, #tpu.memory_space<vmem>>, vector<16xf32>,
        %mul3A_1716 = arith.mulf %get3A_431, %get3A_1715 : vector<16xf32>
        %add3A_1717 = arith.addf %mul3A_1712, %mul3A_1716 : vector<16xf32>
        %get3A_1718 = arith.index_cast %add3A_1708 : i32 to index
        %get3A_1719 = arith.constant 32 : index
        %get3A_1720 = tpu.vector_load %arg12[%get3A_1718, %get3A_1719] {strides = array<i32>} : memref<400x128xf32, #tpu.memory_space<vmem>>, vector<16xf32>,
        %mul3A_1721 = arith.mulf %get3A_434, %get3A_1720 : vector<16xf32>
        %add3A_1722 = arith.addf %add3A_1717, %mul3A_1721 : vector<16xf32>
        %get3A_1723 = arith.index_cast %add3A_1708 : i32 to index
        %get3A_1724 = arith.constant 48 : index
        %get3A_1725 = tpu.vector_load %arg12[%get3A_1723, %get3A_1724] {strides = array<i32>} : memref<400x128xf32, #tpu.memory_space<vmem>>, vector<16xf32>,
        %mul3A_1726 = arith.mulf %get3A_437, %get3A_1725 : vector<16xf32>
        %add3A_1727 = arith.addf %add3A_1722, %mul3A_1726 : vector<16xf32>
        %reduce_sum3A_1728 = arith.constant true
        %reduce_sum3A_1729 = vector.broadcast %reduce_sum3A_1728 : i1 to vector<16xi1>
        %reduce_sum3A_1730 = tpu.scan <sum>, %add3A_1727 masked %reduce_sum3A_1729 : vector<16xf32>, vector<16xi1> -> vector<16xf32>
        %reduce_sum3A_1731 = vector.extract %reduce_sum3A_1730[15] : f32 from vector<16xf32>
        %eq3A_1732 = arith.constant 5 : i32
        %eq3A_1733 = vector.broadcast %eq3A_1732 : i32 to vector<16xi32>
        %eq3A_1734 = arith.cmpi eq, %iota3A, %eq3A_1733 : vector<16xi32>
        %broadcast_in_dim3A_1735 = vector.broadcast %reduce_sum3A_1731 : f32 to vector<16xf32>
        %select_n3A_1736 = arith.select %eq3A_1734, %broadcast_in_dim3A_1735, %select_n3A_1702 : vector<16xi1>, vector<16xf32>
        %mul3A_1737 = arith.constant 50 : i32
        %mul3A_1738 = arith.muli %scan3A_425, %mul3A_1737 : i32
        %add3A_1739 = arith.constant 32 : i32
        %add3A_1740 = arith.addi %mul3A_1738, %add3A_1739 : i32
        %add3A_1741 = arith.constant 6 : i32
        %add3A_1742 = arith.addi %add3A_1740, %add3A_1741 : i32
        %get3A_1743 = arith.index_cast %add3A_1742 : i32 to index
        %get3A_1744 = arith.constant 0 : index
        %get3A_1745 = tpu.vector_load %arg12[%get3A_1743, %get3A_1744] {strides = array<i32>} : memref<400x128xf32, #tpu.memory_space<vmem>>, vector<16xf32>,
        %mul3A_1746 = arith.mulf %get3A_428, %get3A_1745 : vector<16xf32>
        %get3A_1747 = arith.index_cast %add3A_1742 : i32 to index
        %get3A_1748 = arith.constant 16 : index
        %get3A_1749 = tpu.vector_load %arg12[%get3A_1747, %get3A_1748] {strides = array<i32>} : memref<400x128xf32, #tpu.memory_space<vmem>>, vector<16xf32>,
        %mul3A_1750 = arith.mulf %get3A_431, %get3A_1749 : vector<16xf32>
        %add3A_1751 = arith.addf %mul3A_1746, %mul3A_1750 : vector<16xf32>
        %get3A_1752 = arith.index_cast %add3A_1742 : i32 to index
        %get3A_1753 = arith.constant 32 : index
        %get3A_1754 = tpu.vector_load %arg12[%get3A_1752, %get3A_1753] {strides = array<i32>} : memref<400x128xf32, #tpu.memory_space<vmem>>, vector<16xf32>,
        %mul3A_1755 = arith.mulf %get3A_434, %get3A_1754 : vector<16xf32>
        %add3A_1756 = arith.addf %add3A_1751, %mul3A_1755 : vector<16xf32>
        %get3A_1757 = arith.index_cast %add3A_1742 : i32 to index
        %get3A_1758 = arith.constant 48 : index
        %get3A_1759 = tpu.vector_load %arg12[%get3A_1757, %get3A_1758] {strides = array<i32>} : memref<400x128xf32, #tpu.memory_space<vmem>>, vector<16xf32>,
        %mul3A_1760 = arith.mulf %get3A_437, %get3A_1759 : vector<16xf32>
        %add3A_1761 = arith.addf %add3A_1756, %mul3A_1760 : vector<16xf32>
        %reduce_sum3A_1762 = arith.constant true
        %reduce_sum3A_1763 = vector.broadcast %reduce_sum3A_1762 : i1 to vector<16xi1>
        %reduce_sum3A_1764 = tpu.scan <sum>, %add3A_1761 masked %reduce_sum3A_1763 : vector<16xf32>, vector<16xi1> -> vector<16xf32>
        %reduce_sum3A_1765 = vector.extract %reduce_sum3A_1764[15] : f32 from vector<16xf32>
        %eq3A_1766 = arith.constant 6 : i32
        %eq3A_1767 = vector.broadcast %eq3A_1766 : i32 to vector<16xi32>
        %eq3A_1768 = arith.cmpi eq, %iota3A, %eq3A_1767 : vector<16xi32>
        %broadcast_in_dim3A_1769 = vector.broadcast %reduce_sum3A_1765 : f32 to vector<16xf32>
        %select_n3A_1770 = arith.select %eq3A_1768, %broadcast_in_dim3A_1769, %select_n3A_1736 : vector<16xi1>, vector<16xf32>
        %mul3A_1771 = arith.constant 50 : i32
        %mul3A_1772 = arith.muli %scan3A_425, %mul3A_1771 : i32
        %add3A_1773 = arith.constant 32 : i32
        %add3A_1774 = arith.addi %mul3A_1772, %add3A_1773 : i32
        %add3A_1775 = arith.constant 7 : i32
        %add3A_1776 = arith.addi %add3A_1774, %add3A_1775 : i32
        %get3A_1777 = arith.index_cast %add3A_1776 : i32 to index
        %get3A_1778 = arith.constant 0 : index
        %get3A_1779 = tpu.vector_load %arg12[%get3A_1777, %get3A_1778] {strides = array<i32>} : memref<400x128xf32, #tpu.memory_space<vmem>>, vector<16xf32>,
        %mul3A_1780 = arith.mulf %get3A_428, %get3A_1779 : vector<16xf32>
        %get3A_1781 = arith.index_cast %add3A_1776 : i32 to index
        %get3A_1782 = arith.constant 16 : index
        %get3A_1783 = tpu.vector_load %arg12[%get3A_1781, %get3A_1782] {strides = array<i32>} : memref<400x128xf32, #tpu.memory_space<vmem>>, vector<16xf32>,
        %mul3A_1784 = arith.mulf %get3A_431, %get3A_1783 : vector<16xf32>
        %add3A_1785 = arith.addf %mul3A_1780, %mul3A_1784 : vector<16xf32>
        %get3A_1786 = arith.index_cast %add3A_1776 : i32 to index
        %get3A_1787 = arith.constant 32 : index
        %get3A_1788 = tpu.vector_load %arg12[%get3A_1786, %get3A_1787] {strides = array<i32>} : memref<400x128xf32, #tpu.memory_space<vmem>>, vector<16xf32>,
        %mul3A_1789 = arith.mulf %get3A_434, %get3A_1788 : vector<16xf32>
        %add3A_1790 = arith.addf %add3A_1785, %mul3A_1789 : vector<16xf32>
        %get3A_1791 = arith.index_cast %add3A_1776 : i32 to index
        %get3A_1792 = arith.constant 48 : index
        %get3A_1793 = tpu.vector_load %arg12[%get3A_1791, %get3A_1792] {strides = array<i32>} : memref<400x128xf32, #tpu.memory_space<vmem>>, vector<16xf32>,
        %mul3A_1794 = arith.mulf %get3A_437, %get3A_1793 : vector<16xf32>
        %add3A_1795 = arith.addf %add3A_1790, %mul3A_1794 : vector<16xf32>
        %reduce_sum3A_1796 = arith.constant true
        %reduce_sum3A_1797 = vector.broadcast %reduce_sum3A_1796 : i1 to vector<16xi1>
        %reduce_sum3A_1798 = tpu.scan <sum>, %add3A_1795 masked %reduce_sum3A_1797 : vector<16xf32>, vector<16xi1> -> vector<16xf32>
        %reduce_sum3A_1799 = vector.extract %reduce_sum3A_1798[15] : f32 from vector<16xf32>
        %eq3A_1800 = arith.constant 7 : i32
        %eq3A_1801 = vector.broadcast %eq3A_1800 : i32 to vector<16xi32>
        %eq3A_1802 = arith.cmpi eq, %iota3A, %eq3A_1801 : vector<16xi32>
        %broadcast_in_dim3A_1803 = vector.broadcast %reduce_sum3A_1799 : f32 to vector<16xf32>
        %select_n3A_1804 = arith.select %eq3A_1802, %broadcast_in_dim3A_1803, %select_n3A_1770 : vector<16xi1>, vector<16xf32>
        %mul3A_1805 = arith.constant 50 : i32
        %mul3A_1806 = arith.muli %scan3A_425, %mul3A_1805 : i32
        %add3A_1807 = arith.constant 32 : i32
        %add3A_1808 = arith.addi %mul3A_1806, %add3A_1807 : i32
        %add3A_1809 = arith.constant 8 : i32
        %add3A_1810 = arith.addi %add3A_1808, %add3A_1809 : i32
        %get3A_1811 = arith.index_cast %add3A_1810 : i32 to index
        %get3A_1812 = arith.constant 0 : index
        %get3A_1813 = tpu.vector_load %arg12[%get3A_1811, %get3A_1812] {strides = array<i32>} : memref<400x128xf32, #tpu.memory_space<vmem>>, vector<16xf32>,
        %mul3A_1814 = arith.mulf %get3A_428, %get3A_1813 : vector<16xf32>
        %get3A_1815 = arith.index_cast %add3A_1810 : i32 to index
        %get3A_1816 = arith.constant 16 : index
        %get3A_1817 = tpu.vector_load %arg12[%get3A_1815, %get3A_1816] {strides = array<i32>} : memref<400x128xf32, #tpu.memory_space<vmem>>, vector<16xf32>,
        %mul3A_1818 = arith.mulf %get3A_431, %get3A_1817 : vector<16xf32>
        %add3A_1819 = arith.addf %mul3A_1814, %mul3A_1818 : vector<16xf32>
        %get3A_1820 = arith.index_cast %add3A_1810 : i32 to index
        %get3A_1821 = arith.constant 32 : index
        %get3A_1822 = tpu.vector_load %arg12[%get3A_1820, %get3A_1821] {strides = array<i32>} : memref<400x128xf32, #tpu.memory_space<vmem>>, vector<16xf32>,
        %mul3A_1823 = arith.mulf %get3A_434, %get3A_1822 : vector<16xf32>
        %add3A_1824 = arith.addf %add3A_1819, %mul3A_1823 : vector<16xf32>
        %get3A_1825 = arith.index_cast %add3A_1810 : i32 to index
        %get3A_1826 = arith.constant 48 : index
        %get3A_1827 = tpu.vector_load %arg12[%get3A_1825, %get3A_1826] {strides = array<i32>} : memref<400x128xf32, #tpu.memory_space<vmem>>, vector<16xf32>,
        %mul3A_1828 = arith.mulf %get3A_437, %get3A_1827 : vector<16xf32>
        %add3A_1829 = arith.addf %add3A_1824, %mul3A_1828 : vector<16xf32>
        %reduce_sum3A_1830 = arith.constant true
        %reduce_sum3A_1831 = vector.broadcast %reduce_sum3A_1830 : i1 to vector<16xi1>
        %reduce_sum3A_1832 = tpu.scan <sum>, %add3A_1829 masked %reduce_sum3A_1831 : vector<16xf32>, vector<16xi1> -> vector<16xf32>
        %reduce_sum3A_1833 = vector.extract %reduce_sum3A_1832[15] : f32 from vector<16xf32>
        %eq3A_1834 = arith.constant 8 : i32
        %eq3A_1835 = vector.broadcast %eq3A_1834 : i32 to vector<16xi32>
        %eq3A_1836 = arith.cmpi eq, %iota3A, %eq3A_1835 : vector<16xi32>
        %broadcast_in_dim3A_1837 = vector.broadcast %reduce_sum3A_1833 : f32 to vector<16xf32>
        %select_n3A_1838 = arith.select %eq3A_1836, %broadcast_in_dim3A_1837, %select_n3A_1804 : vector<16xi1>, vector<16xf32>
        %mul3A_1839 = arith.constant 50 : i32
        %mul3A_1840 = arith.muli %scan3A_425, %mul3A_1839 : i32
        %add3A_1841 = arith.constant 32 : i32
        %add3A_1842 = arith.addi %mul3A_1840, %add3A_1841 : i32
        %add3A_1843 = arith.constant 9 : i32
        %add3A_1844 = arith.addi %add3A_1842, %add3A_1843 : i32
        %get3A_1845 = arith.index_cast %add3A_1844 : i32 to index
        %get3A_1846 = arith.constant 0 : index
        %get3A_1847 = tpu.vector_load %arg12[%get3A_1845, %get3A_1846] {strides = array<i32>} : memref<400x128xf32, #tpu.memory_space<vmem>>, vector<16xf32>,
        %mul3A_1848 = arith.mulf %get3A_428, %get3A_1847 : vector<16xf32>
        %get3A_1849 = arith.index_cast %add3A_1844 : i32 to index
        %get3A_1850 = arith.constant 16 : index
        %get3A_1851 = tpu.vector_load %arg12[%get3A_1849, %get3A_1850] {strides = array<i32>} : memref<400x128xf32, #tpu.memory_space<vmem>>, vector<16xf32>,
        %mul3A_1852 = arith.mulf %get3A_431, %get3A_1851 : vector<16xf32>
        %add3A_1853 = arith.addf %mul3A_1848, %mul3A_1852 : vector<16xf32>
        %get3A_1854 = arith.index_cast %add3A_1844 : i32 to index
        %get3A_1855 = arith.constant 32 : index
        %get3A_1856 = tpu.vector_load %arg12[%get3A_1854, %get3A_1855] {strides = array<i32>} : memref<400x128xf32, #tpu.memory_space<vmem>>, vector<16xf32>,
        %mul3A_1857 = arith.mulf %get3A_434, %get3A_1856 : vector<16xf32>
        %add3A_1858 = arith.addf %add3A_1853, %mul3A_1857 : vector<16xf32>
        %get3A_1859 = arith.index_cast %add3A_1844 : i32 to index
        %get3A_1860 = arith.constant 48 : index
        %get3A_1861 = tpu.vector_load %arg12[%get3A_1859, %get3A_1860] {strides = array<i32>} : memref<400x128xf32, #tpu.memory_space<vmem>>, vector<16xf32>,
        %mul3A_1862 = arith.mulf %get3A_437, %get3A_1861 : vector<16xf32>
        %add3A_1863 = arith.addf %add3A_1858, %mul3A_1862 : vector<16xf32>
        %reduce_sum3A_1864 = arith.constant true
        %reduce_sum3A_1865 = vector.broadcast %reduce_sum3A_1864 : i1 to vector<16xi1>
        %reduce_sum3A_1866 = tpu.scan <sum>, %add3A_1863 masked %reduce_sum3A_1865 : vector<16xf32>, vector<16xi1> -> vector<16xf32>
        %reduce_sum3A_1867 = vector.extract %reduce_sum3A_1866[15] : f32 from vector<16xf32>
        %eq3A_1868 = arith.constant 9 : i32
        %eq3A_1869 = vector.broadcast %eq3A_1868 : i32 to vector<16xi32>
        %eq3A_1870 = arith.cmpi eq, %iota3A, %eq3A_1869 : vector<16xi32>
        %broadcast_in_dim3A_1871 = vector.broadcast %reduce_sum3A_1867 : f32 to vector<16xf32>
        %select_n3A_1872 = arith.select %eq3A_1870, %broadcast_in_dim3A_1871, %select_n3A_1838 : vector<16xi1>, vector<16xf32>
        %mul3A_1873 = arith.constant 50 : i32
        %mul3A_1874 = arith.muli %scan3A_425, %mul3A_1873 : i32
        %add3A_1875 = arith.constant 32 : i32
        %add3A_1876 = arith.addi %mul3A_1874, %add3A_1875 : i32
        %add3A_1877 = arith.constant 10 : i32
        %add3A_1878 = arith.addi %add3A_1876, %add3A_1877 : i32
        %get3A_1879 = arith.index_cast %add3A_1878 : i32 to index
        %get3A_1880 = arith.constant 0 : index
        %get3A_1881 = tpu.vector_load %arg12[%get3A_1879, %get3A_1880] {strides = array<i32>} : memref<400x128xf32, #tpu.memory_space<vmem>>, vector<16xf32>,
        %mul3A_1882 = arith.mulf %get3A_428, %get3A_1881 : vector<16xf32>
        %get3A_1883 = arith.index_cast %add3A_1878 : i32 to index
        %get3A_1884 = arith.constant 16 : index
        %get3A_1885 = tpu.vector_load %arg12[%get3A_1883, %get3A_1884] {strides = array<i32>} : memref<400x128xf32, #tpu.memory_space<vmem>>, vector<16xf32>,
        %mul3A_1886 = arith.mulf %get3A_431, %get3A_1885 : vector<16xf32>
        %add3A_1887 = arith.addf %mul3A_1882, %mul3A_1886 : vector<16xf32>
        %get3A_1888 = arith.index_cast %add3A_1878 : i32 to index
        %get3A_1889 = arith.constant 32 : index
        %get3A_1890 = tpu.vector_load %arg12[%get3A_1888, %get3A_1889] {strides = array<i32>} : memref<400x128xf32, #tpu.memory_space<vmem>>, vector<16xf32>,
        %mul3A_1891 = arith.mulf %get3A_434, %get3A_1890 : vector<16xf32>
        %add3A_1892 = arith.addf %add3A_1887, %mul3A_1891 : vector<16xf32>
        %get3A_1893 = arith.index_cast %add3A_1878 : i32 to index
        %get3A_1894 = arith.constant 48 : index
        %get3A_1895 = tpu.vector_load %arg12[%get3A_1893, %get3A_1894] {strides = array<i32>} : memref<400x128xf32, #tpu.memory_space<vmem>>, vector<16xf32>,
        %mul3A_1896 = arith.mulf %get3A_437, %get3A_1895 : vector<16xf32>
        %add3A_1897 = arith.addf %add3A_1892, %mul3A_1896 : vector<16xf32>
        %reduce_sum3A_1898 = arith.constant true
        %reduce_sum3A_1899 = vector.broadcast %reduce_sum3A_1898 : i1 to vector<16xi1>
        %reduce_sum3A_1900 = tpu.scan <sum>, %add3A_1897 masked %reduce_sum3A_1899 : vector<16xf32>, vector<16xi1> -> vector<16xf32>
        %reduce_sum3A_1901 = vector.extract %reduce_sum3A_1900[15] : f32 from vector<16xf32>
        %eq3A_1902 = arith.constant 10 : i32
        %eq3A_1903 = vector.broadcast %eq3A_1902 : i32 to vector<16xi32>
        %eq3A_1904 = arith.cmpi eq, %iota3A, %eq3A_1903 : vector<16xi32>
        %broadcast_in_dim3A_1905 = vector.broadcast %reduce_sum3A_1901 : f32 to vector<16xf32>
        %select_n3A_1906 = arith.select %eq3A_1904, %broadcast_in_dim3A_1905, %select_n3A_1872 : vector<16xi1>, vector<16xf32>
        %mul3A_1907 = arith.constant 50 : i32
        %mul3A_1908 = arith.muli %scan3A_425, %mul3A_1907 : i32
        %add3A_1909 = arith.constant 32 : i32
        %add3A_1910 = arith.addi %mul3A_1908, %add3A_1909 : i32
        %add3A_1911 = arith.constant 11 : i32
        %add3A_1912 = arith.addi %add3A_1910, %add3A_1911 : i32
        %get3A_1913 = arith.index_cast %add3A_1912 : i32 to index
        %get3A_1914 = arith.constant 0 : index
        %get3A_1915 = tpu.vector_load %arg12[%get3A_1913, %get3A_1914] {strides = array<i32>} : memref<400x128xf32, #tpu.memory_space<vmem>>, vector<16xf32>,
        %mul3A_1916 = arith.mulf %get3A_428, %get3A_1915 : vector<16xf32>
        %get3A_1917 = arith.index_cast %add3A_1912 : i32 to index
        %get3A_1918 = arith.constant 16 : index
        %get3A_1919 = tpu.vector_load %arg12[%get3A_1917, %get3A_1918] {strides = array<i32>} : memref<400x128xf32, #tpu.memory_space<vmem>>, vector<16xf32>,
        %mul3A_1920 = arith.mulf %get3A_431, %get3A_1919 : vector<16xf32>
        %add3A_1921 = arith.addf %mul3A_1916, %mul3A_1920 : vector<16xf32>
        %get3A_1922 = arith.index_cast %add3A_1912 : i32 to index
        %get3A_1923 = arith.constant 32 : index
        %get3A_1924 = tpu.vector_load %arg12[%get3A_1922, %get3A_1923] {strides = array<i32>} : memref<400x128xf32, #tpu.memory_space<vmem>>, vector<16xf32>,
        %mul3A_1925 = arith.mulf %get3A_434, %get3A_1924 : vector<16xf32>
        %add3A_1926 = arith.addf %add3A_1921, %mul3A_1925 : vector<16xf32>
        %get3A_1927 = arith.index_cast %add3A_1912 : i32 to index
        %get3A_1928 = arith.constant 48 : index
        %get3A_1929 = tpu.vector_load %arg12[%get3A_1927, %get3A_1928] {strides = array<i32>} : memref<400x128xf32, #tpu.memory_space<vmem>>, vector<16xf32>,
        %mul3A_1930 = arith.mulf %get3A_437, %get3A_1929 : vector<16xf32>
        %add3A_1931 = arith.addf %add3A_1926, %mul3A_1930 : vector<16xf32>
        %reduce_sum3A_1932 = arith.constant true
        %reduce_sum3A_1933 = vector.broadcast %reduce_sum3A_1932 : i1 to vector<16xi1>
        %reduce_sum3A_1934 = tpu.scan <sum>, %add3A_1931 masked %reduce_sum3A_1933 : vector<16xf32>, vector<16xi1> -> vector<16xf32>
        %reduce_sum3A_1935 = vector.extract %reduce_sum3A_1934[15] : f32 from vector<16xf32>
        %eq3A_1936 = arith.constant 11 : i32
        %eq3A_1937 = vector.broadcast %eq3A_1936 : i32 to vector<16xi32>
        %eq3A_1938 = arith.cmpi eq, %iota3A, %eq3A_1937 : vector<16xi32>
        %broadcast_in_dim3A_1939 = vector.broadcast %reduce_sum3A_1935 : f32 to vector<16xf32>
        %select_n3A_1940 = arith.select %eq3A_1938, %broadcast_in_dim3A_1939, %select_n3A_1906 : vector<16xi1>, vector<16xf32>
        %mul3A_1941 = arith.constant 50 : i32
        %mul3A_1942 = arith.muli %scan3A_425, %mul3A_1941 : i32
        %add3A_1943 = arith.constant 32 : i32
        %add3A_1944 = arith.addi %mul3A_1942, %add3A_1943 : i32
        %add3A_1945 = arith.constant 12 : i32
        %add3A_1946 = arith.addi %add3A_1944, %add3A_1945 : i32
        %get3A_1947 = arith.index_cast %add3A_1946 : i32 to index
        %get3A_1948 = arith.constant 0 : index
        %get3A_1949 = tpu.vector_load %arg12[%get3A_1947, %get3A_1948] {strides = array<i32>} : memref<400x128xf32, #tpu.memory_space<vmem>>, vector<16xf32>,
        %mul3A_1950 = arith.mulf %get3A_428, %get3A_1949 : vector<16xf32>
        %get3A_1951 = arith.index_cast %add3A_1946 : i32 to index
        %get3A_1952 = arith.constant 16 : index
        %get3A_1953 = tpu.vector_load %arg12[%get3A_1951, %get3A_1952] {strides = array<i32>} : memref<400x128xf32, #tpu.memory_space<vmem>>, vector<16xf32>,
        %mul3A_1954 = arith.mulf %get3A_431, %get3A_1953 : vector<16xf32>
        %add3A_1955 = arith.addf %mul3A_1950, %mul3A_1954 : vector<16xf32>
        %get3A_1956 = arith.index_cast %add3A_1946 : i32 to index
        %get3A_1957 = arith.constant 32 : index
        %get3A_1958 = tpu.vector_load %arg12[%get3A_1956, %get3A_1957] {strides = array<i32>} : memref<400x128xf32, #tpu.memory_space<vmem>>, vector<16xf32>,
        %mul3A_1959 = arith.mulf %get3A_434, %get3A_1958 : vector<16xf32>
        %add3A_1960 = arith.addf %add3A_1955, %mul3A_1959 : vector<16xf32>
        %get3A_1961 = arith.index_cast %add3A_1946 : i32 to index
        %get3A_1962 = arith.constant 48 : index
        %get3A_1963 = tpu.vector_load %arg12[%get3A_1961, %get3A_1962] {strides = array<i32>} : memref<400x128xf32, #tpu.memory_space<vmem>>, vector<16xf32>,
        %mul3A_1964 = arith.mulf %get3A_437, %get3A_1963 : vector<16xf32>
        %add3A_1965 = arith.addf %add3A_1960, %mul3A_1964 : vector<16xf32>
        %reduce_sum3A_1966 = arith.constant true
        %reduce_sum3A_1967 = vector.broadcast %reduce_sum3A_1966 : i1 to vector<16xi1>
        %reduce_sum3A_1968 = tpu.scan <sum>, %add3A_1965 masked %reduce_sum3A_1967 : vector<16xf32>, vector<16xi1> -> vector<16xf32>
        %reduce_sum3A_1969 = vector.extract %reduce_sum3A_1968[15] : f32 from vector<16xf32>
        %eq3A_1970 = arith.constant 12 : i32
        %eq3A_1971 = vector.broadcast %eq3A_1970 : i32 to vector<16xi32>
        %eq3A_1972 = arith.cmpi eq, %iota3A, %eq3A_1971 : vector<16xi32>
        %broadcast_in_dim3A_1973 = vector.broadcast %reduce_sum3A_1969 : f32 to vector<16xf32>
        %select_n3A_1974 = arith.select %eq3A_1972, %broadcast_in_dim3A_1973, %select_n3A_1940 : vector<16xi1>, vector<16xf32>
        %mul3A_1975 = arith.constant 50 : i32
        %mul3A_1976 = arith.muli %scan3A_425, %mul3A_1975 : i32
        %add3A_1977 = arith.constant 32 : i32
        %add3A_1978 = arith.addi %mul3A_1976, %add3A_1977 : i32
        %add3A_1979 = arith.constant 13 : i32
        %add3A_1980 = arith.addi %add3A_1978, %add3A_1979 : i32
        %get3A_1981 = arith.index_cast %add3A_1980 : i32 to index
        %get3A_1982 = arith.constant 0 : index
        %get3A_1983 = tpu.vector_load %arg12[%get3A_1981, %get3A_1982] {strides = array<i32>} : memref<400x128xf32, #tpu.memory_space<vmem>>, vector<16xf32>,
        %mul3A_1984 = arith.mulf %get3A_428, %get3A_1983 : vector<16xf32>
        %get3A_1985 = arith.index_cast %add3A_1980 : i32 to index
        %get3A_1986 = arith.constant 16 : index
        %get3A_1987 = tpu.vector_load %arg12[%get3A_1985, %get3A_1986] {strides = array<i32>} : memref<400x128xf32, #tpu.memory_space<vmem>>, vector<16xf32>,
        %mul3A_1988 = arith.mulf %get3A_431, %get3A_1987 : vector<16xf32>
        %add3A_1989 = arith.addf %mul3A_1984, %mul3A_1988 : vector<16xf32>
        %get3A_1990 = arith.index_cast %add3A_1980 : i32 to index
        %get3A_1991 = arith.constant 32 : index
        %get3A_1992 = tpu.vector_load %arg12[%get3A_1990, %get3A_1991] {strides = array<i32>} : memref<400x128xf32, #tpu.memory_space<vmem>>, vector<16xf32>,
        %mul3A_1993 = arith.mulf %get3A_434, %get3A_1992 : vector<16xf32>
        %add3A_1994 = arith.addf %add3A_1989, %mul3A_1993 : vector<16xf32>
        %get3A_1995 = arith.index_cast %add3A_1980 : i32 to index
        %get3A_1996 = arith.constant 48 : index
        %get3A_1997 = tpu.vector_load %arg12[%get3A_1995, %get3A_1996] {strides = array<i32>} : memref<400x128xf32, #tpu.memory_space<vmem>>, vector<16xf32>,
        %mul3A_1998 = arith.mulf %get3A_437, %get3A_1997 : vector<16xf32>
        %add3A_1999 = arith.addf %add3A_1994, %mul3A_1998 : vector<16xf32>
        %reduce_sum3A_2000 = arith.constant true
        %reduce_sum3A_2001 = vector.broadcast %reduce_sum3A_2000 : i1 to vector<16xi1>
        %reduce_sum3A_2002 = tpu.scan <sum>, %add3A_1999 masked %reduce_sum3A_2001 : vector<16xf32>, vector<16xi1> -> vector<16xf32>
        %reduce_sum3A_2003 = vector.extract %reduce_sum3A_2002[15] : f32 from vector<16xf32>
        %eq3A_2004 = arith.constant 13 : i32
        %eq3A_2005 = vector.broadcast %eq3A_2004 : i32 to vector<16xi32>
        %eq3A_2006 = arith.cmpi eq, %iota3A, %eq3A_2005 : vector<16xi32>
        %broadcast_in_dim3A_2007 = vector.broadcast %reduce_sum3A_2003 : f32 to vector<16xf32>
        %select_n3A_2008 = arith.select %eq3A_2006, %broadcast_in_dim3A_2007, %select_n3A_1974 : vector<16xi1>, vector<16xf32>
        %mul3A_2009 = arith.constant 50 : i32
        %mul3A_2010 = arith.muli %scan3A_425, %mul3A_2009 : i32
        %add3A_2011 = arith.constant 32 : i32
        %add3A_2012 = arith.addi %mul3A_2010, %add3A_2011 : i32
        %add3A_2013 = arith.constant 14 : i32
        %add3A_2014 = arith.addi %add3A_2012, %add3A_2013 : i32
        %get3A_2015 = arith.index_cast %add3A_2014 : i32 to index
        %get3A_2016 = arith.constant 0 : index
        %get3A_2017 = tpu.vector_load %arg12[%get3A_2015, %get3A_2016] {strides = array<i32>} : memref<400x128xf32, #tpu.memory_space<vmem>>, vector<16xf32>,
        %mul3A_2018 = arith.mulf %get3A_428, %get3A_2017 : vector<16xf32>
        %get3A_2019 = arith.index_cast %add3A_2014 : i32 to index
        %get3A_2020 = arith.constant 16 : index
        %get3A_2021 = tpu.vector_load %arg12[%get3A_2019, %get3A_2020] {strides = array<i32>} : memref<400x128xf32, #tpu.memory_space<vmem>>, vector<16xf32>,
        %mul3A_2022 = arith.mulf %get3A_431, %get3A_2021 : vector<16xf32>
        %add3A_2023 = arith.addf %mul3A_2018, %mul3A_2022 : vector<16xf32>
        %get3A_2024 = arith.index_cast %add3A_2014 : i32 to index
        %get3A_2025 = arith.constant 32 : index
        %get3A_2026 = tpu.vector_load %arg12[%get3A_2024, %get3A_2025] {strides = array<i32>} : memref<400x128xf32, #tpu.memory_space<vmem>>, vector<16xf32>,
        %mul3A_2027 = arith.mulf %get3A_434, %get3A_2026 : vector<16xf32>
        %add3A_2028 = arith.addf %add3A_2023, %mul3A_2027 : vector<16xf32>
        %get3A_2029 = arith.index_cast %add3A_2014 : i32 to index
        %get3A_2030 = arith.constant 48 : index
        %get3A_2031 = tpu.vector_load %arg12[%get3A_2029, %get3A_2030] {strides = array<i32>} : memref<400x128xf32, #tpu.memory_space<vmem>>, vector<16xf32>,
        %mul3A_2032 = arith.mulf %get3A_437, %get3A_2031 : vector<16xf32>
        %add3A_2033 = arith.addf %add3A_2028, %mul3A_2032 : vector<16xf32>
        %reduce_sum3A_2034 = arith.constant true
        %reduce_sum3A_2035 = vector.broadcast %reduce_sum3A_2034 : i1 to vector<16xi1>
        %reduce_sum3A_2036 = tpu.scan <sum>, %add3A_2033 masked %reduce_sum3A_2035 : vector<16xf32>, vector<16xi1> -> vector<16xf32>
        %reduce_sum3A_2037 = vector.extract %reduce_sum3A_2036[15] : f32 from vector<16xf32>
        %eq3A_2038 = arith.constant 14 : i32
        %eq3A_2039 = vector.broadcast %eq3A_2038 : i32 to vector<16xi32>
        %eq3A_2040 = arith.cmpi eq, %iota3A, %eq3A_2039 : vector<16xi32>
        %broadcast_in_dim3A_2041 = vector.broadcast %reduce_sum3A_2037 : f32 to vector<16xf32>
        %select_n3A_2042 = arith.select %eq3A_2040, %broadcast_in_dim3A_2041, %select_n3A_2008 : vector<16xi1>, vector<16xf32>
        %mul3A_2043 = arith.constant 50 : i32
        %mul3A_2044 = arith.muli %scan3A_425, %mul3A_2043 : i32
        %add3A_2045 = arith.constant 32 : i32
        %add3A_2046 = arith.addi %mul3A_2044, %add3A_2045 : i32
        %add3A_2047 = arith.constant 15 : i32
        %add3A_2048 = arith.addi %add3A_2046, %add3A_2047 : i32
        %get3A_2049 = arith.index_cast %add3A_2048 : i32 to index
        %get3A_2050 = arith.constant 0 : index
        %get3A_2051 = tpu.vector_load %arg12[%get3A_2049, %get3A_2050] {strides = array<i32>} : memref<400x128xf32, #tpu.memory_space<vmem>>, vector<16xf32>,
        %mul3A_2052 = arith.mulf %get3A_428, %get3A_2051 : vector<16xf32>
        %get3A_2053 = arith.index_cast %add3A_2048 : i32 to index
        %get3A_2054 = arith.constant 16 : index
        %get3A_2055 = tpu.vector_load %arg12[%get3A_2053, %get3A_2054] {strides = array<i32>} : memref<400x128xf32, #tpu.memory_space<vmem>>, vector<16xf32>,
        %mul3A_2056 = arith.mulf %get3A_431, %get3A_2055 : vector<16xf32>
        %add3A_2057 = arith.addf %mul3A_2052, %mul3A_2056 : vector<16xf32>
        %get3A_2058 = arith.index_cast %add3A_2048 : i32 to index
        %get3A_2059 = arith.constant 32 : index
        %get3A_2060 = tpu.vector_load %arg12[%get3A_2058, %get3A_2059] {strides = array<i32>} : memref<400x128xf32, #tpu.memory_space<vmem>>, vector<16xf32>,
        %mul3A_2061 = arith.mulf %get3A_434, %get3A_2060 : vector<16xf32>
        %add3A_2062 = arith.addf %add3A_2057, %mul3A_2061 : vector<16xf32>
        %get3A_2063 = arith.index_cast %add3A_2048 : i32 to index
        %get3A_2064 = arith.constant 48 : index
        %get3A_2065 = tpu.vector_load %arg12[%get3A_2063, %get3A_2064] {strides = array<i32>} : memref<400x128xf32, #tpu.memory_space<vmem>>, vector<16xf32>,
        %mul3A_2066 = arith.mulf %get3A_437, %get3A_2065 : vector<16xf32>
        %add3A_2067 = arith.addf %add3A_2062, %mul3A_2066 : vector<16xf32>
        %reduce_sum3A_2068 = arith.constant true
        %reduce_sum3A_2069 = vector.broadcast %reduce_sum3A_2068 : i1 to vector<16xi1>
        %reduce_sum3A_2070 = tpu.scan <sum>, %add3A_2067 masked %reduce_sum3A_2069 : vector<16xf32>, vector<16xi1> -> vector<16xf32>
        %reduce_sum3A_2071 = vector.extract %reduce_sum3A_2070[15] : f32 from vector<16xf32>
        %eq3A_2072 = arith.constant 15 : i32
        %eq3A_2073 = vector.broadcast %eq3A_2072 : i32 to vector<16xi32>
        %eq3A_2074 = arith.cmpi eq, %iota3A, %eq3A_2073 : vector<16xi32>
        %broadcast_in_dim3A_2075 = vector.broadcast %reduce_sum3A_2071 : f32 to vector<16xf32>
        %select_n3A_2076 = arith.select %eq3A_2074, %broadcast_in_dim3A_2075, %select_n3A_2042 : vector<16xi1>, vector<16xf32>
        %swap3A_2077 = arith.index_cast %scan3A_425 : i32 to index
        %swap3A_2078 = arith.constant 32 : index
        %swap3A_2079 = tpu.vector_load %arg14[%swap3A_2077, %swap3A_2078] {strides = array<i32>} : memref<8x128xf32, #tpu.memory_space<vmem>>, vector<16xf32>,
        tpu.vector_store %arg14[%swap3A_2077, %swap3A_2078], %select_n3A_2076 {strides = array<i32>} : memref<8x128xf32, #tpu.memory_space<vmem>>, vector<16xf32>,
        %broadcast_in_dim3A_2080 = arith.constant 0.000000e+00 : f32
        %broadcast_in_dim3A_2081 = vector.broadcast %broadcast_in_dim3A_2080 : f32 to vector<16xf32>
        %mul3A_2082 = arith.constant 50 : i32
        %mul3A_2083 = arith.muli %scan3A_425, %mul3A_2082 : i32
        %add3A_2084 = arith.constant 48 : i32
        %add3A_2085 = arith.addi %mul3A_2083, %add3A_2084 : i32
        %add3A_2086 = arith.constant 0 : i32
        %add3A_2087 = arith.addi %add3A_2085, %add3A_2086 : i32
        %get3A_2088 = arith.index_cast %add3A_2087 : i32 to index
        %get3A_2089 = arith.constant 0 : index
        %get3A_2090 = tpu.vector_load %arg12[%get3A_2088, %get3A_2089] {strides = array<i32>} : memref<400x128xf32, #tpu.memory_space<vmem>>, vector<16xf32>,
        %mul3A_2091 = arith.mulf %get3A_428, %get3A_2090 : vector<16xf32>
        %get3A_2092 = arith.index_cast %add3A_2087 : i32 to index
        %get3A_2093 = arith.constant 16 : index
        %get3A_2094 = tpu.vector_load %arg12[%get3A_2092, %get3A_2093] {strides = array<i32>} : memref<400x128xf32, #tpu.memory_space<vmem>>, vector<16xf32>,
        %mul3A_2095 = arith.mulf %get3A_431, %get3A_2094 : vector<16xf32>
        %add3A_2096 = arith.addf %mul3A_2091, %mul3A_2095 : vector<16xf32>
        %get3A_2097 = arith.index_cast %add3A_2087 : i32 to index
        %get3A_2098 = arith.constant 32 : index
        %get3A_2099 = tpu.vector_load %arg12[%get3A_2097, %get3A_2098] {strides = array<i32>} : memref<400x128xf32, #tpu.memory_space<vmem>>, vector<16xf32>,
        %mul3A_2100 = arith.mulf %get3A_434, %get3A_2099 : vector<16xf32>
        %add3A_2101 = arith.addf %add3A_2096, %mul3A_2100 : vector<16xf32>
        %get3A_2102 = arith.index_cast %add3A_2087 : i32 to index
        %get3A_2103 = arith.constant 48 : index
        %get3A_2104 = tpu.vector_load %arg12[%get3A_2102, %get3A_2103] {strides = array<i32>} : memref<400x128xf32, #tpu.memory_space<vmem>>, vector<16xf32>,
        %mul3A_2105 = arith.mulf %get3A_437, %get3A_2104 : vector<16xf32>
        %add3A_2106 = arith.addf %add3A_2101, %mul3A_2105 : vector<16xf32>
        %reduce_sum3A_2107 = arith.constant true
        %reduce_sum3A_2108 = vector.broadcast %reduce_sum3A_2107 : i1 to vector<16xi1>
        %reduce_sum3A_2109 = tpu.scan <sum>, %add3A_2106 masked %reduce_sum3A_2108 : vector<16xf32>, vector<16xi1> -> vector<16xf32>
        %reduce_sum3A_2110 = vector.extract %reduce_sum3A_2109[15] : f32 from vector<16xf32>
        %eq3A_2111 = arith.constant 0 : i32
        %eq3A_2112 = vector.broadcast %eq3A_2111 : i32 to vector<16xi32>
        %eq3A_2113 = arith.cmpi eq, %iota3A, %eq3A_2112 : vector<16xi32>
        %broadcast_in_dim3A_2114 = vector.broadcast %reduce_sum3A_2110 : f32 to vector<16xf32>
        %select_n3A_2115 = arith.select %eq3A_2113, %broadcast_in_dim3A_2114, %broadcast_in_dim3A_2081 : vector<16xi1>, vector<16xf32>
        %mul3A_2116 = arith.constant 50 : i32
        %mul3A_2117 = arith.muli %scan3A_425, %mul3A_2116 : i32
        %add3A_2118 = arith.constant 48 : i32
        %add3A_2119 = arith.addi %mul3A_2117, %add3A_2118 : i32
        %add3A_2120 = arith.constant 1 : i32
        %add3A_2121 = arith.addi %add3A_2119, %add3A_2120 : i32
        %get3A_2122 = arith.index_cast %add3A_2121 : i32 to index
        %get3A_2123 = arith.constant 0 : index
        %get3A_2124 = tpu.vector_load %arg12[%get3A_2122, %get3A_2123] {strides = array<i32>} : memref<400x128xf32, #tpu.memory_space<vmem>>, vector<16xf32>,
        %mul3A_2125 = arith.mulf %get3A_428, %get3A_2124 : vector<16xf32>
        %get3A_2126 = arith.index_cast %add3A_2121 : i32 to index
        %get3A_2127 = arith.constant 16 : index
        %get3A_2128 = tpu.vector_load %arg12[%get3A_2126, %get3A_2127] {strides = array<i32>} : memref<400x128xf32, #tpu.memory_space<vmem>>, vector<16xf32>,
        %mul3A_2129 = arith.mulf %get3A_431, %get3A_2128 : vector<16xf32>
        %add3A_2130 = arith.addf %mul3A_2125, %mul3A_2129 : vector<16xf32>
        %get3A_2131 = arith.index_cast %add3A_2121 : i32 to index
        %get3A_2132 = arith.constant 32 : index
        %get3A_2133 = tpu.vector_load %arg12[%get3A_2131, %get3A_2132] {strides = array<i32>} : memref<400x128xf32, #tpu.memory_space<vmem>>, vector<16xf32>,
        %mul3A_2134 = arith.mulf %get3A_434, %get3A_2133 : vector<16xf32>
        %add3A_2135 = arith.addf %add3A_2130, %mul3A_2134 : vector<16xf32>
        %get3A_2136 = arith.index_cast %add3A_2121 : i32 to index
        %get3A_2137 = arith.constant 48 : index
        %get3A_2138 = tpu.vector_load %arg12[%get3A_2136, %get3A_2137] {strides = array<i32>} : memref<400x128xf32, #tpu.memory_space<vmem>>, vector<16xf32>,
        %mul3A_2139 = arith.mulf %get3A_437, %get3A_2138 : vector<16xf32>
        %add3A_2140 = arith.addf %add3A_2135, %mul3A_2139 : vector<16xf32>
        %reduce_sum3A_2141 = arith.constant true
        %reduce_sum3A_2142 = vector.broadcast %reduce_sum3A_2141 : i1 to vector<16xi1>
        %reduce_sum3A_2143 = tpu.scan <sum>, %add3A_2140 masked %reduce_sum3A_2142 : vector<16xf32>, vector<16xi1> -> vector<16xf32>
        %reduce_sum3A_2144 = vector.extract %reduce_sum3A_2143[15] : f32 from vector<16xf32>
        %eq3A_2145 = arith.constant 1 : i32
        %eq3A_2146 = vector.broadcast %eq3A_2145 : i32 to vector<16xi32>
        %eq3A_2147 = arith.cmpi eq, %iota3A, %eq3A_2146 : vector<16xi32>
        %broadcast_in_dim3A_2148 = vector.broadcast %reduce_sum3A_2144 : f32 to vector<16xf32>
        %select_n3A_2149 = arith.select %eq3A_2147, %broadcast_in_dim3A_2148, %select_n3A_2115 : vector<16xi1>, vector<16xf32>
        %swap3A_2150 = arith.index_cast %scan3A_425 : i32 to index
        %swap3A_2151 = arith.constant 48 : index
        %swap3A_2152 = tpu.vector_load %arg14[%swap3A_2150, %swap3A_2151] {strides = array<i32>} : memref<8x128xf32, #tpu.memory_space<vmem>>, vector<16xf32>,
        tpu.vector_store %arg14[%swap3A_2150, %swap3A_2151], %select_n3A_2149 {strides = array<i32>} : memref<8x128xf32, #tpu.memory_space<vmem>>, vector<16xf32>,
        %scan3A_2153 = arith.constant 0 : i32
        scf.yield %scan3A_2153 : i32
      }
      %scan3A_255 = arith.constant 8 : i32
      "tpu.region"() ({
        %run_scoped3A = tpu.sem_alloc : memref<!tpu.dma_semaphore, #tpu.memory_space<semaphore_mem>>
        %dma_start3A_425 = arith.constant 0 : i32
        %dma_start3A_426 = tpu.memref_slice %arg6[%add3A_248, %dma_start3A_425] : memref<16384x128xf32, #tpu.memory_space<hbm>> -> memref<8x128xf32, #tpu.memory_space<hbm>>
        %dma_start3A_427 = arith.constant 0 : i32
        %dma_start3A_428 = tpu.memref_slice %arg6[%add3A_248, %dma_start3A_427] : memref<16384x128xf32, #tpu.memory_space<hbm>> -> memref<8x128xf32, #tpu.memory_space<hbm>>
        tpu.enqueue_dma source(%arg14 : memref<8x128xf32, #tpu.memory_space<vmem>>) target(%dma_start3A_428 : memref<8x128xf32, #tpu.memory_space<hbm>>) target_semaphore(%run_scoped3A : memref<!tpu.dma_semaphore, #tpu.memory_space<semaphore_mem>>)
        %dma_wait3A_429 = arith.constant 0 : i32
        %dma_wait3A_430 = tpu.memref_slice %arg6[%add3A_248, %dma_wait3A_429] : memref<16384x128xf32, #tpu.memory_space<hbm>> -> memref<8x128xf32, #tpu.memory_space<hbm>>
        %dma_wait3A_431 = arith.constant 0 : i32
        %dma_wait3A_432 = tpu.memref_slice %arg6[%add3A_248, %dma_wait3A_431] : memref<16384x128xf32, #tpu.memory_space<hbm>> -> memref<8x128xf32, #tpu.memory_space<hbm>>
        tpu.wait_dma2 semaphore(%run_scoped3A : memref<!tpu.dma_semaphore, #tpu.memory_space<semaphore_mem>>) src(%arg14 : memref<8x128xf32, #tpu.memory_space<vmem>>) dst(%dma_wait3A_432 : memref<8x128xf32, #tpu.memory_space<hbm>>)
        tpu.yield
      }) : () -> ()
      %add3A_256 = arith.constant 2 : i32
      %add3A_257 = arith.addi %add3A_200, %add3A_256 : i32
      %min3A = arith.constant 63 : i32
      %min3A_258 = arith.minsi %add3A_257, %min3A : i32
      %mul3A_259 = arith.constant 8 : i32
      %mul3A_260 = arith.muli %min3A_258, %mul3A_259 : i32
      %add3A_261 = arith.addi %mul3A_2, %mul3A_260 : i32
      %mul3A_262 = arith.constant 50 : i32
      %mul3A_263 = arith.muli %add3A_261, %mul3A_262 : i32
      "tpu.region"() ({
        %run_scoped3A = tpu.sem_alloc : memref<!tpu.dma_semaphore, #tpu.memory_space<semaphore_mem>>
        %dma_start3A_425 = tpu.memref_slice %arg3[%mul3A_263] : memref<819200xi32, #tpu.memory_space<hbm>> -> memref<400xi32, #tpu.memory_space<hbm>>
        %dma_start3A_426 = tpu.memref_slice %arg3[%mul3A_263] : memref<819200xi32, #tpu.memory_space<hbm>> -> memref<400xi32, #tpu.memory_space<hbm>>
        tpu.enqueue_dma source(%dma_start3A_426 : memref<400xi32, #tpu.memory_space<hbm>>) target(%arg8 : memref<400xi32, #tpu.memory_space<vmem>>) target_semaphore(%run_scoped3A : memref<!tpu.dma_semaphore, #tpu.memory_space<semaphore_mem>>)
        %dma_wait3A_427 = tpu.memref_slice %arg3[%mul3A_263] : memref<819200xi32, #tpu.memory_space<hbm>> -> memref<400xi32, #tpu.memory_space<hbm>>
        %dma_wait3A_428 = tpu.memref_slice %arg3[%mul3A_263] : memref<819200xi32, #tpu.memory_space<hbm>> -> memref<400xi32, #tpu.memory_space<hbm>>
        tpu.wait_dma2 semaphore(%run_scoped3A : memref<!tpu.dma_semaphore, #tpu.memory_space<semaphore_mem>>) src(%dma_wait3A_428 : memref<400xi32, #tpu.memory_space<hbm>>) dst(%arg8 : memref<400xi32, #tpu.memory_space<vmem>>)
        tpu.yield
      }) : () -> ()
      %mul3A_264 = arith.constant 8 : i32
      %mul3A_265 = arith.muli %min3A_258, %mul3A_264 : i32
      %dma_start3A_266 = tpu.memref_slice %arg7[%mul3A_265] : memref<512xi32, #tpu.memory_space<vmem>> -> memref<8xi32, #tpu.memory_space<vmem>>
      %dma_start3A_267 = arith.constant 0 : i32
      %dma_start3A_268 = arith.constant 0 : i32
      %dma_start3A_269 = tpu.memref_slice %arg4[%dma_start3A_267, %dma_start3A_268] : memref<1000000x128xf32, #tpu.memory_space<hbm>> -> memref<1000000x128xf32, #tpu.memory_space<hbm>>
      tpu.enqueue_indirect_dma source(%dma_start3A_269 : memref<1000000x128xf32, #tpu.memory_space<hbm>>) target(%arg10 : memref<8x128xf32, #tpu.memory_space<vmem>>) offsets(%dma_start3A_266 : memref<8xi32, #tpu.memory_space<vmem>>) semaphore(%arg15 : memref<!tpu.dma_semaphore, #tpu.memory_space<semaphore_mem>>)
      %dma_start3A_270 = arith.constant 0 : i32
      %dma_start3A_271 = arith.constant 0 : i32
      %dma_start3A_272 = tpu.memref_slice %arg12[%dma_start3A_270, %dma_start3A_271] : memref<400x128xf32, #tpu.memory_space<vmem>> -> memref<80x128xf32, #tpu.memory_space<vmem>>
      %dma_start3A_273 = arith.constant 0 : i32
      %dma_start3A_274 = tpu.memref_slice %arg8[%dma_start3A_273] : memref<400xi32, #tpu.memory_space<vmem>> -> memref<80xi32, #tpu.memory_space<vmem>>
      %dma_start3A_275 = arith.constant 0 : i32
      %dma_start3A_276 = arith.constant 0 : i32
      %dma_start3A_277 = tpu.memref_slice %arg5[%dma_start3A_275, %dma_start3A_276] : memref<1000000x128xf32, #tpu.memory_space<hbm>> -> memref<1000000x128xf32, #tpu.memory_space<hbm>>
      tpu.enqueue_indirect_dma source(%dma_start3A_277 : memref<1000000x128xf32, #tpu.memory_space<hbm>>) target(%dma_start3A_272 : memref<80x128xf32, #tpu.memory_space<vmem>>) offsets(%dma_start3A_274 : memref<80xi32, #tpu.memory_space<vmem>>) semaphore(%arg15 : memref<!tpu.dma_semaphore, #tpu.memory_space<semaphore_mem>>)
      %dma_start3A_278 = arith.constant 80 : i32
      %dma_start3A_279 = arith.constant 0 : i32
      %dma_start3A_280 = tpu.memref_slice %arg12[%dma_start3A_278, %dma_start3A_279] : memref<400x128xf32, #tpu.memory_space<vmem>> -> memref<80x128xf32, #tpu.memory_space<vmem>>
      %dma_start3A_281 = arith.constant 80 : i32
      %dma_start3A_282 = tpu.memref_slice %arg8[%dma_start3A_281] : memref<400xi32, #tpu.memory_space<vmem>> -> memref<80xi32, #tpu.memory_space<vmem>>
      %dma_start3A_283 = arith.constant 0 : i32
      %dma_start3A_284 = arith.constant 0 : i32
      %dma_start3A_285 = tpu.memref_slice %arg5[%dma_start3A_283, %dma_start3A_284] : memref<1000000x128xf32, #tpu.memory_space<hbm>> -> memref<1000000x128xf32, #tpu.memory_space<hbm>>
      tpu.enqueue_indirect_dma source(%dma_start3A_285 : memref<1000000x128xf32, #tpu.memory_space<hbm>>) target(%dma_start3A_280 : memref<80x128xf32, #tpu.memory_space<vmem>>) offsets(%dma_start3A_282 : memref<80xi32, #tpu.memory_space<vmem>>) semaphore(%arg15 : memref<!tpu.dma_semaphore, #tpu.memory_space<semaphore_mem>>)
      %dma_start3A_286 = arith.constant 160 : i32
      %dma_start3A_287 = arith.constant 0 : i32
      %dma_start3A_288 = tpu.memref_slice %arg12[%dma_start3A_286, %dma_start3A_287] : memref<400x128xf32, #tpu.memory_space<vmem>> -> memref<80x128xf32, #tpu.memory_space<vmem>>
      %dma_start3A_289 = arith.constant 160 : i32
      %dma_start3A_290 = tpu.memref_slice %arg8[%dma_start3A_289] : memref<400xi32, #tpu.memory_space<vmem>> -> memref<80xi32, #tpu.memory_space<vmem>>
      %dma_start3A_291 = arith.constant 0 : i32
      %dma_start3A_292 = arith.constant 0 : i32
      %dma_start3A_293 = tpu.memref_slice %arg5[%dma_start3A_291, %dma_start3A_292] : memref<1000000x128xf32, #tpu.memory_space<hbm>> -> memref<1000000x128xf32, #tpu.memory_space<hbm>>
      tpu.enqueue_indirect_dma source(%dma_start3A_293 : memref<1000000x128xf32, #tpu.memory_space<hbm>>) target(%dma_start3A_288 : memref<80x128xf32, #tpu.memory_space<vmem>>) offsets(%dma_start3A_290 : memref<80xi32, #tpu.memory_space<vmem>>) semaphore(%arg15 : memref<!tpu.dma_semaphore, #tpu.memory_space<semaphore_mem>>)
      %dma_start3A_294 = arith.constant 240 : i32
      %dma_start3A_295 = arith.constant 0 : i32
      %dma_start3A_296 = tpu.memref_slice %arg12[%dma_start3A_294, %dma_start3A_295] : memref<400x128xf32, #tpu.memory_space<vmem>> -> memref<80x128xf32, #tpu.memory_space<vmem>>
      %dma_start3A_297 = arith.constant 240 : i32
      %dma_start3A_298 = tpu.memref_slice %arg8[%dma_start3A_297] : memref<400xi32, #tpu.memory_space<vmem>> -> memref<80xi32, #tpu.memory_space<vmem>>
      %dma_start3A_299 = arith.constant 0 : i32
      %dma_start3A_300 = arith.constant 0 : i32
      %dma_start3A_301 = tpu.memref_slice %arg5[%dma_start3A_299, %dma_start3A_300] : memref<1000000x128xf32, #tpu.memory_space<hbm>> -> memref<1000000x128xf32, #tpu.memory_space<hbm>>
      tpu.enqueue_indirect_dma source(%dma_start3A_301 : memref<1000000x128xf32, #tpu.memory_space<hbm>>) target(%dma_start3A_296 : memref<80x128xf32, #tpu.memory_space<vmem>>) offsets(%dma_start3A_298 : memref<80xi32, #tpu.memory_space<vmem>>) semaphore(%arg15 : memref<!tpu.dma_semaphore, #tpu.memory_space<semaphore_mem>>)
      %dma_start3A_302 = arith.constant 320 : i32
      %dma_start3A_303 = arith.constant 0 : i32
      %dma_start3A_304 = tpu.memref_slice %arg12[%dma_start3A_302, %dma_start3A_303] : memref<400x128xf32, #tpu.memory_space<vmem>> -> memref<80x128xf32, #tpu.memory_space<vmem>>
      %dma_start3A_305 = arith.constant 320 : i32
      %dma_start3A_306 = tpu.memref_slice %arg8[%dma_start3A_305] : memref<400xi32, #tpu.memory_space<vmem>> -> memref<80xi32, #tpu.memory_space<vmem>>
      %dma_start3A_307 = arith.constant 0 : i32
      %dma_start3A_308 = arith.constant 0 : i32
      %dma_start3A_309 = tpu.memref_slice %arg5[%dma_start3A_307, %dma_start3A_308] : memref<1000000x128xf32, #tpu.memory_space<hbm>> -> memref<1000000x128xf32, #tpu.memory_space<hbm>>
      tpu.enqueue_indirect_dma source(%dma_start3A_309 : memref<1000000x128xf32, #tpu.memory_space<hbm>>) target(%dma_start3A_304 : memref<80x128xf32, #tpu.memory_space<vmem>>) offsets(%dma_start3A_306 : memref<80xi32, #tpu.memory_space<vmem>>) semaphore(%arg15 : memref<!tpu.dma_semaphore, #tpu.memory_space<semaphore_mem>>)
      %mul3A_310 = arith.constant 2 : i32
      %mul3A_311 = arith.muli %mul3A_310, %scan3A_195 : i32
      %add3A_312 = arith.constant 1 : i32
      %add3A_313 = arith.addi %mul3A_311, %add3A_312 : i32
      %dma_wait3A_314 = arith.constant 0 : i32
      %dma_wait3A_315 = tpu.memref_slice %arg7[%dma_wait3A_314] : memref<512xi32, #tpu.memory_space<vmem>> -> memref<8xi32, #tpu.memory_space<vmem>>
      %dma_wait3A_316 = arith.constant 0 : i32
      %dma_wait3A_317 = arith.constant 0 : i32
      %dma_wait3A_318 = tpu.memref_slice %arg4[%dma_wait3A_316, %dma_wait3A_317] : memref<1000000x128xf32, #tpu.memory_space<hbm>> -> memref<1000000x128xf32, #tpu.memory_space<hbm>>
      tpu.wait_indirect_dma semaphore(%arg16 : memref<!tpu.dma_semaphore, #tpu.memory_space<semaphore_mem>>) src(%dma_wait3A_318 : memref<1000000x128xf32, #tpu.memory_space<hbm>>) dst(%arg11 : memref<8x128xf32, #tpu.memory_space<vmem>>)
      %dma_wait3A_319 = arith.constant 0 : i32
      %dma_wait3A_320 = arith.constant 0 : i32
      %dma_wait3A_321 = tpu.memref_slice %arg13[%dma_wait3A_319, %dma_wait3A_320] : memref<400x128xf32, #tpu.memory_space<vmem>> -> memref<80x128xf32, #tpu.memory_space<vmem>>
      %dma_wait3A_322 = arith.constant 0 : i32
      %dma_wait3A_323 = tpu.memref_slice %arg9[%dma_wait3A_322] : memref<400xi32, #tpu.memory_space<vmem>> -> memref<80xi32, #tpu.memory_space<vmem>>
      %dma_wait3A_324 = arith.constant 0 : i32
      %dma_wait3A_325 = arith.constant 0 : i32
      %dma_wait3A_326 = tpu.memref_slice %arg5[%dma_wait3A_324, %dma_wait3A_325] : memref<1000000x128xf32, #tpu.memory_space<hbm>> -> memref<1000000x128xf32, #tpu.memory_space<hbm>>
      tpu.wait_indirect_dma semaphore(%arg16 : memref<!tpu.dma_semaphore, #tpu.memory_space<semaphore_mem>>) src(%dma_wait3A_326 : memref<1000000x128xf32, #tpu.memory_space<hbm>>) dst(%dma_wait3A_321 : memref<80x128xf32, #tpu.memory_space<vmem>>)
      %dma_wait3A_327 = arith.constant 80 : i32
      %dma_wait3A_328 = arith.constant 0 : i32
      %dma_wait3A_329 = tpu.memref_slice %arg13[%dma_wait3A_327, %dma_wait3A_328] : memref<400x128xf32, #tpu.memory_space<vmem>> -> memref<80x128xf32, #tpu.memory_space<vmem>>
      %dma_wait3A_330 = arith.constant 80 : i32
      %dma_wait3A_331 = tpu.memref_slice %arg9[%dma_wait3A_330] : memref<400xi32, #tpu.memory_space<vmem>> -> memref<80xi32, #tpu.memory_space<vmem>>
      %dma_wait3A_332 = arith.constant 0 : i32
      %dma_wait3A_333 = arith.constant 0 : i32
      %dma_wait3A_334 = tpu.memref_slice %arg5[%dma_wait3A_332, %dma_wait3A_333] : memref<1000000x128xf32, #tpu.memory_space<hbm>> -> memref<1000000x128xf32, #tpu.memory_space<hbm>>
      tpu.wait_indirect_dma semaphore(%arg16 : memref<!tpu.dma_semaphore, #tpu.memory_space<semaphore_mem>>) src(%dma_wait3A_334 : memref<1000000x128xf32, #tpu.memory_space<hbm>>) dst(%dma_wait3A_329 : memref<80x128xf32, #tpu.memory_space<vmem>>)
      %dma_wait3A_335 = arith.constant 160 : i32
      %dma_wait3A_336 = arith.constant 0 : i32
      %dma_wait3A_337 = tpu.memref_slice %arg13[%dma_wait3A_335, %dma_wait3A_336] : memref<400x128xf32, #tpu.memory_space<vmem>> -> memref<80x128xf32, #tpu.memory_space<vmem>>
      %dma_wait3A_338 = arith.constant 160 : i32
      %dma_wait3A_339 = tpu.memref_slice %arg9[%dma_wait3A_338] : memref<400xi32, #tpu.memory_space<vmem>> -> memref<80xi32, #tpu.memory_space<vmem>>
      %dma_wait3A_340 = arith.constant 0 : i32
      %dma_wait3A_341 = arith.constant 0 : i32
      %dma_wait3A_342 = tpu.memref_slice %arg5[%dma_wait3A_340, %dma_wait3A_341] : memref<1000000x128xf32, #tpu.memory_space<hbm>> -> memref<1000000x128xf32, #tpu.memory_space<hbm>>
      tpu.wait_indirect_dma semaphore(%arg16 : memref<!tpu.dma_semaphore, #tpu.memory_space<semaphore_mem>>) src(%dma_wait3A_342 : memref<1000000x128xf32, #tpu.memory_space<hbm>>) dst(%dma_wait3A_337 : memref<80x128xf32, #tpu.memory_space<vmem>>)
      %dma_wait3A_343 = arith.constant 240 : i32
      %dma_wait3A_344 = arith.constant 0 : i32
      %dma_wait3A_345 = tpu.memref_slice %arg13[%dma_wait3A_343, %dma_wait3A_344] : memref<400x128xf32, #tpu.memory_space<vmem>> -> memref<80x128xf32, #tpu.memory_space<vmem>>
      %dma_wait3A_346 = arith.constant 240 : i32
      %dma_wait3A_347 = tpu.memref_slice %arg9[%dma_wait3A_346] : memref<400xi32, #tpu.memory_space<vmem>> -> memref<80xi32, #tpu.memory_space<vmem>>
      %dma_wait3A_348 = arith.constant 0 : i32
      %dma_wait3A_349 = arith.constant 0 : i32
      %dma_wait3A_350 = tpu.memref_slice %arg5[%dma_wait3A_348, %dma_wait3A_349] : memref<1000000x128xf32, #tpu.memory_space<hbm>> -> memref<1000000x128xf32, #tpu.memory_space<hbm>>
      tpu.wait_indirect_dma semaphore(%arg16 : memref<!tpu.dma_semaphore, #tpu.memory_space<semaphore_mem>>) src(%dma_wait3A_350 : memref<1000000x128xf32, #tpu.memory_space<hbm>>) dst(%dma_wait3A_345 : memref<80x128xf32, #tpu.memory_space<vmem>>)
      %dma_wait3A_351 = arith.constant 320 : i32
      %dma_wait3A_352 = arith.constant 0 : i32
      %dma_wait3A_353 = tpu.memref_slice %arg13[%dma_wait3A_351, %dma_wait3A_352] : memref<400x128xf32, #tpu.memory_space<vmem>> -> memref<80x128xf32, #tpu.memory_space<vmem>>
      %dma_wait3A_354 = arith.constant 320 : i32
      %dma_wait3A_355 = tpu.memref_slice %arg9[%dma_wait3A_354] : memref<400xi32, #tpu.memory_space<vmem>> -> memref<80xi32, #tpu.memory_space<vmem>>
      %dma_wait3A_356 = arith.constant 0 : i32
      %dma_wait3A_357 = arith.constant 0 : i32
      %dma_wait3A_358 = tpu.memref_slice %arg5[%dma_wait3A_356, %dma_wait3A_357] : memref<1000000x128xf32, #tpu.memory_space<hbm>> -> memref<1000000x128xf32, #tpu.memory_space<hbm>>
      tpu.wait_indirect_dma semaphore(%arg16 : memref<!tpu.dma_semaphore, #tpu.memory_space<semaphore_mem>>) src(%dma_wait3A_358 : memref<1000000x128xf32, #tpu.memory_space<hbm>>) dst(%dma_wait3A_353 : memref<80x128xf32, #tpu.memory_space<vmem>>)
      %mul3A_359 = arith.constant 8 : i32
      %mul3A_360 = arith.muli %add3A_313, %mul3A_359 : i32
      %add3A_361 = arith.addi %mul3A_2, %mul3A_360 : i32
      %scan3A_362 = arith.constant 0 : i32
      %scan3A_363 = arith.constant 0 : i32
      %scan3A_364 = arith.constant 8 : i32
      %scan3A_365 = arith.addi %scan3A_363, %scan3A_364 : i32
      %scan3A_366 = arith.constant 1 : i32
      %scan3A_367 = scf.for %scan3A_425 = %scan3A_363 to %scan3A_365 step %scan3A_366 iter_args(%scan3A_426 = %scan3A_362) -> (i32)  : i32 {
        %get3A = arith.index_cast %scan3A_425 : i32 to index
        %get3A_427 = arith.constant 0 : index
        %get3A_428 = tpu.vector_load %arg11[%get3A, %get3A_427] {strides = array<i32>} : memref<8x128xf32, #tpu.memory_space<vmem>>, vector<16xf32>,
        %get3A_429 = arith.index_cast %scan3A_425 : i32 to index
        %get3A_430 = arith.constant 16 : index
        %get3A_431 = tpu.vector_load %arg11[%get3A_429, %get3A_430] {strides = array<i32>} : memref<8x128xf32, #tpu.memory_space<vmem>>, vector<16xf32>,
        %get3A_432 = arith.index_cast %scan3A_425 : i32 to index
        %get3A_433 = arith.constant 32 : index
        %get3A_434 = tpu.vector_load %arg11[%get3A_432, %get3A_433] {strides = array<i32>} : memref<8x128xf32, #tpu.memory_space<vmem>>, vector<16xf32>,
        %get3A_435 = arith.index_cast %scan3A_425 : i32 to index
        %get3A_436 = arith.constant 48 : index
        %get3A_437 = tpu.vector_load %arg11[%get3A_435, %get3A_436] {strides = array<i32>} : memref<8x128xf32, #tpu.memory_space<vmem>>, vector<16xf32>,
        %broadcast_in_dim3A = arith.constant 0.000000e+00 : f32
        %broadcast_in_dim3A_438 = vector.broadcast %broadcast_in_dim3A : f32 to vector<16xf32>
        %mul3A_439 = arith.constant 50 : i32
        %mul3A_440 = arith.muli %scan3A_425, %mul3A_439 : i32
        %add3A_441 = arith.constant 0 : i32
        %add3A_442 = arith.addi %mul3A_440, %add3A_441 : i32
        %add3A_443 = arith.constant 0 : i32
        %add3A_444 = arith.addi %add3A_442, %add3A_443 : i32
        %get3A_445 = arith.index_cast %add3A_444 : i32 to index
        %get3A_446 = arith.constant 0 : index
        %get3A_447 = tpu.vector_load %arg13[%get3A_445, %get3A_446] {strides = array<i32>} : memref<400x128xf32, #tpu.memory_space<vmem>>, vector<16xf32>,
        %mul3A_448 = arith.mulf %get3A_428, %get3A_447 : vector<16xf32>
        %get3A_449 = arith.index_cast %add3A_444 : i32 to index
        %get3A_450 = arith.constant 16 : index
        %get3A_451 = tpu.vector_load %arg13[%get3A_449, %get3A_450] {strides = array<i32>} : memref<400x128xf32, #tpu.memory_space<vmem>>, vector<16xf32>,
        %mul3A_452 = arith.mulf %get3A_431, %get3A_451 : vector<16xf32>
        %add3A_453 = arith.addf %mul3A_448, %mul3A_452 : vector<16xf32>
        %get3A_454 = arith.index_cast %add3A_444 : i32 to index
        %get3A_455 = arith.constant 32 : index
        %get3A_456 = tpu.vector_load %arg13[%get3A_454, %get3A_455] {strides = array<i32>} : memref<400x128xf32, #tpu.memory_space<vmem>>, vector<16xf32>,
        %mul3A_457 = arith.mulf %get3A_434, %get3A_456 : vector<16xf32>
        %add3A_458 = arith.addf %add3A_453, %mul3A_457 : vector<16xf32>
        %get3A_459 = arith.index_cast %add3A_444 : i32 to index
        %get3A_460 = arith.constant 48 : index
        %get3A_461 = tpu.vector_load %arg13[%get3A_459, %get3A_460] {strides = array<i32>} : memref<400x128xf32, #tpu.memory_space<vmem>>, vector<16xf32>,
        %mul3A_462 = arith.mulf %get3A_437, %get3A_461 : vector<16xf32>
        %add3A_463 = arith.addf %add3A_458, %mul3A_462 : vector<16xf32>
        %reduce_sum3A = arith.constant true
        %reduce_sum3A_464 = vector.broadcast %reduce_sum3A : i1 to vector<16xi1>
        %reduce_sum3A_465 = tpu.scan <sum>, %add3A_463 masked %reduce_sum3A_464 : vector<16xf32>, vector<16xi1> -> vector<16xf32>
        %reduce_sum3A_466 = vector.extract %reduce_sum3A_465[15] : f32 from vector<16xf32>
        %eq3A = arith.constant 0 : i32
        %eq3A_467 = vector.broadcast %eq3A : i32 to vector<16xi32>
        %eq3A_468 = arith.cmpi eq, %iota3A, %eq3A_467 : vector<16xi32>
        %broadcast_in_dim3A_469 = vector.broadcast %reduce_sum3A_466 : f32 to vector<16xf32>
        %select_n3A = arith.select %eq3A_468, %broadcast_in_dim3A_469, %broadcast_in_dim3A_438 : vector<16xi1>, vector<16xf32>
        %mul3A_470 = arith.constant 50 : i32
        %mul3A_471 = arith.muli %scan3A_425, %mul3A_470 : i32
        %add3A_472 = arith.constant 0 : i32
        %add3A_473 = arith.addi %mul3A_471, %add3A_472 : i32
        %add3A_474 = arith.constant 1 : i32
        %add3A_475 = arith.addi %add3A_473, %add3A_474 : i32
        %get3A_476 = arith.index_cast %add3A_475 : i32 to index
        %get3A_477 = arith.constant 0 : index
        %get3A_478 = tpu.vector_load %arg13[%get3A_476, %get3A_477] {strides = array<i32>} : memref<400x128xf32, #tpu.memory_space<vmem>>, vector<16xf32>,
        %mul3A_479 = arith.mulf %get3A_428, %get3A_478 : vector<16xf32>
        %get3A_480 = arith.index_cast %add3A_475 : i32 to index
        %get3A_481 = arith.constant 16 : index
        %get3A_482 = tpu.vector_load %arg13[%get3A_480, %get3A_481] {strides = array<i32>} : memref<400x128xf32, #tpu.memory_space<vmem>>, vector<16xf32>,
        %mul3A_483 = arith.mulf %get3A_431, %get3A_482 : vector<16xf32>
        %add3A_484 = arith.addf %mul3A_479, %mul3A_483 : vector<16xf32>
        %get3A_485 = arith.index_cast %add3A_475 : i32 to index
        %get3A_486 = arith.constant 32 : index
        %get3A_487 = tpu.vector_load %arg13[%get3A_485, %get3A_486] {strides = array<i32>} : memref<400x128xf32, #tpu.memory_space<vmem>>, vector<16xf32>,
        %mul3A_488 = arith.mulf %get3A_434, %get3A_487 : vector<16xf32>
        %add3A_489 = arith.addf %add3A_484, %mul3A_488 : vector<16xf32>
        %get3A_490 = arith.index_cast %add3A_475 : i32 to index
        %get3A_491 = arith.constant 48 : index
        %get3A_492 = tpu.vector_load %arg13[%get3A_490, %get3A_491] {strides = array<i32>} : memref<400x128xf32, #tpu.memory_space<vmem>>, vector<16xf32>,
        %mul3A_493 = arith.mulf %get3A_437, %get3A_492 : vector<16xf32>
        %add3A_494 = arith.addf %add3A_489, %mul3A_493 : vector<16xf32>
        %reduce_sum3A_495 = arith.constant true
        %reduce_sum3A_496 = vector.broadcast %reduce_sum3A_495 : i1 to vector<16xi1>
        %reduce_sum3A_497 = tpu.scan <sum>, %add3A_494 masked %reduce_sum3A_496 : vector<16xf32>, vector<16xi1> -> vector<16xf32>
        %reduce_sum3A_498 = vector.extract %reduce_sum3A_497[15] : f32 from vector<16xf32>
        %eq3A_499 = arith.constant 1 : i32
        %eq3A_500 = vector.broadcast %eq3A_499 : i32 to vector<16xi32>
        %eq3A_501 = arith.cmpi eq, %iota3A, %eq3A_500 : vector<16xi32>
        %broadcast_in_dim3A_502 = vector.broadcast %reduce_sum3A_498 : f32 to vector<16xf32>
        %select_n3A_503 = arith.select %eq3A_501, %broadcast_in_dim3A_502, %select_n3A : vector<16xi1>, vector<16xf32>
        %mul3A_504 = arith.constant 50 : i32
        %mul3A_505 = arith.muli %scan3A_425, %mul3A_504 : i32
        %add3A_506 = arith.constant 0 : i32
        %add3A_507 = arith.addi %mul3A_505, %add3A_506 : i32
        %add3A_508 = arith.constant 2 : i32
        %add3A_509 = arith.addi %add3A_507, %add3A_508 : i32
        %get3A_510 = arith.index_cast %add3A_509 : i32 to index
        %get3A_511 = arith.constant 0 : index
        %get3A_512 = tpu.vector_load %arg13[%get3A_510, %get3A_511] {strides = array<i32>} : memref<400x128xf32, #tpu.memory_space<vmem>>, vector<16xf32>,
        %mul3A_513 = arith.mulf %get3A_428, %get3A_512 : vector<16xf32>
        %get3A_514 = arith.index_cast %add3A_509 : i32 to index
        %get3A_515 = arith.constant 16 : index
        %get3A_516 = tpu.vector_load %arg13[%get3A_514, %get3A_515] {strides = array<i32>} : memref<400x128xf32, #tpu.memory_space<vmem>>, vector<16xf32>,
        %mul3A_517 = arith.mulf %get3A_431, %get3A_516 : vector<16xf32>
        %add3A_518 = arith.addf %mul3A_513, %mul3A_517 : vector<16xf32>
        %get3A_519 = arith.index_cast %add3A_509 : i32 to index
        %get3A_520 = arith.constant 32 : index
        %get3A_521 = tpu.vector_load %arg13[%get3A_519, %get3A_520] {strides = array<i32>} : memref<400x128xf32, #tpu.memory_space<vmem>>, vector<16xf32>,
        %mul3A_522 = arith.mulf %get3A_434, %get3A_521 : vector<16xf32>
        %add3A_523 = arith.addf %add3A_518, %mul3A_522 : vector<16xf32>
        %get3A_524 = arith.index_cast %add3A_509 : i32 to index
        %get3A_525 = arith.constant 48 : index
        %get3A_526 = tpu.vector_load %arg13[%get3A_524, %get3A_525] {strides = array<i32>} : memref<400x128xf32, #tpu.memory_space<vmem>>, vector<16xf32>,
        %mul3A_527 = arith.mulf %get3A_437, %get3A_526 : vector<16xf32>
        %add3A_528 = arith.addf %add3A_523, %mul3A_527 : vector<16xf32>
        %reduce_sum3A_529 = arith.constant true
        %reduce_sum3A_530 = vector.broadcast %reduce_sum3A_529 : i1 to vector<16xi1>
        %reduce_sum3A_531 = tpu.scan <sum>, %add3A_528 masked %reduce_sum3A_530 : vector<16xf32>, vector<16xi1> -> vector<16xf32>
        %reduce_sum3A_532 = vector.extract %reduce_sum3A_531[15] : f32 from vector<16xf32>
        %eq3A_533 = arith.constant 2 : i32
        %eq3A_534 = vector.broadcast %eq3A_533 : i32 to vector<16xi32>
        %eq3A_535 = arith.cmpi eq, %iota3A, %eq3A_534 : vector<16xi32>
        %broadcast_in_dim3A_536 = vector.broadcast %reduce_sum3A_532 : f32 to vector<16xf32>
        %select_n3A_537 = arith.select %eq3A_535, %broadcast_in_dim3A_536, %select_n3A_503 : vector<16xi1>, vector<16xf32>
        %mul3A_538 = arith.constant 50 : i32
        %mul3A_539 = arith.muli %scan3A_425, %mul3A_538 : i32
        %add3A_540 = arith.constant 0 : i32
        %add3A_541 = arith.addi %mul3A_539, %add3A_540 : i32
        %add3A_542 = arith.constant 3 : i32
        %add3A_543 = arith.addi %add3A_541, %add3A_542 : i32
        %get3A_544 = arith.index_cast %add3A_543 : i32 to index
        %get3A_545 = arith.constant 0 : index
        %get3A_546 = tpu.vector_load %arg13[%get3A_544, %get3A_545] {strides = array<i32>} : memref<400x128xf32, #tpu.memory_space<vmem>>, vector<16xf32>,
        %mul3A_547 = arith.mulf %get3A_428, %get3A_546 : vector<16xf32>
        %get3A_548 = arith.index_cast %add3A_543 : i32 to index
        %get3A_549 = arith.constant 16 : index
        %get3A_550 = tpu.vector_load %arg13[%get3A_548, %get3A_549] {strides = array<i32>} : memref<400x128xf32, #tpu.memory_space<vmem>>, vector<16xf32>,
        %mul3A_551 = arith.mulf %get3A_431, %get3A_550 : vector<16xf32>
        %add3A_552 = arith.addf %mul3A_547, %mul3A_551 : vector<16xf32>
        %get3A_553 = arith.index_cast %add3A_543 : i32 to index
        %get3A_554 = arith.constant 32 : index
        %get3A_555 = tpu.vector_load %arg13[%get3A_553, %get3A_554] {strides = array<i32>} : memref<400x128xf32, #tpu.memory_space<vmem>>, vector<16xf32>,
        %mul3A_556 = arith.mulf %get3A_434, %get3A_555 : vector<16xf32>
        %add3A_557 = arith.addf %add3A_552, %mul3A_556 : vector<16xf32>
        %get3A_558 = arith.index_cast %add3A_543 : i32 to index
        %get3A_559 = arith.constant 48 : index
        %get3A_560 = tpu.vector_load %arg13[%get3A_558, %get3A_559] {strides = array<i32>} : memref<400x128xf32, #tpu.memory_space<vmem>>, vector<16xf32>,
        %mul3A_561 = arith.mulf %get3A_437, %get3A_560 : vector<16xf32>
        %add3A_562 = arith.addf %add3A_557, %mul3A_561 : vector<16xf32>
        %reduce_sum3A_563 = arith.constant true
        %reduce_sum3A_564 = vector.broadcast %reduce_sum3A_563 : i1 to vector<16xi1>
        %reduce_sum3A_565 = tpu.scan <sum>, %add3A_562 masked %reduce_sum3A_564 : vector<16xf32>, vector<16xi1> -> vector<16xf32>
        %reduce_sum3A_566 = vector.extract %reduce_sum3A_565[15] : f32 from vector<16xf32>
        %eq3A_567 = arith.constant 3 : i32
        %eq3A_568 = vector.broadcast %eq3A_567 : i32 to vector<16xi32>
        %eq3A_569 = arith.cmpi eq, %iota3A, %eq3A_568 : vector<16xi32>
        %broadcast_in_dim3A_570 = vector.broadcast %reduce_sum3A_566 : f32 to vector<16xf32>
        %select_n3A_571 = arith.select %eq3A_569, %broadcast_in_dim3A_570, %select_n3A_537 : vector<16xi1>, vector<16xf32>
        %mul3A_572 = arith.constant 50 : i32
        %mul3A_573 = arith.muli %scan3A_425, %mul3A_572 : i32
        %add3A_574 = arith.constant 0 : i32
        %add3A_575 = arith.addi %mul3A_573, %add3A_574 : i32
        %add3A_576 = arith.constant 4 : i32
        %add3A_577 = arith.addi %add3A_575, %add3A_576 : i32
        %get3A_578 = arith.index_cast %add3A_577 : i32 to index
        %get3A_579 = arith.constant 0 : index
        %get3A_580 = tpu.vector_load %arg13[%get3A_578, %get3A_579] {strides = array<i32>} : memref<400x128xf32, #tpu.memory_space<vmem>>, vector<16xf32>,
        %mul3A_581 = arith.mulf %get3A_428, %get3A_580 : vector<16xf32>
        %get3A_582 = arith.index_cast %add3A_577 : i32 to index
        %get3A_583 = arith.constant 16 : index
        %get3A_584 = tpu.vector_load %arg13[%get3A_582, %get3A_583] {strides = array<i32>} : memref<400x128xf32, #tpu.memory_space<vmem>>, vector<16xf32>,
        %mul3A_585 = arith.mulf %get3A_431, %get3A_584 : vector<16xf32>
        %add3A_586 = arith.addf %mul3A_581, %mul3A_585 : vector<16xf32>
        %get3A_587 = arith.index_cast %add3A_577 : i32 to index
        %get3A_588 = arith.constant 32 : index
        %get3A_589 = tpu.vector_load %arg13[%get3A_587, %get3A_588] {strides = array<i32>} : memref<400x128xf32, #tpu.memory_space<vmem>>, vector<16xf32>,
        %mul3A_590 = arith.mulf %get3A_434, %get3A_589 : vector<16xf32>
        %add3A_591 = arith.addf %add3A_586, %mul3A_590 : vector<16xf32>
        %get3A_592 = arith.index_cast %add3A_577 : i32 to index
        %get3A_593 = arith.constant 48 : index
        %get3A_594 = tpu.vector_load %arg13[%get3A_592, %get3A_593] {strides = array<i32>} : memref<400x128xf32, #tpu.memory_space<vmem>>, vector<16xf32>,
        %mul3A_595 = arith.mulf %get3A_437, %get3A_594 : vector<16xf32>
        %add3A_596 = arith.addf %add3A_591, %mul3A_595 : vector<16xf32>
        %reduce_sum3A_597 = arith.constant true
        %reduce_sum3A_598 = vector.broadcast %reduce_sum3A_597 : i1 to vector<16xi1>
        %reduce_sum3A_599 = tpu.scan <sum>, %add3A_596 masked %reduce_sum3A_598 : vector<16xf32>, vector<16xi1> -> vector<16xf32>
        %reduce_sum3A_600 = vector.extract %reduce_sum3A_599[15] : f32 from vector<16xf32>
        %eq3A_601 = arith.constant 4 : i32
        %eq3A_602 = vector.broadcast %eq3A_601 : i32 to vector<16xi32>
        %eq3A_603 = arith.cmpi eq, %iota3A, %eq3A_602 : vector<16xi32>
        %broadcast_in_dim3A_604 = vector.broadcast %reduce_sum3A_600 : f32 to vector<16xf32>
        %select_n3A_605 = arith.select %eq3A_603, %broadcast_in_dim3A_604, %select_n3A_571 : vector<16xi1>, vector<16xf32>
        %mul3A_606 = arith.constant 50 : i32
        %mul3A_607 = arith.muli %scan3A_425, %mul3A_606 : i32
        %add3A_608 = arith.constant 0 : i32
        %add3A_609 = arith.addi %mul3A_607, %add3A_608 : i32
        %add3A_610 = arith.constant 5 : i32
        %add3A_611 = arith.addi %add3A_609, %add3A_610 : i32
        %get3A_612 = arith.index_cast %add3A_611 : i32 to index
        %get3A_613 = arith.constant 0 : index
        %get3A_614 = tpu.vector_load %arg13[%get3A_612, %get3A_613] {strides = array<i32>} : memref<400x128xf32, #tpu.memory_space<vmem>>, vector<16xf32>,
        %mul3A_615 = arith.mulf %get3A_428, %get3A_614 : vector<16xf32>
        %get3A_616 = arith.index_cast %add3A_611 : i32 to index
        %get3A_617 = arith.constant 16 : index
        %get3A_618 = tpu.vector_load %arg13[%get3A_616, %get3A_617] {strides = array<i32>} : memref<400x128xf32, #tpu.memory_space<vmem>>, vector<16xf32>,
        %mul3A_619 = arith.mulf %get3A_431, %get3A_618 : vector<16xf32>
        %add3A_620 = arith.addf %mul3A_615, %mul3A_619 : vector<16xf32>
        %get3A_621 = arith.index_cast %add3A_611 : i32 to index
        %get3A_622 = arith.constant 32 : index
        %get3A_623 = tpu.vector_load %arg13[%get3A_621, %get3A_622] {strides = array<i32>} : memref<400x128xf32, #tpu.memory_space<vmem>>, vector<16xf32>,
        %mul3A_624 = arith.mulf %get3A_434, %get3A_623 : vector<16xf32>
        %add3A_625 = arith.addf %add3A_620, %mul3A_624 : vector<16xf32>
        %get3A_626 = arith.index_cast %add3A_611 : i32 to index
        %get3A_627 = arith.constant 48 : index
        %get3A_628 = tpu.vector_load %arg13[%get3A_626, %get3A_627] {strides = array<i32>} : memref<400x128xf32, #tpu.memory_space<vmem>>, vector<16xf32>,
        %mul3A_629 = arith.mulf %get3A_437, %get3A_628 : vector<16xf32>
        %add3A_630 = arith.addf %add3A_625, %mul3A_629 : vector<16xf32>
        %reduce_sum3A_631 = arith.constant true
        %reduce_sum3A_632 = vector.broadcast %reduce_sum3A_631 : i1 to vector<16xi1>
        %reduce_sum3A_633 = tpu.scan <sum>, %add3A_630 masked %reduce_sum3A_632 : vector<16xf32>, vector<16xi1> -> vector<16xf32>
        %reduce_sum3A_634 = vector.extract %reduce_sum3A_633[15] : f32 from vector<16xf32>
        %eq3A_635 = arith.constant 5 : i32
        %eq3A_636 = vector.broadcast %eq3A_635 : i32 to vector<16xi32>
        %eq3A_637 = arith.cmpi eq, %iota3A, %eq3A_636 : vector<16xi32>
        %broadcast_in_dim3A_638 = vector.broadcast %reduce_sum3A_634 : f32 to vector<16xf32>
        %select_n3A_639 = arith.select %eq3A_637, %broadcast_in_dim3A_638, %select_n3A_605 : vector<16xi1>, vector<16xf32>
        %mul3A_640 = arith.constant 50 : i32
        %mul3A_641 = arith.muli %scan3A_425, %mul3A_640 : i32
        %add3A_642 = arith.constant 0 : i32
        %add3A_643 = arith.addi %mul3A_641, %add3A_642 : i32
        %add3A_644 = arith.constant 6 : i32
        %add3A_645 = arith.addi %add3A_643, %add3A_644 : i32
        %get3A_646 = arith.index_cast %add3A_645 : i32 to index
        %get3A_647 = arith.constant 0 : index
        %get3A_648 = tpu.vector_load %arg13[%get3A_646, %get3A_647] {strides = array<i32>} : memref<400x128xf32, #tpu.memory_space<vmem>>, vector<16xf32>,
        %mul3A_649 = arith.mulf %get3A_428, %get3A_648 : vector<16xf32>
        %get3A_650 = arith.index_cast %add3A_645 : i32 to index
        %get3A_651 = arith.constant 16 : index
        %get3A_652 = tpu.vector_load %arg13[%get3A_650, %get3A_651] {strides = array<i32>} : memref<400x128xf32, #tpu.memory_space<vmem>>, vector<16xf32>,
        %mul3A_653 = arith.mulf %get3A_431, %get3A_652 : vector<16xf32>
        %add3A_654 = arith.addf %mul3A_649, %mul3A_653 : vector<16xf32>
        %get3A_655 = arith.index_cast %add3A_645 : i32 to index
        %get3A_656 = arith.constant 32 : index
        %get3A_657 = tpu.vector_load %arg13[%get3A_655, %get3A_656] {strides = array<i32>} : memref<400x128xf32, #tpu.memory_space<vmem>>, vector<16xf32>,
        %mul3A_658 = arith.mulf %get3A_434, %get3A_657 : vector<16xf32>
        %add3A_659 = arith.addf %add3A_654, %mul3A_658 : vector<16xf32>
        %get3A_660 = arith.index_cast %add3A_645 : i32 to index
        %get3A_661 = arith.constant 48 : index
        %get3A_662 = tpu.vector_load %arg13[%get3A_660, %get3A_661] {strides = array<i32>} : memref<400x128xf32, #tpu.memory_space<vmem>>, vector<16xf32>,
        %mul3A_663 = arith.mulf %get3A_437, %get3A_662 : vector<16xf32>
        %add3A_664 = arith.addf %add3A_659, %mul3A_663 : vector<16xf32>
        %reduce_sum3A_665 = arith.constant true
        %reduce_sum3A_666 = vector.broadcast %reduce_sum3A_665 : i1 to vector<16xi1>
        %reduce_sum3A_667 = tpu.scan <sum>, %add3A_664 masked %reduce_sum3A_666 : vector<16xf32>, vector<16xi1> -> vector<16xf32>
        %reduce_sum3A_668 = vector.extract %reduce_sum3A_667[15] : f32 from vector<16xf32>
        %eq3A_669 = arith.constant 6 : i32
        %eq3A_670 = vector.broadcast %eq3A_669 : i32 to vector<16xi32>
        %eq3A_671 = arith.cmpi eq, %iota3A, %eq3A_670 : vector<16xi32>
        %broadcast_in_dim3A_672 = vector.broadcast %reduce_sum3A_668 : f32 to vector<16xf32>
        %select_n3A_673 = arith.select %eq3A_671, %broadcast_in_dim3A_672, %select_n3A_639 : vector<16xi1>, vector<16xf32>
        %mul3A_674 = arith.constant 50 : i32
        %mul3A_675 = arith.muli %scan3A_425, %mul3A_674 : i32
        %add3A_676 = arith.constant 0 : i32
        %add3A_677 = arith.addi %mul3A_675, %add3A_676 : i32
        %add3A_678 = arith.constant 7 : i32
        %add3A_679 = arith.addi %add3A_677, %add3A_678 : i32
        %get3A_680 = arith.index_cast %add3A_679 : i32 to index
        %get3A_681 = arith.constant 0 : index
        %get3A_682 = tpu.vector_load %arg13[%get3A_680, %get3A_681] {strides = array<i32>} : memref<400x128xf32, #tpu.memory_space<vmem>>, vector<16xf32>,
        %mul3A_683 = arith.mulf %get3A_428, %get3A_682 : vector<16xf32>
        %get3A_684 = arith.index_cast %add3A_679 : i32 to index
        %get3A_685 = arith.constant 16 : index
        %get3A_686 = tpu.vector_load %arg13[%get3A_684, %get3A_685] {strides = array<i32>} : memref<400x128xf32, #tpu.memory_space<vmem>>, vector<16xf32>,
        %mul3A_687 = arith.mulf %get3A_431, %get3A_686 : vector<16xf32>
        %add3A_688 = arith.addf %mul3A_683, %mul3A_687 : vector<16xf32>
        %get3A_689 = arith.index_cast %add3A_679 : i32 to index
        %get3A_690 = arith.constant 32 : index
        %get3A_691 = tpu.vector_load %arg13[%get3A_689, %get3A_690] {strides = array<i32>} : memref<400x128xf32, #tpu.memory_space<vmem>>, vector<16xf32>,
        %mul3A_692 = arith.mulf %get3A_434, %get3A_691 : vector<16xf32>
        %add3A_693 = arith.addf %add3A_688, %mul3A_692 : vector<16xf32>
        %get3A_694 = arith.index_cast %add3A_679 : i32 to index
        %get3A_695 = arith.constant 48 : index
        %get3A_696 = tpu.vector_load %arg13[%get3A_694, %get3A_695] {strides = array<i32>} : memref<400x128xf32, #tpu.memory_space<vmem>>, vector<16xf32>,
        %mul3A_697 = arith.mulf %get3A_437, %get3A_696 : vector<16xf32>
        %add3A_698 = arith.addf %add3A_693, %mul3A_697 : vector<16xf32>
        %reduce_sum3A_699 = arith.constant true
        %reduce_sum3A_700 = vector.broadcast %reduce_sum3A_699 : i1 to vector<16xi1>
        %reduce_sum3A_701 = tpu.scan <sum>, %add3A_698 masked %reduce_sum3A_700 : vector<16xf32>, vector<16xi1> -> vector<16xf32>
        %reduce_sum3A_702 = vector.extract %reduce_sum3A_701[15] : f32 from vector<16xf32>
        %eq3A_703 = arith.constant 7 : i32
        %eq3A_704 = vector.broadcast %eq3A_703 : i32 to vector<16xi32>
        %eq3A_705 = arith.cmpi eq, %iota3A, %eq3A_704 : vector<16xi32>
        %broadcast_in_dim3A_706 = vector.broadcast %reduce_sum3A_702 : f32 to vector<16xf32>
        %select_n3A_707 = arith.select %eq3A_705, %broadcast_in_dim3A_706, %select_n3A_673 : vector<16xi1>, vector<16xf32>
        %mul3A_708 = arith.constant 50 : i32
        %mul3A_709 = arith.muli %scan3A_425, %mul3A_708 : i32
        %add3A_710 = arith.constant 0 : i32
        %add3A_711 = arith.addi %mul3A_709, %add3A_710 : i32
        %add3A_712 = arith.constant 8 : i32
        %add3A_713 = arith.addi %add3A_711, %add3A_712 : i32
        %get3A_714 = arith.index_cast %add3A_713 : i32 to index
        %get3A_715 = arith.constant 0 : index
        %get3A_716 = tpu.vector_load %arg13[%get3A_714, %get3A_715] {strides = array<i32>} : memref<400x128xf32, #tpu.memory_space<vmem>>, vector<16xf32>,
        %mul3A_717 = arith.mulf %get3A_428, %get3A_716 : vector<16xf32>
        %get3A_718 = arith.index_cast %add3A_713 : i32 to index
        %get3A_719 = arith.constant 16 : index
        %get3A_720 = tpu.vector_load %arg13[%get3A_718, %get3A_719] {strides = array<i32>} : memref<400x128xf32, #tpu.memory_space<vmem>>, vector<16xf32>,
        %mul3A_721 = arith.mulf %get3A_431, %get3A_720 : vector<16xf32>
        %add3A_722 = arith.addf %mul3A_717, %mul3A_721 : vector<16xf32>
        %get3A_723 = arith.index_cast %add3A_713 : i32 to index
        %get3A_724 = arith.constant 32 : index
        %get3A_725 = tpu.vector_load %arg13[%get3A_723, %get3A_724] {strides = array<i32>} : memref<400x128xf32, #tpu.memory_space<vmem>>, vector<16xf32>,
        %mul3A_726 = arith.mulf %get3A_434, %get3A_725 : vector<16xf32>
        %add3A_727 = arith.addf %add3A_722, %mul3A_726 : vector<16xf32>
        %get3A_728 = arith.index_cast %add3A_713 : i32 to index
        %get3A_729 = arith.constant 48 : index
        %get3A_730 = tpu.vector_load %arg13[%get3A_728, %get3A_729] {strides = array<i32>} : memref<400x128xf32, #tpu.memory_space<vmem>>, vector<16xf32>,
        %mul3A_731 = arith.mulf %get3A_437, %get3A_730 : vector<16xf32>
        %add3A_732 = arith.addf %add3A_727, %mul3A_731 : vector<16xf32>
        %reduce_sum3A_733 = arith.constant true
        %reduce_sum3A_734 = vector.broadcast %reduce_sum3A_733 : i1 to vector<16xi1>
        %reduce_sum3A_735 = tpu.scan <sum>, %add3A_732 masked %reduce_sum3A_734 : vector<16xf32>, vector<16xi1> -> vector<16xf32>
        %reduce_sum3A_736 = vector.extract %reduce_sum3A_735[15] : f32 from vector<16xf32>
        %eq3A_737 = arith.constant 8 : i32
        %eq3A_738 = vector.broadcast %eq3A_737 : i32 to vector<16xi32>
        %eq3A_739 = arith.cmpi eq, %iota3A, %eq3A_738 : vector<16xi32>
        %broadcast_in_dim3A_740 = vector.broadcast %reduce_sum3A_736 : f32 to vector<16xf32>
        %select_n3A_741 = arith.select %eq3A_739, %broadcast_in_dim3A_740, %select_n3A_707 : vector<16xi1>, vector<16xf32>
        %mul3A_742 = arith.constant 50 : i32
        %mul3A_743 = arith.muli %scan3A_425, %mul3A_742 : i32
        %add3A_744 = arith.constant 0 : i32
        %add3A_745 = arith.addi %mul3A_743, %add3A_744 : i32
        %add3A_746 = arith.constant 9 : i32
        %add3A_747 = arith.addi %add3A_745, %add3A_746 : i32
        %get3A_748 = arith.index_cast %add3A_747 : i32 to index
        %get3A_749 = arith.constant 0 : index
        %get3A_750 = tpu.vector_load %arg13[%get3A_748, %get3A_749] {strides = array<i32>} : memref<400x128xf32, #tpu.memory_space<vmem>>, vector<16xf32>,
        %mul3A_751 = arith.mulf %get3A_428, %get3A_750 : vector<16xf32>
        %get3A_752 = arith.index_cast %add3A_747 : i32 to index
        %get3A_753 = arith.constant 16 : index
        %get3A_754 = tpu.vector_load %arg13[%get3A_752, %get3A_753] {strides = array<i32>} : memref<400x128xf32, #tpu.memory_space<vmem>>, vector<16xf32>,
        %mul3A_755 = arith.mulf %get3A_431, %get3A_754 : vector<16xf32>
        %add3A_756 = arith.addf %mul3A_751, %mul3A_755 : vector<16xf32>
        %get3A_757 = arith.index_cast %add3A_747 : i32 to index
        %get3A_758 = arith.constant 32 : index
        %get3A_759 = tpu.vector_load %arg13[%get3A_757, %get3A_758] {strides = array<i32>} : memref<400x128xf32, #tpu.memory_space<vmem>>, vector<16xf32>,
        %mul3A_760 = arith.mulf %get3A_434, %get3A_759 : vector<16xf32>
        %add3A_761 = arith.addf %add3A_756, %mul3A_760 : vector<16xf32>
        %get3A_762 = arith.index_cast %add3A_747 : i32 to index
        %get3A_763 = arith.constant 48 : index
        %get3A_764 = tpu.vector_load %arg13[%get3A_762, %get3A_763] {strides = array<i32>} : memref<400x128xf32, #tpu.memory_space<vmem>>, vector<16xf32>,
        %mul3A_765 = arith.mulf %get3A_437, %get3A_764 : vector<16xf32>
        %add3A_766 = arith.addf %add3A_761, %mul3A_765 : vector<16xf32>
        %reduce_sum3A_767 = arith.constant true
        %reduce_sum3A_768 = vector.broadcast %reduce_sum3A_767 : i1 to vector<16xi1>
        %reduce_sum3A_769 = tpu.scan <sum>, %add3A_766 masked %reduce_sum3A_768 : vector<16xf32>, vector<16xi1> -> vector<16xf32>
        %reduce_sum3A_770 = vector.extract %reduce_sum3A_769[15] : f32 from vector<16xf32>
        %eq3A_771 = arith.constant 9 : i32
        %eq3A_772 = vector.broadcast %eq3A_771 : i32 to vector<16xi32>
        %eq3A_773 = arith.cmpi eq, %iota3A, %eq3A_772 : vector<16xi32>
        %broadcast_in_dim3A_774 = vector.broadcast %reduce_sum3A_770 : f32 to vector<16xf32>
        %select_n3A_775 = arith.select %eq3A_773, %broadcast_in_dim3A_774, %select_n3A_741 : vector<16xi1>, vector<16xf32>
        %mul3A_776 = arith.constant 50 : i32
        %mul3A_777 = arith.muli %scan3A_425, %mul3A_776 : i32
        %add3A_778 = arith.constant 0 : i32
        %add3A_779 = arith.addi %mul3A_777, %add3A_778 : i32
        %add3A_780 = arith.constant 10 : i32
        %add3A_781 = arith.addi %add3A_779, %add3A_780 : i32
        %get3A_782 = arith.index_cast %add3A_781 : i32 to index
        %get3A_783 = arith.constant 0 : index
        %get3A_784 = tpu.vector_load %arg13[%get3A_782, %get3A_783] {strides = array<i32>} : memref<400x128xf32, #tpu.memory_space<vmem>>, vector<16xf32>,
        %mul3A_785 = arith.mulf %get3A_428, %get3A_784 : vector<16xf32>
        %get3A_786 = arith.index_cast %add3A_781 : i32 to index
        %get3A_787 = arith.constant 16 : index
        %get3A_788 = tpu.vector_load %arg13[%get3A_786, %get3A_787] {strides = array<i32>} : memref<400x128xf32, #tpu.memory_space<vmem>>, vector<16xf32>,
        %mul3A_789 = arith.mulf %get3A_431, %get3A_788 : vector<16xf32>
        %add3A_790 = arith.addf %mul3A_785, %mul3A_789 : vector<16xf32>
        %get3A_791 = arith.index_cast %add3A_781 : i32 to index
        %get3A_792 = arith.constant 32 : index
        %get3A_793 = tpu.vector_load %arg13[%get3A_791, %get3A_792] {strides = array<i32>} : memref<400x128xf32, #tpu.memory_space<vmem>>, vector<16xf32>,
        %mul3A_794 = arith.mulf %get3A_434, %get3A_793 : vector<16xf32>
        %add3A_795 = arith.addf %add3A_790, %mul3A_794 : vector<16xf32>
        %get3A_796 = arith.index_cast %add3A_781 : i32 to index
        %get3A_797 = arith.constant 48 : index
        %get3A_798 = tpu.vector_load %arg13[%get3A_796, %get3A_797] {strides = array<i32>} : memref<400x128xf32, #tpu.memory_space<vmem>>, vector<16xf32>,
        %mul3A_799 = arith.mulf %get3A_437, %get3A_798 : vector<16xf32>
        %add3A_800 = arith.addf %add3A_795, %mul3A_799 : vector<16xf32>
        %reduce_sum3A_801 = arith.constant true
        %reduce_sum3A_802 = vector.broadcast %reduce_sum3A_801 : i1 to vector<16xi1>
        %reduce_sum3A_803 = tpu.scan <sum>, %add3A_800 masked %reduce_sum3A_802 : vector<16xf32>, vector<16xi1> -> vector<16xf32>
        %reduce_sum3A_804 = vector.extract %reduce_sum3A_803[15] : f32 from vector<16xf32>
        %eq3A_805 = arith.constant 10 : i32
        %eq3A_806 = vector.broadcast %eq3A_805 : i32 to vector<16xi32>
        %eq3A_807 = arith.cmpi eq, %iota3A, %eq3A_806 : vector<16xi32>
        %broadcast_in_dim3A_808 = vector.broadcast %reduce_sum3A_804 : f32 to vector<16xf32>
        %select_n3A_809 = arith.select %eq3A_807, %broadcast_in_dim3A_808, %select_n3A_775 : vector<16xi1>, vector<16xf32>
        %mul3A_810 = arith.constant 50 : i32
        %mul3A_811 = arith.muli %scan3A_425, %mul3A_810 : i32
        %add3A_812 = arith.constant 0 : i32
        %add3A_813 = arith.addi %mul3A_811, %add3A_812 : i32
        %add3A_814 = arith.constant 11 : i32
        %add3A_815 = arith.addi %add3A_813, %add3A_814 : i32
        %get3A_816 = arith.index_cast %add3A_815 : i32 to index
        %get3A_817 = arith.constant 0 : index
        %get3A_818 = tpu.vector_load %arg13[%get3A_816, %get3A_817] {strides = array<i32>} : memref<400x128xf32, #tpu.memory_space<vmem>>, vector<16xf32>,
        %mul3A_819 = arith.mulf %get3A_428, %get3A_818 : vector<16xf32>
        %get3A_820 = arith.index_cast %add3A_815 : i32 to index
        %get3A_821 = arith.constant 16 : index
        %get3A_822 = tpu.vector_load %arg13[%get3A_820, %get3A_821] {strides = array<i32>} : memref<400x128xf32, #tpu.memory_space<vmem>>, vector<16xf32>,
        %mul3A_823 = arith.mulf %get3A_431, %get3A_822 : vector<16xf32>
        %add3A_824 = arith.addf %mul3A_819, %mul3A_823 : vector<16xf32>
        %get3A_825 = arith.index_cast %add3A_815 : i32 to index
        %get3A_826 = arith.constant 32 : index
        %get3A_827 = tpu.vector_load %arg13[%get3A_825, %get3A_826] {strides = array<i32>} : memref<400x128xf32, #tpu.memory_space<vmem>>, vector<16xf32>,
        %mul3A_828 = arith.mulf %get3A_434, %get3A_827 : vector<16xf32>
        %add3A_829 = arith.addf %add3A_824, %mul3A_828 : vector<16xf32>
        %get3A_830 = arith.index_cast %add3A_815 : i32 to index
        %get3A_831 = arith.constant 48 : index
        %get3A_832 = tpu.vector_load %arg13[%get3A_830, %get3A_831] {strides = array<i32>} : memref<400x128xf32, #tpu.memory_space<vmem>>, vector<16xf32>,
        %mul3A_833 = arith.mulf %get3A_437, %get3A_832 : vector<16xf32>
        %add3A_834 = arith.addf %add3A_829, %mul3A_833 : vector<16xf32>
        %reduce_sum3A_835 = arith.constant true
        %reduce_sum3A_836 = vector.broadcast %reduce_sum3A_835 : i1 to vector<16xi1>
        %reduce_sum3A_837 = tpu.scan <sum>, %add3A_834 masked %reduce_sum3A_836 : vector<16xf32>, vector<16xi1> -> vector<16xf32>
        %reduce_sum3A_838 = vector.extract %reduce_sum3A_837[15] : f32 from vector<16xf32>
        %eq3A_839 = arith.constant 11 : i32
        %eq3A_840 = vector.broadcast %eq3A_839 : i32 to vector<16xi32>
        %eq3A_841 = arith.cmpi eq, %iota3A, %eq3A_840 : vector<16xi32>
        %broadcast_in_dim3A_842 = vector.broadcast %reduce_sum3A_838 : f32 to vector<16xf32>
        %select_n3A_843 = arith.select %eq3A_841, %broadcast_in_dim3A_842, %select_n3A_809 : vector<16xi1>, vector<16xf32>
        %mul3A_844 = arith.constant 50 : i32
        %mul3A_845 = arith.muli %scan3A_425, %mul3A_844 : i32
        %add3A_846 = arith.constant 0 : i32
        %add3A_847 = arith.addi %mul3A_845, %add3A_846 : i32
        %add3A_848 = arith.constant 12 : i32
        %add3A_849 = arith.addi %add3A_847, %add3A_848 : i32
        %get3A_850 = arith.index_cast %add3A_849 : i32 to index
        %get3A_851 = arith.constant 0 : index
        %get3A_852 = tpu.vector_load %arg13[%get3A_850, %get3A_851] {strides = array<i32>} : memref<400x128xf32, #tpu.memory_space<vmem>>, vector<16xf32>,
        %mul3A_853 = arith.mulf %get3A_428, %get3A_852 : vector<16xf32>
        %get3A_854 = arith.index_cast %add3A_849 : i32 to index
        %get3A_855 = arith.constant 16 : index
        %get3A_856 = tpu.vector_load %arg13[%get3A_854, %get3A_855] {strides = array<i32>} : memref<400x128xf32, #tpu.memory_space<vmem>>, vector<16xf32>,
        %mul3A_857 = arith.mulf %get3A_431, %get3A_856 : vector<16xf32>
        %add3A_858 = arith.addf %mul3A_853, %mul3A_857 : vector<16xf32>
        %get3A_859 = arith.index_cast %add3A_849 : i32 to index
        %get3A_860 = arith.constant 32 : index
        %get3A_861 = tpu.vector_load %arg13[%get3A_859, %get3A_860] {strides = array<i32>} : memref<400x128xf32, #tpu.memory_space<vmem>>, vector<16xf32>,
        %mul3A_862 = arith.mulf %get3A_434, %get3A_861 : vector<16xf32>
        %add3A_863 = arith.addf %add3A_858, %mul3A_862 : vector<16xf32>
        %get3A_864 = arith.index_cast %add3A_849 : i32 to index
        %get3A_865 = arith.constant 48 : index
        %get3A_866 = tpu.vector_load %arg13[%get3A_864, %get3A_865] {strides = array<i32>} : memref<400x128xf32, #tpu.memory_space<vmem>>, vector<16xf32>,
        %mul3A_867 = arith.mulf %get3A_437, %get3A_866 : vector<16xf32>
        %add3A_868 = arith.addf %add3A_863, %mul3A_867 : vector<16xf32>
        %reduce_sum3A_869 = arith.constant true
        %reduce_sum3A_870 = vector.broadcast %reduce_sum3A_869 : i1 to vector<16xi1>
        %reduce_sum3A_871 = tpu.scan <sum>, %add3A_868 masked %reduce_sum3A_870 : vector<16xf32>, vector<16xi1> -> vector<16xf32>
        %reduce_sum3A_872 = vector.extract %reduce_sum3A_871[15] : f32 from vector<16xf32>
        %eq3A_873 = arith.constant 12 : i32
        %eq3A_874 = vector.broadcast %eq3A_873 : i32 to vector<16xi32>
        %eq3A_875 = arith.cmpi eq, %iota3A, %eq3A_874 : vector<16xi32>
        %broadcast_in_dim3A_876 = vector.broadcast %reduce_sum3A_872 : f32 to vector<16xf32>
        %select_n3A_877 = arith.select %eq3A_875, %broadcast_in_dim3A_876, %select_n3A_843 : vector<16xi1>, vector<16xf32>
        %mul3A_878 = arith.constant 50 : i32
        %mul3A_879 = arith.muli %scan3A_425, %mul3A_878 : i32
        %add3A_880 = arith.constant 0 : i32
        %add3A_881 = arith.addi %mul3A_879, %add3A_880 : i32
        %add3A_882 = arith.constant 13 : i32
        %add3A_883 = arith.addi %add3A_881, %add3A_882 : i32
        %get3A_884 = arith.index_cast %add3A_883 : i32 to index
        %get3A_885 = arith.constant 0 : index
        %get3A_886 = tpu.vector_load %arg13[%get3A_884, %get3A_885] {strides = array<i32>} : memref<400x128xf32, #tpu.memory_space<vmem>>, vector<16xf32>,
        %mul3A_887 = arith.mulf %get3A_428, %get3A_886 : vector<16xf32>
        %get3A_888 = arith.index_cast %add3A_883 : i32 to index
        %get3A_889 = arith.constant 16 : index
        %get3A_890 = tpu.vector_load %arg13[%get3A_888, %get3A_889] {strides = array<i32>} : memref<400x128xf32, #tpu.memory_space<vmem>>, vector<16xf32>,
        %mul3A_891 = arith.mulf %get3A_431, %get3A_890 : vector<16xf32>
        %add3A_892 = arith.addf %mul3A_887, %mul3A_891 : vector<16xf32>
        %get3A_893 = arith.index_cast %add3A_883 : i32 to index
        %get3A_894 = arith.constant 32 : index
        %get3A_895 = tpu.vector_load %arg13[%get3A_893, %get3A_894] {strides = array<i32>} : memref<400x128xf32, #tpu.memory_space<vmem>>, vector<16xf32>,
        %mul3A_896 = arith.mulf %get3A_434, %get3A_895 : vector<16xf32>
        %add3A_897 = arith.addf %add3A_892, %mul3A_896 : vector<16xf32>
        %get3A_898 = arith.index_cast %add3A_883 : i32 to index
        %get3A_899 = arith.constant 48 : index
        %get3A_900 = tpu.vector_load %arg13[%get3A_898, %get3A_899] {strides = array<i32>} : memref<400x128xf32, #tpu.memory_space<vmem>>, vector<16xf32>,
        %mul3A_901 = arith.mulf %get3A_437, %get3A_900 : vector<16xf32>
        %add3A_902 = arith.addf %add3A_897, %mul3A_901 : vector<16xf32>
        %reduce_sum3A_903 = arith.constant true
        %reduce_sum3A_904 = vector.broadcast %reduce_sum3A_903 : i1 to vector<16xi1>
        %reduce_sum3A_905 = tpu.scan <sum>, %add3A_902 masked %reduce_sum3A_904 : vector<16xf32>, vector<16xi1> -> vector<16xf32>
        %reduce_sum3A_906 = vector.extract %reduce_sum3A_905[15] : f32 from vector<16xf32>
        %eq3A_907 = arith.constant 13 : i32
        %eq3A_908 = vector.broadcast %eq3A_907 : i32 to vector<16xi32>
        %eq3A_909 = arith.cmpi eq, %iota3A, %eq3A_908 : vector<16xi32>
        %broadcast_in_dim3A_910 = vector.broadcast %reduce_sum3A_906 : f32 to vector<16xf32>
        %select_n3A_911 = arith.select %eq3A_909, %broadcast_in_dim3A_910, %select_n3A_877 : vector<16xi1>, vector<16xf32>
        %mul3A_912 = arith.constant 50 : i32
        %mul3A_913 = arith.muli %scan3A_425, %mul3A_912 : i32
        %add3A_914 = arith.constant 0 : i32
        %add3A_915 = arith.addi %mul3A_913, %add3A_914 : i32
        %add3A_916 = arith.constant 14 : i32
        %add3A_917 = arith.addi %add3A_915, %add3A_916 : i32
        %get3A_918 = arith.index_cast %add3A_917 : i32 to index
        %get3A_919 = arith.constant 0 : index
        %get3A_920 = tpu.vector_load %arg13[%get3A_918, %get3A_919] {strides = array<i32>} : memref<400x128xf32, #tpu.memory_space<vmem>>, vector<16xf32>,
        %mul3A_921 = arith.mulf %get3A_428, %get3A_920 : vector<16xf32>
        %get3A_922 = arith.index_cast %add3A_917 : i32 to index
        %get3A_923 = arith.constant 16 : index
        %get3A_924 = tpu.vector_load %arg13[%get3A_922, %get3A_923] {strides = array<i32>} : memref<400x128xf32, #tpu.memory_space<vmem>>, vector<16xf32>,
        %mul3A_925 = arith.mulf %get3A_431, %get3A_924 : vector<16xf32>
        %add3A_926 = arith.addf %mul3A_921, %mul3A_925 : vector<16xf32>
        %get3A_927 = arith.index_cast %add3A_917 : i32 to index
        %get3A_928 = arith.constant 32 : index
        %get3A_929 = tpu.vector_load %arg13[%get3A_927, %get3A_928] {strides = array<i32>} : memref<400x128xf32, #tpu.memory_space<vmem>>, vector<16xf32>,
        %mul3A_930 = arith.mulf %get3A_434, %get3A_929 : vector<16xf32>
        %add3A_931 = arith.addf %add3A_926, %mul3A_930 : vector<16xf32>
        %get3A_932 = arith.index_cast %add3A_917 : i32 to index
        %get3A_933 = arith.constant 48 : index
        %get3A_934 = tpu.vector_load %arg13[%get3A_932, %get3A_933] {strides = array<i32>} : memref<400x128xf32, #tpu.memory_space<vmem>>, vector<16xf32>,
        %mul3A_935 = arith.mulf %get3A_437, %get3A_934 : vector<16xf32>
        %add3A_936 = arith.addf %add3A_931, %mul3A_935 : vector<16xf32>
        %reduce_sum3A_937 = arith.constant true
        %reduce_sum3A_938 = vector.broadcast %reduce_sum3A_937 : i1 to vector<16xi1>
        %reduce_sum3A_939 = tpu.scan <sum>, %add3A_936 masked %reduce_sum3A_938 : vector<16xf32>, vector<16xi1> -> vector<16xf32>
        %reduce_sum3A_940 = vector.extract %reduce_sum3A_939[15] : f32 from vector<16xf32>
        %eq3A_941 = arith.constant 14 : i32
        %eq3A_942 = vector.broadcast %eq3A_941 : i32 to vector<16xi32>
        %eq3A_943 = arith.cmpi eq, %iota3A, %eq3A_942 : vector<16xi32>
        %broadcast_in_dim3A_944 = vector.broadcast %reduce_sum3A_940 : f32 to vector<16xf32>
        %select_n3A_945 = arith.select %eq3A_943, %broadcast_in_dim3A_944, %select_n3A_911 : vector<16xi1>, vector<16xf32>
        %mul3A_946 = arith.constant 50 : i32
        %mul3A_947 = arith.muli %scan3A_425, %mul3A_946 : i32
        %add3A_948 = arith.constant 0 : i32
        %add3A_949 = arith.addi %mul3A_947, %add3A_948 : i32
        %add3A_950 = arith.constant 15 : i32
        %add3A_951 = arith.addi %add3A_949, %add3A_950 : i32
        %get3A_952 = arith.index_cast %add3A_951 : i32 to index
        %get3A_953 = arith.constant 0 : index
        %get3A_954 = tpu.vector_load %arg13[%get3A_952, %get3A_953] {strides = array<i32>} : memref<400x128xf32, #tpu.memory_space<vmem>>, vector<16xf32>,
        %mul3A_955 = arith.mulf %get3A_428, %get3A_954 : vector<16xf32>
        %get3A_956 = arith.index_cast %add3A_951 : i32 to index
        %get3A_957 = arith.constant 16 : index
        %get3A_958 = tpu.vector_load %arg13[%get3A_956, %get3A_957] {strides = array<i32>} : memref<400x128xf32, #tpu.memory_space<vmem>>, vector<16xf32>,
        %mul3A_959 = arith.mulf %get3A_431, %get3A_958 : vector<16xf32>
        %add3A_960 = arith.addf %mul3A_955, %mul3A_959 : vector<16xf32>
        %get3A_961 = arith.index_cast %add3A_951 : i32 to index
        %get3A_962 = arith.constant 32 : index
        %get3A_963 = tpu.vector_load %arg13[%get3A_961, %get3A_962] {strides = array<i32>} : memref<400x128xf32, #tpu.memory_space<vmem>>, vector<16xf32>,
        %mul3A_964 = arith.mulf %get3A_434, %get3A_963 : vector<16xf32>
        %add3A_965 = arith.addf %add3A_960, %mul3A_964 : vector<16xf32>
        %get3A_966 = arith.index_cast %add3A_951 : i32 to index
        %get3A_967 = arith.constant 48 : index
        %get3A_968 = tpu.vector_load %arg13[%get3A_966, %get3A_967] {strides = array<i32>} : memref<400x128xf32, #tpu.memory_space<vmem>>, vector<16xf32>,
        %mul3A_969 = arith.mulf %get3A_437, %get3A_968 : vector<16xf32>
        %add3A_970 = arith.addf %add3A_965, %mul3A_969 : vector<16xf32>
        %reduce_sum3A_971 = arith.constant true
        %reduce_sum3A_972 = vector.broadcast %reduce_sum3A_971 : i1 to vector<16xi1>
        %reduce_sum3A_973 = tpu.scan <sum>, %add3A_970 masked %reduce_sum3A_972 : vector<16xf32>, vector<16xi1> -> vector<16xf32>
        %reduce_sum3A_974 = vector.extract %reduce_sum3A_973[15] : f32 from vector<16xf32>
        %eq3A_975 = arith.constant 15 : i32
        %eq3A_976 = vector.broadcast %eq3A_975 : i32 to vector<16xi32>
        %eq3A_977 = arith.cmpi eq, %iota3A, %eq3A_976 : vector<16xi32>
        %broadcast_in_dim3A_978 = vector.broadcast %reduce_sum3A_974 : f32 to vector<16xf32>
        %select_n3A_979 = arith.select %eq3A_977, %broadcast_in_dim3A_978, %select_n3A_945 : vector<16xi1>, vector<16xf32>
        %swap3A = arith.index_cast %scan3A_425 : i32 to index
        %swap3A_980 = arith.constant 0 : index
        %swap3A_981 = tpu.vector_load %arg14[%swap3A, %swap3A_980] {strides = array<i32>} : memref<8x128xf32, #tpu.memory_space<vmem>>, vector<16xf32>,
        tpu.vector_store %arg14[%swap3A, %swap3A_980], %select_n3A_979 {strides = array<i32>} : memref<8x128xf32, #tpu.memory_space<vmem>>, vector<16xf32>,
        %broadcast_in_dim3A_982 = arith.constant 0.000000e+00 : f32
        %broadcast_in_dim3A_983 = vector.broadcast %broadcast_in_dim3A_982 : f32 to vector<16xf32>
        %mul3A_984 = arith.constant 50 : i32
        %mul3A_985 = arith.muli %scan3A_425, %mul3A_984 : i32
        %add3A_986 = arith.constant 16 : i32
        %add3A_987 = arith.addi %mul3A_985, %add3A_986 : i32
        %add3A_988 = arith.constant 0 : i32
        %add3A_989 = arith.addi %add3A_987, %add3A_988 : i32
        %get3A_990 = arith.index_cast %add3A_989 : i32 to index
        %get3A_991 = arith.constant 0 : index
        %get3A_992 = tpu.vector_load %arg13[%get3A_990, %get3A_991] {strides = array<i32>} : memref<400x128xf32, #tpu.memory_space<vmem>>, vector<16xf32>,
        %mul3A_993 = arith.mulf %get3A_428, %get3A_992 : vector<16xf32>
        %get3A_994 = arith.index_cast %add3A_989 : i32 to index
        %get3A_995 = arith.constant 16 : index
        %get3A_996 = tpu.vector_load %arg13[%get3A_994, %get3A_995] {strides = array<i32>} : memref<400x128xf32, #tpu.memory_space<vmem>>, vector<16xf32>,
        %mul3A_997 = arith.mulf %get3A_431, %get3A_996 : vector<16xf32>
        %add3A_998 = arith.addf %mul3A_993, %mul3A_997 : vector<16xf32>
        %get3A_999 = arith.index_cast %add3A_989 : i32 to index
        %get3A_1000 = arith.constant 32 : index
        %get3A_1001 = tpu.vector_load %arg13[%get3A_999, %get3A_1000] {strides = array<i32>} : memref<400x128xf32, #tpu.memory_space<vmem>>, vector<16xf32>,
        %mul3A_1002 = arith.mulf %get3A_434, %get3A_1001 : vector<16xf32>
        %add3A_1003 = arith.addf %add3A_998, %mul3A_1002 : vector<16xf32>
        %get3A_1004 = arith.index_cast %add3A_989 : i32 to index
        %get3A_1005 = arith.constant 48 : index
        %get3A_1006 = tpu.vector_load %arg13[%get3A_1004, %get3A_1005] {strides = array<i32>} : memref<400x128xf32, #tpu.memory_space<vmem>>, vector<16xf32>,
        %mul3A_1007 = arith.mulf %get3A_437, %get3A_1006 : vector<16xf32>
        %add3A_1008 = arith.addf %add3A_1003, %mul3A_1007 : vector<16xf32>
        %reduce_sum3A_1009 = arith.constant true
        %reduce_sum3A_1010 = vector.broadcast %reduce_sum3A_1009 : i1 to vector<16xi1>
        %reduce_sum3A_1011 = tpu.scan <sum>, %add3A_1008 masked %reduce_sum3A_1010 : vector<16xf32>, vector<16xi1> -> vector<16xf32>
        %reduce_sum3A_1012 = vector.extract %reduce_sum3A_1011[15] : f32 from vector<16xf32>
        %eq3A_1013 = arith.constant 0 : i32
        %eq3A_1014 = vector.broadcast %eq3A_1013 : i32 to vector<16xi32>
        %eq3A_1015 = arith.cmpi eq, %iota3A, %eq3A_1014 : vector<16xi32>
        %broadcast_in_dim3A_1016 = vector.broadcast %reduce_sum3A_1012 : f32 to vector<16xf32>
        %select_n3A_1017 = arith.select %eq3A_1015, %broadcast_in_dim3A_1016, %broadcast_in_dim3A_983 : vector<16xi1>, vector<16xf32>
        %mul3A_1018 = arith.constant 50 : i32
        %mul3A_1019 = arith.muli %scan3A_425, %mul3A_1018 : i32
        %add3A_1020 = arith.constant 16 : i32
        %add3A_1021 = arith.addi %mul3A_1019, %add3A_1020 : i32
        %add3A_1022 = arith.constant 1 : i32
        %add3A_1023 = arith.addi %add3A_1021, %add3A_1022 : i32
        %get3A_1024 = arith.index_cast %add3A_1023 : i32 to index
        %get3A_1025 = arith.constant 0 : index
        %get3A_1026 = tpu.vector_load %arg13[%get3A_1024, %get3A_1025] {strides = array<i32>} : memref<400x128xf32, #tpu.memory_space<vmem>>, vector<16xf32>,
        %mul3A_1027 = arith.mulf %get3A_428, %get3A_1026 : vector<16xf32>
        %get3A_1028 = arith.index_cast %add3A_1023 : i32 to index
        %get3A_1029 = arith.constant 16 : index
        %get3A_1030 = tpu.vector_load %arg13[%get3A_1028, %get3A_1029] {strides = array<i32>} : memref<400x128xf32, #tpu.memory_space<vmem>>, vector<16xf32>,
        %mul3A_1031 = arith.mulf %get3A_431, %get3A_1030 : vector<16xf32>
        %add3A_1032 = arith.addf %mul3A_1027, %mul3A_1031 : vector<16xf32>
        %get3A_1033 = arith.index_cast %add3A_1023 : i32 to index
        %get3A_1034 = arith.constant 32 : index
        %get3A_1035 = tpu.vector_load %arg13[%get3A_1033, %get3A_1034] {strides = array<i32>} : memref<400x128xf32, #tpu.memory_space<vmem>>, vector<16xf32>,
        %mul3A_1036 = arith.mulf %get3A_434, %get3A_1035 : vector<16xf32>
        %add3A_1037 = arith.addf %add3A_1032, %mul3A_1036 : vector<16xf32>
        %get3A_1038 = arith.index_cast %add3A_1023 : i32 to index
        %get3A_1039 = arith.constant 48 : index
        %get3A_1040 = tpu.vector_load %arg13[%get3A_1038, %get3A_1039] {strides = array<i32>} : memref<400x128xf32, #tpu.memory_space<vmem>>, vector<16xf32>,
        %mul3A_1041 = arith.mulf %get3A_437, %get3A_1040 : vector<16xf32>
        %add3A_1042 = arith.addf %add3A_1037, %mul3A_1041 : vector<16xf32>
        %reduce_sum3A_1043 = arith.constant true
        %reduce_sum3A_1044 = vector.broadcast %reduce_sum3A_1043 : i1 to vector<16xi1>
        %reduce_sum3A_1045 = tpu.scan <sum>, %add3A_1042 masked %reduce_sum3A_1044 : vector<16xf32>, vector<16xi1> -> vector<16xf32>
        %reduce_sum3A_1046 = vector.extract %reduce_sum3A_1045[15] : f32 from vector<16xf32>
        %eq3A_1047 = arith.constant 1 : i32
        %eq3A_1048 = vector.broadcast %eq3A_1047 : i32 to vector<16xi32>
        %eq3A_1049 = arith.cmpi eq, %iota3A, %eq3A_1048 : vector<16xi32>
        %broadcast_in_dim3A_1050 = vector.broadcast %reduce_sum3A_1046 : f32 to vector<16xf32>
        %select_n3A_1051 = arith.select %eq3A_1049, %broadcast_in_dim3A_1050, %select_n3A_1017 : vector<16xi1>, vector<16xf32>
        %mul3A_1052 = arith.constant 50 : i32
        %mul3A_1053 = arith.muli %scan3A_425, %mul3A_1052 : i32
        %add3A_1054 = arith.constant 16 : i32
        %add3A_1055 = arith.addi %mul3A_1053, %add3A_1054 : i32
        %add3A_1056 = arith.constant 2 : i32
        %add3A_1057 = arith.addi %add3A_1055, %add3A_1056 : i32
        %get3A_1058 = arith.index_cast %add3A_1057 : i32 to index
        %get3A_1059 = arith.constant 0 : index
        %get3A_1060 = tpu.vector_load %arg13[%get3A_1058, %get3A_1059] {strides = array<i32>} : memref<400x128xf32, #tpu.memory_space<vmem>>, vector<16xf32>,
        %mul3A_1061 = arith.mulf %get3A_428, %get3A_1060 : vector<16xf32>
        %get3A_1062 = arith.index_cast %add3A_1057 : i32 to index
        %get3A_1063 = arith.constant 16 : index
        %get3A_1064 = tpu.vector_load %arg13[%get3A_1062, %get3A_1063] {strides = array<i32>} : memref<400x128xf32, #tpu.memory_space<vmem>>, vector<16xf32>,
        %mul3A_1065 = arith.mulf %get3A_431, %get3A_1064 : vector<16xf32>
        %add3A_1066 = arith.addf %mul3A_1061, %mul3A_1065 : vector<16xf32>
        %get3A_1067 = arith.index_cast %add3A_1057 : i32 to index
        %get3A_1068 = arith.constant 32 : index
        %get3A_1069 = tpu.vector_load %arg13[%get3A_1067, %get3A_1068] {strides = array<i32>} : memref<400x128xf32, #tpu.memory_space<vmem>>, vector<16xf32>,
        %mul3A_1070 = arith.mulf %get3A_434, %get3A_1069 : vector<16xf32>
        %add3A_1071 = arith.addf %add3A_1066, %mul3A_1070 : vector<16xf32>
        %get3A_1072 = arith.index_cast %add3A_1057 : i32 to index
        %get3A_1073 = arith.constant 48 : index
        %get3A_1074 = tpu.vector_load %arg13[%get3A_1072, %get3A_1073] {strides = array<i32>} : memref<400x128xf32, #tpu.memory_space<vmem>>, vector<16xf32>,
        %mul3A_1075 = arith.mulf %get3A_437, %get3A_1074 : vector<16xf32>
        %add3A_1076 = arith.addf %add3A_1071, %mul3A_1075 : vector<16xf32>
        %reduce_sum3A_1077 = arith.constant true
        %reduce_sum3A_1078 = vector.broadcast %reduce_sum3A_1077 : i1 to vector<16xi1>
        %reduce_sum3A_1079 = tpu.scan <sum>, %add3A_1076 masked %reduce_sum3A_1078 : vector<16xf32>, vector<16xi1> -> vector<16xf32>
        %reduce_sum3A_1080 = vector.extract %reduce_sum3A_1079[15] : f32 from vector<16xf32>
        %eq3A_1081 = arith.constant 2 : i32
        %eq3A_1082 = vector.broadcast %eq3A_1081 : i32 to vector<16xi32>
        %eq3A_1083 = arith.cmpi eq, %iota3A, %eq3A_1082 : vector<16xi32>
        %broadcast_in_dim3A_1084 = vector.broadcast %reduce_sum3A_1080 : f32 to vector<16xf32>
        %select_n3A_1085 = arith.select %eq3A_1083, %broadcast_in_dim3A_1084, %select_n3A_1051 : vector<16xi1>, vector<16xf32>
        %mul3A_1086 = arith.constant 50 : i32
        %mul3A_1087 = arith.muli %scan3A_425, %mul3A_1086 : i32
        %add3A_1088 = arith.constant 16 : i32
        %add3A_1089 = arith.addi %mul3A_1087, %add3A_1088 : i32
        %add3A_1090 = arith.constant 3 : i32
        %add3A_1091 = arith.addi %add3A_1089, %add3A_1090 : i32
        %get3A_1092 = arith.index_cast %add3A_1091 : i32 to index
        %get3A_1093 = arith.constant 0 : index
        %get3A_1094 = tpu.vector_load %arg13[%get3A_1092, %get3A_1093] {strides = array<i32>} : memref<400x128xf32, #tpu.memory_space<vmem>>, vector<16xf32>,
        %mul3A_1095 = arith.mulf %get3A_428, %get3A_1094 : vector<16xf32>
        %get3A_1096 = arith.index_cast %add3A_1091 : i32 to index
        %get3A_1097 = arith.constant 16 : index
        %get3A_1098 = tpu.vector_load %arg13[%get3A_1096, %get3A_1097] {strides = array<i32>} : memref<400x128xf32, #tpu.memory_space<vmem>>, vector<16xf32>,
        %mul3A_1099 = arith.mulf %get3A_431, %get3A_1098 : vector<16xf32>
        %add3A_1100 = arith.addf %mul3A_1095, %mul3A_1099 : vector<16xf32>
        %get3A_1101 = arith.index_cast %add3A_1091 : i32 to index
        %get3A_1102 = arith.constant 32 : index
        %get3A_1103 = tpu.vector_load %arg13[%get3A_1101, %get3A_1102] {strides = array<i32>} : memref<400x128xf32, #tpu.memory_space<vmem>>, vector<16xf32>,
        %mul3A_1104 = arith.mulf %get3A_434, %get3A_1103 : vector<16xf32>
        %add3A_1105 = arith.addf %add3A_1100, %mul3A_1104 : vector<16xf32>
        %get3A_1106 = arith.index_cast %add3A_1091 : i32 to index
        %get3A_1107 = arith.constant 48 : index
        %get3A_1108 = tpu.vector_load %arg13[%get3A_1106, %get3A_1107] {strides = array<i32>} : memref<400x128xf32, #tpu.memory_space<vmem>>, vector<16xf32>,
        %mul3A_1109 = arith.mulf %get3A_437, %get3A_1108 : vector<16xf32>
        %add3A_1110 = arith.addf %add3A_1105, %mul3A_1109 : vector<16xf32>
        %reduce_sum3A_1111 = arith.constant true
        %reduce_sum3A_1112 = vector.broadcast %reduce_sum3A_1111 : i1 to vector<16xi1>
        %reduce_sum3A_1113 = tpu.scan <sum>, %add3A_1110 masked %reduce_sum3A_1112 : vector<16xf32>, vector<16xi1> -> vector<16xf32>
        %reduce_sum3A_1114 = vector.extract %reduce_sum3A_1113[15] : f32 from vector<16xf32>
        %eq3A_1115 = arith.constant 3 : i32
        %eq3A_1116 = vector.broadcast %eq3A_1115 : i32 to vector<16xi32>
        %eq3A_1117 = arith.cmpi eq, %iota3A, %eq3A_1116 : vector<16xi32>
        %broadcast_in_dim3A_1118 = vector.broadcast %reduce_sum3A_1114 : f32 to vector<16xf32>
        %select_n3A_1119 = arith.select %eq3A_1117, %broadcast_in_dim3A_1118, %select_n3A_1085 : vector<16xi1>, vector<16xf32>
        %mul3A_1120 = arith.constant 50 : i32
        %mul3A_1121 = arith.muli %scan3A_425, %mul3A_1120 : i32
        %add3A_1122 = arith.constant 16 : i32
        %add3A_1123 = arith.addi %mul3A_1121, %add3A_1122 : i32
        %add3A_1124 = arith.constant 4 : i32
        %add3A_1125 = arith.addi %add3A_1123, %add3A_1124 : i32
        %get3A_1126 = arith.index_cast %add3A_1125 : i32 to index
        %get3A_1127 = arith.constant 0 : index
        %get3A_1128 = tpu.vector_load %arg13[%get3A_1126, %get3A_1127] {strides = array<i32>} : memref<400x128xf32, #tpu.memory_space<vmem>>, vector<16xf32>,
        %mul3A_1129 = arith.mulf %get3A_428, %get3A_1128 : vector<16xf32>
        %get3A_1130 = arith.index_cast %add3A_1125 : i32 to index
        %get3A_1131 = arith.constant 16 : index
        %get3A_1132 = tpu.vector_load %arg13[%get3A_1130, %get3A_1131] {strides = array<i32>} : memref<400x128xf32, #tpu.memory_space<vmem>>, vector<16xf32>,
        %mul3A_1133 = arith.mulf %get3A_431, %get3A_1132 : vector<16xf32>
        %add3A_1134 = arith.addf %mul3A_1129, %mul3A_1133 : vector<16xf32>
        %get3A_1135 = arith.index_cast %add3A_1125 : i32 to index
        %get3A_1136 = arith.constant 32 : index
        %get3A_1137 = tpu.vector_load %arg13[%get3A_1135, %get3A_1136] {strides = array<i32>} : memref<400x128xf32, #tpu.memory_space<vmem>>, vector<16xf32>,
        %mul3A_1138 = arith.mulf %get3A_434, %get3A_1137 : vector<16xf32>
        %add3A_1139 = arith.addf %add3A_1134, %mul3A_1138 : vector<16xf32>
        %get3A_1140 = arith.index_cast %add3A_1125 : i32 to index
        %get3A_1141 = arith.constant 48 : index
        %get3A_1142 = tpu.vector_load %arg13[%get3A_1140, %get3A_1141] {strides = array<i32>} : memref<400x128xf32, #tpu.memory_space<vmem>>, vector<16xf32>,
        %mul3A_1143 = arith.mulf %get3A_437, %get3A_1142 : vector<16xf32>
        %add3A_1144 = arith.addf %add3A_1139, %mul3A_1143 : vector<16xf32>
        %reduce_sum3A_1145 = arith.constant true
        %reduce_sum3A_1146 = vector.broadcast %reduce_sum3A_1145 : i1 to vector<16xi1>
        %reduce_sum3A_1147 = tpu.scan <sum>, %add3A_1144 masked %reduce_sum3A_1146 : vector<16xf32>, vector<16xi1> -> vector<16xf32>
        %reduce_sum3A_1148 = vector.extract %reduce_sum3A_1147[15] : f32 from vector<16xf32>
        %eq3A_1149 = arith.constant 4 : i32
        %eq3A_1150 = vector.broadcast %eq3A_1149 : i32 to vector<16xi32>
        %eq3A_1151 = arith.cmpi eq, %iota3A, %eq3A_1150 : vector<16xi32>
        %broadcast_in_dim3A_1152 = vector.broadcast %reduce_sum3A_1148 : f32 to vector<16xf32>
        %select_n3A_1153 = arith.select %eq3A_1151, %broadcast_in_dim3A_1152, %select_n3A_1119 : vector<16xi1>, vector<16xf32>
        %mul3A_1154 = arith.constant 50 : i32
        %mul3A_1155 = arith.muli %scan3A_425, %mul3A_1154 : i32
        %add3A_1156 = arith.constant 16 : i32
        %add3A_1157 = arith.addi %mul3A_1155, %add3A_1156 : i32
        %add3A_1158 = arith.constant 5 : i32
        %add3A_1159 = arith.addi %add3A_1157, %add3A_1158 : i32
        %get3A_1160 = arith.index_cast %add3A_1159 : i32 to index
        %get3A_1161 = arith.constant 0 : index
        %get3A_1162 = tpu.vector_load %arg13[%get3A_1160, %get3A_1161] {strides = array<i32>} : memref<400x128xf32, #tpu.memory_space<vmem>>, vector<16xf32>,
        %mul3A_1163 = arith.mulf %get3A_428, %get3A_1162 : vector<16xf32>
        %get3A_1164 = arith.index_cast %add3A_1159 : i32 to index
        %get3A_1165 = arith.constant 16 : index
        %get3A_1166 = tpu.vector_load %arg13[%get3A_1164, %get3A_1165] {strides = array<i32>} : memref<400x128xf32, #tpu.memory_space<vmem>>, vector<16xf32>,
        %mul3A_1167 = arith.mulf %get3A_431, %get3A_1166 : vector<16xf32>
        %add3A_1168 = arith.addf %mul3A_1163, %mul3A_1167 : vector<16xf32>
        %get3A_1169 = arith.index_cast %add3A_1159 : i32 to index
        %get3A_1170 = arith.constant 32 : index
        %get3A_1171 = tpu.vector_load %arg13[%get3A_1169, %get3A_1170] {strides = array<i32>} : memref<400x128xf32, #tpu.memory_space<vmem>>, vector<16xf32>,
        %mul3A_1172 = arith.mulf %get3A_434, %get3A_1171 : vector<16xf32>
        %add3A_1173 = arith.addf %add3A_1168, %mul3A_1172 : vector<16xf32>
        %get3A_1174 = arith.index_cast %add3A_1159 : i32 to index
        %get3A_1175 = arith.constant 48 : index
        %get3A_1176 = tpu.vector_load %arg13[%get3A_1174, %get3A_1175] {strides = array<i32>} : memref<400x128xf32, #tpu.memory_space<vmem>>, vector<16xf32>,
        %mul3A_1177 = arith.mulf %get3A_437, %get3A_1176 : vector<16xf32>
        %add3A_1178 = arith.addf %add3A_1173, %mul3A_1177 : vector<16xf32>
        %reduce_sum3A_1179 = arith.constant true
        %reduce_sum3A_1180 = vector.broadcast %reduce_sum3A_1179 : i1 to vector<16xi1>
        %reduce_sum3A_1181 = tpu.scan <sum>, %add3A_1178 masked %reduce_sum3A_1180 : vector<16xf32>, vector<16xi1> -> vector<16xf32>
        %reduce_sum3A_1182 = vector.extract %reduce_sum3A_1181[15] : f32 from vector<16xf32>
        %eq3A_1183 = arith.constant 5 : i32
        %eq3A_1184 = vector.broadcast %eq3A_1183 : i32 to vector<16xi32>
        %eq3A_1185 = arith.cmpi eq, %iota3A, %eq3A_1184 : vector<16xi32>
        %broadcast_in_dim3A_1186 = vector.broadcast %reduce_sum3A_1182 : f32 to vector<16xf32>
        %select_n3A_1187 = arith.select %eq3A_1185, %broadcast_in_dim3A_1186, %select_n3A_1153 : vector<16xi1>, vector<16xf32>
        %mul3A_1188 = arith.constant 50 : i32
        %mul3A_1189 = arith.muli %scan3A_425, %mul3A_1188 : i32
        %add3A_1190 = arith.constant 16 : i32
        %add3A_1191 = arith.addi %mul3A_1189, %add3A_1190 : i32
        %add3A_1192 = arith.constant 6 : i32
        %add3A_1193 = arith.addi %add3A_1191, %add3A_1192 : i32
        %get3A_1194 = arith.index_cast %add3A_1193 : i32 to index
        %get3A_1195 = arith.constant 0 : index
        %get3A_1196 = tpu.vector_load %arg13[%get3A_1194, %get3A_1195] {strides = array<i32>} : memref<400x128xf32, #tpu.memory_space<vmem>>, vector<16xf32>,
        %mul3A_1197 = arith.mulf %get3A_428, %get3A_1196 : vector<16xf32>
        %get3A_1198 = arith.index_cast %add3A_1193 : i32 to index
        %get3A_1199 = arith.constant 16 : index
        %get3A_1200 = tpu.vector_load %arg13[%get3A_1198, %get3A_1199] {strides = array<i32>} : memref<400x128xf32, #tpu.memory_space<vmem>>, vector<16xf32>,
        %mul3A_1201 = arith.mulf %get3A_431, %get3A_1200 : vector<16xf32>
        %add3A_1202 = arith.addf %mul3A_1197, %mul3A_1201 : vector<16xf32>
        %get3A_1203 = arith.index_cast %add3A_1193 : i32 to index
        %get3A_1204 = arith.constant 32 : index
        %get3A_1205 = tpu.vector_load %arg13[%get3A_1203, %get3A_1204] {strides = array<i32>} : memref<400x128xf32, #tpu.memory_space<vmem>>, vector<16xf32>,
        %mul3A_1206 = arith.mulf %get3A_434, %get3A_1205 : vector<16xf32>
        %add3A_1207 = arith.addf %add3A_1202, %mul3A_1206 : vector<16xf32>
        %get3A_1208 = arith.index_cast %add3A_1193 : i32 to index
        %get3A_1209 = arith.constant 48 : index
        %get3A_1210 = tpu.vector_load %arg13[%get3A_1208, %get3A_1209] {strides = array<i32>} : memref<400x128xf32, #tpu.memory_space<vmem>>, vector<16xf32>,
        %mul3A_1211 = arith.mulf %get3A_437, %get3A_1210 : vector<16xf32>
        %add3A_1212 = arith.addf %add3A_1207, %mul3A_1211 : vector<16xf32>
        %reduce_sum3A_1213 = arith.constant true
        %reduce_sum3A_1214 = vector.broadcast %reduce_sum3A_1213 : i1 to vector<16xi1>
        %reduce_sum3A_1215 = tpu.scan <sum>, %add3A_1212 masked %reduce_sum3A_1214 : vector<16xf32>, vector<16xi1> -> vector<16xf32>
        %reduce_sum3A_1216 = vector.extract %reduce_sum3A_1215[15] : f32 from vector<16xf32>
        %eq3A_1217 = arith.constant 6 : i32
        %eq3A_1218 = vector.broadcast %eq3A_1217 : i32 to vector<16xi32>
        %eq3A_1219 = arith.cmpi eq, %iota3A, %eq3A_1218 : vector<16xi32>
        %broadcast_in_dim3A_1220 = vector.broadcast %reduce_sum3A_1216 : f32 to vector<16xf32>
        %select_n3A_1221 = arith.select %eq3A_1219, %broadcast_in_dim3A_1220, %select_n3A_1187 : vector<16xi1>, vector<16xf32>
        %mul3A_1222 = arith.constant 50 : i32
        %mul3A_1223 = arith.muli %scan3A_425, %mul3A_1222 : i32
        %add3A_1224 = arith.constant 16 : i32
        %add3A_1225 = arith.addi %mul3A_1223, %add3A_1224 : i32
        %add3A_1226 = arith.constant 7 : i32
        %add3A_1227 = arith.addi %add3A_1225, %add3A_1226 : i32
        %get3A_1228 = arith.index_cast %add3A_1227 : i32 to index
        %get3A_1229 = arith.constant 0 : index
        %get3A_1230 = tpu.vector_load %arg13[%get3A_1228, %get3A_1229] {strides = array<i32>} : memref<400x128xf32, #tpu.memory_space<vmem>>, vector<16xf32>,
        %mul3A_1231 = arith.mulf %get3A_428, %get3A_1230 : vector<16xf32>
        %get3A_1232 = arith.index_cast %add3A_1227 : i32 to index
        %get3A_1233 = arith.constant 16 : index
        %get3A_1234 = tpu.vector_load %arg13[%get3A_1232, %get3A_1233] {strides = array<i32>} : memref<400x128xf32, #tpu.memory_space<vmem>>, vector<16xf32>,
        %mul3A_1235 = arith.mulf %get3A_431, %get3A_1234 : vector<16xf32>
        %add3A_1236 = arith.addf %mul3A_1231, %mul3A_1235 : vector<16xf32>
        %get3A_1237 = arith.index_cast %add3A_1227 : i32 to index
        %get3A_1238 = arith.constant 32 : index
        %get3A_1239 = tpu.vector_load %arg13[%get3A_1237, %get3A_1238] {strides = array<i32>} : memref<400x128xf32, #tpu.memory_space<vmem>>, vector<16xf32>,
        %mul3A_1240 = arith.mulf %get3A_434, %get3A_1239 : vector<16xf32>
        %add3A_1241 = arith.addf %add3A_1236, %mul3A_1240 : vector<16xf32>
        %get3A_1242 = arith.index_cast %add3A_1227 : i32 to index
        %get3A_1243 = arith.constant 48 : index
        %get3A_1244 = tpu.vector_load %arg13[%get3A_1242, %get3A_1243] {strides = array<i32>} : memref<400x128xf32, #tpu.memory_space<vmem>>, vector<16xf32>,
        %mul3A_1245 = arith.mulf %get3A_437, %get3A_1244 : vector<16xf32>
        %add3A_1246 = arith.addf %add3A_1241, %mul3A_1245 : vector<16xf32>
        %reduce_sum3A_1247 = arith.constant true
        %reduce_sum3A_1248 = vector.broadcast %reduce_sum3A_1247 : i1 to vector<16xi1>
        %reduce_sum3A_1249 = tpu.scan <sum>, %add3A_1246 masked %reduce_sum3A_1248 : vector<16xf32>, vector<16xi1> -> vector<16xf32>
        %reduce_sum3A_1250 = vector.extract %reduce_sum3A_1249[15] : f32 from vector<16xf32>
        %eq3A_1251 = arith.constant 7 : i32
        %eq3A_1252 = vector.broadcast %eq3A_1251 : i32 to vector<16xi32>
        %eq3A_1253 = arith.cmpi eq, %iota3A, %eq3A_1252 : vector<16xi32>
        %broadcast_in_dim3A_1254 = vector.broadcast %reduce_sum3A_1250 : f32 to vector<16xf32>
        %select_n3A_1255 = arith.select %eq3A_1253, %broadcast_in_dim3A_1254, %select_n3A_1221 : vector<16xi1>, vector<16xf32>
        %mul3A_1256 = arith.constant 50 : i32
        %mul3A_1257 = arith.muli %scan3A_425, %mul3A_1256 : i32
        %add3A_1258 = arith.constant 16 : i32
        %add3A_1259 = arith.addi %mul3A_1257, %add3A_1258 : i32
        %add3A_1260 = arith.constant 8 : i32
        %add3A_1261 = arith.addi %add3A_1259, %add3A_1260 : i32
        %get3A_1262 = arith.index_cast %add3A_1261 : i32 to index
        %get3A_1263 = arith.constant 0 : index
        %get3A_1264 = tpu.vector_load %arg13[%get3A_1262, %get3A_1263] {strides = array<i32>} : memref<400x128xf32, #tpu.memory_space<vmem>>, vector<16xf32>,
        %mul3A_1265 = arith.mulf %get3A_428, %get3A_1264 : vector<16xf32>
        %get3A_1266 = arith.index_cast %add3A_1261 : i32 to index
        %get3A_1267 = arith.constant 16 : index
        %get3A_1268 = tpu.vector_load %arg13[%get3A_1266, %get3A_1267] {strides = array<i32>} : memref<400x128xf32, #tpu.memory_space<vmem>>, vector<16xf32>,
        %mul3A_1269 = arith.mulf %get3A_431, %get3A_1268 : vector<16xf32>
        %add3A_1270 = arith.addf %mul3A_1265, %mul3A_1269 : vector<16xf32>
        %get3A_1271 = arith.index_cast %add3A_1261 : i32 to index
        %get3A_1272 = arith.constant 32 : index
        %get3A_1273 = tpu.vector_load %arg13[%get3A_1271, %get3A_1272] {strides = array<i32>} : memref<400x128xf32, #tpu.memory_space<vmem>>, vector<16xf32>,
        %mul3A_1274 = arith.mulf %get3A_434, %get3A_1273 : vector<16xf32>
        %add3A_1275 = arith.addf %add3A_1270, %mul3A_1274 : vector<16xf32>
        %get3A_1276 = arith.index_cast %add3A_1261 : i32 to index
        %get3A_1277 = arith.constant 48 : index
        %get3A_1278 = tpu.vector_load %arg13[%get3A_1276, %get3A_1277] {strides = array<i32>} : memref<400x128xf32, #tpu.memory_space<vmem>>, vector<16xf32>,
        %mul3A_1279 = arith.mulf %get3A_437, %get3A_1278 : vector<16xf32>
        %add3A_1280 = arith.addf %add3A_1275, %mul3A_1279 : vector<16xf32>
        %reduce_sum3A_1281 = arith.constant true
        %reduce_sum3A_1282 = vector.broadcast %reduce_sum3A_1281 : i1 to vector<16xi1>
        %reduce_sum3A_1283 = tpu.scan <sum>, %add3A_1280 masked %reduce_sum3A_1282 : vector<16xf32>, vector<16xi1> -> vector<16xf32>
        %reduce_sum3A_1284 = vector.extract %reduce_sum3A_1283[15] : f32 from vector<16xf32>
        %eq3A_1285 = arith.constant 8 : i32
        %eq3A_1286 = vector.broadcast %eq3A_1285 : i32 to vector<16xi32>
        %eq3A_1287 = arith.cmpi eq, %iota3A, %eq3A_1286 : vector<16xi32>
        %broadcast_in_dim3A_1288 = vector.broadcast %reduce_sum3A_1284 : f32 to vector<16xf32>
        %select_n3A_1289 = arith.select %eq3A_1287, %broadcast_in_dim3A_1288, %select_n3A_1255 : vector<16xi1>, vector<16xf32>
        %mul3A_1290 = arith.constant 50 : i32
        %mul3A_1291 = arith.muli %scan3A_425, %mul3A_1290 : i32
        %add3A_1292 = arith.constant 16 : i32
        %add3A_1293 = arith.addi %mul3A_1291, %add3A_1292 : i32
        %add3A_1294 = arith.constant 9 : i32
        %add3A_1295 = arith.addi %add3A_1293, %add3A_1294 : i32
        %get3A_1296 = arith.index_cast %add3A_1295 : i32 to index
        %get3A_1297 = arith.constant 0 : index
        %get3A_1298 = tpu.vector_load %arg13[%get3A_1296, %get3A_1297] {strides = array<i32>} : memref<400x128xf32, #tpu.memory_space<vmem>>, vector<16xf32>,
        %mul3A_1299 = arith.mulf %get3A_428, %get3A_1298 : vector<16xf32>
        %get3A_1300 = arith.index_cast %add3A_1295 : i32 to index
        %get3A_1301 = arith.constant 16 : index
        %get3A_1302 = tpu.vector_load %arg13[%get3A_1300, %get3A_1301] {strides = array<i32>} : memref<400x128xf32, #tpu.memory_space<vmem>>, vector<16xf32>,
        %mul3A_1303 = arith.mulf %get3A_431, %get3A_1302 : vector<16xf32>
        %add3A_1304 = arith.addf %mul3A_1299, %mul3A_1303 : vector<16xf32>
        %get3A_1305 = arith.index_cast %add3A_1295 : i32 to index
        %get3A_1306 = arith.constant 32 : index
        %get3A_1307 = tpu.vector_load %arg13[%get3A_1305, %get3A_1306] {strides = array<i32>} : memref<400x128xf32, #tpu.memory_space<vmem>>, vector<16xf32>,
        %mul3A_1308 = arith.mulf %get3A_434, %get3A_1307 : vector<16xf32>
        %add3A_1309 = arith.addf %add3A_1304, %mul3A_1308 : vector<16xf32>
        %get3A_1310 = arith.index_cast %add3A_1295 : i32 to index
        %get3A_1311 = arith.constant 48 : index
        %get3A_1312 = tpu.vector_load %arg13[%get3A_1310, %get3A_1311] {strides = array<i32>} : memref<400x128xf32, #tpu.memory_space<vmem>>, vector<16xf32>,
        %mul3A_1313 = arith.mulf %get3A_437, %get3A_1312 : vector<16xf32>
        %add3A_1314 = arith.addf %add3A_1309, %mul3A_1313 : vector<16xf32>
        %reduce_sum3A_1315 = arith.constant true
        %reduce_sum3A_1316 = vector.broadcast %reduce_sum3A_1315 : i1 to vector<16xi1>
        %reduce_sum3A_1317 = tpu.scan <sum>, %add3A_1314 masked %reduce_sum3A_1316 : vector<16xf32>, vector<16xi1> -> vector<16xf32>
        %reduce_sum3A_1318 = vector.extract %reduce_sum3A_1317[15] : f32 from vector<16xf32>
        %eq3A_1319 = arith.constant 9 : i32
        %eq3A_1320 = vector.broadcast %eq3A_1319 : i32 to vector<16xi32>
        %eq3A_1321 = arith.cmpi eq, %iota3A, %eq3A_1320 : vector<16xi32>
        %broadcast_in_dim3A_1322 = vector.broadcast %reduce_sum3A_1318 : f32 to vector<16xf32>
        %select_n3A_1323 = arith.select %eq3A_1321, %broadcast_in_dim3A_1322, %select_n3A_1289 : vector<16xi1>, vector<16xf32>
        %mul3A_1324 = arith.constant 50 : i32
        %mul3A_1325 = arith.muli %scan3A_425, %mul3A_1324 : i32
        %add3A_1326 = arith.constant 16 : i32
        %add3A_1327 = arith.addi %mul3A_1325, %add3A_1326 : i32
        %add3A_1328 = arith.constant 10 : i32
        %add3A_1329 = arith.addi %add3A_1327, %add3A_1328 : i32
        %get3A_1330 = arith.index_cast %add3A_1329 : i32 to index
        %get3A_1331 = arith.constant 0 : index
        %get3A_1332 = tpu.vector_load %arg13[%get3A_1330, %get3A_1331] {strides = array<i32>} : memref<400x128xf32, #tpu.memory_space<vmem>>, vector<16xf32>,
        %mul3A_1333 = arith.mulf %get3A_428, %get3A_1332 : vector<16xf32>
        %get3A_1334 = arith.index_cast %add3A_1329 : i32 to index
        %get3A_1335 = arith.constant 16 : index
        %get3A_1336 = tpu.vector_load %arg13[%get3A_1334, %get3A_1335] {strides = array<i32>} : memref<400x128xf32, #tpu.memory_space<vmem>>, vector<16xf32>,
        %mul3A_1337 = arith.mulf %get3A_431, %get3A_1336 : vector<16xf32>
        %add3A_1338 = arith.addf %mul3A_1333, %mul3A_1337 : vector<16xf32>
        %get3A_1339 = arith.index_cast %add3A_1329 : i32 to index
        %get3A_1340 = arith.constant 32 : index
        %get3A_1341 = tpu.vector_load %arg13[%get3A_1339, %get3A_1340] {strides = array<i32>} : memref<400x128xf32, #tpu.memory_space<vmem>>, vector<16xf32>,
        %mul3A_1342 = arith.mulf %get3A_434, %get3A_1341 : vector<16xf32>
        %add3A_1343 = arith.addf %add3A_1338, %mul3A_1342 : vector<16xf32>
        %get3A_1344 = arith.index_cast %add3A_1329 : i32 to index
        %get3A_1345 = arith.constant 48 : index
        %get3A_1346 = tpu.vector_load %arg13[%get3A_1344, %get3A_1345] {strides = array<i32>} : memref<400x128xf32, #tpu.memory_space<vmem>>, vector<16xf32>,
        %mul3A_1347 = arith.mulf %get3A_437, %get3A_1346 : vector<16xf32>
        %add3A_1348 = arith.addf %add3A_1343, %mul3A_1347 : vector<16xf32>
        %reduce_sum3A_1349 = arith.constant true
        %reduce_sum3A_1350 = vector.broadcast %reduce_sum3A_1349 : i1 to vector<16xi1>
        %reduce_sum3A_1351 = tpu.scan <sum>, %add3A_1348 masked %reduce_sum3A_1350 : vector<16xf32>, vector<16xi1> -> vector<16xf32>
        %reduce_sum3A_1352 = vector.extract %reduce_sum3A_1351[15] : f32 from vector<16xf32>
        %eq3A_1353 = arith.constant 10 : i32
        %eq3A_1354 = vector.broadcast %eq3A_1353 : i32 to vector<16xi32>
        %eq3A_1355 = arith.cmpi eq, %iota3A, %eq3A_1354 : vector<16xi32>
        %broadcast_in_dim3A_1356 = vector.broadcast %reduce_sum3A_1352 : f32 to vector<16xf32>
        %select_n3A_1357 = arith.select %eq3A_1355, %broadcast_in_dim3A_1356, %select_n3A_1323 : vector<16xi1>, vector<16xf32>
        %mul3A_1358 = arith.constant 50 : i32
        %mul3A_1359 = arith.muli %scan3A_425, %mul3A_1358 : i32
        %add3A_1360 = arith.constant 16 : i32
        %add3A_1361 = arith.addi %mul3A_1359, %add3A_1360 : i32
        %add3A_1362 = arith.constant 11 : i32
        %add3A_1363 = arith.addi %add3A_1361, %add3A_1362 : i32
        %get3A_1364 = arith.index_cast %add3A_1363 : i32 to index
        %get3A_1365 = arith.constant 0 : index
        %get3A_1366 = tpu.vector_load %arg13[%get3A_1364, %get3A_1365] {strides = array<i32>} : memref<400x128xf32, #tpu.memory_space<vmem>>, vector<16xf32>,
        %mul3A_1367 = arith.mulf %get3A_428, %get3A_1366 : vector<16xf32>
        %get3A_1368 = arith.index_cast %add3A_1363 : i32 to index
        %get3A_1369 = arith.constant 16 : index
        %get3A_1370 = tpu.vector_load %arg13[%get3A_1368, %get3A_1369] {strides = array<i32>} : memref<400x128xf32, #tpu.memory_space<vmem>>, vector<16xf32>,
        %mul3A_1371 = arith.mulf %get3A_431, %get3A_1370 : vector<16xf32>
        %add3A_1372 = arith.addf %mul3A_1367, %mul3A_1371 : vector<16xf32>
        %get3A_1373 = arith.index_cast %add3A_1363 : i32 to index
        %get3A_1374 = arith.constant 32 : index
        %get3A_1375 = tpu.vector_load %arg13[%get3A_1373, %get3A_1374] {strides = array<i32>} : memref<400x128xf32, #tpu.memory_space<vmem>>, vector<16xf32>,
        %mul3A_1376 = arith.mulf %get3A_434, %get3A_1375 : vector<16xf32>
        %add3A_1377 = arith.addf %add3A_1372, %mul3A_1376 : vector<16xf32>
        %get3A_1378 = arith.index_cast %add3A_1363 : i32 to index
        %get3A_1379 = arith.constant 48 : index
        %get3A_1380 = tpu.vector_load %arg13[%get3A_1378, %get3A_1379] {strides = array<i32>} : memref<400x128xf32, #tpu.memory_space<vmem>>, vector<16xf32>,
        %mul3A_1381 = arith.mulf %get3A_437, %get3A_1380 : vector<16xf32>
        %add3A_1382 = arith.addf %add3A_1377, %mul3A_1381 : vector<16xf32>
        %reduce_sum3A_1383 = arith.constant true
        %reduce_sum3A_1384 = vector.broadcast %reduce_sum3A_1383 : i1 to vector<16xi1>
        %reduce_sum3A_1385 = tpu.scan <sum>, %add3A_1382 masked %reduce_sum3A_1384 : vector<16xf32>, vector<16xi1> -> vector<16xf32>
        %reduce_sum3A_1386 = vector.extract %reduce_sum3A_1385[15] : f32 from vector<16xf32>
        %eq3A_1387 = arith.constant 11 : i32
        %eq3A_1388 = vector.broadcast %eq3A_1387 : i32 to vector<16xi32>
        %eq3A_1389 = arith.cmpi eq, %iota3A, %eq3A_1388 : vector<16xi32>
        %broadcast_in_dim3A_1390 = vector.broadcast %reduce_sum3A_1386 : f32 to vector<16xf32>
        %select_n3A_1391 = arith.select %eq3A_1389, %broadcast_in_dim3A_1390, %select_n3A_1357 : vector<16xi1>, vector<16xf32>
        %mul3A_1392 = arith.constant 50 : i32
        %mul3A_1393 = arith.muli %scan3A_425, %mul3A_1392 : i32
        %add3A_1394 = arith.constant 16 : i32
        %add3A_1395 = arith.addi %mul3A_1393, %add3A_1394 : i32
        %add3A_1396 = arith.constant 12 : i32
        %add3A_1397 = arith.addi %add3A_1395, %add3A_1396 : i32
        %get3A_1398 = arith.index_cast %add3A_1397 : i32 to index
        %get3A_1399 = arith.constant 0 : index
        %get3A_1400 = tpu.vector_load %arg13[%get3A_1398, %get3A_1399] {strides = array<i32>} : memref<400x128xf32, #tpu.memory_space<vmem>>, vector<16xf32>,
        %mul3A_1401 = arith.mulf %get3A_428, %get3A_1400 : vector<16xf32>
        %get3A_1402 = arith.index_cast %add3A_1397 : i32 to index
        %get3A_1403 = arith.constant 16 : index
        %get3A_1404 = tpu.vector_load %arg13[%get3A_1402, %get3A_1403] {strides = array<i32>} : memref<400x128xf32, #tpu.memory_space<vmem>>, vector<16xf32>,
        %mul3A_1405 = arith.mulf %get3A_431, %get3A_1404 : vector<16xf32>
        %add3A_1406 = arith.addf %mul3A_1401, %mul3A_1405 : vector<16xf32>
        %get3A_1407 = arith.index_cast %add3A_1397 : i32 to index
        %get3A_1408 = arith.constant 32 : index
        %get3A_1409 = tpu.vector_load %arg13[%get3A_1407, %get3A_1408] {strides = array<i32>} : memref<400x128xf32, #tpu.memory_space<vmem>>, vector<16xf32>,
        %mul3A_1410 = arith.mulf %get3A_434, %get3A_1409 : vector<16xf32>
        %add3A_1411 = arith.addf %add3A_1406, %mul3A_1410 : vector<16xf32>
        %get3A_1412 = arith.index_cast %add3A_1397 : i32 to index
        %get3A_1413 = arith.constant 48 : index
        %get3A_1414 = tpu.vector_load %arg13[%get3A_1412, %get3A_1413] {strides = array<i32>} : memref<400x128xf32, #tpu.memory_space<vmem>>, vector<16xf32>,
        %mul3A_1415 = arith.mulf %get3A_437, %get3A_1414 : vector<16xf32>
        %add3A_1416 = arith.addf %add3A_1411, %mul3A_1415 : vector<16xf32>
        %reduce_sum3A_1417 = arith.constant true
        %reduce_sum3A_1418 = vector.broadcast %reduce_sum3A_1417 : i1 to vector<16xi1>
        %reduce_sum3A_1419 = tpu.scan <sum>, %add3A_1416 masked %reduce_sum3A_1418 : vector<16xf32>, vector<16xi1> -> vector<16xf32>
        %reduce_sum3A_1420 = vector.extract %reduce_sum3A_1419[15] : f32 from vector<16xf32>
        %eq3A_1421 = arith.constant 12 : i32
        %eq3A_1422 = vector.broadcast %eq3A_1421 : i32 to vector<16xi32>
        %eq3A_1423 = arith.cmpi eq, %iota3A, %eq3A_1422 : vector<16xi32>
        %broadcast_in_dim3A_1424 = vector.broadcast %reduce_sum3A_1420 : f32 to vector<16xf32>
        %select_n3A_1425 = arith.select %eq3A_1423, %broadcast_in_dim3A_1424, %select_n3A_1391 : vector<16xi1>, vector<16xf32>
        %mul3A_1426 = arith.constant 50 : i32
        %mul3A_1427 = arith.muli %scan3A_425, %mul3A_1426 : i32
        %add3A_1428 = arith.constant 16 : i32
        %add3A_1429 = arith.addi %mul3A_1427, %add3A_1428 : i32
        %add3A_1430 = arith.constant 13 : i32
        %add3A_1431 = arith.addi %add3A_1429, %add3A_1430 : i32
        %get3A_1432 = arith.index_cast %add3A_1431 : i32 to index
        %get3A_1433 = arith.constant 0 : index
        %get3A_1434 = tpu.vector_load %arg13[%get3A_1432, %get3A_1433] {strides = array<i32>} : memref<400x128xf32, #tpu.memory_space<vmem>>, vector<16xf32>,
        %mul3A_1435 = arith.mulf %get3A_428, %get3A_1434 : vector<16xf32>
        %get3A_1436 = arith.index_cast %add3A_1431 : i32 to index
        %get3A_1437 = arith.constant 16 : index
        %get3A_1438 = tpu.vector_load %arg13[%get3A_1436, %get3A_1437] {strides = array<i32>} : memref<400x128xf32, #tpu.memory_space<vmem>>, vector<16xf32>,
        %mul3A_1439 = arith.mulf %get3A_431, %get3A_1438 : vector<16xf32>
        %add3A_1440 = arith.addf %mul3A_1435, %mul3A_1439 : vector<16xf32>
        %get3A_1441 = arith.index_cast %add3A_1431 : i32 to index
        %get3A_1442 = arith.constant 32 : index
        %get3A_1443 = tpu.vector_load %arg13[%get3A_1441, %get3A_1442] {strides = array<i32>} : memref<400x128xf32, #tpu.memory_space<vmem>>, vector<16xf32>,
        %mul3A_1444 = arith.mulf %get3A_434, %get3A_1443 : vector<16xf32>
        %add3A_1445 = arith.addf %add3A_1440, %mul3A_1444 : vector<16xf32>
        %get3A_1446 = arith.index_cast %add3A_1431 : i32 to index
        %get3A_1447 = arith.constant 48 : index
        %get3A_1448 = tpu.vector_load %arg13[%get3A_1446, %get3A_1447] {strides = array<i32>} : memref<400x128xf32, #tpu.memory_space<vmem>>, vector<16xf32>,
        %mul3A_1449 = arith.mulf %get3A_437, %get3A_1448 : vector<16xf32>
        %add3A_1450 = arith.addf %add3A_1445, %mul3A_1449 : vector<16xf32>
        %reduce_sum3A_1451 = arith.constant true
        %reduce_sum3A_1452 = vector.broadcast %reduce_sum3A_1451 : i1 to vector<16xi1>
        %reduce_sum3A_1453 = tpu.scan <sum>, %add3A_1450 masked %reduce_sum3A_1452 : vector<16xf32>, vector<16xi1> -> vector<16xf32>
        %reduce_sum3A_1454 = vector.extract %reduce_sum3A_1453[15] : f32 from vector<16xf32>
        %eq3A_1455 = arith.constant 13 : i32
        %eq3A_1456 = vector.broadcast %eq3A_1455 : i32 to vector<16xi32>
        %eq3A_1457 = arith.cmpi eq, %iota3A, %eq3A_1456 : vector<16xi32>
        %broadcast_in_dim3A_1458 = vector.broadcast %reduce_sum3A_1454 : f32 to vector<16xf32>
        %select_n3A_1459 = arith.select %eq3A_1457, %broadcast_in_dim3A_1458, %select_n3A_1425 : vector<16xi1>, vector<16xf32>
        %mul3A_1460 = arith.constant 50 : i32
        %mul3A_1461 = arith.muli %scan3A_425, %mul3A_1460 : i32
        %add3A_1462 = arith.constant 16 : i32
        %add3A_1463 = arith.addi %mul3A_1461, %add3A_1462 : i32
        %add3A_1464 = arith.constant 14 : i32
        %add3A_1465 = arith.addi %add3A_1463, %add3A_1464 : i32
        %get3A_1466 = arith.index_cast %add3A_1465 : i32 to index
        %get3A_1467 = arith.constant 0 : index
        %get3A_1468 = tpu.vector_load %arg13[%get3A_1466, %get3A_1467] {strides = array<i32>} : memref<400x128xf32, #tpu.memory_space<vmem>>, vector<16xf32>,
        %mul3A_1469 = arith.mulf %get3A_428, %get3A_1468 : vector<16xf32>
        %get3A_1470 = arith.index_cast %add3A_1465 : i32 to index
        %get3A_1471 = arith.constant 16 : index
        %get3A_1472 = tpu.vector_load %arg13[%get3A_1470, %get3A_1471] {strides = array<i32>} : memref<400x128xf32, #tpu.memory_space<vmem>>, vector<16xf32>,
        %mul3A_1473 = arith.mulf %get3A_431, %get3A_1472 : vector<16xf32>
        %add3A_1474 = arith.addf %mul3A_1469, %mul3A_1473 : vector<16xf32>
        %get3A_1475 = arith.index_cast %add3A_1465 : i32 to index
        %get3A_1476 = arith.constant 32 : index
        %get3A_1477 = tpu.vector_load %arg13[%get3A_1475, %get3A_1476] {strides = array<i32>} : memref<400x128xf32, #tpu.memory_space<vmem>>, vector<16xf32>,
        %mul3A_1478 = arith.mulf %get3A_434, %get3A_1477 : vector<16xf32>
        %add3A_1479 = arith.addf %add3A_1474, %mul3A_1478 : vector<16xf32>
        %get3A_1480 = arith.index_cast %add3A_1465 : i32 to index
        %get3A_1481 = arith.constant 48 : index
        %get3A_1482 = tpu.vector_load %arg13[%get3A_1480, %get3A_1481] {strides = array<i32>} : memref<400x128xf32, #tpu.memory_space<vmem>>, vector<16xf32>,
        %mul3A_1483 = arith.mulf %get3A_437, %get3A_1482 : vector<16xf32>
        %add3A_1484 = arith.addf %add3A_1479, %mul3A_1483 : vector<16xf32>
        %reduce_sum3A_1485 = arith.constant true
        %reduce_sum3A_1486 = vector.broadcast %reduce_sum3A_1485 : i1 to vector<16xi1>
        %reduce_sum3A_1487 = tpu.scan <sum>, %add3A_1484 masked %reduce_sum3A_1486 : vector<16xf32>, vector<16xi1> -> vector<16xf32>
        %reduce_sum3A_1488 = vector.extract %reduce_sum3A_1487[15] : f32 from vector<16xf32>
        %eq3A_1489 = arith.constant 14 : i32
        %eq3A_1490 = vector.broadcast %eq3A_1489 : i32 to vector<16xi32>
        %eq3A_1491 = arith.cmpi eq, %iota3A, %eq3A_1490 : vector<16xi32>
        %broadcast_in_dim3A_1492 = vector.broadcast %reduce_sum3A_1488 : f32 to vector<16xf32>
        %select_n3A_1493 = arith.select %eq3A_1491, %broadcast_in_dim3A_1492, %select_n3A_1459 : vector<16xi1>, vector<16xf32>
        %mul3A_1494 = arith.constant 50 : i32
        %mul3A_1495 = arith.muli %scan3A_425, %mul3A_1494 : i32
        %add3A_1496 = arith.constant 16 : i32
        %add3A_1497 = arith.addi %mul3A_1495, %add3A_1496 : i32
        %add3A_1498 = arith.constant 15 : i32
        %add3A_1499 = arith.addi %add3A_1497, %add3A_1498 : i32
        %get3A_1500 = arith.index_cast %add3A_1499 : i32 to index
        %get3A_1501 = arith.constant 0 : index
        %get3A_1502 = tpu.vector_load %arg13[%get3A_1500, %get3A_1501] {strides = array<i32>} : memref<400x128xf32, #tpu.memory_space<vmem>>, vector<16xf32>,
        %mul3A_1503 = arith.mulf %get3A_428, %get3A_1502 : vector<16xf32>
        %get3A_1504 = arith.index_cast %add3A_1499 : i32 to index
        %get3A_1505 = arith.constant 16 : index
        %get3A_1506 = tpu.vector_load %arg13[%get3A_1504, %get3A_1505] {strides = array<i32>} : memref<400x128xf32, #tpu.memory_space<vmem>>, vector<16xf32>,
        %mul3A_1507 = arith.mulf %get3A_431, %get3A_1506 : vector<16xf32>
        %add3A_1508 = arith.addf %mul3A_1503, %mul3A_1507 : vector<16xf32>
        %get3A_1509 = arith.index_cast %add3A_1499 : i32 to index
        %get3A_1510 = arith.constant 32 : index
        %get3A_1511 = tpu.vector_load %arg13[%get3A_1509, %get3A_1510] {strides = array<i32>} : memref<400x128xf32, #tpu.memory_space<vmem>>, vector<16xf32>,
        %mul3A_1512 = arith.mulf %get3A_434, %get3A_1511 : vector<16xf32>
        %add3A_1513 = arith.addf %add3A_1508, %mul3A_1512 : vector<16xf32>
        %get3A_1514 = arith.index_cast %add3A_1499 : i32 to index
        %get3A_1515 = arith.constant 48 : index
        %get3A_1516 = tpu.vector_load %arg13[%get3A_1514, %get3A_1515] {strides = array<i32>} : memref<400x128xf32, #tpu.memory_space<vmem>>, vector<16xf32>,
        %mul3A_1517 = arith.mulf %get3A_437, %get3A_1516 : vector<16xf32>
        %add3A_1518 = arith.addf %add3A_1513, %mul3A_1517 : vector<16xf32>
        %reduce_sum3A_1519 = arith.constant true
        %reduce_sum3A_1520 = vector.broadcast %reduce_sum3A_1519 : i1 to vector<16xi1>
        %reduce_sum3A_1521 = tpu.scan <sum>, %add3A_1518 masked %reduce_sum3A_1520 : vector<16xf32>, vector<16xi1> -> vector<16xf32>
        %reduce_sum3A_1522 = vector.extract %reduce_sum3A_1521[15] : f32 from vector<16xf32>
        %eq3A_1523 = arith.constant 15 : i32
        %eq3A_1524 = vector.broadcast %eq3A_1523 : i32 to vector<16xi32>
        %eq3A_1525 = arith.cmpi eq, %iota3A, %eq3A_1524 : vector<16xi32>
        %broadcast_in_dim3A_1526 = vector.broadcast %reduce_sum3A_1522 : f32 to vector<16xf32>
        %select_n3A_1527 = arith.select %eq3A_1525, %broadcast_in_dim3A_1526, %select_n3A_1493 : vector<16xi1>, vector<16xf32>
        %swap3A_1528 = arith.index_cast %scan3A_425 : i32 to index
        %swap3A_1529 = arith.constant 16 : index
        %swap3A_1530 = tpu.vector_load %arg14[%swap3A_1528, %swap3A_1529] {strides = array<i32>} : memref<8x128xf32, #tpu.memory_space<vmem>>, vector<16xf32>,
        tpu.vector_store %arg14[%swap3A_1528, %swap3A_1529], %select_n3A_1527 {strides = array<i32>} : memref<8x128xf32, #tpu.memory_space<vmem>>, vector<16xf32>,
        %broadcast_in_dim3A_1531 = arith.constant 0.000000e+00 : f32
        %broadcast_in_dim3A_1532 = vector.broadcast %broadcast_in_dim3A_1531 : f32 to vector<16xf32>
        %mul3A_1533 = arith.constant 50 : i32
        %mul3A_1534 = arith.muli %scan3A_425, %mul3A_1533 : i32
        %add3A_1535 = arith.constant 32 : i32
        %add3A_1536 = arith.addi %mul3A_1534, %add3A_1535 : i32
        %add3A_1537 = arith.constant 0 : i32
        %add3A_1538 = arith.addi %add3A_1536, %add3A_1537 : i32
        %get3A_1539 = arith.index_cast %add3A_1538 : i32 to index
        %get3A_1540 = arith.constant 0 : index
        %get3A_1541 = tpu.vector_load %arg13[%get3A_1539, %get3A_1540] {strides = array<i32>} : memref<400x128xf32, #tpu.memory_space<vmem>>, vector<16xf32>,
        %mul3A_1542 = arith.mulf %get3A_428, %get3A_1541 : vector<16xf32>
        %get3A_1543 = arith.index_cast %add3A_1538 : i32 to index
        %get3A_1544 = arith.constant 16 : index
        %get3A_1545 = tpu.vector_load %arg13[%get3A_1543, %get3A_1544] {strides = array<i32>} : memref<400x128xf32, #tpu.memory_space<vmem>>, vector<16xf32>,
        %mul3A_1546 = arith.mulf %get3A_431, %get3A_1545 : vector<16xf32>
        %add3A_1547 = arith.addf %mul3A_1542, %mul3A_1546 : vector<16xf32>
        %get3A_1548 = arith.index_cast %add3A_1538 : i32 to index
        %get3A_1549 = arith.constant 32 : index
        %get3A_1550 = tpu.vector_load %arg13[%get3A_1548, %get3A_1549] {strides = array<i32>} : memref<400x128xf32, #tpu.memory_space<vmem>>, vector<16xf32>,
        %mul3A_1551 = arith.mulf %get3A_434, %get3A_1550 : vector<16xf32>
        %add3A_1552 = arith.addf %add3A_1547, %mul3A_1551 : vector<16xf32>
        %get3A_1553 = arith.index_cast %add3A_1538 : i32 to index
        %get3A_1554 = arith.constant 48 : index
        %get3A_1555 = tpu.vector_load %arg13[%get3A_1553, %get3A_1554] {strides = array<i32>} : memref<400x128xf32, #tpu.memory_space<vmem>>, vector<16xf32>,
        %mul3A_1556 = arith.mulf %get3A_437, %get3A_1555 : vector<16xf32>
        %add3A_1557 = arith.addf %add3A_1552, %mul3A_1556 : vector<16xf32>
        %reduce_sum3A_1558 = arith.constant true
        %reduce_sum3A_1559 = vector.broadcast %reduce_sum3A_1558 : i1 to vector<16xi1>
        %reduce_sum3A_1560 = tpu.scan <sum>, %add3A_1557 masked %reduce_sum3A_1559 : vector<16xf32>, vector<16xi1> -> vector<16xf32>
        %reduce_sum3A_1561 = vector.extract %reduce_sum3A_1560[15] : f32 from vector<16xf32>
        %eq3A_1562 = arith.constant 0 : i32
        %eq3A_1563 = vector.broadcast %eq3A_1562 : i32 to vector<16xi32>
        %eq3A_1564 = arith.cmpi eq, %iota3A, %eq3A_1563 : vector<16xi32>
        %broadcast_in_dim3A_1565 = vector.broadcast %reduce_sum3A_1561 : f32 to vector<16xf32>
        %select_n3A_1566 = arith.select %eq3A_1564, %broadcast_in_dim3A_1565, %broadcast_in_dim3A_1532 : vector<16xi1>, vector<16xf32>
        %mul3A_1567 = arith.constant 50 : i32
        %mul3A_1568 = arith.muli %scan3A_425, %mul3A_1567 : i32
        %add3A_1569 = arith.constant 32 : i32
        %add3A_1570 = arith.addi %mul3A_1568, %add3A_1569 : i32
        %add3A_1571 = arith.constant 1 : i32
        %add3A_1572 = arith.addi %add3A_1570, %add3A_1571 : i32
        %get3A_1573 = arith.index_cast %add3A_1572 : i32 to index
        %get3A_1574 = arith.constant 0 : index
        %get3A_1575 = tpu.vector_load %arg13[%get3A_1573, %get3A_1574] {strides = array<i32>} : memref<400x128xf32, #tpu.memory_space<vmem>>, vector<16xf32>,
        %mul3A_1576 = arith.mulf %get3A_428, %get3A_1575 : vector<16xf32>
        %get3A_1577 = arith.index_cast %add3A_1572 : i32 to index
        %get3A_1578 = arith.constant 16 : index
        %get3A_1579 = tpu.vector_load %arg13[%get3A_1577, %get3A_1578] {strides = array<i32>} : memref<400x128xf32, #tpu.memory_space<vmem>>, vector<16xf32>,
        %mul3A_1580 = arith.mulf %get3A_431, %get3A_1579 : vector<16xf32>
        %add3A_1581 = arith.addf %mul3A_1576, %mul3A_1580 : vector<16xf32>
        %get3A_1582 = arith.index_cast %add3A_1572 : i32 to index
        %get3A_1583 = arith.constant 32 : index
        %get3A_1584 = tpu.vector_load %arg13[%get3A_1582, %get3A_1583] {strides = array<i32>} : memref<400x128xf32, #tpu.memory_space<vmem>>, vector<16xf32>,
        %mul3A_1585 = arith.mulf %get3A_434, %get3A_1584 : vector<16xf32>
        %add3A_1586 = arith.addf %add3A_1581, %mul3A_1585 : vector<16xf32>
        %get3A_1587 = arith.index_cast %add3A_1572 : i32 to index
        %get3A_1588 = arith.constant 48 : index
        %get3A_1589 = tpu.vector_load %arg13[%get3A_1587, %get3A_1588] {strides = array<i32>} : memref<400x128xf32, #tpu.memory_space<vmem>>, vector<16xf32>,
        %mul3A_1590 = arith.mulf %get3A_437, %get3A_1589 : vector<16xf32>
        %add3A_1591 = arith.addf %add3A_1586, %mul3A_1590 : vector<16xf32>
        %reduce_sum3A_1592 = arith.constant true
        %reduce_sum3A_1593 = vector.broadcast %reduce_sum3A_1592 : i1 to vector<16xi1>
        %reduce_sum3A_1594 = tpu.scan <sum>, %add3A_1591 masked %reduce_sum3A_1593 : vector<16xf32>, vector<16xi1> -> vector<16xf32>
        %reduce_sum3A_1595 = vector.extract %reduce_sum3A_1594[15] : f32 from vector<16xf32>
        %eq3A_1596 = arith.constant 1 : i32
        %eq3A_1597 = vector.broadcast %eq3A_1596 : i32 to vector<16xi32>
        %eq3A_1598 = arith.cmpi eq, %iota3A, %eq3A_1597 : vector<16xi32>
        %broadcast_in_dim3A_1599 = vector.broadcast %reduce_sum3A_1595 : f32 to vector<16xf32>
        %select_n3A_1600 = arith.select %eq3A_1598, %broadcast_in_dim3A_1599, %select_n3A_1566 : vector<16xi1>, vector<16xf32>
        %mul3A_1601 = arith.constant 50 : i32
        %mul3A_1602 = arith.muli %scan3A_425, %mul3A_1601 : i32
        %add3A_1603 = arith.constant 32 : i32
        %add3A_1604 = arith.addi %mul3A_1602, %add3A_1603 : i32
        %add3A_1605 = arith.constant 2 : i32
        %add3A_1606 = arith.addi %add3A_1604, %add3A_1605 : i32
        %get3A_1607 = arith.index_cast %add3A_1606 : i32 to index
        %get3A_1608 = arith.constant 0 : index
        %get3A_1609 = tpu.vector_load %arg13[%get3A_1607, %get3A_1608] {strides = array<i32>} : memref<400x128xf32, #tpu.memory_space<vmem>>, vector<16xf32>,
        %mul3A_1610 = arith.mulf %get3A_428, %get3A_1609 : vector<16xf32>
        %get3A_1611 = arith.index_cast %add3A_1606 : i32 to index
        %get3A_1612 = arith.constant 16 : index
        %get3A_1613 = tpu.vector_load %arg13[%get3A_1611, %get3A_1612] {strides = array<i32>} : memref<400x128xf32, #tpu.memory_space<vmem>>, vector<16xf32>,
        %mul3A_1614 = arith.mulf %get3A_431, %get3A_1613 : vector<16xf32>
        %add3A_1615 = arith.addf %mul3A_1610, %mul3A_1614 : vector<16xf32>
        %get3A_1616 = arith.index_cast %add3A_1606 : i32 to index
        %get3A_1617 = arith.constant 32 : index
        %get3A_1618 = tpu.vector_load %arg13[%get3A_1616, %get3A_1617] {strides = array<i32>} : memref<400x128xf32, #tpu.memory_space<vmem>>, vector<16xf32>,
        %mul3A_1619 = arith.mulf %get3A_434, %get3A_1618 : vector<16xf32>
        %add3A_1620 = arith.addf %add3A_1615, %mul3A_1619 : vector<16xf32>
        %get3A_1621 = arith.index_cast %add3A_1606 : i32 to index
        %get3A_1622 = arith.constant 48 : index
        %get3A_1623 = tpu.vector_load %arg13[%get3A_1621, %get3A_1622] {strides = array<i32>} : memref<400x128xf32, #tpu.memory_space<vmem>>, vector<16xf32>,
        %mul3A_1624 = arith.mulf %get3A_437, %get3A_1623 : vector<16xf32>
        %add3A_1625 = arith.addf %add3A_1620, %mul3A_1624 : vector<16xf32>
        %reduce_sum3A_1626 = arith.constant true
        %reduce_sum3A_1627 = vector.broadcast %reduce_sum3A_1626 : i1 to vector<16xi1>
        %reduce_sum3A_1628 = tpu.scan <sum>, %add3A_1625 masked %reduce_sum3A_1627 : vector<16xf32>, vector<16xi1> -> vector<16xf32>
        %reduce_sum3A_1629 = vector.extract %reduce_sum3A_1628[15] : f32 from vector<16xf32>
        %eq3A_1630 = arith.constant 2 : i32
        %eq3A_1631 = vector.broadcast %eq3A_1630 : i32 to vector<16xi32>
        %eq3A_1632 = arith.cmpi eq, %iota3A, %eq3A_1631 : vector<16xi32>
        %broadcast_in_dim3A_1633 = vector.broadcast %reduce_sum3A_1629 : f32 to vector<16xf32>
        %select_n3A_1634 = arith.select %eq3A_1632, %broadcast_in_dim3A_1633, %select_n3A_1600 : vector<16xi1>, vector<16xf32>
        %mul3A_1635 = arith.constant 50 : i32
        %mul3A_1636 = arith.muli %scan3A_425, %mul3A_1635 : i32
        %add3A_1637 = arith.constant 32 : i32
        %add3A_1638 = arith.addi %mul3A_1636, %add3A_1637 : i32
        %add3A_1639 = arith.constant 3 : i32
        %add3A_1640 = arith.addi %add3A_1638, %add3A_1639 : i32
        %get3A_1641 = arith.index_cast %add3A_1640 : i32 to index
        %get3A_1642 = arith.constant 0 : index
        %get3A_1643 = tpu.vector_load %arg13[%get3A_1641, %get3A_1642] {strides = array<i32>} : memref<400x128xf32, #tpu.memory_space<vmem>>, vector<16xf32>,
        %mul3A_1644 = arith.mulf %get3A_428, %get3A_1643 : vector<16xf32>
        %get3A_1645 = arith.index_cast %add3A_1640 : i32 to index
        %get3A_1646 = arith.constant 16 : index
        %get3A_1647 = tpu.vector_load %arg13[%get3A_1645, %get3A_1646] {strides = array<i32>} : memref<400x128xf32, #tpu.memory_space<vmem>>, vector<16xf32>,
        %mul3A_1648 = arith.mulf %get3A_431, %get3A_1647 : vector<16xf32>
        %add3A_1649 = arith.addf %mul3A_1644, %mul3A_1648 : vector<16xf32>
        %get3A_1650 = arith.index_cast %add3A_1640 : i32 to index
        %get3A_1651 = arith.constant 32 : index
        %get3A_1652 = tpu.vector_load %arg13[%get3A_1650, %get3A_1651] {strides = array<i32>} : memref<400x128xf32, #tpu.memory_space<vmem>>, vector<16xf32>,
        %mul3A_1653 = arith.mulf %get3A_434, %get3A_1652 : vector<16xf32>
        %add3A_1654 = arith.addf %add3A_1649, %mul3A_1653 : vector<16xf32>
        %get3A_1655 = arith.index_cast %add3A_1640 : i32 to index
        %get3A_1656 = arith.constant 48 : index
        %get3A_1657 = tpu.vector_load %arg13[%get3A_1655, %get3A_1656] {strides = array<i32>} : memref<400x128xf32, #tpu.memory_space<vmem>>, vector<16xf32>,
        %mul3A_1658 = arith.mulf %get3A_437, %get3A_1657 : vector<16xf32>
        %add3A_1659 = arith.addf %add3A_1654, %mul3A_1658 : vector<16xf32>
        %reduce_sum3A_1660 = arith.constant true
        %reduce_sum3A_1661 = vector.broadcast %reduce_sum3A_1660 : i1 to vector<16xi1>
        %reduce_sum3A_1662 = tpu.scan <sum>, %add3A_1659 masked %reduce_sum3A_1661 : vector<16xf32>, vector<16xi1> -> vector<16xf32>
        %reduce_sum3A_1663 = vector.extract %reduce_sum3A_1662[15] : f32 from vector<16xf32>
        %eq3A_1664 = arith.constant 3 : i32
        %eq3A_1665 = vector.broadcast %eq3A_1664 : i32 to vector<16xi32>
        %eq3A_1666 = arith.cmpi eq, %iota3A, %eq3A_1665 : vector<16xi32>
        %broadcast_in_dim3A_1667 = vector.broadcast %reduce_sum3A_1663 : f32 to vector<16xf32>
        %select_n3A_1668 = arith.select %eq3A_1666, %broadcast_in_dim3A_1667, %select_n3A_1634 : vector<16xi1>, vector<16xf32>
        %mul3A_1669 = arith.constant 50 : i32
        %mul3A_1670 = arith.muli %scan3A_425, %mul3A_1669 : i32
        %add3A_1671 = arith.constant 32 : i32
        %add3A_1672 = arith.addi %mul3A_1670, %add3A_1671 : i32
        %add3A_1673 = arith.constant 4 : i32
        %add3A_1674 = arith.addi %add3A_1672, %add3A_1673 : i32
        %get3A_1675 = arith.index_cast %add3A_1674 : i32 to index
        %get3A_1676 = arith.constant 0 : index
        %get3A_1677 = tpu.vector_load %arg13[%get3A_1675, %get3A_1676] {strides = array<i32>} : memref<400x128xf32, #tpu.memory_space<vmem>>, vector<16xf32>,
        %mul3A_1678 = arith.mulf %get3A_428, %get3A_1677 : vector<16xf32>
        %get3A_1679 = arith.index_cast %add3A_1674 : i32 to index
        %get3A_1680 = arith.constant 16 : index
        %get3A_1681 = tpu.vector_load %arg13[%get3A_1679, %get3A_1680] {strides = array<i32>} : memref<400x128xf32, #tpu.memory_space<vmem>>, vector<16xf32>,
        %mul3A_1682 = arith.mulf %get3A_431, %get3A_1681 : vector<16xf32>
        %add3A_1683 = arith.addf %mul3A_1678, %mul3A_1682 : vector<16xf32>
        %get3A_1684 = arith.index_cast %add3A_1674 : i32 to index
        %get3A_1685 = arith.constant 32 : index
        %get3A_1686 = tpu.vector_load %arg13[%get3A_1684, %get3A_1685] {strides = array<i32>} : memref<400x128xf32, #tpu.memory_space<vmem>>, vector<16xf32>,
        %mul3A_1687 = arith.mulf %get3A_434, %get3A_1686 : vector<16xf32>
        %add3A_1688 = arith.addf %add3A_1683, %mul3A_1687 : vector<16xf32>
        %get3A_1689 = arith.index_cast %add3A_1674 : i32 to index
        %get3A_1690 = arith.constant 48 : index
        %get3A_1691 = tpu.vector_load %arg13[%get3A_1689, %get3A_1690] {strides = array<i32>} : memref<400x128xf32, #tpu.memory_space<vmem>>, vector<16xf32>,
        %mul3A_1692 = arith.mulf %get3A_437, %get3A_1691 : vector<16xf32>
        %add3A_1693 = arith.addf %add3A_1688, %mul3A_1692 : vector<16xf32>
        %reduce_sum3A_1694 = arith.constant true
        %reduce_sum3A_1695 = vector.broadcast %reduce_sum3A_1694 : i1 to vector<16xi1>
        %reduce_sum3A_1696 = tpu.scan <sum>, %add3A_1693 masked %reduce_sum3A_1695 : vector<16xf32>, vector<16xi1> -> vector<16xf32>
        %reduce_sum3A_1697 = vector.extract %reduce_sum3A_1696[15] : f32 from vector<16xf32>
        %eq3A_1698 = arith.constant 4 : i32
        %eq3A_1699 = vector.broadcast %eq3A_1698 : i32 to vector<16xi32>
        %eq3A_1700 = arith.cmpi eq, %iota3A, %eq3A_1699 : vector<16xi32>
        %broadcast_in_dim3A_1701 = vector.broadcast %reduce_sum3A_1697 : f32 to vector<16xf32>
        %select_n3A_1702 = arith.select %eq3A_1700, %broadcast_in_dim3A_1701, %select_n3A_1668 : vector<16xi1>, vector<16xf32>
        %mul3A_1703 = arith.constant 50 : i32
        %mul3A_1704 = arith.muli %scan3A_425, %mul3A_1703 : i32
        %add3A_1705 = arith.constant 32 : i32
        %add3A_1706 = arith.addi %mul3A_1704, %add3A_1705 : i32
        %add3A_1707 = arith.constant 5 : i32
        %add3A_1708 = arith.addi %add3A_1706, %add3A_1707 : i32
        %get3A_1709 = arith.index_cast %add3A_1708 : i32 to index
        %get3A_1710 = arith.constant 0 : index
        %get3A_1711 = tpu.vector_load %arg13[%get3A_1709, %get3A_1710] {strides = array<i32>} : memref<400x128xf32, #tpu.memory_space<vmem>>, vector<16xf32>,
        %mul3A_1712 = arith.mulf %get3A_428, %get3A_1711 : vector<16xf32>
        %get3A_1713 = arith.index_cast %add3A_1708 : i32 to index
        %get3A_1714 = arith.constant 16 : index
        %get3A_1715 = tpu.vector_load %arg13[%get3A_1713, %get3A_1714] {strides = array<i32>} : memref<400x128xf32, #tpu.memory_space<vmem>>, vector<16xf32>,
        %mul3A_1716 = arith.mulf %get3A_431, %get3A_1715 : vector<16xf32>
        %add3A_1717 = arith.addf %mul3A_1712, %mul3A_1716 : vector<16xf32>
        %get3A_1718 = arith.index_cast %add3A_1708 : i32 to index
        %get3A_1719 = arith.constant 32 : index
        %get3A_1720 = tpu.vector_load %arg13[%get3A_1718, %get3A_1719] {strides = array<i32>} : memref<400x128xf32, #tpu.memory_space<vmem>>, vector<16xf32>,
        %mul3A_1721 = arith.mulf %get3A_434, %get3A_1720 : vector<16xf32>
        %add3A_1722 = arith.addf %add3A_1717, %mul3A_1721 : vector<16xf32>
        %get3A_1723 = arith.index_cast %add3A_1708 : i32 to index
        %get3A_1724 = arith.constant 48 : index
        %get3A_1725 = tpu.vector_load %arg13[%get3A_1723, %get3A_1724] {strides = array<i32>} : memref<400x128xf32, #tpu.memory_space<vmem>>, vector<16xf32>,
        %mul3A_1726 = arith.mulf %get3A_437, %get3A_1725 : vector<16xf32>
        %add3A_1727 = arith.addf %add3A_1722, %mul3A_1726 : vector<16xf32>
        %reduce_sum3A_1728 = arith.constant true
        %reduce_sum3A_1729 = vector.broadcast %reduce_sum3A_1728 : i1 to vector<16xi1>
        %reduce_sum3A_1730 = tpu.scan <sum>, %add3A_1727 masked %reduce_sum3A_1729 : vector<16xf32>, vector<16xi1> -> vector<16xf32>
        %reduce_sum3A_1731 = vector.extract %reduce_sum3A_1730[15] : f32 from vector<16xf32>
        %eq3A_1732 = arith.constant 5 : i32
        %eq3A_1733 = vector.broadcast %eq3A_1732 : i32 to vector<16xi32>
        %eq3A_1734 = arith.cmpi eq, %iota3A, %eq3A_1733 : vector<16xi32>
        %broadcast_in_dim3A_1735 = vector.broadcast %reduce_sum3A_1731 : f32 to vector<16xf32>
        %select_n3A_1736 = arith.select %eq3A_1734, %broadcast_in_dim3A_1735, %select_n3A_1702 : vector<16xi1>, vector<16xf32>
        %mul3A_1737 = arith.constant 50 : i32
        %mul3A_1738 = arith.muli %scan3A_425, %mul3A_1737 : i32
        %add3A_1739 = arith.constant 32 : i32
        %add3A_1740 = arith.addi %mul3A_1738, %add3A_1739 : i32
        %add3A_1741 = arith.constant 6 : i32
        %add3A_1742 = arith.addi %add3A_1740, %add3A_1741 : i32
        %get3A_1743 = arith.index_cast %add3A_1742 : i32 to index
        %get3A_1744 = arith.constant 0 : index
        %get3A_1745 = tpu.vector_load %arg13[%get3A_1743, %get3A_1744] {strides = array<i32>} : memref<400x128xf32, #tpu.memory_space<vmem>>, vector<16xf32>,
        %mul3A_1746 = arith.mulf %get3A_428, %get3A_1745 : vector<16xf32>
        %get3A_1747 = arith.index_cast %add3A_1742 : i32 to index
        %get3A_1748 = arith.constant 16 : index
        %get3A_1749 = tpu.vector_load %arg13[%get3A_1747, %get3A_1748] {strides = array<i32>} : memref<400x128xf32, #tpu.memory_space<vmem>>, vector<16xf32>,
        %mul3A_1750 = arith.mulf %get3A_431, %get3A_1749 : vector<16xf32>
        %add3A_1751 = arith.addf %mul3A_1746, %mul3A_1750 : vector<16xf32>
        %get3A_1752 = arith.index_cast %add3A_1742 : i32 to index
        %get3A_1753 = arith.constant 32 : index
        %get3A_1754 = tpu.vector_load %arg13[%get3A_1752, %get3A_1753] {strides = array<i32>} : memref<400x128xf32, #tpu.memory_space<vmem>>, vector<16xf32>,
        %mul3A_1755 = arith.mulf %get3A_434, %get3A_1754 : vector<16xf32>
        %add3A_1756 = arith.addf %add3A_1751, %mul3A_1755 : vector<16xf32>
        %get3A_1757 = arith.index_cast %add3A_1742 : i32 to index
        %get3A_1758 = arith.constant 48 : index
        %get3A_1759 = tpu.vector_load %arg13[%get3A_1757, %get3A_1758] {strides = array<i32>} : memref<400x128xf32, #tpu.memory_space<vmem>>, vector<16xf32>,
        %mul3A_1760 = arith.mulf %get3A_437, %get3A_1759 : vector<16xf32>
        %add3A_1761 = arith.addf %add3A_1756, %mul3A_1760 : vector<16xf32>
        %reduce_sum3A_1762 = arith.constant true
        %reduce_sum3A_1763 = vector.broadcast %reduce_sum3A_1762 : i1 to vector<16xi1>
        %reduce_sum3A_1764 = tpu.scan <sum>, %add3A_1761 masked %reduce_sum3A_1763 : vector<16xf32>, vector<16xi1> -> vector<16xf32>
        %reduce_sum3A_1765 = vector.extract %reduce_sum3A_1764[15] : f32 from vector<16xf32>
        %eq3A_1766 = arith.constant 6 : i32
        %eq3A_1767 = vector.broadcast %eq3A_1766 : i32 to vector<16xi32>
        %eq3A_1768 = arith.cmpi eq, %iota3A, %eq3A_1767 : vector<16xi32>
        %broadcast_in_dim3A_1769 = vector.broadcast %reduce_sum3A_1765 : f32 to vector<16xf32>
        %select_n3A_1770 = arith.select %eq3A_1768, %broadcast_in_dim3A_1769, %select_n3A_1736 : vector<16xi1>, vector<16xf32>
        %mul3A_1771 = arith.constant 50 : i32
        %mul3A_1772 = arith.muli %scan3A_425, %mul3A_1771 : i32
        %add3A_1773 = arith.constant 32 : i32
        %add3A_1774 = arith.addi %mul3A_1772, %add3A_1773 : i32
        %add3A_1775 = arith.constant 7 : i32
        %add3A_1776 = arith.addi %add3A_1774, %add3A_1775 : i32
        %get3A_1777 = arith.index_cast %add3A_1776 : i32 to index
        %get3A_1778 = arith.constant 0 : index
        %get3A_1779 = tpu.vector_load %arg13[%get3A_1777, %get3A_1778] {strides = array<i32>} : memref<400x128xf32, #tpu.memory_space<vmem>>, vector<16xf32>,
        %mul3A_1780 = arith.mulf %get3A_428, %get3A_1779 : vector<16xf32>
        %get3A_1781 = arith.index_cast %add3A_1776 : i32 to index
        %get3A_1782 = arith.constant 16 : index
        %get3A_1783 = tpu.vector_load %arg13[%get3A_1781, %get3A_1782] {strides = array<i32>} : memref<400x128xf32, #tpu.memory_space<vmem>>, vector<16xf32>,
        %mul3A_1784 = arith.mulf %get3A_431, %get3A_1783 : vector<16xf32>
        %add3A_1785 = arith.addf %mul3A_1780, %mul3A_1784 : vector<16xf32>
        %get3A_1786 = arith.index_cast %add3A_1776 : i32 to index
        %get3A_1787 = arith.constant 32 : index
        %get3A_1788 = tpu.vector_load %arg13[%get3A_1786, %get3A_1787] {strides = array<i32>} : memref<400x128xf32, #tpu.memory_space<vmem>>, vector<16xf32>,
        %mul3A_1789 = arith.mulf %get3A_434, %get3A_1788 : vector<16xf32>
        %add3A_1790 = arith.addf %add3A_1785, %mul3A_1789 : vector<16xf32>
        %get3A_1791 = arith.index_cast %add3A_1776 : i32 to index
        %get3A_1792 = arith.constant 48 : index
        %get3A_1793 = tpu.vector_load %arg13[%get3A_1791, %get3A_1792] {strides = array<i32>} : memref<400x128xf32, #tpu.memory_space<vmem>>, vector<16xf32>,
        %mul3A_1794 = arith.mulf %get3A_437, %get3A_1793 : vector<16xf32>
        %add3A_1795 = arith.addf %add3A_1790, %mul3A_1794 : vector<16xf32>
        %reduce_sum3A_1796 = arith.constant true
        %reduce_sum3A_1797 = vector.broadcast %reduce_sum3A_1796 : i1 to vector<16xi1>
        %reduce_sum3A_1798 = tpu.scan <sum>, %add3A_1795 masked %reduce_sum3A_1797 : vector<16xf32>, vector<16xi1> -> vector<16xf32>
        %reduce_sum3A_1799 = vector.extract %reduce_sum3A_1798[15] : f32 from vector<16xf32>
        %eq3A_1800 = arith.constant 7 : i32
        %eq3A_1801 = vector.broadcast %eq3A_1800 : i32 to vector<16xi32>
        %eq3A_1802 = arith.cmpi eq, %iota3A, %eq3A_1801 : vector<16xi32>
        %broadcast_in_dim3A_1803 = vector.broadcast %reduce_sum3A_1799 : f32 to vector<16xf32>
        %select_n3A_1804 = arith.select %eq3A_1802, %broadcast_in_dim3A_1803, %select_n3A_1770 : vector<16xi1>, vector<16xf32>
        %mul3A_1805 = arith.constant 50 : i32
        %mul3A_1806 = arith.muli %scan3A_425, %mul3A_1805 : i32
        %add3A_1807 = arith.constant 32 : i32
        %add3A_1808 = arith.addi %mul3A_1806, %add3A_1807 : i32
        %add3A_1809 = arith.constant 8 : i32
        %add3A_1810 = arith.addi %add3A_1808, %add3A_1809 : i32
        %get3A_1811 = arith.index_cast %add3A_1810 : i32 to index
        %get3A_1812 = arith.constant 0 : index
        %get3A_1813 = tpu.vector_load %arg13[%get3A_1811, %get3A_1812] {strides = array<i32>} : memref<400x128xf32, #tpu.memory_space<vmem>>, vector<16xf32>,
        %mul3A_1814 = arith.mulf %get3A_428, %get3A_1813 : vector<16xf32>
        %get3A_1815 = arith.index_cast %add3A_1810 : i32 to index
        %get3A_1816 = arith.constant 16 : index
        %get3A_1817 = tpu.vector_load %arg13[%get3A_1815, %get3A_1816] {strides = array<i32>} : memref<400x128xf32, #tpu.memory_space<vmem>>, vector<16xf32>,
        %mul3A_1818 = arith.mulf %get3A_431, %get3A_1817 : vector<16xf32>
        %add3A_1819 = arith.addf %mul3A_1814, %mul3A_1818 : vector<16xf32>
        %get3A_1820 = arith.index_cast %add3A_1810 : i32 to index
        %get3A_1821 = arith.constant 32 : index
        %get3A_1822 = tpu.vector_load %arg13[%get3A_1820, %get3A_1821] {strides = array<i32>} : memref<400x128xf32, #tpu.memory_space<vmem>>, vector<16xf32>,
        %mul3A_1823 = arith.mulf %get3A_434, %get3A_1822 : vector<16xf32>
        %add3A_1824 = arith.addf %add3A_1819, %mul3A_1823 : vector<16xf32>
        %get3A_1825 = arith.index_cast %add3A_1810 : i32 to index
        %get3A_1826 = arith.constant 48 : index
        %get3A_1827 = tpu.vector_load %arg13[%get3A_1825, %get3A_1826] {strides = array<i32>} : memref<400x128xf32, #tpu.memory_space<vmem>>, vector<16xf32>,
        %mul3A_1828 = arith.mulf %get3A_437, %get3A_1827 : vector<16xf32>
        %add3A_1829 = arith.addf %add3A_1824, %mul3A_1828 : vector<16xf32>
        %reduce_sum3A_1830 = arith.constant true
        %reduce_sum3A_1831 = vector.broadcast %reduce_sum3A_1830 : i1 to vector<16xi1>
        %reduce_sum3A_1832 = tpu.scan <sum>, %add3A_1829 masked %reduce_sum3A_1831 : vector<16xf32>, vector<16xi1> -> vector<16xf32>
        %reduce_sum3A_1833 = vector.extract %reduce_sum3A_1832[15] : f32 from vector<16xf32>
        %eq3A_1834 = arith.constant 8 : i32
        %eq3A_1835 = vector.broadcast %eq3A_1834 : i32 to vector<16xi32>
        %eq3A_1836 = arith.cmpi eq, %iota3A, %eq3A_1835 : vector<16xi32>
        %broadcast_in_dim3A_1837 = vector.broadcast %reduce_sum3A_1833 : f32 to vector<16xf32>
        %select_n3A_1838 = arith.select %eq3A_1836, %broadcast_in_dim3A_1837, %select_n3A_1804 : vector<16xi1>, vector<16xf32>
        %mul3A_1839 = arith.constant 50 : i32
        %mul3A_1840 = arith.muli %scan3A_425, %mul3A_1839 : i32
        %add3A_1841 = arith.constant 32 : i32
        %add3A_1842 = arith.addi %mul3A_1840, %add3A_1841 : i32
        %add3A_1843 = arith.constant 9 : i32
        %add3A_1844 = arith.addi %add3A_1842, %add3A_1843 : i32
        %get3A_1845 = arith.index_cast %add3A_1844 : i32 to index
        %get3A_1846 = arith.constant 0 : index
        %get3A_1847 = tpu.vector_load %arg13[%get3A_1845, %get3A_1846] {strides = array<i32>} : memref<400x128xf32, #tpu.memory_space<vmem>>, vector<16xf32>,
        %mul3A_1848 = arith.mulf %get3A_428, %get3A_1847 : vector<16xf32>
        %get3A_1849 = arith.index_cast %add3A_1844 : i32 to index
        %get3A_1850 = arith.constant 16 : index
        %get3A_1851 = tpu.vector_load %arg13[%get3A_1849, %get3A_1850] {strides = array<i32>} : memref<400x128xf32, #tpu.memory_space<vmem>>, vector<16xf32>,
        %mul3A_1852 = arith.mulf %get3A_431, %get3A_1851 : vector<16xf32>
        %add3A_1853 = arith.addf %mul3A_1848, %mul3A_1852 : vector<16xf32>
        %get3A_1854 = arith.index_cast %add3A_1844 : i32 to index
        %get3A_1855 = arith.constant 32 : index
        %get3A_1856 = tpu.vector_load %arg13[%get3A_1854, %get3A_1855] {strides = array<i32>} : memref<400x128xf32, #tpu.memory_space<vmem>>, vector<16xf32>,
        %mul3A_1857 = arith.mulf %get3A_434, %get3A_1856 : vector<16xf32>
        %add3A_1858 = arith.addf %add3A_1853, %mul3A_1857 : vector<16xf32>
        %get3A_1859 = arith.index_cast %add3A_1844 : i32 to index
        %get3A_1860 = arith.constant 48 : index
        %get3A_1861 = tpu.vector_load %arg13[%get3A_1859, %get3A_1860] {strides = array<i32>} : memref<400x128xf32, #tpu.memory_space<vmem>>, vector<16xf32>,
        %mul3A_1862 = arith.mulf %get3A_437, %get3A_1861 : vector<16xf32>
        %add3A_1863 = arith.addf %add3A_1858, %mul3A_1862 : vector<16xf32>
        %reduce_sum3A_1864 = arith.constant true
        %reduce_sum3A_1865 = vector.broadcast %reduce_sum3A_1864 : i1 to vector<16xi1>
        %reduce_sum3A_1866 = tpu.scan <sum>, %add3A_1863 masked %reduce_sum3A_1865 : vector<16xf32>, vector<16xi1> -> vector<16xf32>
        %reduce_sum3A_1867 = vector.extract %reduce_sum3A_1866[15] : f32 from vector<16xf32>
        %eq3A_1868 = arith.constant 9 : i32
        %eq3A_1869 = vector.broadcast %eq3A_1868 : i32 to vector<16xi32>
        %eq3A_1870 = arith.cmpi eq, %iota3A, %eq3A_1869 : vector<16xi32>
        %broadcast_in_dim3A_1871 = vector.broadcast %reduce_sum3A_1867 : f32 to vector<16xf32>
        %select_n3A_1872 = arith.select %eq3A_1870, %broadcast_in_dim3A_1871, %select_n3A_1838 : vector<16xi1>, vector<16xf32>
        %mul3A_1873 = arith.constant 50 : i32
        %mul3A_1874 = arith.muli %scan3A_425, %mul3A_1873 : i32
        %add3A_1875 = arith.constant 32 : i32
        %add3A_1876 = arith.addi %mul3A_1874, %add3A_1875 : i32
        %add3A_1877 = arith.constant 10 : i32
        %add3A_1878 = arith.addi %add3A_1876, %add3A_1877 : i32
        %get3A_1879 = arith.index_cast %add3A_1878 : i32 to index
        %get3A_1880 = arith.constant 0 : index
        %get3A_1881 = tpu.vector_load %arg13[%get3A_1879, %get3A_1880] {strides = array<i32>} : memref<400x128xf32, #tpu.memory_space<vmem>>, vector<16xf32>,
        %mul3A_1882 = arith.mulf %get3A_428, %get3A_1881 : vector<16xf32>
        %get3A_1883 = arith.index_cast %add3A_1878 : i32 to index
        %get3A_1884 = arith.constant 16 : index
        %get3A_1885 = tpu.vector_load %arg13[%get3A_1883, %get3A_1884] {strides = array<i32>} : memref<400x128xf32, #tpu.memory_space<vmem>>, vector<16xf32>,
        %mul3A_1886 = arith.mulf %get3A_431, %get3A_1885 : vector<16xf32>
        %add3A_1887 = arith.addf %mul3A_1882, %mul3A_1886 : vector<16xf32>
        %get3A_1888 = arith.index_cast %add3A_1878 : i32 to index
        %get3A_1889 = arith.constant 32 : index
        %get3A_1890 = tpu.vector_load %arg13[%get3A_1888, %get3A_1889] {strides = array<i32>} : memref<400x128xf32, #tpu.memory_space<vmem>>, vector<16xf32>,
        %mul3A_1891 = arith.mulf %get3A_434, %get3A_1890 : vector<16xf32>
        %add3A_1892 = arith.addf %add3A_1887, %mul3A_1891 : vector<16xf32>
        %get3A_1893 = arith.index_cast %add3A_1878 : i32 to index
        %get3A_1894 = arith.constant 48 : index
        %get3A_1895 = tpu.vector_load %arg13[%get3A_1893, %get3A_1894] {strides = array<i32>} : memref<400x128xf32, #tpu.memory_space<vmem>>, vector<16xf32>,
        %mul3A_1896 = arith.mulf %get3A_437, %get3A_1895 : vector<16xf32>
        %add3A_1897 = arith.addf %add3A_1892, %mul3A_1896 : vector<16xf32>
        %reduce_sum3A_1898 = arith.constant true
        %reduce_sum3A_1899 = vector.broadcast %reduce_sum3A_1898 : i1 to vector<16xi1>
        %reduce_sum3A_1900 = tpu.scan <sum>, %add3A_1897 masked %reduce_sum3A_1899 : vector<16xf32>, vector<16xi1> -> vector<16xf32>
        %reduce_sum3A_1901 = vector.extract %reduce_sum3A_1900[15] : f32 from vector<16xf32>
        %eq3A_1902 = arith.constant 10 : i32
        %eq3A_1903 = vector.broadcast %eq3A_1902 : i32 to vector<16xi32>
        %eq3A_1904 = arith.cmpi eq, %iota3A, %eq3A_1903 : vector<16xi32>
        %broadcast_in_dim3A_1905 = vector.broadcast %reduce_sum3A_1901 : f32 to vector<16xf32>
        %select_n3A_1906 = arith.select %eq3A_1904, %broadcast_in_dim3A_1905, %select_n3A_1872 : vector<16xi1>, vector<16xf32>
        %mul3A_1907 = arith.constant 50 : i32
        %mul3A_1908 = arith.muli %scan3A_425, %mul3A_1907 : i32
        %add3A_1909 = arith.constant 32 : i32
        %add3A_1910 = arith.addi %mul3A_1908, %add3A_1909 : i32
        %add3A_1911 = arith.constant 11 : i32
        %add3A_1912 = arith.addi %add3A_1910, %add3A_1911 : i32
        %get3A_1913 = arith.index_cast %add3A_1912 : i32 to index
        %get3A_1914 = arith.constant 0 : index
        %get3A_1915 = tpu.vector_load %arg13[%get3A_1913, %get3A_1914] {strides = array<i32>} : memref<400x128xf32, #tpu.memory_space<vmem>>, vector<16xf32>,
        %mul3A_1916 = arith.mulf %get3A_428, %get3A_1915 : vector<16xf32>
        %get3A_1917 = arith.index_cast %add3A_1912 : i32 to index
        %get3A_1918 = arith.constant 16 : index
        %get3A_1919 = tpu.vector_load %arg13[%get3A_1917, %get3A_1918] {strides = array<i32>} : memref<400x128xf32, #tpu.memory_space<vmem>>, vector<16xf32>,
        %mul3A_1920 = arith.mulf %get3A_431, %get3A_1919 : vector<16xf32>
        %add3A_1921 = arith.addf %mul3A_1916, %mul3A_1920 : vector<16xf32>
        %get3A_1922 = arith.index_cast %add3A_1912 : i32 to index
        %get3A_1923 = arith.constant 32 : index
        %get3A_1924 = tpu.vector_load %arg13[%get3A_1922, %get3A_1923] {strides = array<i32>} : memref<400x128xf32, #tpu.memory_space<vmem>>, vector<16xf32>,
        %mul3A_1925 = arith.mulf %get3A_434, %get3A_1924 : vector<16xf32>
        %add3A_1926 = arith.addf %add3A_1921, %mul3A_1925 : vector<16xf32>
        %get3A_1927 = arith.index_cast %add3A_1912 : i32 to index
        %get3A_1928 = arith.constant 48 : index
        %get3A_1929 = tpu.vector_load %arg13[%get3A_1927, %get3A_1928] {strides = array<i32>} : memref<400x128xf32, #tpu.memory_space<vmem>>, vector<16xf32>,
        %mul3A_1930 = arith.mulf %get3A_437, %get3A_1929 : vector<16xf32>
        %add3A_1931 = arith.addf %add3A_1926, %mul3A_1930 : vector<16xf32>
        %reduce_sum3A_1932 = arith.constant true
        %reduce_sum3A_1933 = vector.broadcast %reduce_sum3A_1932 : i1 to vector<16xi1>
        %reduce_sum3A_1934 = tpu.scan <sum>, %add3A_1931 masked %reduce_sum3A_1933 : vector<16xf32>, vector<16xi1> -> vector<16xf32>
        %reduce_sum3A_1935 = vector.extract %reduce_sum3A_1934[15] : f32 from vector<16xf32>
        %eq3A_1936 = arith.constant 11 : i32
        %eq3A_1937 = vector.broadcast %eq3A_1936 : i32 to vector<16xi32>
        %eq3A_1938 = arith.cmpi eq, %iota3A, %eq3A_1937 : vector<16xi32>
        %broadcast_in_dim3A_1939 = vector.broadcast %reduce_sum3A_1935 : f32 to vector<16xf32>
        %select_n3A_1940 = arith.select %eq3A_1938, %broadcast_in_dim3A_1939, %select_n3A_1906 : vector<16xi1>, vector<16xf32>
        %mul3A_1941 = arith.constant 50 : i32
        %mul3A_1942 = arith.muli %scan3A_425, %mul3A_1941 : i32
        %add3A_1943 = arith.constant 32 : i32
        %add3A_1944 = arith.addi %mul3A_1942, %add3A_1943 : i32
        %add3A_1945 = arith.constant 12 : i32
        %add3A_1946 = arith.addi %add3A_1944, %add3A_1945 : i32
        %get3A_1947 = arith.index_cast %add3A_1946 : i32 to index
        %get3A_1948 = arith.constant 0 : index
        %get3A_1949 = tpu.vector_load %arg13[%get3A_1947, %get3A_1948] {strides = array<i32>} : memref<400x128xf32, #tpu.memory_space<vmem>>, vector<16xf32>,
        %mul3A_1950 = arith.mulf %get3A_428, %get3A_1949 : vector<16xf32>
        %get3A_1951 = arith.index_cast %add3A_1946 : i32 to index
        %get3A_1952 = arith.constant 16 : index
        %get3A_1953 = tpu.vector_load %arg13[%get3A_1951, %get3A_1952] {strides = array<i32>} : memref<400x128xf32, #tpu.memory_space<vmem>>, vector<16xf32>,
        %mul3A_1954 = arith.mulf %get3A_431, %get3A_1953 : vector<16xf32>
        %add3A_1955 = arith.addf %mul3A_1950, %mul3A_1954 : vector<16xf32>
        %get3A_1956 = arith.index_cast %add3A_1946 : i32 to index
        %get3A_1957 = arith.constant 32 : index
        %get3A_1958 = tpu.vector_load %arg13[%get3A_1956, %get3A_1957] {strides = array<i32>} : memref<400x128xf32, #tpu.memory_space<vmem>>, vector<16xf32>,
        %mul3A_1959 = arith.mulf %get3A_434, %get3A_1958 : vector<16xf32>
        %add3A_1960 = arith.addf %add3A_1955, %mul3A_1959 : vector<16xf32>
        %get3A_1961 = arith.index_cast %add3A_1946 : i32 to index
        %get3A_1962 = arith.constant 48 : index
        %get3A_1963 = tpu.vector_load %arg13[%get3A_1961, %get3A_1962] {strides = array<i32>} : memref<400x128xf32, #tpu.memory_space<vmem>>, vector<16xf32>,
        %mul3A_1964 = arith.mulf %get3A_437, %get3A_1963 : vector<16xf32>
        %add3A_1965 = arith.addf %add3A_1960, %mul3A_1964 : vector<16xf32>
        %reduce_sum3A_1966 = arith.constant true
        %reduce_sum3A_1967 = vector.broadcast %reduce_sum3A_1966 : i1 to vector<16xi1>
        %reduce_sum3A_1968 = tpu.scan <sum>, %add3A_1965 masked %reduce_sum3A_1967 : vector<16xf32>, vector<16xi1> -> vector<16xf32>
        %reduce_sum3A_1969 = vector.extract %reduce_sum3A_1968[15] : f32 from vector<16xf32>
        %eq3A_1970 = arith.constant 12 : i32
        %eq3A_1971 = vector.broadcast %eq3A_1970 : i32 to vector<16xi32>
        %eq3A_1972 = arith.cmpi eq, %iota3A, %eq3A_1971 : vector<16xi32>
        %broadcast_in_dim3A_1973 = vector.broadcast %reduce_sum3A_1969 : f32 to vector<16xf32>
        %select_n3A_1974 = arith.select %eq3A_1972, %broadcast_in_dim3A_1973, %select_n3A_1940 : vector<16xi1>, vector<16xf32>
        %mul3A_1975 = arith.constant 50 : i32
        %mul3A_1976 = arith.muli %scan3A_425, %mul3A_1975 : i32
        %add3A_1977 = arith.constant 32 : i32
        %add3A_1978 = arith.addi %mul3A_1976, %add3A_1977 : i32
        %add3A_1979 = arith.constant 13 : i32
        %add3A_1980 = arith.addi %add3A_1978, %add3A_1979 : i32
        %get3A_1981 = arith.index_cast %add3A_1980 : i32 to index
        %get3A_1982 = arith.constant 0 : index
        %get3A_1983 = tpu.vector_load %arg13[%get3A_1981, %get3A_1982] {strides = array<i32>} : memref<400x128xf32, #tpu.memory_space<vmem>>, vector<16xf32>,
        %mul3A_1984 = arith.mulf %get3A_428, %get3A_1983 : vector<16xf32>
        %get3A_1985 = arith.index_cast %add3A_1980 : i32 to index
        %get3A_1986 = arith.constant 16 : index
        %get3A_1987 = tpu.vector_load %arg13[%get3A_1985, %get3A_1986] {strides = array<i32>} : memref<400x128xf32, #tpu.memory_space<vmem>>, vector<16xf32>,
        %mul3A_1988 = arith.mulf %get3A_431, %get3A_1987 : vector<16xf32>
        %add3A_1989 = arith.addf %mul3A_1984, %mul3A_1988 : vector<16xf32>
        %get3A_1990 = arith.index_cast %add3A_1980 : i32 to index
        %get3A_1991 = arith.constant 32 : index
        %get3A_1992 = tpu.vector_load %arg13[%get3A_1990, %get3A_1991] {strides = array<i32>} : memref<400x128xf32, #tpu.memory_space<vmem>>, vector<16xf32>,
        %mul3A_1993 = arith.mulf %get3A_434, %get3A_1992 : vector<16xf32>
        %add3A_1994 = arith.addf %add3A_1989, %mul3A_1993 : vector<16xf32>
        %get3A_1995 = arith.index_cast %add3A_1980 : i32 to index
        %get3A_1996 = arith.constant 48 : index
        %get3A_1997 = tpu.vector_load %arg13[%get3A_1995, %get3A_1996] {strides = array<i32>} : memref<400x128xf32, #tpu.memory_space<vmem>>, vector<16xf32>,
        %mul3A_1998 = arith.mulf %get3A_437, %get3A_1997 : vector<16xf32>
        %add3A_1999 = arith.addf %add3A_1994, %mul3A_1998 : vector<16xf32>
        %reduce_sum3A_2000 = arith.constant true
        %reduce_sum3A_2001 = vector.broadcast %reduce_sum3A_2000 : i1 to vector<16xi1>
        %reduce_sum3A_2002 = tpu.scan <sum>, %add3A_1999 masked %reduce_sum3A_2001 : vector<16xf32>, vector<16xi1> -> vector<16xf32>
        %reduce_sum3A_2003 = vector.extract %reduce_sum3A_2002[15] : f32 from vector<16xf32>
        %eq3A_2004 = arith.constant 13 : i32
        %eq3A_2005 = vector.broadcast %eq3A_2004 : i32 to vector<16xi32>
        %eq3A_2006 = arith.cmpi eq, %iota3A, %eq3A_2005 : vector<16xi32>
        %broadcast_in_dim3A_2007 = vector.broadcast %reduce_sum3A_2003 : f32 to vector<16xf32>
        %select_n3A_2008 = arith.select %eq3A_2006, %broadcast_in_dim3A_2007, %select_n3A_1974 : vector<16xi1>, vector<16xf32>
        %mul3A_2009 = arith.constant 50 : i32
        %mul3A_2010 = arith.muli %scan3A_425, %mul3A_2009 : i32
        %add3A_2011 = arith.constant 32 : i32
        %add3A_2012 = arith.addi %mul3A_2010, %add3A_2011 : i32
        %add3A_2013 = arith.constant 14 : i32
        %add3A_2014 = arith.addi %add3A_2012, %add3A_2013 : i32
        %get3A_2015 = arith.index_cast %add3A_2014 : i32 to index
        %get3A_2016 = arith.constant 0 : index
        %get3A_2017 = tpu.vector_load %arg13[%get3A_2015, %get3A_2016] {strides = array<i32>} : memref<400x128xf32, #tpu.memory_space<vmem>>, vector<16xf32>,
        %mul3A_2018 = arith.mulf %get3A_428, %get3A_2017 : vector<16xf32>
        %get3A_2019 = arith.index_cast %add3A_2014 : i32 to index
        %get3A_2020 = arith.constant 16 : index
        %get3A_2021 = tpu.vector_load %arg13[%get3A_2019, %get3A_2020] {strides = array<i32>} : memref<400x128xf32, #tpu.memory_space<vmem>>, vector<16xf32>,
        %mul3A_2022 = arith.mulf %get3A_431, %get3A_2021 : vector<16xf32>
        %add3A_2023 = arith.addf %mul3A_2018, %mul3A_2022 : vector<16xf32>
        %get3A_2024 = arith.index_cast %add3A_2014 : i32 to index
        %get3A_2025 = arith.constant 32 : index
        %get3A_2026 = tpu.vector_load %arg13[%get3A_2024, %get3A_2025] {strides = array<i32>} : memref<400x128xf32, #tpu.memory_space<vmem>>, vector<16xf32>,
        %mul3A_2027 = arith.mulf %get3A_434, %get3A_2026 : vector<16xf32>
        %add3A_2028 = arith.addf %add3A_2023, %mul3A_2027 : vector<16xf32>
        %get3A_2029 = arith.index_cast %add3A_2014 : i32 to index
        %get3A_2030 = arith.constant 48 : index
        %get3A_2031 = tpu.vector_load %arg13[%get3A_2029, %get3A_2030] {strides = array<i32>} : memref<400x128xf32, #tpu.memory_space<vmem>>, vector<16xf32>,
        %mul3A_2032 = arith.mulf %get3A_437, %get3A_2031 : vector<16xf32>
        %add3A_2033 = arith.addf %add3A_2028, %mul3A_2032 : vector<16xf32>
        %reduce_sum3A_2034 = arith.constant true
        %reduce_sum3A_2035 = vector.broadcast %reduce_sum3A_2034 : i1 to vector<16xi1>
        %reduce_sum3A_2036 = tpu.scan <sum>, %add3A_2033 masked %reduce_sum3A_2035 : vector<16xf32>, vector<16xi1> -> vector<16xf32>
        %reduce_sum3A_2037 = vector.extract %reduce_sum3A_2036[15] : f32 from vector<16xf32>
        %eq3A_2038 = arith.constant 14 : i32
        %eq3A_2039 = vector.broadcast %eq3A_2038 : i32 to vector<16xi32>
        %eq3A_2040 = arith.cmpi eq, %iota3A, %eq3A_2039 : vector<16xi32>
        %broadcast_in_dim3A_2041 = vector.broadcast %reduce_sum3A_2037 : f32 to vector<16xf32>
        %select_n3A_2042 = arith.select %eq3A_2040, %broadcast_in_dim3A_2041, %select_n3A_2008 : vector<16xi1>, vector<16xf32>
        %mul3A_2043 = arith.constant 50 : i32
        %mul3A_2044 = arith.muli %scan3A_425, %mul3A_2043 : i32
        %add3A_2045 = arith.constant 32 : i32
        %add3A_2046 = arith.addi %mul3A_2044, %add3A_2045 : i32
        %add3A_2047 = arith.constant 15 : i32
        %add3A_2048 = arith.addi %add3A_2046, %add3A_2047 : i32
        %get3A_2049 = arith.index_cast %add3A_2048 : i32 to index
        %get3A_2050 = arith.constant 0 : index
        %get3A_2051 = tpu.vector_load %arg13[%get3A_2049, %get3A_2050] {strides = array<i32>} : memref<400x128xf32, #tpu.memory_space<vmem>>, vector<16xf32>,
        %mul3A_2052 = arith.mulf %get3A_428, %get3A_2051 : vector<16xf32>
        %get3A_2053 = arith.index_cast %add3A_2048 : i32 to index
        %get3A_2054 = arith.constant 16 : index
        %get3A_2055 = tpu.vector_load %arg13[%get3A_2053, %get3A_2054] {strides = array<i32>} : memref<400x128xf32, #tpu.memory_space<vmem>>, vector<16xf32>,
        %mul3A_2056 = arith.mulf %get3A_431, %get3A_2055 : vector<16xf32>
        %add3A_2057 = arith.addf %mul3A_2052, %mul3A_2056 : vector<16xf32>
        %get3A_2058 = arith.index_cast %add3A_2048 : i32 to index
        %get3A_2059 = arith.constant 32 : index
        %get3A_2060 = tpu.vector_load %arg13[%get3A_2058, %get3A_2059] {strides = array<i32>} : memref<400x128xf32, #tpu.memory_space<vmem>>, vector<16xf32>,
        %mul3A_2061 = arith.mulf %get3A_434, %get3A_2060 : vector<16xf32>
        %add3A_2062 = arith.addf %add3A_2057, %mul3A_2061 : vector<16xf32>
        %get3A_2063 = arith.index_cast %add3A_2048 : i32 to index
        %get3A_2064 = arith.constant 48 : index
        %get3A_2065 = tpu.vector_load %arg13[%get3A_2063, %get3A_2064] {strides = array<i32>} : memref<400x128xf32, #tpu.memory_space<vmem>>, vector<16xf32>,
        %mul3A_2066 = arith.mulf %get3A_437, %get3A_2065 : vector<16xf32>
        %add3A_2067 = arith.addf %add3A_2062, %mul3A_2066 : vector<16xf32>
        %reduce_sum3A_2068 = arith.constant true
        %reduce_sum3A_2069 = vector.broadcast %reduce_sum3A_2068 : i1 to vector<16xi1>
        %reduce_sum3A_2070 = tpu.scan <sum>, %add3A_2067 masked %reduce_sum3A_2069 : vector<16xf32>, vector<16xi1> -> vector<16xf32>
        %reduce_sum3A_2071 = vector.extract %reduce_sum3A_2070[15] : f32 from vector<16xf32>
        %eq3A_2072 = arith.constant 15 : i32
        %eq3A_2073 = vector.broadcast %eq3A_2072 : i32 to vector<16xi32>
        %eq3A_2074 = arith.cmpi eq, %iota3A, %eq3A_2073 : vector<16xi32>
        %broadcast_in_dim3A_2075 = vector.broadcast %reduce_sum3A_2071 : f32 to vector<16xf32>
        %select_n3A_2076 = arith.select %eq3A_2074, %broadcast_in_dim3A_2075, %select_n3A_2042 : vector<16xi1>, vector<16xf32>
        %swap3A_2077 = arith.index_cast %scan3A_425 : i32 to index
        %swap3A_2078 = arith.constant 32 : index
        %swap3A_2079 = tpu.vector_load %arg14[%swap3A_2077, %swap3A_2078] {strides = array<i32>} : memref<8x128xf32, #tpu.memory_space<vmem>>, vector<16xf32>,
        tpu.vector_store %arg14[%swap3A_2077, %swap3A_2078], %select_n3A_2076 {strides = array<i32>} : memref<8x128xf32, #tpu.memory_space<vmem>>, vector<16xf32>,
        %broadcast_in_dim3A_2080 = arith.constant 0.000000e+00 : f32
        %broadcast_in_dim3A_2081 = vector.broadcast %broadcast_in_dim3A_2080 : f32 to vector<16xf32>
        %mul3A_2082 = arith.constant 50 : i32
        %mul3A_2083 = arith.muli %scan3A_425, %mul3A_2082 : i32
        %add3A_2084 = arith.constant 48 : i32
        %add3A_2085 = arith.addi %mul3A_2083, %add3A_2084 : i32
        %add3A_2086 = arith.constant 0 : i32
        %add3A_2087 = arith.addi %add3A_2085, %add3A_2086 : i32
        %get3A_2088 = arith.index_cast %add3A_2087 : i32 to index
        %get3A_2089 = arith.constant 0 : index
        %get3A_2090 = tpu.vector_load %arg13[%get3A_2088, %get3A_2089] {strides = array<i32>} : memref<400x128xf32, #tpu.memory_space<vmem>>, vector<16xf32>,
        %mul3A_2091 = arith.mulf %get3A_428, %get3A_2090 : vector<16xf32>
        %get3A_2092 = arith.index_cast %add3A_2087 : i32 to index
        %get3A_2093 = arith.constant 16 : index
        %get3A_2094 = tpu.vector_load %arg13[%get3A_2092, %get3A_2093] {strides = array<i32>} : memref<400x128xf32, #tpu.memory_space<vmem>>, vector<16xf32>,
        %mul3A_2095 = arith.mulf %get3A_431, %get3A_2094 : vector<16xf32>
        %add3A_2096 = arith.addf %mul3A_2091, %mul3A_2095 : vector<16xf32>
        %get3A_2097 = arith.index_cast %add3A_2087 : i32 to index
        %get3A_2098 = arith.constant 32 : index
        %get3A_2099 = tpu.vector_load %arg13[%get3A_2097, %get3A_2098] {strides = array<i32>} : memref<400x128xf32, #tpu.memory_space<vmem>>, vector<16xf32>,
        %mul3A_2100 = arith.mulf %get3A_434, %get3A_2099 : vector<16xf32>
        %add3A_2101 = arith.addf %add3A_2096, %mul3A_2100 : vector<16xf32>
        %get3A_2102 = arith.index_cast %add3A_2087 : i32 to index
        %get3A_2103 = arith.constant 48 : index
        %get3A_2104 = tpu.vector_load %arg13[%get3A_2102, %get3A_2103] {strides = array<i32>} : memref<400x128xf32, #tpu.memory_space<vmem>>, vector<16xf32>,
        %mul3A_2105 = arith.mulf %get3A_437, %get3A_2104 : vector<16xf32>
        %add3A_2106 = arith.addf %add3A_2101, %mul3A_2105 : vector<16xf32>
        %reduce_sum3A_2107 = arith.constant true
        %reduce_sum3A_2108 = vector.broadcast %reduce_sum3A_2107 : i1 to vector<16xi1>
        %reduce_sum3A_2109 = tpu.scan <sum>, %add3A_2106 masked %reduce_sum3A_2108 : vector<16xf32>, vector<16xi1> -> vector<16xf32>
        %reduce_sum3A_2110 = vector.extract %reduce_sum3A_2109[15] : f32 from vector<16xf32>
        %eq3A_2111 = arith.constant 0 : i32
        %eq3A_2112 = vector.broadcast %eq3A_2111 : i32 to vector<16xi32>
        %eq3A_2113 = arith.cmpi eq, %iota3A, %eq3A_2112 : vector<16xi32>
        %broadcast_in_dim3A_2114 = vector.broadcast %reduce_sum3A_2110 : f32 to vector<16xf32>
        %select_n3A_2115 = arith.select %eq3A_2113, %broadcast_in_dim3A_2114, %broadcast_in_dim3A_2081 : vector<16xi1>, vector<16xf32>
        %mul3A_2116 = arith.constant 50 : i32
        %mul3A_2117 = arith.muli %scan3A_425, %mul3A_2116 : i32
        %add3A_2118 = arith.constant 48 : i32
        %add3A_2119 = arith.addi %mul3A_2117, %add3A_2118 : i32
        %add3A_2120 = arith.constant 1 : i32
        %add3A_2121 = arith.addi %add3A_2119, %add3A_2120 : i32
        %get3A_2122 = arith.index_cast %add3A_2121 : i32 to index
        %get3A_2123 = arith.constant 0 : index
        %get3A_2124 = tpu.vector_load %arg13[%get3A_2122, %get3A_2123] {strides = array<i32>} : memref<400x128xf32, #tpu.memory_space<vmem>>, vector<16xf32>,
        %mul3A_2125 = arith.mulf %get3A_428, %get3A_2124 : vector<16xf32>
        %get3A_2126 = arith.index_cast %add3A_2121 : i32 to index
        %get3A_2127 = arith.constant 16 : index
        %get3A_2128 = tpu.vector_load %arg13[%get3A_2126, %get3A_2127] {strides = array<i32>} : memref<400x128xf32, #tpu.memory_space<vmem>>, vector<16xf32>,
        %mul3A_2129 = arith.mulf %get3A_431, %get3A_2128 : vector<16xf32>
        %add3A_2130 = arith.addf %mul3A_2125, %mul3A_2129 : vector<16xf32>
        %get3A_2131 = arith.index_cast %add3A_2121 : i32 to index
        %get3A_2132 = arith.constant 32 : index
        %get3A_2133 = tpu.vector_load %arg13[%get3A_2131, %get3A_2132] {strides = array<i32>} : memref<400x128xf32, #tpu.memory_space<vmem>>, vector<16xf32>,
        %mul3A_2134 = arith.mulf %get3A_434, %get3A_2133 : vector<16xf32>
        %add3A_2135 = arith.addf %add3A_2130, %mul3A_2134 : vector<16xf32>
        %get3A_2136 = arith.index_cast %add3A_2121 : i32 to index
        %get3A_2137 = arith.constant 48 : index
        %get3A_2138 = tpu.vector_load %arg13[%get3A_2136, %get3A_2137] {strides = array<i32>} : memref<400x128xf32, #tpu.memory_space<vmem>>, vector<16xf32>,
        %mul3A_2139 = arith.mulf %get3A_437, %get3A_2138 : vector<16xf32>
        %add3A_2140 = arith.addf %add3A_2135, %mul3A_2139 : vector<16xf32>
        %reduce_sum3A_2141 = arith.constant true
        %reduce_sum3A_2142 = vector.broadcast %reduce_sum3A_2141 : i1 to vector<16xi1>
        %reduce_sum3A_2143 = tpu.scan <sum>, %add3A_2140 masked %reduce_sum3A_2142 : vector<16xf32>, vector<16xi1> -> vector<16xf32>
        %reduce_sum3A_2144 = vector.extract %reduce_sum3A_2143[15] : f32 from vector<16xf32>
        %eq3A_2145 = arith.constant 1 : i32
        %eq3A_2146 = vector.broadcast %eq3A_2145 : i32 to vector<16xi32>
        %eq3A_2147 = arith.cmpi eq, %iota3A, %eq3A_2146 : vector<16xi32>
        %broadcast_in_dim3A_2148 = vector.broadcast %reduce_sum3A_2144 : f32 to vector<16xf32>
        %select_n3A_2149 = arith.select %eq3A_2147, %broadcast_in_dim3A_2148, %select_n3A_2115 : vector<16xi1>, vector<16xf32>
        %swap3A_2150 = arith.index_cast %scan3A_425 : i32 to index
        %swap3A_2151 = arith.constant 48 : index
        %swap3A_2152 = tpu.vector_load %arg14[%swap3A_2150, %swap3A_2151] {strides = array<i32>} : memref<8x128xf32, #tpu.memory_space<vmem>>, vector<16xf32>,
        tpu.vector_store %arg14[%swap3A_2150, %swap3A_2151], %select_n3A_2149 {strides = array<i32>} : memref<8x128xf32, #tpu.memory_space<vmem>>, vector<16xf32>,
        %scan3A_2153 = arith.constant 0 : i32
        scf.yield %scan3A_2153 : i32
      }
      %scan3A_368 = arith.constant 8 : i32
      "tpu.region"() ({
        %run_scoped3A = tpu.sem_alloc : memref<!tpu.dma_semaphore, #tpu.memory_space<semaphore_mem>>
        %dma_start3A_425 = arith.constant 0 : i32
        %dma_start3A_426 = tpu.memref_slice %arg6[%add3A_361, %dma_start3A_425] : memref<16384x128xf32, #tpu.memory_space<hbm>> -> memref<8x128xf32, #tpu.memory_space<hbm>>
        %dma_start3A_427 = arith.constant 0 : i32
        %dma_start3A_428 = tpu.memref_slice %arg6[%add3A_361, %dma_start3A_427] : memref<16384x128xf32, #tpu.memory_space<hbm>> -> memref<8x128xf32, #tpu.memory_space<hbm>>
        tpu.enqueue_dma source(%arg14 : memref<8x128xf32, #tpu.memory_space<vmem>>) target(%dma_start3A_428 : memref<8x128xf32, #tpu.memory_space<hbm>>) target_semaphore(%run_scoped3A : memref<!tpu.dma_semaphore, #tpu.memory_space<semaphore_mem>>)
        %dma_wait3A_429 = arith.constant 0 : i32
        %dma_wait3A_430 = tpu.memref_slice %arg6[%add3A_361, %dma_wait3A_429] : memref<16384x128xf32, #tpu.memory_space<hbm>> -> memref<8x128xf32, #tpu.memory_space<hbm>>
        %dma_wait3A_431 = arith.constant 0 : i32
        %dma_wait3A_432 = tpu.memref_slice %arg6[%add3A_361, %dma_wait3A_431] : memref<16384x128xf32, #tpu.memory_space<hbm>> -> memref<8x128xf32, #tpu.memory_space<hbm>>
        tpu.wait_dma2 semaphore(%run_scoped3A : memref<!tpu.dma_semaphore, #tpu.memory_space<semaphore_mem>>) src(%arg14 : memref<8x128xf32, #tpu.memory_space<vmem>>) dst(%dma_wait3A_432 : memref<8x128xf32, #tpu.memory_space<hbm>>)
        tpu.yield
      }) : () -> ()
      %add3A_369 = arith.constant 2 : i32
      %add3A_370 = arith.addi %add3A_313, %add3A_369 : i32
      %min3A_371 = arith.constant 63 : i32
      %min3A_372 = arith.minsi %add3A_370, %min3A_371 : i32
      %mul3A_373 = arith.constant 8 : i32
      %mul3A_374 = arith.muli %min3A_372, %mul3A_373 : i32
      %add3A_375 = arith.addi %mul3A_2, %mul3A_374 : i32
      %mul3A_376 = arith.constant 50 : i32
      %mul3A_377 = arith.muli %add3A_375, %mul3A_376 : i32
      "tpu.region"() ({
        %run_scoped3A = tpu.sem_alloc : memref<!tpu.dma_semaphore, #tpu.memory_space<semaphore_mem>>
        %dma_start3A_425 = tpu.memref_slice %arg3[%mul3A_377] : memref<819200xi32, #tpu.memory_space<hbm>> -> memref<400xi32, #tpu.memory_space<hbm>>
        %dma_start3A_426 = tpu.memref_slice %arg3[%mul3A_377] : memref<819200xi32, #tpu.memory_space<hbm>> -> memref<400xi32, #tpu.memory_space<hbm>>
        tpu.enqueue_dma source(%dma_start3A_426 : memref<400xi32, #tpu.memory_space<hbm>>) target(%arg9 : memref<400xi32, #tpu.memory_space<vmem>>) target_semaphore(%run_scoped3A : memref<!tpu.dma_semaphore, #tpu.memory_space<semaphore_mem>>)
        %dma_wait3A_427 = tpu.memref_slice %arg3[%mul3A_377] : memref<819200xi32, #tpu.memory_space<hbm>> -> memref<400xi32, #tpu.memory_space<hbm>>
        %dma_wait3A_428 = tpu.memref_slice %arg3[%mul3A_377] : memref<819200xi32, #tpu.memory_space<hbm>> -> memref<400xi32, #tpu.memory_space<hbm>>
        tpu.wait_dma2 semaphore(%run_scoped3A : memref<!tpu.dma_semaphore, #tpu.memory_space<semaphore_mem>>) src(%dma_wait3A_428 : memref<400xi32, #tpu.memory_space<hbm>>) dst(%arg9 : memref<400xi32, #tpu.memory_space<vmem>>)
        tpu.yield
      }) : () -> ()
      %mul3A_378 = arith.constant 8 : i32
      %mul3A_379 = arith.muli %min3A_372, %mul3A_378 : i32
      %dma_start3A_380 = tpu.memref_slice %arg7[%mul3A_379] : memref<512xi32, #tpu.memory_space<vmem>> -> memref<8xi32, #tpu.memory_space<vmem>>
      %dma_start3A_381 = arith.constant 0 : i32
      %dma_start3A_382 = arith.constant 0 : i32
      %dma_start3A_383 = tpu.memref_slice %arg4[%dma_start3A_381, %dma_start3A_382] : memref<1000000x128xf32, #tpu.memory_space<hbm>> -> memref<1000000x128xf32, #tpu.memory_space<hbm>>
      tpu.enqueue_indirect_dma source(%dma_start3A_383 : memref<1000000x128xf32, #tpu.memory_space<hbm>>) target(%arg11 : memref<8x128xf32, #tpu.memory_space<vmem>>) offsets(%dma_start3A_380 : memref<8xi32, #tpu.memory_space<vmem>>) semaphore(%arg16 : memref<!tpu.dma_semaphore, #tpu.memory_space<semaphore_mem>>)
      %dma_start3A_384 = arith.constant 0 : i32
      %dma_start3A_385 = arith.constant 0 : i32
      %dma_start3A_386 = tpu.memref_slice %arg13[%dma_start3A_384, %dma_start3A_385] : memref<400x128xf32, #tpu.memory_space<vmem>> -> memref<80x128xf32, #tpu.memory_space<vmem>>
      %dma_start3A_387 = arith.constant 0 : i32
      %dma_start3A_388 = tpu.memref_slice %arg9[%dma_start3A_387] : memref<400xi32, #tpu.memory_space<vmem>> -> memref<80xi32, #tpu.memory_space<vmem>>
      %dma_start3A_389 = arith.constant 0 : i32
      %dma_start3A_390 = arith.constant 0 : i32
      %dma_start3A_391 = tpu.memref_slice %arg5[%dma_start3A_389, %dma_start3A_390] : memref<1000000x128xf32, #tpu.memory_space<hbm>> -> memref<1000000x128xf32, #tpu.memory_space<hbm>>
      tpu.enqueue_indirect_dma source(%dma_start3A_391 : memref<1000000x128xf32, #tpu.memory_space<hbm>>) target(%dma_start3A_386 : memref<80x128xf32, #tpu.memory_space<vmem>>) offsets(%dma_start3A_388 : memref<80xi32, #tpu.memory_space<vmem>>) semaphore(%arg16 : memref<!tpu.dma_semaphore, #tpu.memory_space<semaphore_mem>>)
      %dma_start3A_392 = arith.constant 80 : i32
      %dma_start3A_393 = arith.constant 0 : i32
      %dma_start3A_394 = tpu.memref_slice %arg13[%dma_start3A_392, %dma_start3A_393] : memref<400x128xf32, #tpu.memory_space<vmem>> -> memref<80x128xf32, #tpu.memory_space<vmem>>
      %dma_start3A_395 = arith.constant 80 : i32
      %dma_start3A_396 = tpu.memref_slice %arg9[%dma_start3A_395] : memref<400xi32, #tpu.memory_space<vmem>> -> memref<80xi32, #tpu.memory_space<vmem>>
      %dma_start3A_397 = arith.constant 0 : i32
      %dma_start3A_398 = arith.constant 0 : i32
      %dma_start3A_399 = tpu.memref_slice %arg5[%dma_start3A_397, %dma_start3A_398] : memref<1000000x128xf32, #tpu.memory_space<hbm>> -> memref<1000000x128xf32, #tpu.memory_space<hbm>>
      tpu.enqueue_indirect_dma source(%dma_start3A_399 : memref<1000000x128xf32, #tpu.memory_space<hbm>>) target(%dma_start3A_394 : memref<80x128xf32, #tpu.memory_space<vmem>>) offsets(%dma_start3A_396 : memref<80xi32, #tpu.memory_space<vmem>>) semaphore(%arg16 : memref<!tpu.dma_semaphore, #tpu.memory_space<semaphore_mem>>)
      %dma_start3A_400 = arith.constant 160 : i32
      %dma_start3A_401 = arith.constant 0 : i32
      %dma_start3A_402 = tpu.memref_slice %arg13[%dma_start3A_400, %dma_start3A_401] : memref<400x128xf32, #tpu.memory_space<vmem>> -> memref<80x128xf32, #tpu.memory_space<vmem>>
      %dma_start3A_403 = arith.constant 160 : i32
      %dma_start3A_404 = tpu.memref_slice %arg9[%dma_start3A_403] : memref<400xi32, #tpu.memory_space<vmem>> -> memref<80xi32, #tpu.memory_space<vmem>>
      %dma_start3A_405 = arith.constant 0 : i32
      %dma_start3A_406 = arith.constant 0 : i32
      %dma_start3A_407 = tpu.memref_slice %arg5[%dma_start3A_405, %dma_start3A_406] : memref<1000000x128xf32, #tpu.memory_space<hbm>> -> memref<1000000x128xf32, #tpu.memory_space<hbm>>
      tpu.enqueue_indirect_dma source(%dma_start3A_407 : memref<1000000x128xf32, #tpu.memory_space<hbm>>) target(%dma_start3A_402 : memref<80x128xf32, #tpu.memory_space<vmem>>) offsets(%dma_start3A_404 : memref<80xi32, #tpu.memory_space<vmem>>) semaphore(%arg16 : memref<!tpu.dma_semaphore, #tpu.memory_space<semaphore_mem>>)
      %dma_start3A_408 = arith.constant 240 : i32
      %dma_start3A_409 = arith.constant 0 : i32
      %dma_start3A_410 = tpu.memref_slice %arg13[%dma_start3A_408, %dma_start3A_409] : memref<400x128xf32, #tpu.memory_space<vmem>> -> memref<80x128xf32, #tpu.memory_space<vmem>>
      %dma_start3A_411 = arith.constant 240 : i32
      %dma_start3A_412 = tpu.memref_slice %arg9[%dma_start3A_411] : memref<400xi32, #tpu.memory_space<vmem>> -> memref<80xi32, #tpu.memory_space<vmem>>
      %dma_start3A_413 = arith.constant 0 : i32
      %dma_start3A_414 = arith.constant 0 : i32
      %dma_start3A_415 = tpu.memref_slice %arg5[%dma_start3A_413, %dma_start3A_414] : memref<1000000x128xf32, #tpu.memory_space<hbm>> -> memref<1000000x128xf32, #tpu.memory_space<hbm>>
      tpu.enqueue_indirect_dma source(%dma_start3A_415 : memref<1000000x128xf32, #tpu.memory_space<hbm>>) target(%dma_start3A_410 : memref<80x128xf32, #tpu.memory_space<vmem>>) offsets(%dma_start3A_412 : memref<80xi32, #tpu.memory_space<vmem>>) semaphore(%arg16 : memref<!tpu.dma_semaphore, #tpu.memory_space<semaphore_mem>>)
      %dma_start3A_416 = arith.constant 320 : i32
      %dma_start3A_417 = arith.constant 0 : i32
      %dma_start3A_418 = tpu.memref_slice %arg13[%dma_start3A_416, %dma_start3A_417] : memref<400x128xf32, #tpu.memory_space<vmem>> -> memref<80x128xf32, #tpu.memory_space<vmem>>
      %dma_start3A_419 = arith.constant 320 : i32
      %dma_start3A_420 = tpu.memref_slice %arg9[%dma_start3A_419] : memref<400xi32, #tpu.memory_space<vmem>> -> memref<80xi32, #tpu.memory_space<vmem>>
      %dma_start3A_421 = arith.constant 0 : i32
      %dma_start3A_422 = arith.constant 0 : i32
      %dma_start3A_423 = tpu.memref_slice %arg5[%dma_start3A_421, %dma_start3A_422] : memref<1000000x128xf32, #tpu.memory_space<hbm>> -> memref<1000000x128xf32, #tpu.memory_space<hbm>>
      tpu.enqueue_indirect_dma source(%dma_start3A_423 : memref<1000000x128xf32, #tpu.memory_space<hbm>>) target(%dma_start3A_418 : memref<80x128xf32, #tpu.memory_space<vmem>>) offsets(%dma_start3A_420 : memref<80xi32, #tpu.memory_space<vmem>>) semaphore(%arg16 : memref<!tpu.dma_semaphore, #tpu.memory_space<semaphore_mem>>)
      %scan3A_424 = arith.constant 0 : i32
      scf.yield %scan3A_424 : i32
    }
    %scan3A_105 = arith.constant 32 : i32
    %dma_wait3A = arith.constant 0 : i32
    %dma_wait3A_106 = tpu.memref_slice %arg7[%dma_wait3A] : memref<512xi32, #tpu.memory_space<vmem>> -> memref<8xi32, #tpu.memory_space<vmem>>
    %dma_wait3A_107 = arith.constant 0 : i32
    %dma_wait3A_108 = arith.constant 0 : i32
    %dma_wait3A_109 = tpu.memref_slice %arg4[%dma_wait3A_107, %dma_wait3A_108] : memref<1000000x128xf32, #tpu.memory_space<hbm>> -> memref<1000000x128xf32, #tpu.memory_space<hbm>>
    tpu.wait_indirect_dma semaphore(%arg15 : memref<!tpu.dma_semaphore, #tpu.memory_space<semaphore_mem>>) src(%dma_wait3A_109 : memref<1000000x128xf32, #tpu.memory_space<hbm>>) dst(%arg10 : memref<8x128xf32, #tpu.memory_space<vmem>>)
    %dma_wait3A_110 = arith.constant 0 : i32
    %dma_wait3A_111 = arith.constant 0 : i32
    %dma_wait3A_112 = tpu.memref_slice %arg12[%dma_wait3A_110, %dma_wait3A_111] : memref<400x128xf32, #tpu.memory_space<vmem>> -> memref<80x128xf32, #tpu.memory_space<vmem>>
    %dma_wait3A_113 = arith.constant 0 : i32
    %dma_wait3A_114 = tpu.memref_slice %arg8[%dma_wait3A_113] : memref<400xi32, #tpu.memory_space<vmem>> -> memref<80xi32, #tpu.memory_space<vmem>>
    %dma_wait3A_115 = arith.constant 0 : i32
    %dma_wait3A_116 = arith.constant 0 : i32
    %dma_wait3A_117 = tpu.memref_slice %arg5[%dma_wait3A_115, %dma_wait3A_116] : memref<1000000x128xf32, #tpu.memory_space<hbm>> -> memref<1000000x128xf32, #tpu.memory_space<hbm>>
    tpu.wait_indirect_dma semaphore(%arg15 : memref<!tpu.dma_semaphore, #tpu.memory_space<semaphore_mem>>) src(%dma_wait3A_117 : memref<1000000x128xf32, #tpu.memory_space<hbm>>) dst(%dma_wait3A_112 : memref<80x128xf32, #tpu.memory_space<vmem>>)
    %dma_wait3A_118 = arith.constant 80 : i32
    %dma_wait3A_119 = arith.constant 0 : i32
    %dma_wait3A_120 = tpu.memref_slice %arg12[%dma_wait3A_118, %dma_wait3A_119] : memref<400x128xf32, #tpu.memory_space<vmem>> -> memref<80x128xf32, #tpu.memory_space<vmem>>
    %dma_wait3A_121 = arith.constant 80 : i32
    %dma_wait3A_122 = tpu.memref_slice %arg8[%dma_wait3A_121] : memref<400xi32, #tpu.memory_space<vmem>> -> memref<80xi32, #tpu.memory_space<vmem>>
    %dma_wait3A_123 = arith.constant 0 : i32
    %dma_wait3A_124 = arith.constant 0 : i32
    %dma_wait3A_125 = tpu.memref_slice %arg5[%dma_wait3A_123, %dma_wait3A_124] : memref<1000000x128xf32, #tpu.memory_space<hbm>> -> memref<1000000x128xf32, #tpu.memory_space<hbm>>
    tpu.wait_indirect_dma semaphore(%arg15 : memref<!tpu.dma_semaphore, #tpu.memory_space<semaphore_mem>>) src(%dma_wait3A_125 : memref<1000000x128xf32, #tpu.memory_space<hbm>>) dst(%dma_wait3A_120 : memref<80x128xf32, #tpu.memory_space<vmem>>)
    %dma_wait3A_126 = arith.constant 160 : i32
    %dma_wait3A_127 = arith.constant 0 : i32
    %dma_wait3A_128 = tpu.memref_slice %arg12[%dma_wait3A_126, %dma_wait3A_127] : memref<400x128xf32, #tpu.memory_space<vmem>> -> memref<80x128xf32, #tpu.memory_space<vmem>>
    %dma_wait3A_129 = arith.constant 160 : i32
    %dma_wait3A_130 = tpu.memref_slice %arg8[%dma_wait3A_129] : memref<400xi32, #tpu.memory_space<vmem>> -> memref<80xi32, #tpu.memory_space<vmem>>
    %dma_wait3A_131 = arith.constant 0 : i32
    %dma_wait3A_132 = arith.constant 0 : i32
    %dma_wait3A_133 = tpu.memref_slice %arg5[%dma_wait3A_131, %dma_wait3A_132] : memref<1000000x128xf32, #tpu.memory_space<hbm>> -> memref<1000000x128xf32, #tpu.memory_space<hbm>>
    tpu.wait_indirect_dma semaphore(%arg15 : memref<!tpu.dma_semaphore, #tpu.memory_space<semaphore_mem>>) src(%dma_wait3A_133 : memref<1000000x128xf32, #tpu.memory_space<hbm>>) dst(%dma_wait3A_128 : memref<80x128xf32, #tpu.memory_space<vmem>>)
    %dma_wait3A_134 = arith.constant 240 : i32
    %dma_wait3A_135 = arith.constant 0 : i32
    %dma_wait3A_136 = tpu.memref_slice %arg12[%dma_wait3A_134, %dma_wait3A_135] : memref<400x128xf32, #tpu.memory_space<vmem>> -> memref<80x128xf32, #tpu.memory_space<vmem>>
    %dma_wait3A_137 = arith.constant 240 : i32
    %dma_wait3A_138 = tpu.memref_slice %arg8[%dma_wait3A_137] : memref<400xi32, #tpu.memory_space<vmem>> -> memref<80xi32, #tpu.memory_space<vmem>>
    %dma_wait3A_139 = arith.constant 0 : i32
    %dma_wait3A_140 = arith.constant 0 : i32
    %dma_wait3A_141 = tpu.memref_slice %arg5[%dma_wait3A_139, %dma_wait3A_140] : memref<1000000x128xf32, #tpu.memory_space<hbm>> -> memref<1000000x128xf32, #tpu.memory_space<hbm>>
    tpu.wait_indirect_dma semaphore(%arg15 : memref<!tpu.dma_semaphore, #tpu.memory_space<semaphore_mem>>) src(%dma_wait3A_141 : memref<1000000x128xf32, #tpu.memory_space<hbm>>) dst(%dma_wait3A_136 : memref<80x128xf32, #tpu.memory_space<vmem>>)
    %dma_wait3A_142 = arith.constant 320 : i32
    %dma_wait3A_143 = arith.constant 0 : i32
    %dma_wait3A_144 = tpu.memref_slice %arg12[%dma_wait3A_142, %dma_wait3A_143] : memref<400x128xf32, #tpu.memory_space<vmem>> -> memref<80x128xf32, #tpu.memory_space<vmem>>
    %dma_wait3A_145 = arith.constant 320 : i32
    %dma_wait3A_146 = tpu.memref_slice %arg8[%dma_wait3A_145] : memref<400xi32, #tpu.memory_space<vmem>> -> memref<80xi32, #tpu.memory_space<vmem>>
    %dma_wait3A_147 = arith.constant 0 : i32
    %dma_wait3A_148 = arith.constant 0 : i32
    %dma_wait3A_149 = tpu.memref_slice %arg5[%dma_wait3A_147, %dma_wait3A_148] : memref<1000000x128xf32, #tpu.memory_space<hbm>> -> memref<1000000x128xf32, #tpu.memory_space<hbm>>
    tpu.wait_indirect_dma semaphore(%arg15 : memref<!tpu.dma_semaphore, #tpu.memory_space<semaphore_mem>>) src(%dma_wait3A_149 : memref<1000000x128xf32, #tpu.memory_space<hbm>>) dst(%dma_wait3A_144 : memref<80x128xf32, #tpu.memory_space<vmem>>)
    %dma_wait3A_150 = arith.constant 0 : i32
    %dma_wait3A_151 = tpu.memref_slice %arg7[%dma_wait3A_150] : memref<512xi32, #tpu.memory_space<vmem>> -> memref<8xi32, #tpu.memory_space<vmem>>
    %dma_wait3A_152 = arith.constant 0 : i32
    %dma_wait3A_153 = arith.constant 0 : i32
    %dma_wait3A_154 = tpu.memref_slice %arg4[%dma_wait3A_152, %dma_wait3A_153] : memref<1000000x128xf32, #tpu.memory_space<hbm>> -> memref<1000000x128xf32, #tpu.memory_space<hbm>>
    tpu.wait_indirect_dma semaphore(%arg16 : memref<!tpu.dma_semaphore, #tpu.memory_space<semaphore_mem>>) src(%dma_wait3A_154 : memref<1000000x128xf32, #tpu.memory_space<hbm>>) dst(%arg11 : memref<8x128xf32, #tpu.memory_space<vmem>>)
    %dma_wait3A_155 = arith.constant 0 : i32
    %dma_wait3A_156 = arith.constant 0 : i32
    %dma_wait3A_157 = tpu.memref_slice %arg13[%dma_wait3A_155, %dma_wait3A_156] : memref<400x128xf32, #tpu.memory_space<vmem>> -> memref<80x128xf32, #tpu.memory_space<vmem>>
    %dma_wait3A_158 = arith.constant 0 : i32
    %dma_wait3A_159 = tpu.memref_slice %arg9[%dma_wait3A_158] : memref<400xi32, #tpu.memory_space<vmem>> -> memref<80xi32, #tpu.memory_space<vmem>>
    %dma_wait3A_160 = arith.constant 0 : i32
    %dma_wait3A_161 = arith.constant 0 : i32
    %dma_wait3A_162 = tpu.memref_slice %arg5[%dma_wait3A_160, %dma_wait3A_161] : memref<1000000x128xf32, #tpu.memory_space<hbm>> -> memref<1000000x128xf32, #tpu.memory_space<hbm>>
    tpu.wait_indirect_dma semaphore(%arg16 : memref<!tpu.dma_semaphore, #tpu.memory_space<semaphore_mem>>) src(%dma_wait3A_162 : memref<1000000x128xf32, #tpu.memory_space<hbm>>) dst(%dma_wait3A_157 : memref<80x128xf32, #tpu.memory_space<vmem>>)
    %dma_wait3A_163 = arith.constant 80 : i32
    %dma_wait3A_164 = arith.constant 0 : i32
    %dma_wait3A_165 = tpu.memref_slice %arg13[%dma_wait3A_163, %dma_wait3A_164] : memref<400x128xf32, #tpu.memory_space<vmem>> -> memref<80x128xf32, #tpu.memory_space<vmem>>
    %dma_wait3A_166 = arith.constant 80 : i32
    %dma_wait3A_167 = tpu.memref_slice %arg9[%dma_wait3A_166] : memref<400xi32, #tpu.memory_space<vmem>> -> memref<80xi32, #tpu.memory_space<vmem>>
    %dma_wait3A_168 = arith.constant 0 : i32
    %dma_wait3A_169 = arith.constant 0 : i32
    %dma_wait3A_170 = tpu.memref_slice %arg5[%dma_wait3A_168, %dma_wait3A_169] : memref<1000000x128xf32, #tpu.memory_space<hbm>> -> memref<1000000x128xf32, #tpu.memory_space<hbm>>
    tpu.wait_indirect_dma semaphore(%arg16 : memref<!tpu.dma_semaphore, #tpu.memory_space<semaphore_mem>>) src(%dma_wait3A_170 : memref<1000000x128xf32, #tpu.memory_space<hbm>>) dst(%dma_wait3A_165 : memref<80x128xf32, #tpu.memory_space<vmem>>)
    %dma_wait3A_171 = arith.constant 160 : i32
    %dma_wait3A_172 = arith.constant 0 : i32
    %dma_wait3A_173 = tpu.memref_slice %arg13[%dma_wait3A_171, %dma_wait3A_172] : memref<400x128xf32, #tpu.memory_space<vmem>> -> memref<80x128xf32, #tpu.memory_space<vmem>>
    %dma_wait3A_174 = arith.constant 160 : i32
    %dma_wait3A_175 = tpu.memref_slice %arg9[%dma_wait3A_174] : memref<400xi32, #tpu.memory_space<vmem>> -> memref<80xi32, #tpu.memory_space<vmem>>
    %dma_wait3A_176 = arith.constant 0 : i32
    %dma_wait3A_177 = arith.constant 0 : i32
    %dma_wait3A_178 = tpu.memref_slice %arg5[%dma_wait3A_176, %dma_wait3A_177] : memref<1000000x128xf32, #tpu.memory_space<hbm>> -> memref<1000000x128xf32, #tpu.memory_space<hbm>>
    tpu.wait_indirect_dma semaphore(%arg16 : memref<!tpu.dma_semaphore, #tpu.memory_space<semaphore_mem>>) src(%dma_wait3A_178 : memref<1000000x128xf32, #tpu.memory_space<hbm>>) dst(%dma_wait3A_173 : memref<80x128xf32, #tpu.memory_space<vmem>>)
    %dma_wait3A_179 = arith.constant 240 : i32
    %dma_wait3A_180 = arith.constant 0 : i32
    %dma_wait3A_181 = tpu.memref_slice %arg13[%dma_wait3A_179, %dma_wait3A_180] : memref<400x128xf32, #tpu.memory_space<vmem>> -> memref<80x128xf32, #tpu.memory_space<vmem>>
    %dma_wait3A_182 = arith.constant 240 : i32
    %dma_wait3A_183 = tpu.memref_slice %arg9[%dma_wait3A_182] : memref<400xi32, #tpu.memory_space<vmem>> -> memref<80xi32, #tpu.memory_space<vmem>>
    %dma_wait3A_184 = arith.constant 0 : i32
    %dma_wait3A_185 = arith.constant 0 : i32
    %dma_wait3A_186 = tpu.memref_slice %arg5[%dma_wait3A_184, %dma_wait3A_185] : memref<1000000x128xf32, #tpu.memory_space<hbm>> -> memref<1000000x128xf32, #tpu.memory_space<hbm>>
    tpu.wait_indirect_dma semaphore(%arg16 : memref<!tpu.dma_semaphore, #tpu.memory_space<semaphore_mem>>) src(%dma_wait3A_186 : memref<1000000x128xf32, #tpu.memory_space<hbm>>) dst(%dma_wait3A_181 : memref<80x128xf32, #tpu.memory_space<vmem>>)
    %dma_wait3A_187 = arith.constant 320 : i32
    %dma_wait3A_188 = arith.constant 0 : i32
    %dma_wait3A_189 = tpu.memref_slice %arg13[%dma_wait3A_187, %dma_wait3A_188] : memref<400x128xf32, #tpu.memory_space<vmem>> -> memref<80x128xf32, #tpu.memory_space<vmem>>
    %dma_wait3A_190 = arith.constant 320 : i32
    %dma_wait3A_191 = tpu.memref_slice %arg9[%dma_wait3A_190] : memref<400xi32, #tpu.memory_space<vmem>> -> memref<80xi32, #tpu.memory_space<vmem>>
    %dma_wait3A_192 = arith.constant 0 : i32
    %dma_wait3A_193 = arith.constant 0 : i32
    %dma_wait3A_194 = tpu.memref_slice %arg5[%dma_wait3A_192, %dma_wait3A_193] : memref<1000000x128xf32, #tpu.memory_space<hbm>> -> memref<1000000x128xf32, #tpu.memory_space<hbm>>
    tpu.wait_indirect_dma semaphore(%arg16 : memref<!tpu.dma_semaphore, #tpu.memory_space<semaphore_mem>>) src(%dma_wait3A_194 : memref<1000000x128xf32, #tpu.memory_space<hbm>>) dst(%dma_wait3A_189 : memref<80x128xf32, #tpu.memory_space<vmem>>)
    return
  }
}

</mosaic_0001>

<sc_bundles>
// kernel: kernel.3.cloned.1.call-start
scs
__scs_entry_jumppad:
0x0: {  	(pc) =	sbr.rel $0x88, $3  }
0x1: {  	(tag) =	ssettag $0x0;
	lr =	simm.s32 $0x1  }
0x2: {  	[smem:$0x3F9D] =	sst lr;
	_ =	strace $0xD0000000  }
0x3: {  	_ = 	snop  }
0x4: {  	_ = 	snop  }
0x5: {  	_ = 	snop  }
0x6: {  	_ = 	snop  }
0x7: {  	_ = 	snop  }
__scs_overlays_trampoline_lowered:
0x8: {  	[smem:$0x3FAC] =	sst s0  }
0x9: {  	[smem:$0x3FAD] =	sst s1  }
0xa: {  	[smem:$0x3FAE] =	sst s2  }
0xb: {  	[smem:$0x3FAF] =	sst s3  }
0xc: {  	[smem:$0x3FB0] =	sst s4  }
0xd: {  	[smem:$0x3FB1] =	sst s5  }
0xe: {  	[smem:$0x3FB2] =	sst s6  }
0xf: {  	[smem:$0x3FB3] =	sst s7  }
0x10: {  	[smem:$0x3FB4] =	sst s8  }
0x11: {  	[smem:$0x3FB5] =	sst s9;
	s0 =	simm.s32 @!p0 $0x0  }
0x12: {  	s1 =	sld [smem:$0x3F9B];
	s0 =	simm.s32 @p0 $0x1  }
0x13: {  	[smem:$0x3FB6] =	sst s0;
	s0 =	simm.s32 @!p1 $0x0  }
0x14: {  	s2 =	sld [smem:$0x3F9A];
	s0 =	simm.s32 @p1 $0x1  }
0x15: {  	[smem:$0x3FB7] =	sst s0;
	s0 =	simm.s32 @!p2 $0x0  }
0x16: {  	s3 =	sld [smem:$0x3FDB];
	s0 =	simm.s32 @p2 $0x1  }
0x17: {  	s4 =	simm.s32 $0x1BF5;
	[smem:$0x3FB9] =	sst s0  }
0x18: {  	s0 =	sld [smem:$0x3F9C];
	_ =	swait.ge [sflag:s4], $0x0  }
0x19: {  	s7 =	sld [smem:$0x3F9D]  }
0x1a: {  	s8 =	sadd.s32 $0xFFFFE003, lr  }
0x1b: {  	s9 =	sadd.s32 $0xFFFFFEF7, lr;
	s5 =	simm.s32 $0xFFFFFFFF;
	p2 =	slt.u32 s8, $0xFFFFF086  }
0x1c: {  	p1 =	slt.u32 s9, $0xF7A;
	s5 =	simm.s32 @!p2 $0x0  }
0x1d: {  	s5 =	simm.s32 @p1 $0x1;
	p0 =	seq.s32 s7, s2  }
0x1e: {  	s7 =	smul.u32 @!p0 $0xF7A, s2;
	p2 =	seq.s32 @!p0 s5, $0x0  }
0x1f: {  	s9 =	smul.u32 $0xF7A, s1;
	s8 =	simm.s32 @!p0 $0x1BF5;
	p2 =	por !p2, p0  }
0x20: {  	[sflag:s8] =	ssyncset.s32 @!p0 $0xFFFFF086;
	s6 =	sadd.s32 @!p0 s3, s7;
	s7 =	simm.s32 @!p0 $0x108  }
0x21: {  	s3 =	sadd.s32 s3, s9;
	s6 =	sadd.s32 @!p0 $0x88, s6;
	s7 =	simm.s32 @p2 $0x1082  }
0x22: {  	[simem:s7], [sflag:s8] =	dma.local @!p0 [hbm:s6], $0xF7A  }
0x23: {  	s9 =	sor.u32 $0xD0000000, s2;
	s6 =	simm.s32 $0x108;
	_ =	swait.ge @!p0 [sflag:s8], $0x0  }
0x24: {  	s3 =	sadd.s32 $0x88, s3;
	s6 =	simm.s32 @!p1 $0x1082;
	[sflag:s4] =	ssyncset.s32 $0xFFFFF086  }
0x25: {  	[simem:s6], [sflag:s4] =	dma.local [hbm:s3], $0xF7A  }
0x26: {  	[smem:$0x3F9D] =	sst s1;
	(tag) =	ssettag s2;
	_ =	strace s9  }
0x27: {  	s1 =	sld [smem:$0x3FAD]  }
0x28: {  	s2 =	sld [smem:$0x3FAE]  }
0x29: {  	s4 =	sld [smem:$0x3FB0]  }
0x2a: {  	p0 =	seq.s32 s5, $0x0;
	s5 =	sld [smem:$0x3FB1]  }
0x2b: {  	s6 =	sld [smem:$0x3FB2]  }
0x2c: {  	s7 =	sld [smem:$0x3FB3]  }
0x2d: {  	s3 =	simm.s32 $0x108;
	s8 =	sld [smem:$0x3FB4]  }
0x2e: {  	s3 =	simm.s32 @!p0 $0x1082;
	s9 =	sld [smem:$0x3FB5]  }
0x2f: {  	lr =	sadd.s32 s0, s3;
	s0 =	sld [smem:$0x3FAC]  }
0x30: {  	s3 =	sld [smem:$0x3FAF]  }
0x31: {  	[smem:$0x3FB8] =	sst s10  }
0x32: {  	s10 =	sld [smem:$0x3FB6];
	_ =	sdelay $0x3  }
0x33: {  	p0 =	seq.s32 s10, $0x1;
	s10 =	sld [smem:$0x3FB8];
	_ =	sdelay $0x3  }
0x34: {  	[smem:$0x3FB8] =	sst s10  }
0x35: {  	s10 =	sld [smem:$0x3FB7];
	_ =	sdelay $0x3  }
0x36: {  	p1 =	seq.s32 s10, $0x1;
	s10 =	sld [smem:$0x3FB8];
	_ =	sdelay $0x3  }
0x37: {  	[smem:$0x3FB8] =	sst s10  }
0x38: {  	s10 =	sld [smem:$0x3FB9]  }
0x39: {  	_ = 	snop;
	(pc) =	sbr.ind lr, $3  }
0x3a: {  	_ = 	snop  }
0x3b: {  	_ = 	snop  }
0x3c: {  	p2 =	seq.s32 s10, $0x1;
	s10 =	sld [smem:$0x3FB8]  }
0x3d: {  	_ =	shalt  }
0x3e: {  	_ =	shalt  }
0x3f: {  	_ =	shalt  }
0x40: {  	_ =	shalt  }
0x41: {  	_ =	shalt  }
0x42: {  	_ =	shalt  }
0x43: {  	_ =	shalt  }
0x44: {  	_ =	shalt  }
0x45: {  	_ =	shalt  }
0x46: {  	_ =	shalt  }
0x47: {  	_ =	shalt  }
0x48: {  	_ =	shalt  }
0x49: {  	_ =	shalt  }
0x4a: {  	_ =	shalt  }
0x4b: {  	_ =	shalt  }
0x4c: {  	_ =	shalt  }
0x4d: {  	_ =	shalt  }
0x4e: {  	_ =	shalt  }
0x4f: {  	_ =	shalt  }
0x50: {  	_ =	shalt  }
0x51: {  	_ =	shalt  }
0x52: {  	_ =	shalt  }
0x53: {  	_ =	shalt  }
0x54: {  	_ =	shalt  }
0x55: {  	_ =	shalt  }
0x56: {  	_ =	shalt  }
0x57: {  	_ =	shalt  }
0x58: {  	_ =	shalt  }
0x59: {  	_ =	shalt  }
0x5a: {  	_ =	shalt  }
0x5b: {  	_ =	shalt  }
0x5c: {  	_ =	shalt  }
0x5d: {  	_ =	shalt  }
0x5e: {  	_ =	shalt  }
0x5f: {  	_ =	shalt  }
0x60: {  	_ =	shalt  }
0x61: {  	_ =	shalt  }
0x62: {  	_ =	shalt  }
0x63: {  	_ =	shalt  }
0x64: {  	_ =	shalt  }
0x65: {  	_ =	shalt  }
0x66: {  	_ =	shalt  }
0x67: {  	_ =	shalt  }
0x68: {  	_ =	shalt  }
0x69: {  	_ =	shalt  }
0x6a: {  	_ =	shalt  }
0x6b: {  	_ =	shalt  }
0x6c: {  	_ =	shalt  }
0x6d: {  	_ =	shalt  }
0x6e: {  	_ =	shalt  }
0x6f: {  	_ =	shalt  }
0x70: {  	_ =	shalt  }
0x71: {  	_ =	shalt  }
0x72: {  	_ =	shalt  }
0x73: {  	_ =	shalt  }
0x74: {  	_ =	shalt  }
0x75: {  	_ =	shalt  }
0x76: {  	_ =	shalt  }
0x77: {  	_ =	shalt  }
0x78: {  	_ =	shalt  }
0x79: {  	_ =	shalt  }
0x7a: {  	_ =	shalt  }
0x7b: {  	_ =	shalt  }
0x7c: {  	_ =	shalt  }
0x7d: {  	_ =	shalt  }
0x7e: {  	_ =	shalt  }
0x7f: {  	_ =	shalt  }
0x80: {  	_ =	shalt  }
0x81: {  	_ =	shalt  }
0x82: {  	_ =	shalt  }
0x83: {  	_ =	shalt  }
0x84: {  	_ =	shalt  }
0x85: {  	_ =	shalt  }
0x86: {  	_ =	shalt  }
0x87: {  	_ =	shalt  }
.Lfunc_end0:
.L_simem_size_0:
called_computation_lowered:
.L_overlay_start_0:
0x88: {  	s2 =	sld [smem:$0x3FD9]  }
0x89: {  	s3 =	sld [smem:$0x3FFE];
	_ =	sdelay $0x1  }
0x8a: {  	s1 =	srdreg.scid  }
0x8b: {  	s0 =	sand.u32 $0x1, s1  }
0x8c: {  	s17 =	sshll.u32 s0, $0xA;
	s2 =	sadd.s32 s3, s2  }
0x8d: {  	s2 =	sadd.s32 s2, s17  }
0x8e: {  	[smem:$0x3FC4] =	sst s2  }
0x8f: {  	_ = 	snop  }
0x90: {  	s2 =	sld [smem:$0x3FC9]  }
0x91: {  	s18 =	sld [smem:$0x3FD0];
	(tm) =	ssettm $0x1  }
0x92: {  	s4 =	sld [smem:$0x3FFB];
	_ =	sdelay $0x3  }
0x93: {  	_ =	strace s4  }
0x94: {  	s4 =	sld [smem:$0x3FFC];
	_ =	sdelay $0x3  }
0x95: {  	_ =	strace s4  }
0x96: {  	s4 =	sld [smem:$0x3FFD];
	_ =	sdelay $0x3  }
0x97: {  	_ =	strace s4  }
0x98: {  	_ =	strace $0x8FFFFFFF  }
0x99: {  	s19 =	sld [smem:$0x3FDB];
	_ =	sdelay $0x1  }
0x9a: {  	s5 =	simm.s32 $_scs_section_size  }
0x9b: {  	s6 =	simm.s32 $_size__tile_overlayer_lowered;
	s7 =	simm.s32 $_tile_overlayer_lowered  }
0x9c: {  	s22 =	simm.s32 $0x1BFF;
	s21 =	sshll.u32 s7, $0x1;
	s4 =	sadd.s32 s5, s19  }
0x9d: {  	s8 =	simm.s32 $0x0;
	s20 =	sshll.u32 s6, $0x1;
	s6 =	sadd.s32 s21, s4  }
0x9e: {  	[timem:s8], [sflag:s22] =	dma.local [hbm:s6], s20  }
0x9f: {  	_ =	swait.ge [sflag:s22], s20  }
0xa0: {  	s5 =	ssub.s32 $0x0, s20;
	[sflag:s22] =	ssyncset.done $0x0  }
0xa1: {  	[sflag:s22] =	ssyncadd.s32 s5;
	_ =	sdelay $0x1  }
0xa2: {  	s23 =	simm.s32 $0x1B8B  }
0xa3: {  	_ =	swait.ge [sflag:s23], $0x1  }
0xa4: {  	[sflag:s23] =	ssyncset.done $0x0  }
0xa5: {  	s25 =	simm.s32 $0x1B8E;
	s24 =	sld [smem:$0x3FFE];
	[sflag:s23] =	ssyncadd.s32 $0xFFFFFFFF  }
0xa6: {  	s26 =	simm.s32 $execute0_lowered;
	[smem:$0x3FD2] =	sst s25  }
0xa7: {  	s6 =	sshll.u32 s26, $0x1;
	_ =	strace $0x80000046;
	[dreg:$0x1] =	wrdreg $0xFFFFFFFF  }
0xa8: {  	s28 =	simm.s32 $_size_execute0_lowered;
	s4 =	sadd.s32 s4, s6;
	[dreg:$0x0] =	wrdreg $0x0  }
0xa9: {  	s6 =	sshll.u32 s28, $0x1;
	[dreg:$0x2] =	wrdreg s4  }
0xaa: {  	[dreg:$0x3] =	wrdreg s6  }
0xab: {  	[dreg:$0x4] =	wrdreg $0xC0  }
0xac: {  	_ =	task [dreg:s8], $0x5FFFF  }
0xad: {  	[dreg:$0x1] =	wrdreg $0xFFFFFFFF  }
0xae: {  	[dreg:$0x0] =	wrdreg $0x60  }
0xaf: {  	[dreg:$0x2] =	wrdreg s2  }
0xb0: {  	[dreg:$0x3] =	wrdreg s18  }
0xb1: {  	[dreg:$0x4] =	wrdreg s24  }
0xb2: {  	[dreg:$0x5] =	wrdreg $0x9  }
0xb3: {  	_ =	task.clear_ibuf [dreg:s8], $0x6FFFF;
	_ =	strace $0x90000046  }
0xb4: {  	s29 =	simm.s32 $0x9;
	_ =	strace $0x80000048  }
0xb5: {  	_ =	swait.ge [sflag:s29], $0x1  }
0xb6: {  	[sflag:s29] =	ssyncadd.s32 $0xFFFFFFFF  }
0xb7: {  	_ =	strace $0x90000048  }
0xb8: {  	_ =	sfence  }
0xb9: {  	s30 =	sld [smem:$0x0];
	_ =	sdelay $0x2  }
0xba: {  	s31 =	sshll.u32 s1, $0xD;
	s1 =	sshrl.u32 s1, $0x2  }
0xbb: {  	s3 =	sand.u32 $0x4000, s31;
	s1 =	sadd.s32 s1, s30  }
0xbc: {  	s0 =	sor.u32 s3, s0;
	s1 =	sshll.u32 s1, $0x11  }
0xbd: {  	s0 =	sor.u32 s1, s0  }
0xbe: {  	s0 =	sadd.s32 $0x8F2B, s0  }
0xbf: {  	[sflag:s0] =	ssyncadd.remote.s32 $0x1  }
0xc0: {  	_ =	sfence.sel $0xFFFF  }
0xc1: {  	[dreg:$0x0] =	wrdreg $0xFFFFFFFF;
	(pc) =	sbr.abs _section_cstart, $3  }
0xc2: {  	[dreg:$0x1] =	wrdreg $0xFFFFFFFF  }
0xc3: {  	_ =	task.clear_ibuf [dreg:s8], $0x2FFFF;
	_ =	strace $0x9FFFFFFF  }
0xc4: {  	(tm) =	ssettm $0x7FFFFFFF  }
0xc5: {  	_ =	shalt  }
tec
execute0_lowered:
.L_overlay_start_1:
0x0: {  	(tag) =	ssettag $0x1  }
0x1: {  	s0 =	rddreg [dreg:$0x0]  }
0x2: {  	s1 =	rddreg [dreg:$0x1]  }
0x3: {  	s2 =	rddreg [dreg:$0x2];
	s3 =	simm.s32 $0x0;
	s5 =	srdreg.scid  }
0x4: {  	s7 =	stileid.u32;
	s13 =	simm.s32 $0x3;
	s14 =	simm.s32 $0x200  }
0x5: {  	s15 =	simm.s32 $0x8;
	s17 =	simm.s32 $0x50;
	s28 =	simm.s32 $0x400  }
0x6: {  	s29 =	simm.s32 $0xA00;
	s30 =	simm.s32 $0xD600;
	s31 =	simm.s32 $0x450  }
0x7: {  	s11 =	simm.s32 $0x14E00;
	s16 =	simm.s32 $0x17600;
	s18 =	simm.s32 $0x1  }
0x8: {  	s19 =	simm.s32 $0x19E00;
	s20 =	simm.s32 $0x2;
	s22 =	simm.s32 $0x0  }
0x9: {  	[smem:$0x7FF] =	sst s3;
	s6 =	sand.u32 $0x1, s5;
	s7 =	sshll.u32 s7, $0x1  }
0xa: {  	s4 =	sadd.s32 $0x1E84E00, s2;
	s5 =	sadd.s32 $0x600, s2;
	s7 =	sor.u32 s6, s7  }
0xb: {  	_ =	strace $0x80000047;
	s6 =	ssub.s32 $0x2, s6;
	s8 =	sshll.u32 s7, $0xD  }
0xc: {  	s9 =	sshrl.u32 s6, $0x1;
	s10 =	smul.u32 $0xC80, s7;
	s24 =	sshll.u32 s7, $0x6  }
0xd: {  	vm0 =	vmmov $0x1;
	s2 =	sadd.s32 s8, s2;
	s23 =	ssub.s32 s6, s9;
	s6 =	sshll.u32 s7, $0x9  }
0xe: {  	vm1 =	vmmov $0x3;
	vm2 =	vmmov $0x7;
	vm3 =	vmmov $0xf;
	s0 =	sadd.s32 s0, s24;
	s7 =	simm.s32 $0x12600;
	s9 =	simm.s32 $0x4F0  }
0xf: {  	vm4 =	vmmov $0x1f;
	vm5 =	vmmov $0x3f;
	vm6 =	vmmov $0x7f;
	s8 =	simm.s32 $0x540;
	[dreg:$0x4] =	wrdreg s0;
	s25 =	sadd.s32 s1, s10  }
0x10: {  	vm7 =	vmmov $0xff;
	vm8 =	vmmov $0x1ff;
	vm9 =	vmmov $0x3ff;
	s10 =	sadd.s32 $0xF42A00, s2;
	s26 =	smax.u32 s23, $0x1;
	[dreg:$0x5] =	wrdreg s25  }
0x11: {  	vm10 =	vmmov $0x7ff;
	vm11 =	vmmov $0xfff;
	vm12 =	vmmov $0x1fff;
	s12 =	sadd.s32 $0xF42A80, s2;
	s0 =	sadd.s32 $0x32, s25;
	[dreg:$0x7] =	wrdreg s26  }
0x12: {  	vm13 =	vmmov $0x3fff;
	vm14 =	vmmov $0x7fff;
	vm15 =	vcmask $0x308;
	s2 =	simm.s32 $0x4A0;
	[dreg:$0x6] =	wrdreg s0;
	s0 =	simm.s32 $0xFE00  }
.LBB2_1:
0x13: {  	[dreg:$0x8] =	wrdreg s22  }
0x14: {  	s21 =	rddreg [dreg:$0x4]  }
0x15: {  	[tilespmem:s3], [sflag:$0x3] =	stream.linear.gather [hbm4b:s21+s3], $0x200, $0x38;
	[tilespmem:$0x1A200] =	vst v63  }
0x16: {  	_ =	swait.ge [sflag:s13], $0x200  }
0x17: {  	[sflag:s13] =	ssyncset.done $0x0  }
0x18: {  	s25 =	rddreg [dreg:$0x5];
	[sflag:s13] =	ssyncadd.s32 $0xFFFFFE00  }
0x19: {  	[tilespmem:s14], [sflag:$0x3] =	stream.linear.gather [hbm4b:s25+s3], $0x190, $0x38;
	[tilespmem:$0x1A200] =	vst v63  }
0x1a: {  	_ =	swait.ge [sflag:s13], $0x190  }
0x1b: {  	[sflag:s13] =	ssyncset.done $0x0  }
0x1c: {  	s26 =	simm.s32 $0x600;
	[sflag:s13] =	ssyncadd.s32 $0xFFFFFE70  }
0x1d: {  	[tilespmem:s26], [sflag:$0x1] =	stream.indirect.gather [hbm4b:s4+s15], $0x80, s3, s15, $0xb8;
	[tilespmem:$0x1A200] =	vst v63  }
0x1e: {  	s22 =	simm.s32 $0xE00  }
0x1f: {  	[tilespmem:s22], [sflag:$0x1] =	stream.indirect.gather [hbm4b:s5+s17], $0x80, s14, s17, $0xb8;
	[tilespmem:$0x1A200] =	vst v63  }
0x20: {  	s23 =	simm.s32 $0x250;
	s24 =	simm.s32 $0x3600  }
0x21: {  	[tilespmem:s24], [sflag:$0x1] =	stream.indirect.gather [hbm4b:s5+s17], $0x80, s23, s17, $0xb8;
	[tilespmem:$0x1A200] =	vst v63  }
0x22: {  	s25 =	simm.s32 $0x2A0;
	s26 =	simm.s32 $0x5E00  }
0x23: {  	[tilespmem:s26], [sflag:$0x1] =	stream.indirect.gather [hbm4b:s5+s17], $0x80, s25, s17, $0xb8;
	[tilespmem:$0x1A200] =	vst v63  }
0x24: {  	s22 =	simm.s32 $0x2F0;
	s23 =	simm.s32 $0x8600  }
0x25: {  	[tilespmem:s23], [sflag:$0x1] =	stream.indirect.gather [hbm4b:s5+s17], $0x80, s22, s17, $0xb8;
	[tilespmem:$0x1A200] =	vst v63  }
0x26: {  	s24 =	simm.s32 $0x340;
	s25 =	simm.s32 $0xAE00  }
0x27: {  	[tilespmem:s25], [sflag:$0x1] =	stream.indirect.gather [hbm4b:s5+s17], $0x80, s24, s17, $0xb8;
	[tilespmem:$0x1A200] =	vst v63  }
0x28: {  	s26 =	rddreg [dreg:$0x6]  }
0x29: {  	[tilespmem:s28], [sflag:$0x3] =	stream.linear.gather [hbm4b:s26+s3], $0x190, $0x38;
	[tilespmem:$0x1A200] =	vst v63  }
0x2a: {  	_ =	swait.ge [sflag:s13], $0x190  }
0x2b: {  	[sflag:s13] =	ssyncset.done $0x0  }
0x2c: {  	[sflag:s13] =	ssyncadd.s32 $0xFFFFFE70  }
0x2d: {  	[tilespmem:s29], [sflag:$0x2] =	stream.indirect.gather [hbm4b:s4+s15], $0x80, s15, s15, $0xb8;
	[tilespmem:$0x1A200] =	vst v63  }
0x2e: {  	_ = 	snop  }
0x2f: {  	[tilespmem:s30], [sflag:$0x2] =	stream.indirect.gather [hbm4b:s5+s17], $0x80, s28, s17, $0xb8;
	[tilespmem:$0x1A200] =	vst v63  }
0x30: {  	_ = 	snop  }
0x31: {  	[tilespmem:s0], [sflag:$0x2] =	stream.indirect.gather [hbm4b:s5+s17], $0x80, s31, s17, $0xb8;
	[tilespmem:$0x1A200] =	vst v63  }
0x32: {  	_ = 	snop  }
0x33: {  	[tilespmem:s7], [sflag:$0x2] =	stream.indirect.gather [hbm4b:s5+s17], $0x80, s2, s17, $0xb8;
	[tilespmem:$0x1A200] =	vst v63  }
0x34: {  	_ = 	snop  }
0x35: {  	[tilespmem:s11], [sflag:$0x2] =	stream.indirect.gather [hbm4b:s5+s17], $0x80, s9, s17, $0xb8;
	[tilespmem:$0x1A200] =	vst v63  }
0x36: {  	s21 =	simm.s32 $0x0  }
0x37: {  	[tilespmem:s16], [sflag:$0x2] =	stream.indirect.gather [hbm4b:s5+s17], $0x80, s8, s17, $0xb8;
	[tilespmem:$0x1A200] =	vst v63  }
.LBB2_2:
0x38: {  	_ =	swait.ge [sflag:s18], $0x400  }
0x39: {  	[sflag:s18] =	ssyncset.done $0x0  }
0x3a: {  	[sflag:s18] =	ssyncadd.s32 $0xFFFFFC00  }
0x3b: {  	_ =	swait.ge [sflag:s18], $0x2800  }
0x3c: {  	[sflag:s18] =	ssyncset.done $0x0  }
0x3d: {  	[sflag:s18] =	ssyncadd.s32 $0xFFFFD800  }
0x3e: {  	_ =	swait.ge [sflag:s18], $0x2800  }
0x3f: {  	[sflag:s18] =	ssyncset.done $0x0  }
0x40: {  	[sflag:s18] =	ssyncadd.s32 $0xFFFFD800  }
0x41: {  	_ =	swait.ge [sflag:s18], $0x2800  }
0x42: {  	[sflag:s18] =	ssyncset.done $0x0  }
0x43: {  	[sflag:s18] =	ssyncadd.s32 $0xFFFFD800  }
0x44: {  	_ =	swait.ge [sflag:s18], $0x2800  }
0x45: {  	[sflag:s18] =	ssyncset.done $0x0  }
0x46: {  	[sflag:s18] =	ssyncadd.s32 $0xFFFFD800  }
0x47: {  	_ =	swait.ge [sflag:s18], $0x2800  }
0x48: {  	[sflag:s18] =	ssyncset.done $0x0  }
0x49: {  	s22 =	simm.s32 $0x0;
	[sflag:s18] =	ssyncadd.s32 $0xFFFFD800  }
.LBB2_3:
0x4a: {  	s23 =	sshll.u32 s22, $0x7  }
0x4b: {  	v2 =	vld [tilespmem:s23+$0x600]  }
0x4c: {  	s24 =	smul.u32 $0x6400, s22;
	v3 =	vld [tilespmem:s23+$0x610]  }
0x4d: {  	v1 =	vld [tilespmem:s23+$0x620]  }
0x4e: {  	v0 =	vld [tilespmem:s23+$0x630];
	s24 =	sshra.s32 s24, $0x2  }
0x4f: {  	v4 =	vld [tilespmem:s24+$0xE00]  }
0x50: {  	v5 =	vld [tilespmem:s24+$0xE10]  }
0x51: {  	v6 =	vld [tilespmem:s24+$0xE20]  }
0x52: {  	v7 =	vld [tilespmem:s24+$0xE30]  }
0x53: {  	v8 =	vld [tilespmem:s24+$0xE80]  }
0x54: {  	v9 =	vld [tilespmem:s24+$0xE90]  }
0x55: {  	v10 =	vld [tilespmem:s24+$0xEA0]  }
0x56: {  	v11 =	vld [tilespmem:s24+$0xEB0]  }
0x57: {  	v12 =	vld [tilespmem:s24+$0xF00]  }
0x58: {  	v13 =	vld [tilespmem:s24+$0xF10]  }
0x59: {  	v14 =	vld [tilespmem:s24+$0xF20]  }
0x5a: {  	v15 =	vld [tilespmem:s24+$0xF30]  }
0x5b: {  	v16 =	vld [tilespmem:s24+$0xF80]  }
0x5c: {  	v17 =	vld [tilespmem:s24+$0xF90]  }
0x5d: {  	v18 =	vld [tilespmem:s24+$0xFA0]  }
0x5e: {  	v19 =	vld [tilespmem:s24+$0xFB0]  }
0x5f: {  	v20 =	vld [tilespmem:s24+$0x1000]  }
0x60: {  	v21 =	vld [tilespmem:s24+$0x1010]  }
0x61: {  	v22 =	vld [tilespmem:s24+$0x1020]  }
0x62: {  	v23 =	vld [tilespmem:s24+$0x1030]  }
0x63: {  	v24 =	vld [tilespmem:s24+$0x1080]  }
0x64: {  	v25 =	vld [tilespmem:s24+$0x1090]  }
0x65: {  	v26 =	vld [tilespmem:s24+$0x10A0]  }
0x66: {  	v27 =	vld [tilespmem:s24+$0x10B0]  }
0x67: {  	v28 =	vld [tilespmem:s24+$0x1100]  }
0x68: {  	v29 =	vld [tilespmem:s24+$0x1110]  }
0x69: {  	v30 =	vld [tilespmem:s24+$0x1120]  }
0x6a: {  	v31 =	vld [tilespmem:s24+$0x1130];
	v4 =	vmul.f32 v4, v2;
	v5 =	vmul.f32 v5, v3  }
0x6b: {  	v32 =	vld [tilespmem:s24+$0x1180];
	v41 =	vmul.f32 v6, v1;
	v8 =	vmul.f32 v8, v2  }
0x6c: {  	v33 =	vld [tilespmem:s24+$0x1190];
	v9 =	vmul.f32 v9, v3;
	v43 =	vmul.f32 v12, v2  }
0x6d: {  	v34 =	vld [tilespmem:s24+$0x11A0];
	v44 =	vmul.f32 v13, v3;
	v7 =	vmul.f32 v7, v0  }
0x6e: {  	v35 =	vld [tilespmem:s24+$0x11B0];
	v45 =	vmul.f32 v10, v1;
	v11 =	vmul.f32 v11, v0  }
0x6f: {  	v42 =	vld [tilespmem:s24+$0x1200];
	v46 =	vmul.f32 v14, v1;
	v47 =	vmul.f32 v16, v2  }
0x70: {  	v36 =	vld [tilespmem:s24+$0x1210];
	v48 =	vmul.f32 v17, v3;
	v49 =	vmul.f32 v15, v0  }
0x71: {  	v53 =	vld [tilespmem:s24+$0x1300];
	v50 =	vmul.f32 v18, v1;
	v51 =	vmul.f32 v20, v2  }
0x72: {  	v56 =	vld [tilespmem:s24+$0x1310];
	v52 =	vmul.f32 v21, v3;
	v54 =	vmul.f32 v24, v2  }
0x73: {  	v61 =	vld [tilespmem:s24+$0x1380];
	v55 =	vmul.f32 v25, v3;
	v19 =	vmul.f32 v19, v0  }
0x74: {  	v63 =	vld [tilespmem:s24+$0x1390];
	v57 =	vmul.f32 v22, v1;
	v23 =	vmul.f32 v23, v0  }
0x75: {  	v38 =	vld [tilespmem:s24+$0x13A0];
	v58 =	vmul.f32 v26, v1;
	v59 =	vmul.f32 v28, v2  }
0x76: {  	v13 =	vld [tilespmem:s24+$0x1220];
	v60 =	vmul.f32 v29, v3;
	v62 =	vmul.f32 v27, v0  }
0x77: {  	v10 =	vld [tilespmem:s24+$0x1230];
	v37 =	vmul.f32 v30, v1;
	v39 =	vmul.f32 v32, v2  }
0x78: {  	v14 =	vld [tilespmem:s24+$0x1280];
	v40 =	vmul.f32 v33, v3;
	v6 =	vmul.f32 v42, v2  }
0x79: {  	v17 =	vld [tilespmem:s24+$0x1290];
	v42 =	vmul.f32 v36, v3;
	v4 =	vadd.f32 v5, v4;
	v8 =	vadd.f32 v9, v8  }
0x7a: {  	v12 =	vld [tilespmem:s24+$0x12A0];
	v20 =	vmul.f32 v63, v3;
	v5 =	vadd.f32 v44, v43;
	v9 =	vadd.f32 v48, v47  }
0x7b: {  	v15 =	vld [tilespmem:s24+$0x12B0];
	v16 =	vadd.f32 v60, v59;
	v44 =	vmul.f32 v31, v0;
	v6 =	vadd.f32 v42, v6  }
0x7c: {  	v24 =	vld [tilespmem:s24+$0x1330];
	v47 =	vmul.f32 v35, v0;
	v4 =	vadd.f32 v41, v4;
	v8 =	vadd.f32 v45, v8  }
0x7d: {  	v22 =	vld [tilespmem:s24+$0x1320];
	v5 =	vadd.f32 v46, v5;
	v9 =	vadd.f32 v50, v9;
	v45 =	vmul.f32 v34, v1  }
0x7e: {  	v36 =	vld [tilespmem:s24+$0x1580];
	v16 =	vadd.f32 v37, v16;
	v13 =	vmul.f32 v13, v1;
	v14 =	vmul.f32 v14, v2  }
0x7f: {  	v43 =	vld [tilespmem:s24+$0x1400];
	v17 =	vmul.f32 v17, v3;
	v10 =	vmul.f32 v10, v0;
	v4 =	vadd.f32 v7, v4  }
0x80: {  	v48 =	vld [tilespmem:s24+$0x1420];
	v12 =	vmul.f32 v12, v1;
	v8 =	vadd.f32 v11, v8;
	v5 =	vadd.f32 v49, v5  }
0x81: {  	v59 =	vld [tilespmem:s24+$0x1500];
	v60 =	vmul.f32 v24, v0;
	v7 =	vadd.f32 v52, v51;
	v11 =	vadd.f32 v55, v54  }
0x82: {  	v41 =	vld [tilespmem:s24+$0x13B0];
	v9 =	vadd.f32 v19, v9;
	v19 =	vadd.f32 v40, v39;
	v52 =	vmul.f32 v53, v2  }
0x83: {  	v46 =	vld [tilespmem:s24+$0x1410];
	v16 =	vadd.f32 v44, v16;
	v53 =	vmul.f32 v56, v3;
	v55 =	vmul.f32 v61, v2  }
0x84: {  	v50 =	vld [tilespmem:s24+$0x1480];
	v61 =	vmul.f32 v38, v1;
	v6 =	vadd.f32 v13, v6;
	v14 =	vadd.f32 v17, v14  }
0x85: {  	v49 =	vld [tilespmem:s24+$0x1430];
	v30 =	vmul.f32 v43, v2;
	v38 =	vmul.f32 v48, v1;
	v7 =	vadd.f32 v57, v7  }
0x86: {  	v51 =	vld [tilespmem:s24+$0x1490];
	v43 =	vmul.f32 v59, v2;
	v11 =	vadd.f32 v58, v11;
	v19 =	vadd.f32 v45, v19  }
0x87: {  	v54 =	vld [tilespmem:s24+$0x14A0];
	(xrf2) =	vadd.scan.msk.f32 $0xffff, v4;
	v57 =	vmul.f32 v15, v0;
	v6 =	vadd.f32 v10, v6;
	v12 =	vadd.f32 v12, v14  }
0x88: {  	v58 =	vmul.f32 v22, v1;
	v10 =	vadd.f32 v53, v52;
	(xrf2) =	vadd.scan.msk.f32 $0xffff, v8;
	v11 =	vadd.f32 v62, v11;
	v62 =	vld [tilespmem:s24+$0x1510]  }
0x89: {  	v56 =	vld [tilespmem:s24+$0x14B0];
	v14 =	vadd.f32 v20, v55;
	v32 =	vmul.f32 v46, v3;
	v7 =	vadd.f32 v23, v7;
	(xrf2) =	vadd.scan.msk.f32 $0xffff, v5  }
0x8a: {  	v33 =	vld [tilespmem:s24+$0x1520];
	v35 =	vmul.f32 v41, v0;
	v40 =	vmul.f32 v50, v2;
	v19 =	vadd.f32 v47, v19;
	(xrf2) =	vadd.scan.msk.f32 $0xffff, v9  }
0x8b: {  	v39 =	vld [tilespmem:s24+$0x1590];
	v52 =	vmul.f32 v36, v2;
	v63 =	vadd.f32 v58, v10;
	v4 =	vadd.f32 v57, v12;
	(xrf2) =	vadd.scan.msk.f32 $0xffff, v7  }
0x8c: {  	v42 =	vld [tilespmem:s24+$0x1530];
	v34 =	vadd.f32 v61, v14;
	v41 =	vmul.f32 v51, v3;
	v46 =	vmul.f32 v49, v0;
	(xrf2) =	vadd.scan.msk.f32 $0xffff, v11  }
0x8d: {  	v45 =	vld [tilespmem:s24+$0x15A0];
	v37 =	vadd.f32 v32, v30;
	v47 =	vmul.f32 v54, v1;
	(xrf2) =	vadd.scan.msk.f32 $0xffff, v16;
	v44 =	vmul.f32 v62, v3  }
0x8e: {  	v48 =	vmul.f32 v56, v0;
	v5 =	vadd.f32 v60, v63;
	v11 =	vadd.f32 v41, v40;
	(xrf2) =	vadd.scan.msk.f32 $0xffff, v19  }
0x8f: {  	v50 =	vld [tilespmem:s24+$0x15B0];
	v49 =	vmul.f32 v33, v1;
	v7 =	vadd.f32 v38, v37;
	(xrf2) =	vadd.scan.msk.f32 $0xffff, v6;
	v8 =	vadd.f32 v44, v43  }
0x90: {  	v10 =	vmul.f32 v39, v3;
	v9 =	vadd.f32 v35, v34;
	v51 =	vadd.f32 v47, v11;
	(xrf2) =	vadd.scan.msk.f32 $0xffff, v4  }
0x91: {  	v56 =	vmul.f32 v42, v0;
	v54 =	vadd.f32 v46, v7;
	v53, _, _ =	vpop (xrf2);
	(xrf2) =	vadd.scan.msk.f32 $0xffff, v5;
	v55 =	vadd.f32 v49, v8  }
0x92: {  	v58 =	vadd.f32 v10, v52;
	v59 =	vmul.f32 v45, v1;
	v4 =	vadd.f32 v48, v51;
	v57, _, _ =	vpop (xrf2);
	(xrf2) =	vadd.scan.msk.f32 $0xffff, v9  }
0x93: {  	v60 =	vbroadcast v53, $0xF;
	v61 =	vbroadcast v57, $0xF;
	v62, _, _ =	vpop (xrf2);
	(xrf2) =	vadd.scan.msk.f32 $0xffff, v54;
	v63 =	vadd.f32 v56, v55  }
0x94: {  	v16 =	vmul.f32 v50, v0;
	v15 =	vadd.f32 v59, v58;
	v13 =	vbroadcast v62, $0xF;
	v14, _, _ =	vpop (xrf2);
	(xrf2) =	vadd.scan.msk.f32 $0xffff, v4  }
0x95: {  	v17 =	vsel vm0, v60, v61;
	v8 =	vbroadcast v14, $0xF;
	v18, _, _ =	vpop (xrf2);
	(xrf2) =	vadd.scan.msk.f32 $0xffff, v63  }
0x96: {  	v4 =	vadd.f32 v16, v15;
	v19 =	vsel vm1, v17, v13;
	v20 =	vbroadcast v18, $0xF;
	v21, _, _ =	vpop (xrf2)  }
0x97: {  	v5 =	vsel vm2, v19, v8;
	v22 =	vbroadcast v21, $0xF;
	v23, _, _ =	vpop (xrf2)  }
0x98: {  	(xrf2) =	vadd.scan.msk.f32 $0xffff, v4;
	v5 =	vsel vm3, v5, v20;
	v24 =	vbroadcast v23, $0xF;
	v25, _, _ =	vpop (xrf2)  }
0x99: {  	v26 =	vsel vm4, v5, v22;
	v27 =	vbroadcast v25, $0xF;
	v28, _, _ =	vpop (xrf2)  }
0x9a: {  	v4 =	vsel vm5, v26, v24;
	v6 =	vbroadcast v28, $0xF;
	v29, _, _ =	vpop (xrf2)  }
0x9b: {  	v4 =	vsel vm6, v4, v27;
	v30 =	vbroadcast v29, $0xF;
	v31, _, _ =	vpop (xrf2)  }
0x9c: {  	v4 =	vsel vm7, v4, v6;
	v32 =	vbroadcast v31, $0xF;
	v33, _, _ =	vpop (xrf2)  }
0x9d: {  	v4 =	vsel vm8, v4, v30;
	v34 =	vbroadcast v33, $0xF;
	v35, _, _ =	vpop (xrf2)  }
0x9e: {  	v4 =	vsel vm9, v4, v32;
	v36 =	vbroadcast v35, $0xF;
	v37, _, _ =	vpop (xrf2)  }
0x9f: {  	v4 =	vsel vm10, v4, v34;
	v38 =	vbroadcast v37, $0xF;
	v39, _, _ =	vpop (xrf2)  }
0xa0: {  	v4 =	vsel vm11, v4, v36;
	v40 =	vbroadcast v39, $0xF  }
0xa1: {  	v4 =	vsel vm12, v4, v38  }
0xa2: {  	v41, _, _ =	vpop (xrf2);
	v4 =	vsel vm13, v4, v40  }
0xa3: {  	v4 =	vsel vm14, v4, v41  }
0xa4: {  	[tilespmem:s23+$0x19E00] =	vst v4  }
0xa5: {  	v4 =	vld [tilespmem:s24+$0x1600]  }
0xa6: {  	v42 =	vld [tilespmem:s24+$0x1610]  }
0xa7: {  	v43 =	vld [tilespmem:s24+$0x1620]  }
0xa8: {  	v7 =	vld [tilespmem:s24+$0x1630]  }
0xa9: {  	v44 =	vld [tilespmem:s24+$0x1680]  }
0xaa: {  	v45 =	vld [tilespmem:s24+$0x1690]  }
0xab: {  	v46 =	vld [tilespmem:s24+$0x16A0]  }
0xac: {  	v47 =	vld [tilespmem:s24+$0x16B0]  }
0xad: {  	v48 =	vld [tilespmem:s24+$0x1700]  }
0xae: {  	v49 =	vld [tilespmem:s24+$0x1710]  }
0xaf: {  	v50 =	vld [tilespmem:s24+$0x1720]  }
0xb0: {  	v51 =	vld [tilespmem:s24+$0x1730]  }
0xb1: {  	v52 =	vld [tilespmem:s24+$0x1780]  }
0xb2: {  	v53 =	vld [tilespmem:s24+$0x1790]  }
0xb3: {  	v54 =	vld [tilespmem:s24+$0x17A0]  }
0xb4: {  	v19 =	vld [tilespmem:s24+$0x17B0]  }
0xb5: {  	v55 =	vld [tilespmem:s24+$0x1800]  }
0xb6: {  	v56 =	vld [tilespmem:s24+$0x1810]  }
0xb7: {  	v57 =	vld [tilespmem:s24+$0x1820]  }
0xb8: {  	v58 =	vld [tilespmem:s24+$0x1830]  }
0xb9: {  	v59 =	vld [tilespmem:s24+$0x1880]  }
0xba: {  	v60 =	vld [tilespmem:s24+$0x1890]  }
0xbb: {  	v61 =	vld [tilespmem:s24+$0x18A0]  }
0xbc: {  	v27 =	vld [tilespmem:s24+$0x18B0]  }
0xbd: {  	v62 =	vld [tilespmem:s24+$0x1900]  }
0xbe: {  	v63 =	vld [tilespmem:s24+$0x1910]  }
0xbf: {  	v30 =	vld [tilespmem:s24+$0x1920]  }
0xc0: {  	v31 =	vld [tilespmem:s24+$0x1930];
	v4 =	vmul.f32 v4, v2;
	v5 =	vmul.f32 v42, v3  }
0xc1: {  	v32 =	vld [tilespmem:s24+$0x1980];
	v41 =	vmul.f32 v43, v1;
	v8 =	vmul.f32 v44, v2  }
0xc2: {  	v40 =	vld [tilespmem:s24+$0x1990];
	v9 =	vmul.f32 v45, v3;
	v43 =	vmul.f32 v48, v2  }
0xc3: {  	v34 =	vld [tilespmem:s24+$0x19A0];
	v44 =	vmul.f32 v49, v3;
	v7 =	vmul.f32 v7, v0  }
0xc4: {  	v35 =	vld [tilespmem:s24+$0x19B0];
	v45 =	vmul.f32 v46, v1;
	v11 =	vmul.f32 v47, v0  }
0xc5: {  	v6 =	vld [tilespmem:s24+$0x1A00];
	v46 =	vmul.f32 v50, v1;
	v47 =	vmul.f32 v52, v2  }
0xc6: {  	v13 =	vld [tilespmem:s24+$0x1A20];
	v48 =	vmul.f32 v53, v3;
	v49 =	vmul.f32 v51, v0  }
0xc7: {  	v10 =	vld [tilespmem:s24+$0x1A30];
	v50 =	vmul.f32 v54, v1;
	v51 =	vmul.f32 v55, v2  }
0xc8: {  	v14 =	vld [tilespmem:s24+$0x1A80];
	v52 =	vmul.f32 v56, v3;
	v54 =	vmul.f32 v59, v2  }
0xc9: {  	v17 =	vld [tilespmem:s24+$0x1A90];
	v55 =	vmul.f32 v60, v3;
	v19 =	vmul.f32 v19, v0  }
0xca: {  	v12 =	vld [tilespmem:s24+$0x1AA0];
	v57 =	vmul.f32 v57, v1;
	v23 =	vmul.f32 v58, v0  }
0xcb: {  	v15 =	vld [tilespmem:s24+$0x1AB0];
	v58 =	vmul.f32 v61, v1;
	v59 =	vmul.f32 v62, v2  }
0xcc: {  	v22 =	vld [tilespmem:s24+$0x1B20];
	v60 =	vmul.f32 v63, v3;
	v62 =	vmul.f32 v27, v0  }
0xcd: {  	v24 =	vld [tilespmem:s24+$0x1B30];
	v37 =	vmul.f32 v30, v1;
	v39 =	vmul.f32 v32, v2  }
0xce: {  	v38 =	vld [tilespmem:s24+$0x1BA0];
	v40 =	vmul.f32 v40, v3;
	v6 =	vmul.f32 v6, v2  }
0xcf: {  	v42 =	vld [tilespmem:s24+$0x1A10];
	v13 =	vmul.f32 v13, v1;
	v14 =	vmul.f32 v14, v2;
	v4 =	vadd.f32 v5, v4  }
0xd0: {  	v53 =	vld [tilespmem:s24+$0x1B00];
	v17 =	vmul.f32 v17, v3;
	v8 =	vadd.f32 v9, v8;
	v5 =	vadd.f32 v44, v43  }
0xd1: {  	v56 =	vld [tilespmem:s24+$0x1B10];
	v10 =	vmul.f32 v10, v0;
	v9 =	vadd.f32 v48, v47;
	v16 =	vadd.f32 v60, v59  }
0xd2: {  	v61 =	vld [tilespmem:s24+$0x1B80];
	v12 =	vmul.f32 v12, v1;
	v14 =	vadd.f32 v17, v14;
	v4 =	vadd.f32 v41, v4  }
0xd3: {  	v63 =	vld [tilespmem:s24+$0x1B90];
	v44 =	vmul.f32 v31, v0;
	v8 =	vadd.f32 v45, v8;
	v5 =	vadd.f32 v46, v5  }
0xd4: {  	v43 =	vld [tilespmem:s24+$0x1C00];
	v47 =	vmul.f32 v35, v0;
	v9 =	vadd.f32 v50, v9;
	v16 =	vadd.f32 v37, v16  }
0xd5: {  	v48 =	vld [tilespmem:s24+$0x1C20];
	v60 =	vmul.f32 v24, v0;
	v12 =	vadd.f32 v12, v14;
	v4 =	vadd.f32 v7, v4  }
0xd6: {  	v59 =	vld [tilespmem:s24+$0x1D00];
	v45 =	vmul.f32 v34, v1;
	v8 =	vadd.f32 v11, v8;
	v5 =	vadd.f32 v49, v5  }
0xd7: {  	v31 =	vld [tilespmem:s24+$0x1D20];
	v42 =	vmul.f32 v42, v3;
	v7 =	vadd.f32 v52, v51;
	v11 =	vadd.f32 v55, v54  }
0xd8: {  	v41 =	vld [tilespmem:s24+$0x1BB0];
	v20 =	vmul.f32 v63, v3;
	v9 =	vadd.f32 v19, v9;
	v19 =	vadd.f32 v40, v39  }
0xd9: {  	v46 =	vld [tilespmem:s24+$0x1C10];
	v16 =	vadd.f32 v44, v16;
	v52 =	vmul.f32 v53, v2;
	v53 =	vmul.f32 v56, v3  }
0xda: {  	v50 =	vld [tilespmem:s24+$0x1C80];
	v55 =	vmul.f32 v61, v2;
	v61 =	vmul.f32 v38, v1;
	v6 =	vadd.f32 v42, v6  }
0xdb: {  	v34 =	vld [tilespmem:s24+$0x1D80];
	v29 =	vmul.f32 v43, v2;
	v36 =	vmul.f32 v48, v1;
	v7 =	vadd.f32 v57, v7  }
0xdc: {  	v49 =	vld [tilespmem:s24+$0x1C30];
	v11 =	vadd.f32 v58, v11;
	v19 =	vadd.f32 v45, v19;
	v57 =	vmul.f32 v15, v0  }
0xdd: {  	v51 =	vld [tilespmem:s24+$0x1C90];
	(xrf2) =	vadd.scan.msk.f32 $0xffff, v4;
	v58 =	vmul.f32 v22, v1;
	v14 =	vadd.f32 v20, v55;
	v6 =	vadd.f32 v13, v6  }
0xde: {  	(xrf2) =	vadd.scan.msk.f32 $0xffff, v8;
	v30 =	vmul.f32 v46, v3;
	v33 =	vmul.f32 v41, v0;
	v11 =	vadd.f32 v62, v11;
	v62 =	vld [tilespmem:s24+$0x1D10]  }
0xdf: {  	v54 =	vld [tilespmem:s24+$0x1CA0];
	v38 =	vmul.f32 v50, v2;
	v7 =	vadd.f32 v23, v7;
	v19 =	vadd.f32 v47, v19;
	(xrf2) =	vadd.scan.msk.f32 $0xffff, v5  }
0xe0: {  	v56 =	vld [tilespmem:s24+$0x1CB0];
	v41 =	vmul.f32 v59, v2;
	v4 =	vadd.f32 v57, v12;
	v32 =	vadd.f32 v61, v14;
	(xrf2) =	vadd.scan.msk.f32 $0xffff, v9  }
0xe1: {  	v37 =	vld [tilespmem:s24+$0x1D90];
	v50 =	vmul.f32 v34, v2;
	v6 =	vadd.f32 v10, v6;
	v10 =	vadd.f32 v53, v52;
	(xrf2) =	vadd.scan.msk.f32 $0xffff, v7  }
0xe2: {  	v40 =	vld [tilespmem:s24+$0x1D30];
	v47 =	vmul.f32 v31, v1;
	v35 =	vadd.f32 v30, v29;
	v39 =	vmul.f32 v51, v3;
	(xrf2) =	vadd.scan.msk.f32 $0xffff, v11  }
0xe3: {  	v43 =	vld [tilespmem:s24+$0x1DA0];
	v44 =	vmul.f32 v49, v0;
	v63 =	vadd.f32 v58, v10;
	(xrf2) =	vadd.scan.msk.f32 $0xffff, v16;
	v42 =	vmul.f32 v62, v3  }
0xe4: {  	v45 =	vmul.f32 v54, v1;
	v7 =	vadd.f32 v36, v35;
	v11 =	vadd.f32 v39, v38;
	(xrf2) =	vadd.scan.msk.f32 $0xffff, v19  }
0xe5: {  	v48 =	vld [tilespmem:s24+$0x1DB0];
	v46 =	vmul.f32 v56, v0;
	v5 =	vadd.f32 v60, v63;
	(xrf2) =	vadd.scan.msk.f32 $0xffff, v6;
	v8 =	vadd.f32 v42, v41  }
0xe6: {  	v9 =	vadd.f32 v33, v32;
	v10 =	vmul.f32 v37, v3;
	v49 =	vadd.f32 v45, v11;
	(xrf2) =	vadd.scan.msk.f32 $0xffff, v4  }
0xe7: {  	v54 =	vmul.f32 v40, v0;
	v52 =	vadd.f32 v44, v7;
	v51, _, _ =	vpop (xrf2);
	(xrf2) =	vadd.scan.msk.f32 $0xffff, v5;
	v53 =	vadd.f32 v47, v8  }
0xe8: {  	v57 =	vmul.f32 v43, v1;
	v56 =	vadd.f32 v10, v50;
	v4 =	vadd.f32 v46, v49;
	v55, _, _ =	vpop (xrf2);
	(xrf2) =	vadd.scan.msk.f32 $0xffff, v9  }
0xe9: {  	v58 =	vbroadcast v51, $0xF;
	v59 =	vbroadcast v55, $0xF;
	v60, _, _ =	vpop (xrf2);
	(xrf2) =	vadd.scan.msk.f32 $0xffff, v52;
	v61 =	vadd.f32 v54, v53  }
0xea: {  	v13 =	vmul.f32 v48, v0;
	v12 =	vadd.f32 v57, v56;
	v62 =	vbroadcast v60, $0xF;
	v63, _, _ =	vpop (xrf2);
	(xrf2) =	vadd.scan.msk.f32 $0xffff, v4  }
0xeb: {  	v14 =	vsel vm0, v58, v59;
	v8 =	vbroadcast v63, $0xF;
	v15, _, _ =	vpop (xrf2);
	(xrf2) =	vadd.scan.msk.f32 $0xffff, v61  }
0xec: {  	v4 =	vadd.f32 v13, v12;
	v16 =	vsel vm1, v14, v62;
	v17 =	vbroadcast v15, $0xF;
	v18, _, _ =	vpop (xrf2)  }
0xed: {  	v5 =	vsel vm2, v16, v8;
	v19 =	vbroadcast v18, $0xF;
	v20, _, _ =	vpop (xrf2)  }
0xee: {  	v5 =	vsel vm3, v5, v17;
	v21 =	vbroadcast v20, $0xF;
	v22, _, _ =	vpop (xrf2);
	(xrf2) =	vadd.scan.msk.f32 $0xffff, v4  }
0xef: {  	v23 =	vsel vm4, v5, v19;
	v24 =	vbroadcast v22, $0xF;
	v25, _, _ =	vpop (xrf2)  }
0xf0: {  	v4 =	vsel vm5, v23, v21;
	v6 =	vbroadcast v25, $0xF;
	v26, _, _ =	vpop (xrf2)  }
0xf1: {  	v4 =	vsel vm6, v4, v24;
	v27 =	vbroadcast v26, $0xF;
	v28, _, _ =	vpop (xrf2)  }
0xf2: {  	v4 =	vsel vm7, v4, v6;
	v29 =	vbroadcast v28, $0xF;
	v30, _, _ =	vpop (xrf2)  }
0xf3: {  	v4 =	vsel vm8, v4, v27;
	v31 =	vbroadcast v30, $0xF;
	v32, _, _ =	vpop (xrf2)  }
0xf4: {  	v4 =	vsel vm9, v4, v29;
	v33 =	vbroadcast v32, $0xF;
	v34, _, _ =	vpop (xrf2)  }
0xf5: {  	v4 =	vsel vm10, v4, v31;
	v35 =	vbroadcast v34, $0xF;
	v36, _, _ =	vpop (xrf2)  }
0xf6: {  	v4 =	vsel vm11, v4, v33;
	v37 =	vbroadcast v36, $0xF  }
0xf7: {  	v4 =	vsel vm12, v4, v35  }
0xf8: {  	v38, _, _ =	vpop (xrf2);
	v4 =	vsel vm13, v4, v37  }
0xf9: {  	v4 =	vsel vm14, v4, v38  }
0xfa: {  	[tilespmem:s23+$0x19E10] =	vst v4  }
0xfb: {  	v4 =	vld [tilespmem:s24+$0x1E00]  }
0xfc: {  	v39 =	vld [tilespmem:s24+$0x1E10]  }
0xfd: {  	v50 =	vld [tilespmem:s24+$0x1E20]  }
0xfe: {  	v7 =	vld [tilespmem:s24+$0x1E30]  }
0xff: {  	v51 =	vld [tilespmem:s24+$0x1E80]  }
0x100: {  	v52 =	vld [tilespmem:s24+$0x1E90]  }
0x101: {  	v53 =	vld [tilespmem:s24+$0x1EA0]  }
0x102: {  	v54 =	vld [tilespmem:s24+$0x1EB0]  }
0x103: {  	v55 =	vld [tilespmem:s24+$0x1F00]  }
0x104: {  	v56 =	vld [tilespmem:s24+$0x1F10]  }
0x105: {  	v57 =	vld [tilespmem:s24+$0x1F20]  }
0x106: {  	v58 =	vld [tilespmem:s24+$0x1F30]  }
0x107: {  	v59 =	vld [tilespmem:s24+$0x1F80]  }
0x108: {  	v60 =	vld [tilespmem:s24+$0x1F90]  }
0x109: {  	v61 =	vld [tilespmem:s24+$0x1FA0]  }
0x10a: {  	v19 =	vld [tilespmem:s24+$0x1FB0]  }
0x10b: {  	v62 =	vld [tilespmem:s24+$0x2000]  }
0x10c: {  	v63 =	vld [tilespmem:s24+$0x2010]  }
0x10d: {  	v22 =	vld [tilespmem:s24+$0x2020]  }
0x10e: {  	v40 =	vld [tilespmem:s24+$0x2030]  }
0x10f: {  	v41 =	vld [tilespmem:s24+$0x2080]  }
0x110: {  	v42 =	vld [tilespmem:s24+$0x2090]  }
0x111: {  	v43 =	vld [tilespmem:s24+$0x20A0]  }
0x112: {  	v44 =	vld [tilespmem:s24+$0x20B0]  }
0x113: {  	v45 =	vld [tilespmem:s24+$0x2100]  }
0x114: {  	v46 =	vld [tilespmem:s24+$0x2110]  }
0x115: {  	v47 =	vld [tilespmem:s24+$0x2120];
	v4 =	vmul.f32 v4, v2  }
0x116: {  	v31 =	vld [tilespmem:s24+$0x2130];
	v5 =	vmul.f32 v39, v3;
	v50 =	vmul.f32 v50, v1  }
0x117: {  	v48 =	vld [tilespmem:s24+$0x2180];
	v8 =	vmul.f32 v51, v2;
	v9 =	vmul.f32 v52, v3  }
0x118: {  	v49 =	vld [tilespmem:s24+$0x2190];
	v51 =	vmul.f32 v55, v2;
	v52 =	vmul.f32 v56, v3  }
0x119: {  	v34 =	vld [tilespmem:s24+$0x21A0];
	v7 =	vmul.f32 v7, v0;
	v53 =	vmul.f32 v53, v1  }
0x11a: {  	v35 =	vld [tilespmem:s24+$0x21B0];
	v11 =	vmul.f32 v54, v0;
	v54 =	vmul.f32 v57, v1  }
0x11b: {  	v6 =	vld [tilespmem:s24+$0x2200];
	v55 =	vmul.f32 v59, v2;
	v56 =	vmul.f32 v60, v3  }
0x11c: {  	v36 =	vld [tilespmem:s24+$0x2210];
	v57 =	vmul.f32 v58, v0;
	v58 =	vmul.f32 v61, v1  }
0x11d: {  	v13 =	vld [tilespmem:s24+$0x2220];
	v59 =	vmul.f32 v62, v2;
	v60 =	vmul.f32 v63, v3  }
0x11e: {  	v10 =	vld [tilespmem:s24+$0x2230];
	v61 =	vmul.f32 v41, v2;
	v62 =	vmul.f32 v42, v3  }
0x11f: {  	v14 =	vld [tilespmem:s24+$0x2280];
	v19 =	vmul.f32 v19, v0;
	v37 =	vmul.f32 v22, v1  }
0x120: {  	v17 =	vld [tilespmem:s24+$0x2290];
	v23 =	vmul.f32 v40, v0;
	v39 =	vmul.f32 v43, v1  }
0x121: {  	v12 =	vld [tilespmem:s24+$0x22A0];
	v41 =	vmul.f32 v45, v2;
	v42 =	vmul.f32 v46, v3  }
0x122: {  	v15 =	vld [tilespmem:s24+$0x22B0];
	v44 =	vmul.f32 v44, v0;
	v46 =	vmul.f32 v47, v1  }
0x123: {  	v18 =	vld [tilespmem:s24+$0x2300];
	v48 =	vmul.f32 v48, v2;
	v49 =	vmul.f32 v49, v3  }
0x124: {  	v38 =	vld [tilespmem:s24+$0x2320];
	v6 =	vmul.f32 v6, v2;
	v13 =	vmul.f32 v13, v1  }
0x125: {  	v63 =	vld [tilespmem:s24+$0x2310];
	v14 =	vmul.f32 v14, v2;
	v17 =	vmul.f32 v17, v3  }
0x126: {  	v40 =	vld [tilespmem:s24+$0x2330];
	v10 =	vmul.f32 v10, v0;
	v4 =	vadd.f32 v5, v4;
	v8 =	vadd.f32 v9, v8  }
0x127: {  	v43 =	vld [tilespmem:s24+$0x2380];
	v12 =	vmul.f32 v12, v1;
	v5 =	vadd.f32 v52, v51;
	v9 =	vadd.f32 v56, v55  }
0x128: {  	v45 =	vld [tilespmem:s24+$0x2390];
	v33 =	vmul.f32 v15, v0;
	v16 =	vadd.f32 v42, v41;
	v14 =	vadd.f32 v17, v14  }
0x129: {  	v47 =	vld [tilespmem:s24+$0x23A0];
	v51 =	vmul.f32 v36, v3;
	v4 =	vadd.f32 v50, v4;
	v8 =	vadd.f32 v53, v8  }
0x12a: {  	v52 =	vld [tilespmem:s24+$0x2400];
	v56 =	vmul.f32 v35, v0;
	v5 =	vadd.f32 v54, v5;
	v9 =	vadd.f32 v58, v9  }
0x12b: {  	v55 =	vld [tilespmem:s24+$0x2410];
	v16 =	vadd.f32 v46, v16;
	v53 =	vmul.f32 v31, v0;
	v6 =	vadd.f32 v51, v6  }
0x12c: {  	v35 =	vld [tilespmem:s24+$0x2500];
	v54 =	vmul.f32 v34, v1;
	v12 =	vadd.f32 v12, v14;
	v4 =	vadd.f32 v7, v4  }
0x12d: {  	v42 =	vld [tilespmem:s24+$0x2520];
	v34 =	vmul.f32 v38, v1;
	v8 =	vadd.f32 v11, v8;
	v5 =	vadd.f32 v57, v5  }
0x12e: {  	v50 =	vld [tilespmem:s24+$0x23B0];
	v30 =	vmul.f32 v43, v2;
	v7 =	vadd.f32 v60, v59;
	v11 =	vadd.f32 v62, v61  }
0x12f: {  	v58 =	vld [tilespmem:s24+$0x2430];
	v20 =	vmul.f32 v45, v3;
	v9 =	vadd.f32 v19, v9;
	v19 =	vadd.f32 v49, v48  }
0x130: {  	v38 =	vld [tilespmem:s24+$0x2510];
	v36 =	vmul.f32 v40, v0;
	v16 =	vadd.f32 v53, v16;
	v6 =	vadd.f32 v13, v6  }
0x131: {  	v45 =	vld [tilespmem:s24+$0x2580];
	v61 =	vmul.f32 v18, v2;
	v62 =	vmul.f32 v63, v3;
	v14 =	vadd.f32 v20, v30  }
0x132: {  	v59 =	vld [tilespmem:s24+$0x2480];
	v40 =	vmul.f32 v52, v2;
	v7 =	vadd.f32 v37, v7;
	v11 =	vadd.f32 v39, v11  }
0x133: {  	v60 =	vld [tilespmem:s24+$0x2490];
	v41 =	vmul.f32 v55, v3;
	v19 =	vadd.f32 v54, v19;
	v6 =	vadd.f32 v10, v6;
	(xrf2) =	vadd.scan.msk.f32 $0xffff, v4  }
0x134: {  	v57 =	vld [tilespmem:s24+$0x2420];
	v52 =	vmul.f32 v35, v2;
	v10 =	vadd.f32 v62, v61;
	v4 =	vadd.f32 v33, v12;
	(xrf2) =	vadd.scan.msk.f32 $0xffff, v8  }
0x135: {  	v63 =	vld [tilespmem:s24+$0x24A0];
	v37 =	vmul.f32 v47, v1;
	v46 =	vadd.f32 v41, v40;
	v7 =	vadd.f32 v23, v7;
	(xrf2) =	vadd.scan.msk.f32 $0xffff, v5  }
0x136: {  	v32 =	vld [tilespmem:s24+$0x24B0];
	v53 =	vmul.f32 v38, v3;
	v55 =	vmul.f32 v58, v0;
	v11 =	vadd.f32 v44, v11;
	(xrf2) =	vadd.scan.msk.f32 $0xffff, v9  }
0x137: {  	v48 =	vld [tilespmem:s24+$0x2590];
	v58 =	vmul.f32 v42, v1;
	v19 =	vadd.f32 v56, v19;
	v44 =	vmul.f32 v50, v0;
	(xrf2) =	vadd.scan.msk.f32 $0xffff, v7  }
0x138: {  	v51 =	vld [tilespmem:s24+$0x2530];
	v39 =	vadd.f32 v34, v10;
	v49 =	vmul.f32 v59, v2;
	v50 =	vmul.f32 v60, v3;
	(xrf2) =	vadd.scan.msk.f32 $0xffff, v11  }
0x139: {  	v54 =	vld [tilespmem:s24+$0x25A0];
	v43 =	vadd.f32 v37, v14;
	v61 =	vmul.f32 v45, v2;
	v47 =	vmul.f32 v57, v1;
	(xrf2) =	vadd.scan.msk.f32 $0xffff, v16  }
0x13a: {  	v56 =	vmul.f32 v63, v1;
	v8 =	vadd.f32 v53, v52;
	v11 =	vadd.f32 v50, v49;
	(xrf2) =	vadd.scan.msk.f32 $0xffff, v19  }
0x13b: {  	v57 =	vmul.f32 v32, v0;
	v59 =	vld [tilespmem:s24+$0x25B0];
	v5 =	vadd.f32 v36, v39;
	v7 =	vadd.f32 v47, v46;
	(xrf2) =	vadd.scan.msk.f32 $0xffff, v6  }
0x13c: {  	v10 =	vmul.f32 v48, v3;
	v9 =	vadd.f32 v44, v43;
	v60 =	vadd.f32 v56, v11;
	(xrf2) =	vadd.scan.msk.f32 $0xffff, v4  }
0x13d: {  	v17 =	vadd.f32 v58, v8;
	v63 =	vadd.f32 v55, v7;
	v19 =	vmul.f32 v51, v0;
	v62, _, _ =	vpop (xrf2);
	(xrf2) =	vadd.scan.msk.f32 $0xffff, v5  }
0x13e: {  	v21 =	vadd.f32 v10, v61;
	v22 =	vmul.f32 v54, v1;
	v4 =	vadd.f32 v57, v60;
	v20, _, _ =	vpop (xrf2);
	(xrf2) =	vadd.scan.msk.f32 $0xffff, v9  }
0x13f: {  	v7 =	vadd.f32 v19, v17;
	v24 =	vbroadcast v62, $0xF;
	v23, _, _ =	vpop (xrf2);
	(xrf2) =	vadd.scan.msk.f32 $0xffff, v63;
	v25 =	vbroadcast v20, $0xF  }
0x140: {  	v6 =	vadd.f32 v22, v21;
	v28 =	vmul.f32 v59, v0;
	v26, _, _ =	vpop (xrf2);
	(xrf2) =	vadd.scan.msk.f32 $0xffff, v4;
	v27 =	vbroadcast v23, $0xF  }
0x141: {  	v5 =	vsel vm0, v24, v25;
	v8 =	vbroadcast v26, $0xF;
	v29, _, _ =	vpop (xrf2);
	(xrf2) =	vadd.scan.msk.f32 $0xffff, v7  }
0x142: {  	v6 =	vadd.f32 v28, v6;
	v30, _, _ =	vpop (xrf2);
	v4 =	vsel vm1, v5, v27;
	v31 =	vbroadcast v29, $0xF  }
0x143: {  	v32, _, _ =	vpop (xrf2);
	v4 =	vsel vm2, v4, v8;
	v7 =	vbroadcast v30, $0xF  }
0x144: {  	(xrf2) =	vadd.scan.msk.f32 $0xffff, v6;
	v4 =	vsel vm3, v4, v31;
	v33 =	vbroadcast v32, $0xF;
	v34, _, _ =	vpop (xrf2)  }
0x145: {  	v35, _, _ =	vpop (xrf2);
	v4 =	vsel vm4, v4, v7;
	v36 =	vbroadcast v34, $0xF  }
0x146: {  	v37, _, _ =	vpop (xrf2);
	v4 =	vsel vm5, v4, v33;
	v38 =	vbroadcast v35, $0xF  }
0x147: {  	v39, _, _ =	vpop (xrf2);
	v4 =	vsel vm6, v4, v36;
	v40 =	vbroadcast v37, $0xF  }
0x148: {  	v41, _, _ =	vpop (xrf2);
	v4 =	vsel vm7, v4, v38;
	v42 =	vbroadcast v39, $0xF  }
0x149: {  	v43, _, _ =	vpop (xrf2);
	v4 =	vsel vm8, v4, v40;
	v44 =	vbroadcast v41, $0xF  }
0x14a: {  	v45, _, _ =	vpop (xrf2);
	v4 =	vsel vm9, v4, v42;
	v46 =	vbroadcast v43, $0xF  }
0x14b: {  	v4 =	vsel vm10, v4, v44;
	v47 =	vbroadcast v45, $0xF;
	v48, _, _ =	vpop (xrf2)  }
0x14c: {  	v4 =	vsel vm11, v4, v46;
	v49 =	vbroadcast v48, $0xF  }
0x14d: {  	v4 =	vsel vm12, v4, v47  }
0x14e: {  	v50, _, _ =	vpop (xrf2);
	v4 =	vsel vm13, v4, v49  }
0x14f: {  	v4 =	vsel vm14, v4, v50  }
0x150: {  	[tilespmem:s23+$0x19E20] =	vst v4  }
0x151: {  	v4 =	vld [tilespmem:s24+$0x2600]  }
0x152: {  	v51 =	vld [tilespmem:s24+$0x2610]  }
0x153: {  	v52 =	vld [tilespmem:s24+$0x2680]  }
0x154: {  	v53 =	vld [tilespmem:s24+$0x2690]  }
0x155: {  	v54 =	vld [tilespmem:s24+$0x2620]  }
0x156: {  	v55 =	vld [tilespmem:s24+$0x26A0]  }
0x157: {  	v56 =	vld [tilespmem:s24+$0x2630]  }
0x158: {  	v57 =	vld [tilespmem:s24+$0x26B0];
	v4 =	vmul.f32 v4, v2;
	v5 =	vmul.f32 v51, v3  }
0x159: {  	v2 =	vmul.f32 v52, v2;
	v3 =	vmul.f32 v53, v3  }
0x15a: {  	v58 =	vmul.f32 v54, v1;
	v4 =	vadd.f32 v5, v4  }
0x15b: {  	v1 =	vmul.f32 v55, v1;
	v2 =	vadd.f32 v3, v2  }
0x15c: {  	v60 =	vmul.f32 v56, v0;
	v59 =	vadd.f32 v58, v4  }
0x15d: {  	v0 =	vmul.f32 v57, v0;
	v1 =	vadd.f32 v1, v2  }
0x15e: {  	v61 =	vadd.f32 v60, v59  }
0x15f: {  	v0 =	vadd.f32 v0, v1  }
0x160: {  	(xrf2) =	vadd.scan.msk.f32 $0xffff, v61  }
0x161: {  	(xrf2) =	vadd.scan.msk.f32 $0xffff, v0;
	_ =	sdelay $0x8  }
0x162: {  	p0 =	sne.s32 s22, $0x7;
	v62, _, _ =	vpop (xrf2)  }
.Ltmp0:
0x163: {  	v0 =	vbroadcast v62, $0xF;
	v63, _, _ =	vpop (xrf2);
	(pc) =	sbr.rel @p0 .LBB2_3-.Ltmp0, $4  }
0x164: {  	v1 =	vbroadcast v63, $0xF  }
0x165: {  	v0 =	vnsel vm0, $0x0, v0  }
0x166: {  	v0 =	vsel vm15, v0, v1  }
0x167: {  	s22 =	sadd.s32 $0x1, s22;
	[tilespmem:s23+$0x19E30] =	vst v0  }
0x168: {  	s23 =	sshll.u32 s21, $0x8;
	s22 =	sshll.u32 s21, $0x1  }
0x169: {  	s24 =	simm.s32 $0x0;
	s25 =	sadd.s32 s23, s10;
	s26 =	smin.u32 s22, $0x3D  }
0x16a: {  	[hbm4b:s25+s24] =	stream.linear.scatter [tilespmem:s19], [sflag:$0x3], $0x400, $0x38;
	[tilespmem:$0x1A200] =	vst v63  }
0x16b: {  	s25 =	sshll.u32 s26, $0x3  }
0x16c: {  	s25 =	sadd.s32 $0x10, s25  }
0x16d: {  	s26 =	sadd.s32 s6, s25  }
0x16e: {  	s26 =	smul.u32 $0x32, s26  }
0x16f: {  	_ =	swait.ge [sflag:s13], $0x400  }
0x170: {  	[sflag:s13] =	ssyncset.done $0x0;
	s26 =	sshrl.u32 s26, $0x3  }
0x171: {  	[sflag:s13] =	ssyncadd.s32 $0xFFFFFC00;
	s26 =	sadd.s32 s1, s26  }
0x172: {  	[tilespmem:s14], [sflag:$0x3] =	stream.linear.gather [hbm4b:s26+s24], $0x190, $0x38;
	[tilespmem:$0x1A200] =	vst v63  }
0x173: {  	_ =	swait.ge [sflag:s13], $0x190  }
0x174: {  	[sflag:s13] =	ssyncset.done $0x0  }
0x175: {  	s26 =	simm.s32 $0x600;
	[sflag:s13] =	ssyncadd.s32 $0xFFFFFE70  }
0x176: {  	[tilespmem:s26], [sflag:$0x1] =	stream.indirect.gather [hbm4b:s4+s15], $0x80, s25, s15, $0xb8;
	[tilespmem:$0x1A200] =	vst v63  }
0x177: {  	s26 =	simm.s32 $0xE00  }
0x178: {  	[tilespmem:s26], [sflag:$0x1] =	stream.indirect.gather [hbm4b:s5+s17], $0x80, s14, s17, $0xb8;
	[tilespmem:$0x1A200] =	vst v63  }
0x179: {  	s25 =	simm.s32 $0x250;
	s26 =	simm.s32 $0x3600  }
0x17a: {  	[tilespmem:s26], [sflag:$0x1] =	stream.indirect.gather [hbm4b:s5+s17], $0x80, s25, s17, $0xb8;
	[tilespmem:$0x1A200] =	vst v63  }
0x17b: {  	s25 =	simm.s32 $0x2A0;
	s26 =	simm.s32 $0x5E00  }
0x17c: {  	[tilespmem:s26], [sflag:$0x1] =	stream.indirect.gather [hbm4b:s5+s17], $0x80, s25, s17, $0xb8;
	[tilespmem:$0x1A200] =	vst v63  }
0x17d: {  	s25 =	simm.s32 $0x2F0;
	s26 =	simm.s32 $0x8600  }
0x17e: {  	[tilespmem:s26], [sflag:$0x1] =	stream.indirect.gather [hbm4b:s5+s17], $0x80, s25, s17, $0xb8;
	[tilespmem:$0x1A200] =	vst v63  }
0x17f: {  	s25 =	simm.s32 $0x340;
	s26 =	simm.s32 $0xAE00  }
0x180: {  	[tilespmem:s26], [sflag:$0x1] =	stream.indirect.gather [hbm4b:s5+s17], $0x80, s25, s17, $0xb8;
	[tilespmem:$0x1A200] =	vst v63  }
0x181: {  	_ =	swait.ge [sflag:s20], $0x400  }
0x182: {  	[sflag:s20] =	ssyncset.done $0x0  }
0x183: {  	[sflag:s20] =	ssyncadd.s32 $0xFFFFFC00  }
0x184: {  	_ =	swait.ge [sflag:s20], $0x2800  }
0x185: {  	[sflag:s20] =	ssyncset.done $0x0  }
0x186: {  	[sflag:s20] =	ssyncadd.s32 $0xFFFFD800  }
0x187: {  	_ =	swait.ge [sflag:s20], $0x2800  }
0x188: {  	[sflag:s20] =	ssyncset.done $0x0  }
0x189: {  	[sflag:s20] =	ssyncadd.s32 $0xFFFFD800  }
0x18a: {  	_ =	swait.ge [sflag:s20], $0x2800  }
0x18b: {  	[sflag:s20] =	ssyncset.done $0x0  }
0x18c: {  	[sflag:s20] =	ssyncadd.s32 $0xFFFFD800  }
0x18d: {  	_ =	swait.ge [sflag:s20], $0x2800  }
0x18e: {  	[sflag:s20] =	ssyncset.done $0x0  }
0x18f: {  	[sflag:s20] =	ssyncadd.s32 $0xFFFFD800  }
0x190: {  	_ =	swait.ge [sflag:s20], $0x2800  }
0x191: {  	[sflag:s20] =	ssyncset.done $0x0  }
0x192: {  	[sflag:s20] =	ssyncadd.s32 $0xFFFFD800  }
.LBB2_5:
0x193: {  	s25 =	sshll.u32 s24, $0x7  }
0x194: {  	v2 =	vld [tilespmem:s25+$0xA00]  }
0x195: {  	s26 =	smul.u32 $0x6400, s24;
	v3 =	vld [tilespmem:s25+$0xA10]  }
0x196: {  	v1 =	vld [tilespmem:s25+$0xA20]  }
0x197: {  	v0 =	vld [tilespmem:s25+$0xA30];
	s26 =	sshra.s32 s26, $0x2  }
0x198: {  	v4 =	vld [tilespmem:s26+$0xD600]  }
0x199: {  	v5 =	vld [tilespmem:s26+$0xD610]  }
0x19a: {  	v6 =	vld [tilespmem:s26+$0xD620]  }
0x19b: {  	v7 =	vld [tilespmem:s26+$0xD630]  }
0x19c: {  	v8 =	vld [tilespmem:s26+$0xD680]  }
0x19d: {  	v9 =	vld [tilespmem:s26+$0xD690]  }
0x19e: {  	v10 =	vld [tilespmem:s26+$0xD6A0]  }
0x19f: {  	v11 =	vld [tilespmem:s26+$0xD6B0]  }
0x1a0: {  	v12 =	vld [tilespmem:s26+$0xD700]  }
0x1a1: {  	v13 =	vld [tilespmem:s26+$0xD710]  }
0x1a2: {  	v14 =	vld [tilespmem:s26+$0xD720]  }
0x1a3: {  	v15 =	vld [tilespmem:s26+$0xD730]  }
0x1a4: {  	v16 =	vld [tilespmem:s26+$0xD780]  }
0x1a5: {  	v17 =	vld [tilespmem:s26+$0xD790]  }
0x1a6: {  	v18 =	vld [tilespmem:s26+$0xD7A0]  }
0x1a7: {  	v19 =	vld [tilespmem:s26+$0xD7B0]  }
0x1a8: {  	v20 =	vld [tilespmem:s26+$0xD800]  }
0x1a9: {  	v21 =	vld [tilespmem:s26+$0xD810]  }
0x1aa: {  	v22 =	vld [tilespmem:s26+$0xD820]  }
0x1ab: {  	v23 =	vld [tilespmem:s26+$0xD830]  }
0x1ac: {  	v24 =	vld [tilespmem:s26+$0xD880]  }
0x1ad: {  	v25 =	vld [tilespmem:s26+$0xD890]  }
0x1ae: {  	v26 =	vld [tilespmem:s26+$0xD8A0]  }
0x1af: {  	v27 =	vld [tilespmem:s26+$0xD8B0]  }
0x1b0: {  	v28 =	vld [tilespmem:s26+$0xD900]  }
0x1b1: {  	v29 =	vld [tilespmem:s26+$0xD910]  }
0x1b2: {  	v30 =	vld [tilespmem:s26+$0xD920]  }
0x1b3: {  	v31 =	vld [tilespmem:s26+$0xD930];
	v4 =	vmul.f32 v4, v2;
	v5 =	vmul.f32 v5, v3  }
0x1b4: {  	v32 =	vld [tilespmem:s26+$0xD980];
	v41 =	vmul.f32 v6, v1;
	v8 =	vmul.f32 v8, v2  }
0x1b5: {  	v33 =	vld [tilespmem:s26+$0xD990];
	v9 =	vmul.f32 v9, v3;
	v43 =	vmul.f32 v12, v2  }
0x1b6: {  	v34 =	vld [tilespmem:s26+$0xD9A0];
	v44 =	vmul.f32 v13, v3;
	v7 =	vmul.f32 v7, v0  }
0x1b7: {  	v35 =	vld [tilespmem:s26+$0xD9B0];
	v45 =	vmul.f32 v10, v1;
	v11 =	vmul.f32 v11, v0  }
0x1b8: {  	v42 =	vld [tilespmem:s26+$0xDA00];
	v46 =	vmul.f32 v14, v1;
	v47 =	vmul.f32 v16, v2  }
0x1b9: {  	v36 =	vld [tilespmem:s26+$0xDA10];
	v48 =	vmul.f32 v17, v3;
	v49 =	vmul.f32 v15, v0  }
0x1ba: {  	v53 =	vld [tilespmem:s26+$0xDB00];
	v50 =	vmul.f32 v18, v1;
	v51 =	vmul.f32 v20, v2  }
0x1bb: {  	v56 =	vld [tilespmem:s26+$0xDB10];
	v52 =	vmul.f32 v21, v3;
	v54 =	vmul.f32 v24, v2  }
0x1bc: {  	v61 =	vld [tilespmem:s26+$0xDB80];
	v55 =	vmul.f32 v25, v3;
	v19 =	vmul.f32 v19, v0  }
0x1bd: {  	v63 =	vld [tilespmem:s26+$0xDB90];
	v57 =	vmul.f32 v22, v1;
	v23 =	vmul.f32 v23, v0  }
0x1be: {  	v38 =	vld [tilespmem:s26+$0xDBA0];
	v58 =	vmul.f32 v26, v1;
	v59 =	vmul.f32 v28, v2  }
0x1bf: {  	v13 =	vld [tilespmem:s26+$0xDA20];
	v60 =	vmul.f32 v29, v3;
	v62 =	vmul.f32 v27, v0  }
0x1c0: {  	v10 =	vld [tilespmem:s26+$0xDA30];
	v37 =	vmul.f32 v30, v1;
	v39 =	vmul.f32 v32, v2  }
0x1c1: {  	v14 =	vld [tilespmem:s26+$0xDA80];
	v40 =	vmul.f32 v33, v3;
	v6 =	vmul.f32 v42, v2  }
0x1c2: {  	v17 =	vld [tilespmem:s26+$0xDA90];
	v42 =	vmul.f32 v36, v3;
	v4 =	vadd.f32 v5, v4;
	v8 =	vadd.f32 v9, v8  }
0x1c3: {  	v12 =	vld [tilespmem:s26+$0xDAA0];
	v20 =	vmul.f32 v63, v3;
	v5 =	vadd.f32 v44, v43;
	v9 =	vadd.f32 v48, v47  }
0x1c4: {  	v15 =	vld [tilespmem:s26+$0xDAB0];
	v16 =	vadd.f32 v60, v59;
	v44 =	vmul.f32 v31, v0;
	v6 =	vadd.f32 v42, v6  }
0x1c5: {  	v24 =	vld [tilespmem:s26+$0xDB30];
	v47 =	vmul.f32 v35, v0;
	v4 =	vadd.f32 v41, v4;
	v8 =	vadd.f32 v45, v8  }
0x1c6: {  	v22 =	vld [tilespmem:s26+$0xDB20];
	v5 =	vadd.f32 v46, v5;
	v9 =	vadd.f32 v50, v9;
	v45 =	vmul.f32 v34, v1  }
0x1c7: {  	v36 =	vld [tilespmem:s26+$0xDD80];
	v16 =	vadd.f32 v37, v16;
	v13 =	vmul.f32 v13, v1;
	v14 =	vmul.f32 v14, v2  }
0x1c8: {  	v43 =	vld [tilespmem:s26+$0xDC00];
	v17 =	vmul.f32 v17, v3;
	v10 =	vmul.f32 v10, v0;
	v4 =	vadd.f32 v7, v4  }
0x1c9: {  	v48 =	vld [tilespmem:s26+$0xDC20];
	v12 =	vmul.f32 v12, v1;
	v8 =	vadd.f32 v11, v8;
	v5 =	vadd.f32 v49, v5  }
0x1ca: {  	v59 =	vld [tilespmem:s26+$0xDD00];
	v60 =	vmul.f32 v24, v0;
	v7 =	vadd.f32 v52, v51;
	v11 =	vadd.f32 v55, v54  }
0x1cb: {  	v41 =	vld [tilespmem:s26+$0xDBB0];
	v9 =	vadd.f32 v19, v9;
	v19 =	vadd.f32 v40, v39;
	v52 =	vmul.f32 v53, v2  }
0x1cc: {  	v46 =	vld [tilespmem:s26+$0xDC10];
	v16 =	vadd.f32 v44, v16;
	v53 =	vmul.f32 v56, v3;
	v55 =	vmul.f32 v61, v2  }
0x1cd: {  	v50 =	vld [tilespmem:s26+$0xDC80];
	v61 =	vmul.f32 v38, v1;
	v6 =	vadd.f32 v13, v6;
	v14 =	vadd.f32 v17, v14  }
0x1ce: {  	v49 =	vld [tilespmem:s26+$0xDC30];
	v30 =	vmul.f32 v43, v2;
	v38 =	vmul.f32 v48, v1;
	v7 =	vadd.f32 v57, v7  }
0x1cf: {  	v51 =	vld [tilespmem:s26+$0xDC90];
	v43 =	vmul.f32 v59, v2;
	v11 =	vadd.f32 v58, v11;
	v19 =	vadd.f32 v45, v19  }
0x1d0: {  	v54 =	vld [tilespmem:s26+$0xDCA0];
	(xrf2) =	vadd.scan.msk.f32 $0xffff, v4;
	v57 =	vmul.f32 v15, v0;
	v6 =	vadd.f32 v10, v6;
	v12 =	vadd.f32 v12, v14  }
0x1d1: {  	v58 =	vmul.f32 v22, v1;
	v10 =	vadd.f32 v53, v52;
	(xrf2) =	vadd.scan.msk.f32 $0xffff, v8;
	v11 =	vadd.f32 v62, v11;
	v62 =	vld [tilespmem:s26+$0xDD10]  }
0x1d2: {  	v56 =	vld [tilespmem:s26+$0xDCB0];
	v14 =	vadd.f32 v20, v55;
	v32 =	vmul.f32 v46, v3;
	v7 =	vadd.f32 v23, v7;
	(xrf2) =	vadd.scan.msk.f32 $0xffff, v5  }
0x1d3: {  	v33 =	vld [tilespmem:s26+$0xDD20];
	v35 =	vmul.f32 v41, v0;
	v40 =	vmul.f32 v50, v2;
	v19 =	vadd.f32 v47, v19;
	(xrf2) =	vadd.scan.msk.f32 $0xffff, v9  }
0x1d4: {  	v39 =	vld [tilespmem:s26+$0xDD90];
	v52 =	vmul.f32 v36, v2;
	v63 =	vadd.f32 v58, v10;
	v4 =	vadd.f32 v57, v12;
	(xrf2) =	vadd.scan.msk.f32 $0xffff, v7  }
0x1d5: {  	v42 =	vld [tilespmem:s26+$0xDD30];
	v34 =	vadd.f32 v61, v14;
	v41 =	vmul.f32 v51, v3;
	v46 =	vmul.f32 v49, v0;
	(xrf2) =	vadd.scan.msk.f32 $0xffff, v11  }
0x1d6: {  	v45 =	vld [tilespmem:s26+$0xDDA0];
	v37 =	vadd.f32 v32, v30;
	v47 =	vmul.f32 v54, v1;
	(xrf2) =	vadd.scan.msk.f32 $0xffff, v16;
	v44 =	vmul.f32 v62, v3  }
0x1d7: {  	v48 =	vmul.f32 v56, v0;
	v5 =	vadd.f32 v60, v63;
	v11 =	vadd.f32 v41, v40;
	(xrf2) =	vadd.scan.msk.f32 $0xffff, v19  }
0x1d8: {  	v50 =	vld [tilespmem:s26+$0xDDB0];
	v49 =	vmul.f32 v33, v1;
	v7 =	vadd.f32 v38, v37;
	(xrf2) =	vadd.scan.msk.f32 $0xffff, v6;
	v8 =	vadd.f32 v44, v43  }
0x1d9: {  	v10 =	vmul.f32 v39, v3;
	v9 =	vadd.f32 v35, v34;
	v51 =	vadd.f32 v47, v11;
	(xrf2) =	vadd.scan.msk.f32 $0xffff, v4  }
0x1da: {  	v56 =	vmul.f32 v42, v0;
	v54 =	vadd.f32 v46, v7;
	v53, _, _ =	vpop (xrf2);
	(xrf2) =	vadd.scan.msk.f32 $0xffff, v5;
	v55 =	vadd.f32 v49, v8  }
0x1db: {  	v58 =	vadd.f32 v10, v52;
	v59 =	vmul.f32 v45, v1;
	v4 =	vadd.f32 v48, v51;
	v57, _, _ =	vpop (xrf2);
	(xrf2) =	vadd.scan.msk.f32 $0xffff, v9  }
0x1dc: {  	v60 =	vbroadcast v53, $0xF;
	v61 =	vbroadcast v57, $0xF;
	v62, _, _ =	vpop (xrf2);
	(xrf2) =	vadd.scan.msk.f32 $0xffff, v54;
	v63 =	vadd.f32 v56, v55  }
0x1dd: {  	v16 =	vmul.f32 v50, v0;
	v15 =	vadd.f32 v59, v58;
	v13 =	vbroadcast v62, $0xF;
	v14, _, _ =	vpop (xrf2);
	(xrf2) =	vadd.scan.msk.f32 $0xffff, v4  }
0x1de: {  	v17 =	vsel vm0, v60, v61;
	v8 =	vbroadcast v14, $0xF;
	v18, _, _ =	vpop (xrf2);
	(xrf2) =	vadd.scan.msk.f32 $0xffff, v63  }
0x1df: {  	v4 =	vadd.f32 v16, v15;
	v19 =	vsel vm1, v17, v13;
	v20 =	vbroadcast v18, $0xF;
	v21, _, _ =	vpop (xrf2)  }
0x1e0: {  	v5 =	vsel vm2, v19, v8;
	v22 =	vbroadcast v21, $0xF;
	v23, _, _ =	vpop (xrf2)  }
0x1e1: {  	(xrf2) =	vadd.scan.msk.f32 $0xffff, v4;
	v5 =	vsel vm3, v5, v20;
	v24 =	vbroadcast v23, $0xF;
	v25, _, _ =	vpop (xrf2)  }
0x1e2: {  	v26 =	vsel vm4, v5, v22;
	v27 =	vbroadcast v25, $0xF;
	v28, _, _ =	vpop (xrf2)  }
0x1e3: {  	v4 =	vsel vm5, v26, v24;
	v6 =	vbroadcast v28, $0xF;
	v29, _, _ =	vpop (xrf2)  }
0x1e4: {  	v4 =	vsel vm6, v4, v27;
	v30 =	vbroadcast v29, $0xF;
	v31, _, _ =	vpop (xrf2)  }
0x1e5: {  	v4 =	vsel vm7, v4, v6;
	v32 =	vbroadcast v31, $0xF;
	v33, _, _ =	vpop (xrf2)  }
0x1e6: {  	v4 =	vsel vm8, v4, v30;
	v34 =	vbroadcast v33, $0xF;
	v35, _, _ =	vpop (xrf2)  }
0x1e7: {  	v4 =	vsel vm9, v4, v32;
	v36 =	vbroadcast v35, $0xF;
	v37, _, _ =	vpop (xrf2)  }
0x1e8: {  	v4 =	vsel vm10, v4, v34;
	v38 =	vbroadcast v37, $0xF;
	v39, _, _ =	vpop (xrf2)  }
0x1e9: {  	v4 =	vsel vm11, v4, v36;
	v40 =	vbroadcast v39, $0xF  }
0x1ea: {  	v4 =	vsel vm12, v4, v38  }
0x1eb: {  	v41, _, _ =	vpop (xrf2);
	v4 =	vsel vm13, v4, v40  }
0x1ec: {  	v4 =	vsel vm14, v4, v41  }
0x1ed: {  	[tilespmem:s25+$0x19E00] =	vst v4  }
0x1ee: {  	v4 =	vld [tilespmem:s26+$0xDE00]  }
0x1ef: {  	v42 =	vld [tilespmem:s26+$0xDE10]  }
0x1f0: {  	v43 =	vld [tilespmem:s26+$0xDE20]  }
0x1f1: {  	v7 =	vld [tilespmem:s26+$0xDE30]  }
0x1f2: {  	v44 =	vld [tilespmem:s26+$0xDE80]  }
0x1f3: {  	v45 =	vld [tilespmem:s26+$0xDE90]  }
0x1f4: {  	v46 =	vld [tilespmem:s26+$0xDEA0]  }
0x1f5: {  	v47 =	vld [tilespmem:s26+$0xDEB0]  }
0x1f6: {  	v48 =	vld [tilespmem:s26+$0xDF00]  }
0x1f7: {  	v49 =	vld [tilespmem:s26+$0xDF10]  }
0x1f8: {  	v50 =	vld [tilespmem:s26+$0xDF20]  }
0x1f9: {  	v51 =	vld [tilespmem:s26+$0xDF30]  }
0x1fa: {  	v52 =	vld [tilespmem:s26+$0xDF80]  }
0x1fb: {  	v53 =	vld [tilespmem:s26+$0xDF90]  }
0x1fc: {  	v54 =	vld [tilespmem:s26+$0xDFA0]  }
0x1fd: {  	v19 =	vld [tilespmem:s26+$0xDFB0]  }
0x1fe: {  	v55 =	vld [tilespmem:s26+$0xE000]  }
0x1ff: {  	v56 =	vld [tilespmem:s26+$0xE010]  }
0x200: {  	v57 =	vld [tilespmem:s26+$0xE020]  }
0x201: {  	v58 =	vld [tilespmem:s26+$0xE030]  }
0x202: {  	v59 =	vld [tilespmem:s26+$0xE080]  }
0x203: {  	v60 =	vld [tilespmem:s26+$0xE090]  }
0x204: {  	v61 =	vld [tilespmem:s26+$0xE0A0]  }
0x205: {  	v27 =	vld [tilespmem:s26+$0xE0B0]  }
0x206: {  	v62 =	vld [tilespmem:s26+$0xE100]  }
0x207: {  	v63 =	vld [tilespmem:s26+$0xE110]  }
0x208: {  	v30 =	vld [tilespmem:s26+$0xE120]  }
0x209: {  	v31 =	vld [tilespmem:s26+$0xE130];
	v4 =	vmul.f32 v4, v2;
	v5 =	vmul.f32 v42, v3  }
0x20a: {  	v32 =	vld [tilespmem:s26+$0xE180];
	v41 =	vmul.f32 v43, v1;
	v8 =	vmul.f32 v44, v2  }
0x20b: {  	v40 =	vld [tilespmem:s26+$0xE190];
	v9 =	vmul.f32 v45, v3;
	v43 =	vmul.f32 v48, v2  }
0x20c: {  	v34 =	vld [tilespmem:s26+$0xE1A0];
	v44 =	vmul.f32 v49, v3;
	v7 =	vmul.f32 v7, v0  }
0x20d: {  	v35 =	vld [tilespmem:s26+$0xE1B0];
	v45 =	vmul.f32 v46, v1;
	v11 =	vmul.f32 v47, v0  }
0x20e: {  	v6 =	vld [tilespmem:s26+$0xE200];
	v46 =	vmul.f32 v50, v1;
	v47 =	vmul.f32 v52, v2  }
0x20f: {  	v13 =	vld [tilespmem:s26+$0xE220];
	v48 =	vmul.f32 v53, v3;
	v49 =	vmul.f32 v51, v0  }
0x210: {  	v10 =	vld [tilespmem:s26+$0xE230];
	v50 =	vmul.f32 v54, v1;
	v51 =	vmul.f32 v55, v2  }
0x211: {  	v14 =	vld [tilespmem:s26+$0xE280];
	v52 =	vmul.f32 v56, v3;
	v54 =	vmul.f32 v59, v2  }
0x212: {  	v17 =	vld [tilespmem:s26+$0xE290];
	v55 =	vmul.f32 v60, v3;
	v19 =	vmul.f32 v19, v0  }
0x213: {  	v12 =	vld [tilespmem:s26+$0xE2A0];
	v57 =	vmul.f32 v57, v1;
	v23 =	vmul.f32 v58, v0  }
0x214: {  	v15 =	vld [tilespmem:s26+$0xE2B0];
	v58 =	vmul.f32 v61, v1;
	v59 =	vmul.f32 v62, v2  }
0x215: {  	v22 =	vld [tilespmem:s26+$0xE320];
	v60 =	vmul.f32 v63, v3;
	v62 =	vmul.f32 v27, v0  }
0x216: {  	v24 =	vld [tilespmem:s26+$0xE330];
	v37 =	vmul.f32 v30, v1;
	v39 =	vmul.f32 v32, v2  }
0x217: {  	v38 =	vld [tilespmem:s26+$0xE3A0];
	v40 =	vmul.f32 v40, v3;
	v6 =	vmul.f32 v6, v2  }
0x218: {  	v42 =	vld [tilespmem:s26+$0xE210];
	v13 =	vmul.f32 v13, v1;
	v14 =	vmul.f32 v14, v2;
	v4 =	vadd.f32 v5, v4  }
0x219: {  	v53 =	vld [tilespmem:s26+$0xE300];
	v17 =	vmul.f32 v17, v3;
	v8 =	vadd.f32 v9, v8;
	v5 =	vadd.f32 v44, v43  }
0x21a: {  	v56 =	vld [tilespmem:s26+$0xE310];
	v10 =	vmul.f32 v10, v0;
	v9 =	vadd.f32 v48, v47;
	v16 =	vadd.f32 v60, v59  }
0x21b: {  	v61 =	vld [tilespmem:s26+$0xE380];
	v12 =	vmul.f32 v12, v1;
	v14 =	vadd.f32 v17, v14;
	v4 =	vadd.f32 v41, v4  }
0x21c: {  	v63 =	vld [tilespmem:s26+$0xE390];
	v44 =	vmul.f32 v31, v0;
	v8 =	vadd.f32 v45, v8;
	v5 =	vadd.f32 v46, v5  }
0x21d: {  	v43 =	vld [tilespmem:s26+$0xE400];
	v47 =	vmul.f32 v35, v0;
	v9 =	vadd.f32 v50, v9;
	v16 =	vadd.f32 v37, v16  }
0x21e: {  	v48 =	vld [tilespmem:s26+$0xE420];
	v60 =	vmul.f32 v24, v0;
	v12 =	vadd.f32 v12, v14;
	v4 =	vadd.f32 v7, v4  }
0x21f: {  	v59 =	vld [tilespmem:s26+$0xE500];
	v45 =	vmul.f32 v34, v1;
	v8 =	vadd.f32 v11, v8;
	v5 =	vadd.f32 v49, v5  }
0x220: {  	v31 =	vld [tilespmem:s26+$0xE520];
	v42 =	vmul.f32 v42, v3;
	v7 =	vadd.f32 v52, v51;
	v11 =	vadd.f32 v55, v54  }
0x221: {  	v41 =	vld [tilespmem:s26+$0xE3B0];
	v20 =	vmul.f32 v63, v3;
	v9 =	vadd.f32 v19, v9;
	v19 =	vadd.f32 v40, v39  }
0x222: {  	v46 =	vld [tilespmem:s26+$0xE410];
	v16 =	vadd.f32 v44, v16;
	v52 =	vmul.f32 v53, v2;
	v53 =	vmul.f32 v56, v3  }
0x223: {  	v50 =	vld [tilespmem:s26+$0xE480];
	v55 =	vmul.f32 v61, v2;
	v61 =	vmul.f32 v38, v1;
	v6 =	vadd.f32 v42, v6  }
0x224: {  	v34 =	vld [tilespmem:s26+$0xE580];
	v29 =	vmul.f32 v43, v2;
	v36 =	vmul.f32 v48, v1;
	v7 =	vadd.f32 v57, v7  }
0x225: {  	v49 =	vld [tilespmem:s26+$0xE430];
	v11 =	vadd.f32 v58, v11;
	v19 =	vadd.f32 v45, v19;
	v57 =	vmul.f32 v15, v0  }
0x226: {  	v51 =	vld [tilespmem:s26+$0xE490];
	(xrf2) =	vadd.scan.msk.f32 $0xffff, v4;
	v58 =	vmul.f32 v22, v1;
	v14 =	vadd.f32 v20, v55;
	v6 =	vadd.f32 v13, v6  }
0x227: {  	(xrf2) =	vadd.scan.msk.f32 $0xffff, v8;
	v30 =	vmul.f32 v46, v3;
	v33 =	vmul.f32 v41, v0;
	v11 =	vadd.f32 v62, v11;
	v62 =	vld [tilespmem:s26+$0xE510]  }
0x228: {  	v54 =	vld [tilespmem:s26+$0xE4A0];
	v38 =	vmul.f32 v50, v2;
	v7 =	vadd.f32 v23, v7;
	v19 =	vadd.f32 v47, v19;
	(xrf2) =	vadd.scan.msk.f32 $0xffff, v5  }
0x229: {  	v56 =	vld [tilespmem:s26+$0xE4B0];
	v41 =	vmul.f32 v59, v2;
	v4 =	vadd.f32 v57, v12;
	v32 =	vadd.f32 v61, v14;
	(xrf2) =	vadd.scan.msk.f32 $0xffff, v9  }
0x22a: {  	v37 =	vld [tilespmem:s26+$0xE590];
	v50 =	vmul.f32 v34, v2;
	v6 =	vadd.f32 v10, v6;
	v10 =	vadd.f32 v53, v52;
	(xrf2) =	vadd.scan.msk.f32 $0xffff, v7  }
0x22b: {  	v40 =	vld [tilespmem:s26+$0xE530];
	v47 =	vmul.f32 v31, v1;
	v35 =	vadd.f32 v30, v29;
	v39 =	vmul.f32 v51, v3;
	(xrf2) =	vadd.scan.msk.f32 $0xffff, v11  }
0x22c: {  	v43 =	vld [tilespmem:s26+$0xE5A0];
	v44 =	vmul.f32 v49, v0;
	v63 =	vadd.f32 v58, v10;
	(xrf2) =	vadd.scan.msk.f32 $0xffff, v16;
	v42 =	vmul.f32 v62, v3  }
0x22d: {  	v45 =	vmul.f32 v54, v1;
	v7 =	vadd.f32 v36, v35;
	v11 =	vadd.f32 v39, v38;
	(xrf2) =	vadd.scan.msk.f32 $0xffff, v19  }
0x22e: {  	v48 =	vld [tilespmem:s26+$0xE5B0];
	v46 =	vmul.f32 v56, v0;
	v5 =	vadd.f32 v60, v63;
	(xrf2) =	vadd.scan.msk.f32 $0xffff, v6;
	v8 =	vadd.f32 v42, v41  }
0x22f: {  	v9 =	vadd.f32 v33, v32;
	v10 =	vmul.f32 v37, v3;
	v49 =	vadd.f32 v45, v11;
	(xrf2) =	vadd.scan.msk.f32 $0xffff, v4  }
0x230: {  	v54 =	vmul.f32 v40, v0;
	v52 =	vadd.f32 v44, v7;
	v51, _, _ =	vpop (xrf2);
	(xrf2) =	vadd.scan.msk.f32 $0xffff, v5;
	v53 =	vadd.f32 v47, v8  }
0x231: {  	v57 =	vmul.f32 v43, v1;
	v56 =	vadd.f32 v10, v50;
	v4 =	vadd.f32 v46, v49;
	v55, _, _ =	vpop (xrf2);
	(xrf2) =	vadd.scan.msk.f32 $0xffff, v9  }
0x232: {  	v58 =	vbroadcast v51, $0xF;
	v59 =	vbroadcast v55, $0xF;
	v60, _, _ =	vpop (xrf2);
	(xrf2) =	vadd.scan.msk.f32 $0xffff, v52;
	v61 =	vadd.f32 v54, v53  }
0x233: {  	v13 =	vmul.f32 v48, v0;
	v12 =	vadd.f32 v57, v56;
	v62 =	vbroadcast v60, $0xF;
	v63, _, _ =	vpop (xrf2);
	(xrf2) =	vadd.scan.msk.f32 $0xffff, v4  }
0x234: {  	v14 =	vsel vm0, v58, v59;
	v8 =	vbroadcast v63, $0xF;
	v15, _, _ =	vpop (xrf2);
	(xrf2) =	vadd.scan.msk.f32 $0xffff, v61  }
0x235: {  	v4 =	vadd.f32 v13, v12;
	v16 =	vsel vm1, v14, v62;
	v17 =	vbroadcast v15, $0xF;
	v18, _, _ =	vpop (xrf2)  }
0x236: {  	v5 =	vsel vm2, v16, v8;
	v19 =	vbroadcast v18, $0xF;
	v20, _, _ =	vpop (xrf2)  }
0x237: {  	v5 =	vsel vm3, v5, v17;
	v21 =	vbroadcast v20, $0xF;
	v22, _, _ =	vpop (xrf2);
	(xrf2) =	vadd.scan.msk.f32 $0xffff, v4  }
0x238: {  	v23 =	vsel vm4, v5, v19;
	v24 =	vbroadcast v22, $0xF;
	v25, _, _ =	vpop (xrf2)  }
0x239: {  	v4 =	vsel vm5, v23, v21;
	v6 =	vbroadcast v25, $0xF;
	v26, _, _ =	vpop (xrf2)  }
0x23a: {  	v4 =	vsel vm6, v4, v24;
	v27 =	vbroadcast v26, $0xF;
	v28, _, _ =	vpop (xrf2)  }
0x23b: {  	v4 =	vsel vm7, v4, v6;
	v29 =	vbroadcast v28, $0xF;
	v30, _, _ =	vpop (xrf2)  }
0x23c: {  	v4 =	vsel vm8, v4, v27;
	v31 =	vbroadcast v30, $0xF;
	v32, _, _ =	vpop (xrf2)  }
0x23d: {  	v4 =	vsel vm9, v4, v29;
	v33 =	vbroadcast v32, $0xF;
	v34, _, _ =	vpop (xrf2)  }
0x23e: {  	v4 =	vsel vm10, v4, v31;
	v35 =	vbroadcast v34, $0xF;
	v36, _, _ =	vpop (xrf2)  }
0x23f: {  	v4 =	vsel vm11, v4, v33;
	v37 =	vbroadcast v36, $0xF  }
0x240: {  	v4 =	vsel vm12, v4, v35  }
0x241: {  	v38, _, _ =	vpop (xrf2);
	v4 =	vsel vm13, v4, v37  }
0x242: {  	v4 =	vsel vm14, v4, v38  }
0x243: {  	[tilespmem:s25+$0x19E10] =	vst v4  }
0x244: {  	v4 =	vld [tilespmem:s26+$0xE600]  }
0x245: {  	v39 =	vld [tilespmem:s26+$0xE610]  }
0x246: {  	v50 =	vld [tilespmem:s26+$0xE620]  }
0x247: {  	v7 =	vld [tilespmem:s26+$0xE630]  }
0x248: {  	v51 =	vld [tilespmem:s26+$0xE680]  }
0x249: {  	v52 =	vld [tilespmem:s26+$0xE690]  }
0x24a: {  	v53 =	vld [tilespmem:s26+$0xE6A0]  }
0x24b: {  	v54 =	vld [tilespmem:s26+$0xE6B0]  }
0x24c: {  	v55 =	vld [tilespmem:s26+$0xE700]  }
0x24d: {  	v56 =	vld [tilespmem:s26+$0xE710]  }
0x24e: {  	v57 =	vld [tilespmem:s26+$0xE720]  }
0x24f: {  	v58 =	vld [tilespmem:s26+$0xE730]  }
0x250: {  	v59 =	vld [tilespmem:s26+$0xE780]  }
0x251: {  	v60 =	vld [tilespmem:s26+$0xE790]  }
0x252: {  	v61 =	vld [tilespmem:s26+$0xE7A0]  }
0x253: {  	v19 =	vld [tilespmem:s26+$0xE7B0]  }
0x254: {  	v62 =	vld [tilespmem:s26+$0xE800]  }
0x255: {  	v63 =	vld [tilespmem:s26+$0xE810]  }
0x256: {  	v22 =	vld [tilespmem:s26+$0xE820]  }
0x257: {  	v40 =	vld [tilespmem:s26+$0xE830]  }
0x258: {  	v41 =	vld [tilespmem:s26+$0xE880]  }
0x259: {  	v42 =	vld [tilespmem:s26+$0xE890]  }
0x25a: {  	v43 =	vld [tilespmem:s26+$0xE8A0]  }
0x25b: {  	v44 =	vld [tilespmem:s26+$0xE8B0]  }
0x25c: {  	v45 =	vld [tilespmem:s26+$0xE900]  }
0x25d: {  	v46 =	vld [tilespmem:s26+$0xE910]  }
0x25e: {  	v47 =	vld [tilespmem:s26+$0xE920];
	v4 =	vmul.f32 v4, v2  }
0x25f: {  	v31 =	vld [tilespmem:s26+$0xE930];
	v5 =	vmul.f32 v39, v3;
	v50 =	vmul.f32 v50, v1  }
0x260: {  	v48 =	vld [tilespmem:s26+$0xE980];
	v8 =	vmul.f32 v51, v2;
	v9 =	vmul.f32 v52, v3  }
0x261: {  	v49 =	vld [tilespmem:s26+$0xE990];
	v51 =	vmul.f32 v55, v2;
	v52 =	vmul.f32 v56, v3  }
0x262: {  	v34 =	vld [tilespmem:s26+$0xE9A0];
	v7 =	vmul.f32 v7, v0;
	v53 =	vmul.f32 v53, v1  }
0x263: {  	v35 =	vld [tilespmem:s26+$0xE9B0];
	v11 =	vmul.f32 v54, v0;
	v54 =	vmul.f32 v57, v1  }
0x264: {  	v6 =	vld [tilespmem:s26+$0xEA00];
	v55 =	vmul.f32 v59, v2;
	v56 =	vmul.f32 v60, v3  }
0x265: {  	v36 =	vld [tilespmem:s26+$0xEA10];
	v57 =	vmul.f32 v58, v0;
	v58 =	vmul.f32 v61, v1  }
0x266: {  	v13 =	vld [tilespmem:s26+$0xEA20];
	v59 =	vmul.f32 v62, v2;
	v60 =	vmul.f32 v63, v3  }
0x267: {  	v10 =	vld [tilespmem:s26+$0xEA30];
	v61 =	vmul.f32 v41, v2;
	v62 =	vmul.f32 v42, v3  }
0x268: {  	v14 =	vld [tilespmem:s26+$0xEA80];
	v19 =	vmul.f32 v19, v0;
	v37 =	vmul.f32 v22, v1  }
0x269: {  	v17 =	vld [tilespmem:s26+$0xEA90];
	v23 =	vmul.f32 v40, v0;
	v39 =	vmul.f32 v43, v1  }
0x26a: {  	v12 =	vld [tilespmem:s26+$0xEAA0];
	v41 =	vmul.f32 v45, v2;
	v42 =	vmul.f32 v46, v3  }
0x26b: {  	v15 =	vld [tilespmem:s26+$0xEAB0];
	v44 =	vmul.f32 v44, v0;
	v46 =	vmul.f32 v47, v1  }
0x26c: {  	v18 =	vld [tilespmem:s26+$0xEB00];
	v48 =	vmul.f32 v48, v2;
	v49 =	vmul.f32 v49, v3  }
0x26d: {  	v38 =	vld [tilespmem:s26+$0xEB20];
	v6 =	vmul.f32 v6, v2;
	v13 =	vmul.f32 v13, v1  }
0x26e: {  	v63 =	vld [tilespmem:s26+$0xEB10];
	v14 =	vmul.f32 v14, v2;
	v17 =	vmul.f32 v17, v3  }
0x26f: {  	v40 =	vld [tilespmem:s26+$0xEB30];
	v10 =	vmul.f32 v10, v0;
	v4 =	vadd.f32 v5, v4;
	v8 =	vadd.f32 v9, v8  }
0x270: {  	v43 =	vld [tilespmem:s26+$0xEB80];
	v12 =	vmul.f32 v12, v1;
	v5 =	vadd.f32 v52, v51;
	v9 =	vadd.f32 v56, v55  }
0x271: {  	v45 =	vld [tilespmem:s26+$0xEB90];
	v33 =	vmul.f32 v15, v0;
	v16 =	vadd.f32 v42, v41;
	v14 =	vadd.f32 v17, v14  }
0x272: {  	v47 =	vld [tilespmem:s26+$0xEBA0];
	v51 =	vmul.f32 v36, v3;
	v4 =	vadd.f32 v50, v4;
	v8 =	vadd.f32 v53, v8  }
0x273: {  	v52 =	vld [tilespmem:s26+$0xEC00];
	v56 =	vmul.f32 v35, v0;
	v5 =	vadd.f32 v54, v5;
	v9 =	vadd.f32 v58, v9  }
0x274: {  	v55 =	vld [tilespmem:s26+$0xEC10];
	v16 =	vadd.f32 v46, v16;
	v53 =	vmul.f32 v31, v0;
	v6 =	vadd.f32 v51, v6  }
0x275: {  	v35 =	vld [tilespmem:s26+$0xED00];
	v54 =	vmul.f32 v34, v1;
	v12 =	vadd.f32 v12, v14;
	v4 =	vadd.f32 v7, v4  }
0x276: {  	v42 =	vld [tilespmem:s26+$0xED20];
	v34 =	vmul.f32 v38, v1;
	v8 =	vadd.f32 v11, v8;
	v5 =	vadd.f32 v57, v5  }
0x277: {  	v50 =	vld [tilespmem:s26+$0xEBB0];
	v30 =	vmul.f32 v43, v2;
	v7 =	vadd.f32 v60, v59;
	v11 =	vadd.f32 v62, v61  }
0x278: {  	v58 =	vld [tilespmem:s26+$0xEC30];
	v20 =	vmul.f32 v45, v3;
	v9 =	vadd.f32 v19, v9;
	v19 =	vadd.f32 v49, v48  }
0x279: {  	v38 =	vld [tilespmem:s26+$0xED10];
	v36 =	vmul.f32 v40, v0;
	v16 =	vadd.f32 v53, v16;
	v6 =	vadd.f32 v13, v6  }
0x27a: {  	v45 =	vld [tilespmem:s26+$0xED80];
	v61 =	vmul.f32 v18, v2;
	v62 =	vmul.f32 v63, v3;
	v14 =	vadd.f32 v20, v30  }
0x27b: {  	v59 =	vld [tilespmem:s26+$0xEC80];
	v40 =	vmul.f32 v52, v2;
	v7 =	vadd.f32 v37, v7;
	v11 =	vadd.f32 v39, v11  }
0x27c: {  	v60 =	vld [tilespmem:s26+$0xEC90];
	v41 =	vmul.f32 v55, v3;
	v19 =	vadd.f32 v54, v19;
	v6 =	vadd.f32 v10, v6;
	(xrf2) =	vadd.scan.msk.f32 $0xffff, v4  }
0x27d: {  	v57 =	vld [tilespmem:s26+$0xEC20];
	v52 =	vmul.f32 v35, v2;
	v10 =	vadd.f32 v62, v61;
	v4 =	vadd.f32 v33, v12;
	(xrf2) =	vadd.scan.msk.f32 $0xffff, v8  }
0x27e: {  	v63 =	vld [tilespmem:s26+$0xECA0];
	v37 =	vmul.f32 v47, v1;
	v46 =	vadd.f32 v41, v40;
	v7 =	vadd.f32 v23, v7;
	(xrf2) =	vadd.scan.msk.f32 $0xffff, v5  }
0x27f: {  	v32 =	vld [tilespmem:s26+$0xECB0];
	v53 =	vmul.f32 v38, v3;
	v55 =	vmul.f32 v58, v0;
	v11 =	vadd.f32 v44, v11;
	(xrf2) =	vadd.scan.msk.f32 $0xffff, v9  }
0x280: {  	v48 =	vld [tilespmem:s26+$0xED90];
	v58 =	vmul.f32 v42, v1;
	v19 =	vadd.f32 v56, v19;
	v44 =	vmul.f32 v50, v0;
	(xrf2) =	vadd.scan.msk.f32 $0xffff, v7  }
0x281: {  	v51 =	vld [tilespmem:s26+$0xED30];
	v39 =	vadd.f32 v34, v10;
	v49 =	vmul.f32 v59, v2;
	v50 =	vmul.f32 v60, v3;
	(xrf2) =	vadd.scan.msk.f32 $0xffff, v11  }
0x282: {  	v54 =	vld [tilespmem:s26+$0xEDA0];
	v43 =	vadd.f32 v37, v14;
	v61 =	vmul.f32 v45, v2;
	v47 =	vmul.f32 v57, v1;
	(xrf2) =	vadd.scan.msk.f32 $0xffff, v16  }
0x283: {  	v56 =	vmul.f32 v63, v1;
	v8 =	vadd.f32 v53, v52;
	v11 =	vadd.f32 v50, v49;
	(xrf2) =	vadd.scan.msk.f32 $0xffff, v19  }
0x284: {  	v57 =	vmul.f32 v32, v0;
	v59 =	vld [tilespmem:s26+$0xEDB0];
	v5 =	vadd.f32 v36, v39;
	v7 =	vadd.f32 v47, v46;
	(xrf2) =	vadd.scan.msk.f32 $0xffff, v6  }
0x285: {  	v10 =	vmul.f32 v48, v3;
	v9 =	vadd.f32 v44, v43;
	v60 =	vadd.f32 v56, v11;
	(xrf2) =	vadd.scan.msk.f32 $0xffff, v4  }
0x286: {  	v17 =	vadd.f32 v58, v8;
	v63 =	vadd.f32 v55, v7;
	v19 =	vmul.f32 v51, v0;
	v62, _, _ =	vpop (xrf2);
	(xrf2) =	vadd.scan.msk.f32 $0xffff, v5  }
0x287: {  	v21 =	vadd.f32 v10, v61;
	v22 =	vmul.f32 v54, v1;
	v4 =	vadd.f32 v57, v60;
	v20, _, _ =	vpop (xrf2);
	(xrf2) =	vadd.scan.msk.f32 $0xffff, v9  }
0x288: {  	v7 =	vadd.f32 v19, v17;
	v24 =	vbroadcast v62, $0xF;
	v23, _, _ =	vpop (xrf2);
	(xrf2) =	vadd.scan.msk.f32 $0xffff, v63;
	v25 =	vbroadcast v20, $0xF  }
0x289: {  	v6 =	vadd.f32 v22, v21;
	v28 =	vmul.f32 v59, v0;
	v26, _, _ =	vpop (xrf2);
	(xrf2) =	vadd.scan.msk.f32 $0xffff, v4;
	v27 =	vbroadcast v23, $0xF  }
0x28a: {  	v5 =	vsel vm0, v24, v25;
	v8 =	vbroadcast v26, $0xF;
	v29, _, _ =	vpop (xrf2);
	(xrf2) =	vadd.scan.msk.f32 $0xffff, v7  }
0x28b: {  	v6 =	vadd.f32 v28, v6;
	v30, _, _ =	vpop (xrf2);
	v4 =	vsel vm1, v5, v27;
	v31 =	vbroadcast v29, $0xF  }
0x28c: {  	v32, _, _ =	vpop (xrf2);
	v4 =	vsel vm2, v4, v8;
	v7 =	vbroadcast v30, $0xF  }
0x28d: {  	(xrf2) =	vadd.scan.msk.f32 $0xffff, v6;
	v4 =	vsel vm3, v4, v31;
	v33 =	vbroadcast v32, $0xF;
	v34, _, _ =	vpop (xrf2)  }
0x28e: {  	v35, _, _ =	vpop (xrf2);
	v4 =	vsel vm4, v4, v7;
	v36 =	vbroadcast v34, $0xF  }
0x28f: {  	v37, _, _ =	vpop (xrf2);
	v4 =	vsel vm5, v4, v33;
	v38 =	vbroadcast v35, $0xF  }
0x290: {  	v39, _, _ =	vpop (xrf2);
	v4 =	vsel vm6, v4, v36;
	v40 =	vbroadcast v37, $0xF  }
0x291: {  	v41, _, _ =	vpop (xrf2);
	v4 =	vsel vm7, v4, v38;
	v42 =	vbroadcast v39, $0xF  }
0x292: {  	v43, _, _ =	vpop (xrf2);
	v4 =	vsel vm8, v4, v40;
	v44 =	vbroadcast v41, $0xF  }
0x293: {  	v45, _, _ =	vpop (xrf2);
	v4 =	vsel vm9, v4, v42;
	v46 =	vbroadcast v43, $0xF  }
0x294: {  	v4 =	vsel vm10, v4, v44;
	v47 =	vbroadcast v45, $0xF;
	v48, _, _ =	vpop (xrf2)  }
0x295: {  	v4 =	vsel vm11, v4, v46;
	v49 =	vbroadcast v48, $0xF  }
0x296: {  	v4 =	vsel vm12, v4, v47  }
0x297: {  	v50, _, _ =	vpop (xrf2);
	v4 =	vsel vm13, v4, v49  }
0x298: {  	v4 =	vsel vm14, v4, v50  }
0x299: {  	[tilespmem:s25+$0x19E20] =	vst v4  }
0x29a: {  	v4 =	vld [tilespmem:s26+$0xEE00]  }
0x29b: {  	v51 =	vld [tilespmem:s26+$0xEE10]  }
0x29c: {  	v52 =	vld [tilespmem:s26+$0xEE80]  }
0x29d: {  	v53 =	vld [tilespmem:s26+$0xEE90]  }
0x29e: {  	v54 =	vld [tilespmem:s26+$0xEE20]  }
0x29f: {  	v55 =	vld [tilespmem:s26+$0xEEA0]  }
0x2a0: {  	v56 =	vld [tilespmem:s26+$0xEE30]  }
0x2a1: {  	v57 =	vld [tilespmem:s26+$0xEEB0];
	v4 =	vmul.f32 v4, v2;
	v5 =	vmul.f32 v51, v3  }
0x2a2: {  	v2 =	vmul.f32 v52, v2;
	v3 =	vmul.f32 v53, v3  }
0x2a3: {  	v58 =	vmul.f32 v54, v1;
	v4 =	vadd.f32 v5, v4  }
0x2a4: {  	v1 =	vmul.f32 v55, v1;
	v2 =	vadd.f32 v3, v2  }
0x2a5: {  	v60 =	vmul.f32 v56, v0;
	v59 =	vadd.f32 v58, v4  }
0x2a6: {  	v0 =	vmul.f32 v57, v0;
	v1 =	vadd.f32 v1, v2  }
0x2a7: {  	v61 =	vadd.f32 v60, v59  }
0x2a8: {  	v0 =	vadd.f32 v0, v1  }
0x2a9: {  	(xrf2) =	vadd.scan.msk.f32 $0xffff, v61  }
0x2aa: {  	(xrf2) =	vadd.scan.msk.f32 $0xffff, v0;
	_ =	sdelay $0x8  }
0x2ab: {  	p0 =	sne.s32 s24, $0x7;
	v62, _, _ =	vpop (xrf2)  }
.Ltmp1:
0x2ac: {  	v0 =	vbroadcast v62, $0xF;
	v63, _, _ =	vpop (xrf2);
	(pc) =	sbr.rel @p0 .LBB2_5-.Ltmp1, $4  }
0x2ad: {  	v1 =	vbroadcast v63, $0xF  }
0x2ae: {  	v0 =	vnsel vm0, $0x0, v0  }
0x2af: {  	v0 =	vsel vm15, v0, v1  }
0x2b0: {  	s24 =	sadd.s32 $0x1, s24;
	[tilespmem:s25+$0x19E30] =	vst v0  }
0x2b1: {  	s23 =	sadd.s32 s12, s23;
	s22 =	smin.u32 s22, $0x3C  }
0x2b2: {  	[hbm4b:s23+s3] =	stream.linear.scatter [tilespmem:s19], [sflag:$0x3], $0x400, $0x38;
	[tilespmem:$0x1A200] =	vst v63  }
0x2b3: {  	s22 =	sshll.u32 s22, $0x3  }
0x2b4: {  	s22 =	sadd.s32 $0x18, s22  }
0x2b5: {  	s26 =	sadd.s32 s6, s22  }
0x2b6: {  	s23 =	smul.u32 $0x32, s26  }
0x2b7: {  	_ =	swait.ge [sflag:s13], $0x400  }
0x2b8: {  	[sflag:s13] =	ssyncset.done $0x0;
	s23 =	sshrl.u32 s23, $0x3  }
0x2b9: {  	[sflag:s13] =	ssyncadd.s32 $0xFFFFFC00;
	s23 =	sadd.s32 s1, s23  }
0x2ba: {  	[tilespmem:s28], [sflag:$0x3] =	stream.linear.gather [hbm4b:s23+s3], $0x190, $0x38;
	[tilespmem:$0x1A200] =	vst v63  }
0x2bb: {  	_ =	swait.ge [sflag:s13], $0x190  }
0x2bc: {  	[sflag:s13] =	ssyncset.done $0x0  }
0x2bd: {  	[sflag:s13] =	ssyncadd.s32 $0xFFFFFE70  }
0x2be: {  	[tilespmem:s29], [sflag:$0x2] =	stream.indirect.gather [hbm4b:s4+s15], $0x80, s22, s15, $0xb8;
	[tilespmem:$0x1A200] =	vst v63  }
0x2bf: {  	_ = 	snop  }
0x2c0: {  	[tilespmem:s30], [sflag:$0x2] =	stream.indirect.gather [hbm4b:s5+s17], $0x80, s28, s17, $0xb8;
	[tilespmem:$0x1A200] =	vst v63  }
0x2c1: {  	s21 =	sadd.s32 $0x1, s21  }
0x2c2: {  	[tilespmem:s0], [sflag:$0x2] =	stream.indirect.gather [hbm4b:s5+s17], $0x80, s31, s17, $0xb8;
	[tilespmem:$0x1A200] =	vst v63  }
0x2c3: {  	p0 =	sne.s32 s21, $0x20  }
0x2c4: {  	[tilespmem:s7], [sflag:$0x2] =	stream.indirect.gather [hbm4b:s5+s17], $0x80, s2, s17, $0xb8;
	[tilespmem:$0x1A200] =	vst v63  }
.Ltmp2:
0x2c5: {  	_ = 	snop;
	(pc) =	sbr.rel @p0 .LBB2_2-.Ltmp2, $4  }
0x2c6: {  	_ = 	snop  }
0x2c7: {  	[tilespmem:s11], [sflag:$0x2] =	stream.indirect.gather [hbm4b:s5+s17], $0x80, s9, s17, $0xb8;
	[tilespmem:$0x1A200] =	vst v63  }
0x2c8: {  	_ = 	snop  }
0x2c9: {  	[tilespmem:s16], [sflag:$0x2] =	stream.indirect.gather [hbm4b:s5+s17], $0x80, s8, s17, $0xb8;
	[tilespmem:$0x1A200] =	vst v63  }
0x2ca: {  	_ =	swait.ge [sflag:s18], $0x400  }
0x2cb: {  	[sflag:s18] =	ssyncset.done $0x0  }
0x2cc: {  	[sflag:s18] =	ssyncadd.s32 $0xFFFFFC00  }
0x2cd: {  	_ =	swait.ge [sflag:s18], $0x2800  }
0x2ce: {  	[sflag:s18] =	ssyncset.done $0x0  }
0x2cf: {  	[sflag:s18] =	ssyncadd.s32 $0xFFFFD800  }
0x2d0: {  	_ =	swait.ge [sflag:s18], $0x2800  }
0x2d1: {  	[sflag:s18] =	ssyncset.done $0x0  }
0x2d2: {  	[sflag:s18] =	ssyncadd.s32 $0xFFFFD800  }
0x2d3: {  	_ =	swait.ge [sflag:s18], $0x2800  }
0x2d4: {  	[sflag:s18] =	ssyncset.done $0x0  }
0x2d5: {  	[sflag:s18] =	ssyncadd.s32 $0xFFFFD800  }
0x2d6: {  	_ =	swait.ge [sflag:s18], $0x2800  }
0x2d7: {  	[sflag:s18] =	ssyncset.done $0x0  }
0x2d8: {  	[sflag:s18] =	ssyncadd.s32 $0xFFFFD800  }
0x2d9: {  	_ =	swait.ge [sflag:s18], $0x2800  }
0x2da: {  	[sflag:s18] =	ssyncset.done $0x0  }
0x2db: {  	[sflag:s18] =	ssyncadd.s32 $0xFFFFD800  }
0x2dc: {  	_ =	swait.ge [sflag:s20], $0x400  }
0x2dd: {  	[sflag:s20] =	ssyncset.done $0x0  }
0x2de: {  	[sflag:s20] =	ssyncadd.s32 $0xFFFFFC00  }
0x2df: {  	_ =	swait.ge [sflag:s20], $0x2800  }
0x2e0: {  	[sflag:s20] =	ssyncset.done $0x0  }
0x2e1: {  	[sflag:s20] =	ssyncadd.s32 $0xFFFFD800  }
0x2e2: {  	_ =	swait.ge [sflag:s20], $0x2800  }
0x2e3: {  	[sflag:s20] =	ssyncset.done $0x0  }
0x2e4: {  	[sflag:s20] =	ssyncadd.s32 $0xFFFFD800  }
0x2e5: {  	_ =	swait.ge [sflag:s20], $0x2800  }
0x2e6: {  	[sflag:s20] =	ssyncset.done $0x0  }
0x2e7: {  	[sflag:s20] =	ssyncadd.s32 $0xFFFFD800  }
0x2e8: {  	_ =	swait.ge [sflag:s20], $0x2800  }
0x2e9: {  	[sflag:s20] =	ssyncset.done $0x0  }
0x2ea: {  	[sflag:s20] =	ssyncadd.s32 $0xFFFFD800  }
0x2eb: {  	_ =	swait.ge [sflag:s20], $0x2800  }
0x2ec: {  	s22 =	rddreg [dreg:$0x8]  }
0x2ed: {  	s21 =	rddreg [dreg:$0x7];
	s22 =	sadd.s32 $0x1, s22  }
0x2ee: {  	p0 =	sne.s32 s22, s21  }
.Ltmp3:
0x2ef: {  	_ = 	snop;
	(pc) =	sbr.rel @p0 .LBB2_1-.Ltmp3, $3  }
0x2f0: {  	_ =	sdelay $0x1  }
0x2f1: {  	[sflag:s20] =	ssyncset.done $0x0  }
0x2f2: {  	[sflag:s20] =	ssyncadd.s32 $0xFFFFD800  }
0x2f3: {  	_ =	sfence.sel $0x180000  }
0x2f4: {  	[bflag:$0x0] =	sbarrier.arrive $0xFFFF  }
0x2f5: {  	_ =	strace $0x90000047  }
0x2f6: {  	s0 =	stileid.u32;
	[bflag:$0x2] =	sbarrier.arrive $0xFFFF  }
0x2f7: {  	p0 =	sne.s32 s0, $0x0;
	s0 =	rddreg [dreg:$0x3]  }
0x2f8: {  	s0 =	sadd.s32 @!p0 $0x100000, s0  }
0x2f9: {  	[sflag:s0] =	ssyncadd.tile.s32 @!p0 $0x1;
	_ =	shalt  }
.Lfunc_end2:
_tile_overlayer_lowered:
.L_overlay_start_2:
0x2fa: {  	(tag) =	ssettag $0x2  }
0x2fb: {  	s0 =	rddreg [dreg:$0x0];
	s2 =	stileid.u32  }
0x2fc: {  	s1 =	rddreg [dreg:$0x1];
	p0 =	sne.s32 s2, $0x0  }
0x2fd: {  	s3 =	rddreg [dreg:$0x2];
	[bflag:$0x3] =	sbarrier.arrive $0xFFFF;
	s2 =	simm.s32 @!p0 $0x1C03  }
0x2fe: {  	[timem:s3], [sflag:s2] =	dma.local @!p0 [hbm:s0], s1  }
0x2ff: {  	s0 =	simm.s32 @!p0 $0x3  }
0x300: {  	_ =	swait.ge @!p0 [sflag:s0], s1  }
0x301: {  	s1 =	ssub.s32 @!p0 $0x0, s1;
	[sflag:s0] =	ssyncset.done @!p0 $0x0  }
0x302: {  	[sflag:s0] =	ssyncadd.s32 @!p0 s1  }
0x303: {  	[bflag:$0x3] =	sbarrier.arrive $0xFFFF  }
0x304: {  	_ =	shalt  }

</sc_bundles>
